<compile_context>
chip_gen: v7x
topology: tpu7x:2x2x1
jax: 0.10.2.dev20260603
libtpu: 0.0.44.dev20260713+nightly
codegen_flags: <defaults>
</compile_context>

<pallas_src>
import functools

import jax
import jax.numpy as jnp
from jax import lax
from jax.experimental import pallas as pl
from jax.experimental.pallas import tpu as pltpu
from jax.experimental.pallas import tpu_sc as plsc

_B = 16384
_F = 32
_HF = 16
_NC = 2
_NS = 16
_NW = _NC * _NS
_BPW = _B // _NW
_WIN = 128
_BAT = 8
_NBAT = _BPW // _BAT
_L = 16


def _fire_half(uft_hbm, mft_hbm, ubuf, mbuf, sem, u16, m16, h):
    for l in range(_BAT):
        uoff = pl.multiple_of((u16[l] >> 7) * _WIN, _WIN)
        moff = pl.multiple_of((m16[l] >> 7) * _WIN, _WIN)
        pltpu.make_async_copy(
            uft_hbm.at[pl.ds(h * _HF, _HF), pl.ds(uoff, _WIN)],
            ubuf.at[pl.ds(l * _HF, _HF)], sem).start()
        pltpu.make_async_copy(
            mft_hbm.at[pl.ds(h * _HF, _HF), pl.ds(moff, _WIN)],
            mbuf.at[pl.ds(l * _HF, _HF)], sem).start()


def _drain_half(uft_hbm, ubuf, sem):
    for _ in range(2 * _BAT):
        pltpu.make_async_copy(
            uft_hbm.at[pl.ds(0, _HF), pl.ds(0, _WIN)],
            ubuf.at[pl.ds(0, _HF)], sem).wait()


def _partials(ubuf, mbuf, u16, m16, lane):
    ps = []
    for l in range(_BAT):
        lu = jnp.full((_L,), u16[l] & (_WIN - 1), jnp.int32)
        lm = jnp.full((_L,), m16[l] & (_WIN - 1), jnp.int32)
        r = l * _HF + lane
        uv = plsc.load_gather(ubuf, [r, lu])
        mv = plsc.load_gather(mbuf, [r, lm])
        ps.append(uv * mv)
    return ps


def _body(user_hbm, movie_hbm, uft_hbm, mft_hbm, out_hbm,
          uidx, midx, ua, ma, ub, mb, outv, sema, semb):
    c = lax.axis_index("c")
    s = lax.axis_index("s")
    wid = s * _NC + c
    base = wid * _BPW

    pltpu.sync_copy(user_hbm.at[pl.ds(base, _BPW)], uidx.at[pl.ds(0, _BPW)])
    pltpu.sync_copy(movie_hbm.at[pl.ds(base, _BPW)], midx.at[pl.ds(0, _BPW)])

    lane = lax.iota(jnp.int32, _L)

    def idx16(g):
        return uidx[pl.ds(g * _BAT, _L)], midx[pl.ds(g * _BAT, _L)]

    u0, m0 = idx16(0)
    _fire_half(uft_hbm, mft_hbm, ua, ma, sema, u0, m0, 0)
    _fire_half(uft_hbm, mft_hbm, ub, mb, semb, u0, m0, 1)

    def batch(g, rv):
        u16, m16 = idx16(g)
        un, mn = idx16(g + 1)

        _drain_half(uft_hbm, ua, sema)
        p0 = _partials(ua, ma, u16, m16, lane)
        _fire_half(uft_hbm, mft_hbm, ua, ma, sema, un, mn, 0)

        _drain_half(uft_hbm, ub, semb)
        p1 = _partials(ub, mb, u16, m16, lane)
        _fire_half(uft_hbm, mft_hbm, ub, mb, semb, un, mn, 1)

        lbase = (g % 2) * _BAT
        for l in range(_BAT):
            sval = jnp.sum(p0[l] + p1[l])
            rv = jnp.where(lane == lbase + l, jnp.full((_L,), sval), rv)

        @pl.when(g % 2 == 1)
        def _():
            outv[pl.ds((g - 1) * _BAT, _L)] = rv

        return rv

    rv = lax.fori_loop(0, _NBAT - 1, batch, jnp.zeros((_L,), jnp.float32))

    g = _NBAT - 1
    u16, m16 = idx16(g)
    _drain_half(uft_hbm, ua, sema)
    p0 = _partials(ua, ma, u16, m16, lane)
    _drain_half(uft_hbm, ub, semb)
    p1 = _partials(ub, mb, u16, m16, lane)
    for l in range(_BAT):
        sval = jnp.sum(p0[l] + p1[l])
        rv = jnp.where(lane == _BAT + l, jnp.full((_L,), sval), rv)
    outv[pl.ds((g - 1) * _BAT, _L)] = rv

    pltpu.sync_copy(outv, out_hbm.at[pl.ds(base, _BPW)])


_mesh = plsc.VectorSubcoreMesh(core_axis_name="c", subcore_axis_name="s")

_mf_call = functools.partial(
    pl.kernel,
    out_type=jax.ShapeDtypeStruct((_B,), jnp.float32),
    mesh=_mesh,
    scratch_types=[
        pltpu.VMEM((_BPW + _L,), jnp.int32),
        pltpu.VMEM((_BPW + _L,), jnp.int32),
        pltpu.VMEM((_BAT * _HF, _WIN), jnp.float32),
        pltpu.VMEM((_BAT * _HF, _WIN), jnp.float32),
        pltpu.VMEM((_BAT * _HF, _WIN), jnp.float32),
        pltpu.VMEM((_BAT * _HF, _WIN), jnp.float32),
        pltpu.VMEM((_BPW,), jnp.float32),
        pltpu.SemaphoreType.DMA,
        pltpu.SemaphoreType.DMA,
    ],
    compiler_params=pltpu.CompilerParams(
        needs_layout_passes=False, use_tc_tiling_on_sc=True),
)(_body)


@jax.jit
def kernel(user, movie, user_factors, movie_factors):
    return _mf_call(user, movie, user_factors.T, movie_factors.T)

# --- scband reference (transcript-rebuilt; emitter-appended) ---
"""Pipeline reference for scband-matrix-factorization-34187939676259 (READ-ONLY COPY).

The authoritative reference and input builder live on the scoring server;
editing this copy changes nothing except your own understanding.
"""

import jax, jax.numpy as jnp
import numpy as np

N_USERS = 1000000
N_MOVIES = 1000000
N_FACTORS = 32
BATCH = 16384

def setup_inputs(seed: int = 0) -> dict:
    key = jax.random.key(seed)
    k1, k2, k3, k4 = jax.random.split(key, 4)
    user = jax.random.randint(k1, (BATCH,), 0, N_USERS, dtype=jnp.int64 if jax.config.jax_enable_x64 else jnp.int32).astype(jnp.int32)
    movie = jax.random.randint(k2, (BATCH,), 0, N_MOVIES, dtype=jnp.int64 if jax.config.jax_enable_x64 else jnp.int32).astype(jnp.int32)
    # Learned parameters: embedding tables initialized uniform(0, 0.5) as in torch module
    user_factors = jax.random.uniform(k3, (N_USERS, N_FACTORS), dtype=jnp.float32, minval=0.0, maxval=0.5)
    movie_factors = jax.random.uniform(k4, (N_MOVIES, N_FACTORS), dtype=jnp.float32, minval=0.0, maxval=0.5)
    return {"user": user, "movie": movie, "user_factors": user_factors, "movie_factors": movie_factors}

def reference(user, movie, user_factors, movie_factors):
    # Faithful translation of MatrixFactorization.forward:
    # (self.user_factors(user) * self.movie_factors(movie)).sum(1)
    u = jnp.take(user_factors, user, axis=0)   # [B, F] embedding gather
    m = jnp.take(movie_factors, movie, axis=0) # [B, F] embedding gather
    return (u * m).sum(axis=1)                 # [B]

if __name__ == "__main__":
    import jax
    _d = setup_inputs()
    print(jax.jit(kernel)(*tuple(_d.values())))

</pallas_src>

<mosaic_0001>
#map = affine_map<(d0, d1) -> (0)>
#map1 = affine_map<(d0, d1) -> (0, 0)>
module attributes {stable_mosaic.version = 14 : i64} {
  func.func @_body(%arg0: i32, %arg1: i32, %arg2: memref<16384xi32, #tpu.memory_space<hbm>>, %arg3: memref<16384xi32, #tpu.memory_space<hbm>>, %arg4: memref<32x1000000xf32, #tpu.memory_space<hbm>>, %arg5: memref<32x1000000xf32, #tpu.memory_space<hbm>>, %arg6: memref<16384xf32, #tpu.memory_space<hbm>>, %arg7: memref<528xi32, #tpu.memory_space<vmem>>, %arg8: memref<528xi32, #tpu.memory_space<vmem>>, %arg9: memref<128x128xf32, #tpu.memory_space<vmem>>, %arg10: memref<128x128xf32, #tpu.memory_space<vmem>>, %arg11: memref<128x128xf32, #tpu.memory_space<vmem>>, %arg12: memref<128x128xf32, #tpu.memory_space<vmem>>, %arg13: memref<512xf32, #tpu.memory_space<vmem>>, %arg14: memref<!tpu.dma_semaphore, #tpu.memory_space<semaphore_mem>>, %arg15: memref<!tpu.dma_semaphore, #tpu.memory_space<semaphore_mem>>) attributes {dimension_semantics = [#tpu.dimension_semantics<core_parallel>, #tpu.dimension_semantics<subcore_parallel>], iteration_bounds = array<i64: 2, 16>, scalar_prefetch = 0 : i64, scratch_operands = 9 : i64, tpu.core_type = #tpu.core_type<sc_vector_subcore>, window_params = [{transform_indices = #map}, {transform_indices = #map}, {transform_indices = #map1}, {transform_indices = #map1}, {transform_indices = #map}]} {
    %mul3A = arith.constant 2 : i32
    %mul3A_0 = arith.muli %arg1, %mul3A : i32
    %add3A = arith.addi %mul3A_0, %arg0 : i32
    %mul3A_1 = arith.constant 512 : i32
    %mul3A_2 = arith.muli %add3A, %mul3A_1 : i32
    "tpu.region"() ({
      %run_scoped3A = tpu.sem_alloc : memref<!tpu.dma_semaphore, #tpu.memory_space<semaphore_mem>>
      %dma_start3A_1270 = arith.constant 0 : i32
      %dma_start3A_1271 = tpu.memref_slice %arg7[%dma_start3A_1270] : memref<528xi32, #tpu.memory_space<vmem>> -> memref<512xi32, #tpu.memory_space<vmem>>
      %dma_start3A_1272 = tpu.memref_slice %arg2[%mul3A_2] : memref<16384xi32, #tpu.memory_space<hbm>> -> memref<512xi32, #tpu.memory_space<hbm>>
      %dma_start3A_1273 = arith.constant 0 : i32
      %dma_start3A_1274 = tpu.memref_slice %arg7[%dma_start3A_1273] : memref<528xi32, #tpu.memory_space<vmem>> -> memref<512xi32, #tpu.memory_space<vmem>>
      %dma_start3A_1275 = tpu.memref_slice %arg2[%mul3A_2] : memref<16384xi32, #tpu.memory_space<hbm>> -> memref<512xi32, #tpu.memory_space<hbm>>
      tpu.enqueue_dma source(%dma_start3A_1275 : memref<512xi32, #tpu.memory_space<hbm>>) target(%dma_start3A_1274 : memref<512xi32, #tpu.memory_space<vmem>>) target_semaphore(%run_scoped3A : memref<!tpu.dma_semaphore, #tpu.memory_space<semaphore_mem>>)
      %dma_wait3A_1276 = arith.constant 0 : i32
      %dma_wait3A_1277 = tpu.memref_slice %arg7[%dma_wait3A_1276] : memref<528xi32, #tpu.memory_space<vmem>> -> memref<512xi32, #tpu.memory_space<vmem>>
      %dma_wait3A_1278 = tpu.memref_slice %arg2[%mul3A_2] : memref<16384xi32, #tpu.memory_space<hbm>> -> memref<512xi32, #tpu.memory_space<hbm>>
      %dma_wait3A_1279 = arith.constant 0 : i32
      %dma_wait3A_1280 = tpu.memref_slice %arg7[%dma_wait3A_1279] : memref<528xi32, #tpu.memory_space<vmem>> -> memref<512xi32, #tpu.memory_space<vmem>>
      %dma_wait3A_1281 = tpu.memref_slice %arg2[%mul3A_2] : memref<16384xi32, #tpu.memory_space<hbm>> -> memref<512xi32, #tpu.memory_space<hbm>>
      tpu.wait_dma2 semaphore(%run_scoped3A : memref<!tpu.dma_semaphore, #tpu.memory_space<semaphore_mem>>) src(%dma_wait3A_1281 : memref<512xi32, #tpu.memory_space<hbm>>) dst(%dma_wait3A_1280 : memref<512xi32, #tpu.memory_space<vmem>>)
      tpu.yield
    }) : () -> ()
    "tpu.region"() ({
      %run_scoped3A = tpu.sem_alloc : memref<!tpu.dma_semaphore, #tpu.memory_space<semaphore_mem>>
      %dma_start3A_1270 = arith.constant 0 : i32
      %dma_start3A_1271 = tpu.memref_slice %arg8[%dma_start3A_1270] : memref<528xi32, #tpu.memory_space<vmem>> -> memref<512xi32, #tpu.memory_space<vmem>>
      %dma_start3A_1272 = tpu.memref_slice %arg3[%mul3A_2] : memref<16384xi32, #tpu.memory_space<hbm>> -> memref<512xi32, #tpu.memory_space<hbm>>
      %dma_start3A_1273 = arith.constant 0 : i32
      %dma_start3A_1274 = tpu.memref_slice %arg8[%dma_start3A_1273] : memref<528xi32, #tpu.memory_space<vmem>> -> memref<512xi32, #tpu.memory_space<vmem>>
      %dma_start3A_1275 = tpu.memref_slice %arg3[%mul3A_2] : memref<16384xi32, #tpu.memory_space<hbm>> -> memref<512xi32, #tpu.memory_space<hbm>>
      tpu.enqueue_dma source(%dma_start3A_1275 : memref<512xi32, #tpu.memory_space<hbm>>) target(%dma_start3A_1274 : memref<512xi32, #tpu.memory_space<vmem>>) target_semaphore(%run_scoped3A : memref<!tpu.dma_semaphore, #tpu.memory_space<semaphore_mem>>)
      %dma_wait3A_1276 = arith.constant 0 : i32
      %dma_wait3A_1277 = tpu.memref_slice %arg8[%dma_wait3A_1276] : memref<528xi32, #tpu.memory_space<vmem>> -> memref<512xi32, #tpu.memory_space<vmem>>
      %dma_wait3A_1278 = tpu.memref_slice %arg3[%mul3A_2] : memref<16384xi32, #tpu.memory_space<hbm>> -> memref<512xi32, #tpu.memory_space<hbm>>
      %dma_wait3A_1279 = arith.constant 0 : i32
      %dma_wait3A_1280 = tpu.memref_slice %arg8[%dma_wait3A_1279] : memref<528xi32, #tpu.memory_space<vmem>> -> memref<512xi32, #tpu.memory_space<vmem>>
      %dma_wait3A_1281 = tpu.memref_slice %arg3[%mul3A_2] : memref<16384xi32, #tpu.memory_space<hbm>> -> memref<512xi32, #tpu.memory_space<hbm>>
      tpu.wait_dma2 semaphore(%run_scoped3A : memref<!tpu.dma_semaphore, #tpu.memory_space<semaphore_mem>>) src(%dma_wait3A_1281 : memref<512xi32, #tpu.memory_space<hbm>>) dst(%dma_wait3A_1280 : memref<512xi32, #tpu.memory_space<vmem>>)
      tpu.yield
    }) : () -> ()
    %iota3A = tpu.iota {dimensions = array<i32: 0>} : vector<16xi32>
    %get3A = arith.constant 0 : index
    %get3A_3 = tpu.vector_load %arg7[%get3A] {strides = array<i32>} : memref<528xi32, #tpu.memory_space<vmem>>, vector<16xi32>,
    %get3A_4 = arith.constant 0 : index
    %get3A_5 = tpu.vector_load %arg8[%get3A_4] {strides = array<i32>} : memref<528xi32, #tpu.memory_space<vmem>>, vector<16xi32>,
    %slice3A = vector.extract_strided_slice %get3A_3 {offsets = [0], sizes = [1], strides = [1]} : vector<16xi32> to vector<1xi32>
    %squeeze3A = vector.extract %slice3A[0] : i32 from vector<1xi32>
    %shift_right_arithmetic3A = arith.constant 7 : i32
    %shift_right_arithmetic3A_6 = arith.shrsi %squeeze3A, %shift_right_arithmetic3A : i32
    %mul3A_7 = arith.constant 128 : i32
    %mul3A_8 = arith.muli %shift_right_arithmetic3A_6, %mul3A_7 : i32
    %multiple_of3A = tpu.assume_multiple %mul3A_8, 128 : i32
    %slice3A_9 = vector.extract_strided_slice %get3A_5 {offsets = [0], sizes = [1], strides = [1]} : vector<16xi32> to vector<1xi32>
    %squeeze3A_10 = vector.extract %slice3A_9[0] : i32 from vector<1xi32>
    %shift_right_arithmetic3A_11 = arith.constant 7 : i32
    %shift_right_arithmetic3A_12 = arith.shrsi %squeeze3A_10, %shift_right_arithmetic3A_11 : i32
    %mul3A_13 = arith.constant 128 : i32
    %mul3A_14 = arith.muli %shift_right_arithmetic3A_12, %mul3A_13 : i32
    %multiple_of3A_15 = tpu.assume_multiple %mul3A_14, 128 : i32
    %dma_start3A = arith.constant 0 : i32
    %dma_start3A_16 = arith.constant 0 : i32
    %dma_start3A_17 = tpu.memref_slice %arg9[%dma_start3A, %dma_start3A_16] : memref<128x128xf32, #tpu.memory_space<vmem>> -> memref<16x128xf32, #tpu.memory_space<vmem>>
    %dma_start3A_18 = arith.constant 0 : i32
    %dma_start3A_19 = tpu.memref_slice %arg4[%dma_start3A_18, %multiple_of3A] : memref<32x1000000xf32, #tpu.memory_space<hbm>> -> memref<16x128xf32, #tpu.memory_space<hbm>>
    %dma_start3A_20 = arith.constant 0 : i32
    %dma_start3A_21 = arith.constant 0 : i32
    %dma_start3A_22 = tpu.memref_slice %arg9[%dma_start3A_20, %dma_start3A_21] : memref<128x128xf32, #tpu.memory_space<vmem>> -> memref<16x128xf32, #tpu.memory_space<vmem>>
    %dma_start3A_23 = arith.constant 0 : i32
    %dma_start3A_24 = tpu.memref_slice %arg4[%dma_start3A_23, %multiple_of3A] : memref<32x1000000xf32, #tpu.memory_space<hbm>> -> memref<16x128xf32, #tpu.memory_space<hbm>>
    tpu.enqueue_dma source(%dma_start3A_24 : memref<16x128xf32, #tpu.memory_space<hbm>>) target(%dma_start3A_22 : memref<16x128xf32, #tpu.memory_space<vmem>>) target_semaphore(%arg14 : memref<!tpu.dma_semaphore, #tpu.memory_space<semaphore_mem>>)
    %dma_start3A_25 = arith.constant 0 : i32
    %dma_start3A_26 = arith.constant 0 : i32
    %dma_start3A_27 = tpu.memref_slice %arg10[%dma_start3A_25, %dma_start3A_26] : memref<128x128xf32, #tpu.memory_space<vmem>> -> memref<16x128xf32, #tpu.memory_space<vmem>>
    %dma_start3A_28 = arith.constant 0 : i32
    %dma_start3A_29 = tpu.memref_slice %arg5[%dma_start3A_28, %multiple_of3A_15] : memref<32x1000000xf32, #tpu.memory_space<hbm>> -> memref<16x128xf32, #tpu.memory_space<hbm>>
    %dma_start3A_30 = arith.constant 0 : i32
    %dma_start3A_31 = arith.constant 0 : i32
    %dma_start3A_32 = tpu.memref_slice %arg10[%dma_start3A_30, %dma_start3A_31] : memref<128x128xf32, #tpu.memory_space<vmem>> -> memref<16x128xf32, #tpu.memory_space<vmem>>
    %dma_start3A_33 = arith.constant 0 : i32
    %dma_start3A_34 = tpu.memref_slice %arg5[%dma_start3A_33, %multiple_of3A_15] : memref<32x1000000xf32, #tpu.memory_space<hbm>> -> memref<16x128xf32, #tpu.memory_space<hbm>>
    tpu.enqueue_dma source(%dma_start3A_34 : memref<16x128xf32, #tpu.memory_space<hbm>>) target(%dma_start3A_32 : memref<16x128xf32, #tpu.memory_space<vmem>>) target_semaphore(%arg14 : memref<!tpu.dma_semaphore, #tpu.memory_space<semaphore_mem>>)
    %slice3A_35 = vector.extract_strided_slice %get3A_3 {offsets = [1], sizes = [1], strides = [1]} : vector<16xi32> to vector<1xi32>
    %squeeze3A_36 = vector.extract %slice3A_35[0] : i32 from vector<1xi32>
    %shift_right_arithmetic3A_37 = arith.constant 7 : i32
    %shift_right_arithmetic3A_38 = arith.shrsi %squeeze3A_36, %shift_right_arithmetic3A_37 : i32
    %mul3A_39 = arith.constant 128 : i32
    %mul3A_40 = arith.muli %shift_right_arithmetic3A_38, %mul3A_39 : i32
    %multiple_of3A_41 = tpu.assume_multiple %mul3A_40, 128 : i32
    %slice3A_42 = vector.extract_strided_slice %get3A_5 {offsets = [1], sizes = [1], strides = [1]} : vector<16xi32> to vector<1xi32>
    %squeeze3A_43 = vector.extract %slice3A_42[0] : i32 from vector<1xi32>
    %shift_right_arithmetic3A_44 = arith.constant 7 : i32
    %shift_right_arithmetic3A_45 = arith.shrsi %squeeze3A_43, %shift_right_arithmetic3A_44 : i32
    %mul3A_46 = arith.constant 128 : i32
    %mul3A_47 = arith.muli %shift_right_arithmetic3A_45, %mul3A_46 : i32
    %multiple_of3A_48 = tpu.assume_multiple %mul3A_47, 128 : i32
    %dma_start3A_49 = arith.constant 16 : i32
    %dma_start3A_50 = arith.constant 0 : i32
    %dma_start3A_51 = tpu.memref_slice %arg9[%dma_start3A_49, %dma_start3A_50] : memref<128x128xf32, #tpu.memory_space<vmem>> -> memref<16x128xf32, #tpu.memory_space<vmem>>
    %dma_start3A_52 = arith.constant 0 : i32
    %dma_start3A_53 = tpu.memref_slice %arg4[%dma_start3A_52, %multiple_of3A_41] : memref<32x1000000xf32, #tpu.memory_space<hbm>> -> memref<16x128xf32, #tpu.memory_space<hbm>>
    %dma_start3A_54 = arith.constant 16 : i32
    %dma_start3A_55 = arith.constant 0 : i32
    %dma_start3A_56 = tpu.memref_slice %arg9[%dma_start3A_54, %dma_start3A_55] : memref<128x128xf32, #tpu.memory_space<vmem>> -> memref<16x128xf32, #tpu.memory_space<vmem>>
    %dma_start3A_57 = arith.constant 0 : i32
    %dma_start3A_58 = tpu.memref_slice %arg4[%dma_start3A_57, %multiple_of3A_41] : memref<32x1000000xf32, #tpu.memory_space<hbm>> -> memref<16x128xf32, #tpu.memory_space<hbm>>
    tpu.enqueue_dma source(%dma_start3A_58 : memref<16x128xf32, #tpu.memory_space<hbm>>) target(%dma_start3A_56 : memref<16x128xf32, #tpu.memory_space<vmem>>) target_semaphore(%arg14 : memref<!tpu.dma_semaphore, #tpu.memory_space<semaphore_mem>>)
    %dma_start3A_59 = arith.constant 16 : i32
    %dma_start3A_60 = arith.constant 0 : i32
    %dma_start3A_61 = tpu.memref_slice %arg10[%dma_start3A_59, %dma_start3A_60] : memref<128x128xf32, #tpu.memory_space<vmem>> -> memref<16x128xf32, #tpu.memory_space<vmem>>
    %dma_start3A_62 = arith.constant 0 : i32
    %dma_start3A_63 = tpu.memref_slice %arg5[%dma_start3A_62, %multiple_of3A_48] : memref<32x1000000xf32, #tpu.memory_space<hbm>> -> memref<16x128xf32, #tpu.memory_space<hbm>>
    %dma_start3A_64 = arith.constant 16 : i32
    %dma_start3A_65 = arith.constant 0 : i32
    %dma_start3A_66 = tpu.memref_slice %arg10[%dma_start3A_64, %dma_start3A_65] : memref<128x128xf32, #tpu.memory_space<vmem>> -> memref<16x128xf32, #tpu.memory_space<vmem>>
    %dma_start3A_67 = arith.constant 0 : i32
    %dma_start3A_68 = tpu.memref_slice %arg5[%dma_start3A_67, %multiple_of3A_48] : memref<32x1000000xf32, #tpu.memory_space<hbm>> -> memref<16x128xf32, #tpu.memory_space<hbm>>
    tpu.enqueue_dma source(%dma_start3A_68 : memref<16x128xf32, #tpu.memory_space<hbm>>) target(%dma_start3A_66 : memref<16x128xf32, #tpu.memory_space<vmem>>) target_semaphore(%arg14 : memref<!tpu.dma_semaphore, #tpu.memory_space<semaphore_mem>>)
    %slice3A_69 = vector.extract_strided_slice %get3A_3 {offsets = [2], sizes = [1], strides = [1]} : vector<16xi32> to vector<1xi32>
    %squeeze3A_70 = vector.extract %slice3A_69[0] : i32 from vector<1xi32>
    %shift_right_arithmetic3A_71 = arith.constant 7 : i32
    %shift_right_arithmetic3A_72 = arith.shrsi %squeeze3A_70, %shift_right_arithmetic3A_71 : i32
    %mul3A_73 = arith.constant 128 : i32
    %mul3A_74 = arith.muli %shift_right_arithmetic3A_72, %mul3A_73 : i32
    %multiple_of3A_75 = tpu.assume_multiple %mul3A_74, 128 : i32
    %slice3A_76 = vector.extract_strided_slice %get3A_5 {offsets = [2], sizes = [1], strides = [1]} : vector<16xi32> to vector<1xi32>
    %squeeze3A_77 = vector.extract %slice3A_76[0] : i32 from vector<1xi32>
    %shift_right_arithmetic3A_78 = arith.constant 7 : i32
    %shift_right_arithmetic3A_79 = arith.shrsi %squeeze3A_77, %shift_right_arithmetic3A_78 : i32
    %mul3A_80 = arith.constant 128 : i32
    %mul3A_81 = arith.muli %shift_right_arithmetic3A_79, %mul3A_80 : i32
    %multiple_of3A_82 = tpu.assume_multiple %mul3A_81, 128 : i32
    %dma_start3A_83 = arith.constant 32 : i32
    %dma_start3A_84 = arith.constant 0 : i32
    %dma_start3A_85 = tpu.memref_slice %arg9[%dma_start3A_83, %dma_start3A_84] : memref<128x128xf32, #tpu.memory_space<vmem>> -> memref<16x128xf32, #tpu.memory_space<vmem>>
    %dma_start3A_86 = arith.constant 0 : i32
    %dma_start3A_87 = tpu.memref_slice %arg4[%dma_start3A_86, %multiple_of3A_75] : memref<32x1000000xf32, #tpu.memory_space<hbm>> -> memref<16x128xf32, #tpu.memory_space<hbm>>
    %dma_start3A_88 = arith.constant 32 : i32
    %dma_start3A_89 = arith.constant 0 : i32
    %dma_start3A_90 = tpu.memref_slice %arg9[%dma_start3A_88, %dma_start3A_89] : memref<128x128xf32, #tpu.memory_space<vmem>> -> memref<16x128xf32, #tpu.memory_space<vmem>>
    %dma_start3A_91 = arith.constant 0 : i32
    %dma_start3A_92 = tpu.memref_slice %arg4[%dma_start3A_91, %multiple_of3A_75] : memref<32x1000000xf32, #tpu.memory_space<hbm>> -> memref<16x128xf32, #tpu.memory_space<hbm>>
    tpu.enqueue_dma source(%dma_start3A_92 : memref<16x128xf32, #tpu.memory_space<hbm>>) target(%dma_start3A_90 : memref<16x128xf32, #tpu.memory_space<vmem>>) target_semaphore(%arg14 : memref<!tpu.dma_semaphore, #tpu.memory_space<semaphore_mem>>)
    %dma_start3A_93 = arith.constant 32 : i32
    %dma_start3A_94 = arith.constant 0 : i32
    %dma_start3A_95 = tpu.memref_slice %arg10[%dma_start3A_93, %dma_start3A_94] : memref<128x128xf32, #tpu.memory_space<vmem>> -> memref<16x128xf32, #tpu.memory_space<vmem>>
    %dma_start3A_96 = arith.constant 0 : i32
    %dma_start3A_97 = tpu.memref_slice %arg5[%dma_start3A_96, %multiple_of3A_82] : memref<32x1000000xf32, #tpu.memory_space<hbm>> -> memref<16x128xf32, #tpu.memory_space<hbm>>
    %dma_start3A_98 = arith.constant 32 : i32
    %dma_start3A_99 = arith.constant 0 : i32
    %dma_start3A_100 = tpu.memref_slice %arg10[%dma_start3A_98, %dma_start3A_99] : memref<128x128xf32, #tpu.memory_space<vmem>> -> memref<16x128xf32, #tpu.memory_space<vmem>>
    %dma_start3A_101 = arith.constant 0 : i32
    %dma_start3A_102 = tpu.memref_slice %arg5[%dma_start3A_101, %multiple_of3A_82] : memref<32x1000000xf32, #tpu.memory_space<hbm>> -> memref<16x128xf32, #tpu.memory_space<hbm>>
    tpu.enqueue_dma source(%dma_start3A_102 : memref<16x128xf32, #tpu.memory_space<hbm>>) target(%dma_start3A_100 : memref<16x128xf32, #tpu.memory_space<vmem>>) target_semaphore(%arg14 : memref<!tpu.dma_semaphore, #tpu.memory_space<semaphore_mem>>)
    %slice3A_103 = vector.extract_strided_slice %get3A_3 {offsets = [3], sizes = [1], strides = [1]} : vector<16xi32> to vector<1xi32>
    %squeeze3A_104 = vector.extract %slice3A_103[0] : i32 from vector<1xi32>
    %shift_right_arithmetic3A_105 = arith.constant 7 : i32
    %shift_right_arithmetic3A_106 = arith.shrsi %squeeze3A_104, %shift_right_arithmetic3A_105 : i32
    %mul3A_107 = arith.constant 128 : i32
    %mul3A_108 = arith.muli %shift_right_arithmetic3A_106, %mul3A_107 : i32
    %multiple_of3A_109 = tpu.assume_multiple %mul3A_108, 128 : i32
    %slice3A_110 = vector.extract_strided_slice %get3A_5 {offsets = [3], sizes = [1], strides = [1]} : vector<16xi32> to vector<1xi32>
    %squeeze3A_111 = vector.extract %slice3A_110[0] : i32 from vector<1xi32>
    %shift_right_arithmetic3A_112 = arith.constant 7 : i32
    %shift_right_arithmetic3A_113 = arith.shrsi %squeeze3A_111, %shift_right_arithmetic3A_112 : i32
    %mul3A_114 = arith.constant 128 : i32
    %mul3A_115 = arith.muli %shift_right_arithmetic3A_113, %mul3A_114 : i32
    %multiple_of3A_116 = tpu.assume_multiple %mul3A_115, 128 : i32
    %dma_start3A_117 = arith.constant 48 : i32
    %dma_start3A_118 = arith.constant 0 : i32
    %dma_start3A_119 = tpu.memref_slice %arg9[%dma_start3A_117, %dma_start3A_118] : memref<128x128xf32, #tpu.memory_space<vmem>> -> memref<16x128xf32, #tpu.memory_space<vmem>>
    %dma_start3A_120 = arith.constant 0 : i32
    %dma_start3A_121 = tpu.memref_slice %arg4[%dma_start3A_120, %multiple_of3A_109] : memref<32x1000000xf32, #tpu.memory_space<hbm>> -> memref<16x128xf32, #tpu.memory_space<hbm>>
    %dma_start3A_122 = arith.constant 48 : i32
    %dma_start3A_123 = arith.constant 0 : i32
    %dma_start3A_124 = tpu.memref_slice %arg9[%dma_start3A_122, %dma_start3A_123] : memref<128x128xf32, #tpu.memory_space<vmem>> -> memref<16x128xf32, #tpu.memory_space<vmem>>
    %dma_start3A_125 = arith.constant 0 : i32
    %dma_start3A_126 = tpu.memref_slice %arg4[%dma_start3A_125, %multiple_of3A_109] : memref<32x1000000xf32, #tpu.memory_space<hbm>> -> memref<16x128xf32, #tpu.memory_space<hbm>>
    tpu.enqueue_dma source(%dma_start3A_126 : memref<16x128xf32, #tpu.memory_space<hbm>>) target(%dma_start3A_124 : memref<16x128xf32, #tpu.memory_space<vmem>>) target_semaphore(%arg14 : memref<!tpu.dma_semaphore, #tpu.memory_space<semaphore_mem>>)
    %dma_start3A_127 = arith.constant 48 : i32
    %dma_start3A_128 = arith.constant 0 : i32
    %dma_start3A_129 = tpu.memref_slice %arg10[%dma_start3A_127, %dma_start3A_128] : memref<128x128xf32, #tpu.memory_space<vmem>> -> memref<16x128xf32, #tpu.memory_space<vmem>>
    %dma_start3A_130 = arith.constant 0 : i32
    %dma_start3A_131 = tpu.memref_slice %arg5[%dma_start3A_130, %multiple_of3A_116] : memref<32x1000000xf32, #tpu.memory_space<hbm>> -> memref<16x128xf32, #tpu.memory_space<hbm>>
    %dma_start3A_132 = arith.constant 48 : i32
    %dma_start3A_133 = arith.constant 0 : i32
    %dma_start3A_134 = tpu.memref_slice %arg10[%dma_start3A_132, %dma_start3A_133] : memref<128x128xf32, #tpu.memory_space<vmem>> -> memref<16x128xf32, #tpu.memory_space<vmem>>
    %dma_start3A_135 = arith.constant 0 : i32
    %dma_start3A_136 = tpu.memref_slice %arg5[%dma_start3A_135, %multiple_of3A_116] : memref<32x1000000xf32, #tpu.memory_space<hbm>> -> memref<16x128xf32, #tpu.memory_space<hbm>>
    tpu.enqueue_dma source(%dma_start3A_136 : memref<16x128xf32, #tpu.memory_space<hbm>>) target(%dma_start3A_134 : memref<16x128xf32, #tpu.memory_space<vmem>>) target_semaphore(%arg14 : memref<!tpu.dma_semaphore, #tpu.memory_space<semaphore_mem>>)
    %slice3A_137 = vector.extract_strided_slice %get3A_3 {offsets = [4], sizes = [1], strides = [1]} : vector<16xi32> to vector<1xi32>
    %squeeze3A_138 = vector.extract %slice3A_137[0] : i32 from vector<1xi32>
    %shift_right_arithmetic3A_139 = arith.constant 7 : i32
    %shift_right_arithmetic3A_140 = arith.shrsi %squeeze3A_138, %shift_right_arithmetic3A_139 : i32
    %mul3A_141 = arith.constant 128 : i32
    %mul3A_142 = arith.muli %shift_right_arithmetic3A_140, %mul3A_141 : i32
    %multiple_of3A_143 = tpu.assume_multiple %mul3A_142, 128 : i32
    %slice3A_144 = vector.extract_strided_slice %get3A_5 {offsets = [4], sizes = [1], strides = [1]} : vector<16xi32> to vector<1xi32>
    %squeeze3A_145 = vector.extract %slice3A_144[0] : i32 from vector<1xi32>
    %shift_right_arithmetic3A_146 = arith.constant 7 : i32
    %shift_right_arithmetic3A_147 = arith.shrsi %squeeze3A_145, %shift_right_arithmetic3A_146 : i32
    %mul3A_148 = arith.constant 128 : i32
    %mul3A_149 = arith.muli %shift_right_arithmetic3A_147, %mul3A_148 : i32
    %multiple_of3A_150 = tpu.assume_multiple %mul3A_149, 128 : i32
    %dma_start3A_151 = arith.constant 64 : i32
    %dma_start3A_152 = arith.constant 0 : i32
    %dma_start3A_153 = tpu.memref_slice %arg9[%dma_start3A_151, %dma_start3A_152] : memref<128x128xf32, #tpu.memory_space<vmem>> -> memref<16x128xf32, #tpu.memory_space<vmem>>
    %dma_start3A_154 = arith.constant 0 : i32
    %dma_start3A_155 = tpu.memref_slice %arg4[%dma_start3A_154, %multiple_of3A_143] : memref<32x1000000xf32, #tpu.memory_space<hbm>> -> memref<16x128xf32, #tpu.memory_space<hbm>>
    %dma_start3A_156 = arith.constant 64 : i32
    %dma_start3A_157 = arith.constant 0 : i32
    %dma_start3A_158 = tpu.memref_slice %arg9[%dma_start3A_156, %dma_start3A_157] : memref<128x128xf32, #tpu.memory_space<vmem>> -> memref<16x128xf32, #tpu.memory_space<vmem>>
    %dma_start3A_159 = arith.constant 0 : i32
    %dma_start3A_160 = tpu.memref_slice %arg4[%dma_start3A_159, %multiple_of3A_143] : memref<32x1000000xf32, #tpu.memory_space<hbm>> -> memref<16x128xf32, #tpu.memory_space<hbm>>
    tpu.enqueue_dma source(%dma_start3A_160 : memref<16x128xf32, #tpu.memory_space<hbm>>) target(%dma_start3A_158 : memref<16x128xf32, #tpu.memory_space<vmem>>) target_semaphore(%arg14 : memref<!tpu.dma_semaphore, #tpu.memory_space<semaphore_mem>>)
    %dma_start3A_161 = arith.constant 64 : i32
    %dma_start3A_162 = arith.constant 0 : i32
    %dma_start3A_163 = tpu.memref_slice %arg10[%dma_start3A_161, %dma_start3A_162] : memref<128x128xf32, #tpu.memory_space<vmem>> -> memref<16x128xf32, #tpu.memory_space<vmem>>
    %dma_start3A_164 = arith.constant 0 : i32
    %dma_start3A_165 = tpu.memref_slice %arg5[%dma_start3A_164, %multiple_of3A_150] : memref<32x1000000xf32, #tpu.memory_space<hbm>> -> memref<16x128xf32, #tpu.memory_space<hbm>>
    %dma_start3A_166 = arith.constant 64 : i32
    %dma_start3A_167 = arith.constant 0 : i32
    %dma_start3A_168 = tpu.memref_slice %arg10[%dma_start3A_166, %dma_start3A_167] : memref<128x128xf32, #tpu.memory_space<vmem>> -> memref<16x128xf32, #tpu.memory_space<vmem>>
    %dma_start3A_169 = arith.constant 0 : i32
    %dma_start3A_170 = tpu.memref_slice %arg5[%dma_start3A_169, %multiple_of3A_150] : memref<32x1000000xf32, #tpu.memory_space<hbm>> -> memref<16x128xf32, #tpu.memory_space<hbm>>
    tpu.enqueue_dma source(%dma_start3A_170 : memref<16x128xf32, #tpu.memory_space<hbm>>) target(%dma_start3A_168 : memref<16x128xf32, #tpu.memory_space<vmem>>) target_semaphore(%arg14 : memref<!tpu.dma_semaphore, #tpu.memory_space<semaphore_mem>>)
    %slice3A_171 = vector.extract_strided_slice %get3A_3 {offsets = [5], sizes = [1], strides = [1]} : vector<16xi32> to vector<1xi32>
    %squeeze3A_172 = vector.extract %slice3A_171[0] : i32 from vector<1xi32>
    %shift_right_arithmetic3A_173 = arith.constant 7 : i32
    %shift_right_arithmetic3A_174 = arith.shrsi %squeeze3A_172, %shift_right_arithmetic3A_173 : i32
    %mul3A_175 = arith.constant 128 : i32
    %mul3A_176 = arith.muli %shift_right_arithmetic3A_174, %mul3A_175 : i32
    %multiple_of3A_177 = tpu.assume_multiple %mul3A_176, 128 : i32
    %slice3A_178 = vector.extract_strided_slice %get3A_5 {offsets = [5], sizes = [1], strides = [1]} : vector<16xi32> to vector<1xi32>
    %squeeze3A_179 = vector.extract %slice3A_178[0] : i32 from vector<1xi32>
    %shift_right_arithmetic3A_180 = arith.constant 7 : i32
    %shift_right_arithmetic3A_181 = arith.shrsi %squeeze3A_179, %shift_right_arithmetic3A_180 : i32
    %mul3A_182 = arith.constant 128 : i32
    %mul3A_183 = arith.muli %shift_right_arithmetic3A_181, %mul3A_182 : i32
    %multiple_of3A_184 = tpu.assume_multiple %mul3A_183, 128 : i32
    %dma_start3A_185 = arith.constant 80 : i32
    %dma_start3A_186 = arith.constant 0 : i32
    %dma_start3A_187 = tpu.memref_slice %arg9[%dma_start3A_185, %dma_start3A_186] : memref<128x128xf32, #tpu.memory_space<vmem>> -> memref<16x128xf32, #tpu.memory_space<vmem>>
    %dma_start3A_188 = arith.constant 0 : i32
    %dma_start3A_189 = tpu.memref_slice %arg4[%dma_start3A_188, %multiple_of3A_177] : memref<32x1000000xf32, #tpu.memory_space<hbm>> -> memref<16x128xf32, #tpu.memory_space<hbm>>
    %dma_start3A_190 = arith.constant 80 : i32
    %dma_start3A_191 = arith.constant 0 : i32
    %dma_start3A_192 = tpu.memref_slice %arg9[%dma_start3A_190, %dma_start3A_191] : memref<128x128xf32, #tpu.memory_space<vmem>> -> memref<16x128xf32, #tpu.memory_space<vmem>>
    %dma_start3A_193 = arith.constant 0 : i32
    %dma_start3A_194 = tpu.memref_slice %arg4[%dma_start3A_193, %multiple_of3A_177] : memref<32x1000000xf32, #tpu.memory_space<hbm>> -> memref<16x128xf32, #tpu.memory_space<hbm>>
    tpu.enqueue_dma source(%dma_start3A_194 : memref<16x128xf32, #tpu.memory_space<hbm>>) target(%dma_start3A_192 : memref<16x128xf32, #tpu.memory_space<vmem>>) target_semaphore(%arg14 : memref<!tpu.dma_semaphore, #tpu.memory_space<semaphore_mem>>)
    %dma_start3A_195 = arith.constant 80 : i32
    %dma_start3A_196 = arith.constant 0 : i32
    %dma_start3A_197 = tpu.memref_slice %arg10[%dma_start3A_195, %dma_start3A_196] : memref<128x128xf32, #tpu.memory_space<vmem>> -> memref<16x128xf32, #tpu.memory_space<vmem>>
    %dma_start3A_198 = arith.constant 0 : i32
    %dma_start3A_199 = tpu.memref_slice %arg5[%dma_start3A_198, %multiple_of3A_184] : memref<32x1000000xf32, #tpu.memory_space<hbm>> -> memref<16x128xf32, #tpu.memory_space<hbm>>
    %dma_start3A_200 = arith.constant 80 : i32
    %dma_start3A_201 = arith.constant 0 : i32
    %dma_start3A_202 = tpu.memref_slice %arg10[%dma_start3A_200, %dma_start3A_201] : memref<128x128xf32, #tpu.memory_space<vmem>> -> memref<16x128xf32, #tpu.memory_space<vmem>>
    %dma_start3A_203 = arith.constant 0 : i32
    %dma_start3A_204 = tpu.memref_slice %arg5[%dma_start3A_203, %multiple_of3A_184] : memref<32x1000000xf32, #tpu.memory_space<hbm>> -> memref<16x128xf32, #tpu.memory_space<hbm>>
    tpu.enqueue_dma source(%dma_start3A_204 : memref<16x128xf32, #tpu.memory_space<hbm>>) target(%dma_start3A_202 : memref<16x128xf32, #tpu.memory_space<vmem>>) target_semaphore(%arg14 : memref<!tpu.dma_semaphore, #tpu.memory_space<semaphore_mem>>)
    %slice3A_205 = vector.extract_strided_slice %get3A_3 {offsets = [6], sizes = [1], strides = [1]} : vector<16xi32> to vector<1xi32>
    %squeeze3A_206 = vector.extract %slice3A_205[0] : i32 from vector<1xi32>
    %shift_right_arithmetic3A_207 = arith.constant 7 : i32
    %shift_right_arithmetic3A_208 = arith.shrsi %squeeze3A_206, %shift_right_arithmetic3A_207 : i32
    %mul3A_209 = arith.constant 128 : i32
    %mul3A_210 = arith.muli %shift_right_arithmetic3A_208, %mul3A_209 : i32
    %multiple_of3A_211 = tpu.assume_multiple %mul3A_210, 128 : i32
    %slice3A_212 = vector.extract_strided_slice %get3A_5 {offsets = [6], sizes = [1], strides = [1]} : vector<16xi32> to vector<1xi32>
    %squeeze3A_213 = vector.extract %slice3A_212[0] : i32 from vector<1xi32>
    %shift_right_arithmetic3A_214 = arith.constant 7 : i32
    %shift_right_arithmetic3A_215 = arith.shrsi %squeeze3A_213, %shift_right_arithmetic3A_214 : i32
    %mul3A_216 = arith.constant 128 : i32
    %mul3A_217 = arith.muli %shift_right_arithmetic3A_215, %mul3A_216 : i32
    %multiple_of3A_218 = tpu.assume_multiple %mul3A_217, 128 : i32
    %dma_start3A_219 = arith.constant 96 : i32
    %dma_start3A_220 = arith.constant 0 : i32
    %dma_start3A_221 = tpu.memref_slice %arg9[%dma_start3A_219, %dma_start3A_220] : memref<128x128xf32, #tpu.memory_space<vmem>> -> memref<16x128xf32, #tpu.memory_space<vmem>>
    %dma_start3A_222 = arith.constant 0 : i32
    %dma_start3A_223 = tpu.memref_slice %arg4[%dma_start3A_222, %multiple_of3A_211] : memref<32x1000000xf32, #tpu.memory_space<hbm>> -> memref<16x128xf32, #tpu.memory_space<hbm>>
    %dma_start3A_224 = arith.constant 96 : i32
    %dma_start3A_225 = arith.constant 0 : i32
    %dma_start3A_226 = tpu.memref_slice %arg9[%dma_start3A_224, %dma_start3A_225] : memref<128x128xf32, #tpu.memory_space<vmem>> -> memref<16x128xf32, #tpu.memory_space<vmem>>
    %dma_start3A_227 = arith.constant 0 : i32
    %dma_start3A_228 = tpu.memref_slice %arg4[%dma_start3A_227, %multiple_of3A_211] : memref<32x1000000xf32, #tpu.memory_space<hbm>> -> memref<16x128xf32, #tpu.memory_space<hbm>>
    tpu.enqueue_dma source(%dma_start3A_228 : memref<16x128xf32, #tpu.memory_space<hbm>>) target(%dma_start3A_226 : memref<16x128xf32, #tpu.memory_space<vmem>>) target_semaphore(%arg14 : memref<!tpu.dma_semaphore, #tpu.memory_space<semaphore_mem>>)
    %dma_start3A_229 = arith.constant 96 : i32
    %dma_start3A_230 = arith.constant 0 : i32
    %dma_start3A_231 = tpu.memref_slice %arg10[%dma_start3A_229, %dma_start3A_230] : memref<128x128xf32, #tpu.memory_space<vmem>> -> memref<16x128xf32, #tpu.memory_space<vmem>>
    %dma_start3A_232 = arith.constant 0 : i32
    %dma_start3A_233 = tpu.memref_slice %arg5[%dma_start3A_232, %multiple_of3A_218] : memref<32x1000000xf32, #tpu.memory_space<hbm>> -> memref<16x128xf32, #tpu.memory_space<hbm>>
    %dma_start3A_234 = arith.constant 96 : i32
    %dma_start3A_235 = arith.constant 0 : i32
    %dma_start3A_236 = tpu.memref_slice %arg10[%dma_start3A_234, %dma_start3A_235] : memref<128x128xf32, #tpu.memory_space<vmem>> -> memref<16x128xf32, #tpu.memory_space<vmem>>
    %dma_start3A_237 = arith.constant 0 : i32
    %dma_start3A_238 = tpu.memref_slice %arg5[%dma_start3A_237, %multiple_of3A_218] : memref<32x1000000xf32, #tpu.memory_space<hbm>> -> memref<16x128xf32, #tpu.memory_space<hbm>>
    tpu.enqueue_dma source(%dma_start3A_238 : memref<16x128xf32, #tpu.memory_space<hbm>>) target(%dma_start3A_236 : memref<16x128xf32, #tpu.memory_space<vmem>>) target_semaphore(%arg14 : memref<!tpu.dma_semaphore, #tpu.memory_space<semaphore_mem>>)
    %slice3A_239 = vector.extract_strided_slice %get3A_3 {offsets = [7], sizes = [1], strides = [1]} : vector<16xi32> to vector<1xi32>
    %squeeze3A_240 = vector.extract %slice3A_239[0] : i32 from vector<1xi32>
    %shift_right_arithmetic3A_241 = arith.constant 7 : i32
    %shift_right_arithmetic3A_242 = arith.shrsi %squeeze3A_240, %shift_right_arithmetic3A_241 : i32
    %mul3A_243 = arith.constant 128 : i32
    %mul3A_244 = arith.muli %shift_right_arithmetic3A_242, %mul3A_243 : i32
    %multiple_of3A_245 = tpu.assume_multiple %mul3A_244, 128 : i32
    %slice3A_246 = vector.extract_strided_slice %get3A_5 {offsets = [7], sizes = [1], strides = [1]} : vector<16xi32> to vector<1xi32>
    %squeeze3A_247 = vector.extract %slice3A_246[0] : i32 from vector<1xi32>
    %shift_right_arithmetic3A_248 = arith.constant 7 : i32
    %shift_right_arithmetic3A_249 = arith.shrsi %squeeze3A_247, %shift_right_arithmetic3A_248 : i32
    %mul3A_250 = arith.constant 128 : i32
    %mul3A_251 = arith.muli %shift_right_arithmetic3A_249, %mul3A_250 : i32
    %multiple_of3A_252 = tpu.assume_multiple %mul3A_251, 128 : i32
    %dma_start3A_253 = arith.constant 112 : i32
    %dma_start3A_254 = arith.constant 0 : i32
    %dma_start3A_255 = tpu.memref_slice %arg9[%dma_start3A_253, %dma_start3A_254] : memref<128x128xf32, #tpu.memory_space<vmem>> -> memref<16x128xf32, #tpu.memory_space<vmem>>
    %dma_start3A_256 = arith.constant 0 : i32
    %dma_start3A_257 = tpu.memref_slice %arg4[%dma_start3A_256, %multiple_of3A_245] : memref<32x1000000xf32, #tpu.memory_space<hbm>> -> memref<16x128xf32, #tpu.memory_space<hbm>>
    %dma_start3A_258 = arith.constant 112 : i32
    %dma_start3A_259 = arith.constant 0 : i32
    %dma_start3A_260 = tpu.memref_slice %arg9[%dma_start3A_258, %dma_start3A_259] : memref<128x128xf32, #tpu.memory_space<vmem>> -> memref<16x128xf32, #tpu.memory_space<vmem>>
    %dma_start3A_261 = arith.constant 0 : i32
    %dma_start3A_262 = tpu.memref_slice %arg4[%dma_start3A_261, %multiple_of3A_245] : memref<32x1000000xf32, #tpu.memory_space<hbm>> -> memref<16x128xf32, #tpu.memory_space<hbm>>
    tpu.enqueue_dma source(%dma_start3A_262 : memref<16x128xf32, #tpu.memory_space<hbm>>) target(%dma_start3A_260 : memref<16x128xf32, #tpu.memory_space<vmem>>) target_semaphore(%arg14 : memref<!tpu.dma_semaphore, #tpu.memory_space<semaphore_mem>>)
    %dma_start3A_263 = arith.constant 112 : i32
    %dma_start3A_264 = arith.constant 0 : i32
    %dma_start3A_265 = tpu.memref_slice %arg10[%dma_start3A_263, %dma_start3A_264] : memref<128x128xf32, #tpu.memory_space<vmem>> -> memref<16x128xf32, #tpu.memory_space<vmem>>
    %dma_start3A_266 = arith.constant 0 : i32
    %dma_start3A_267 = tpu.memref_slice %arg5[%dma_start3A_266, %multiple_of3A_252] : memref<32x1000000xf32, #tpu.memory_space<hbm>> -> memref<16x128xf32, #tpu.memory_space<hbm>>
    %dma_start3A_268 = arith.constant 112 : i32
    %dma_start3A_269 = arith.constant 0 : i32
    %dma_start3A_270 = tpu.memref_slice %arg10[%dma_start3A_268, %dma_start3A_269] : memref<128x128xf32, #tpu.memory_space<vmem>> -> memref<16x128xf32, #tpu.memory_space<vmem>>
    %dma_start3A_271 = arith.constant 0 : i32
    %dma_start3A_272 = tpu.memref_slice %arg5[%dma_start3A_271, %multiple_of3A_252] : memref<32x1000000xf32, #tpu.memory_space<hbm>> -> memref<16x128xf32, #tpu.memory_space<hbm>>
    tpu.enqueue_dma source(%dma_start3A_272 : memref<16x128xf32, #tpu.memory_space<hbm>>) target(%dma_start3A_270 : memref<16x128xf32, #tpu.memory_space<vmem>>) target_semaphore(%arg14 : memref<!tpu.dma_semaphore, #tpu.memory_space<semaphore_mem>>)
    %slice3A_273 = vector.extract_strided_slice %get3A_3 {offsets = [0], sizes = [1], strides = [1]} : vector<16xi32> to vector<1xi32>
    %squeeze3A_274 = vector.extract %slice3A_273[0] : i32 from vector<1xi32>
    %shift_right_arithmetic3A_275 = arith.constant 7 : i32
    %shift_right_arithmetic3A_276 = arith.shrsi %squeeze3A_274, %shift_right_arithmetic3A_275 : i32
    %mul3A_277 = arith.constant 128 : i32
    %mul3A_278 = arith.muli %shift_right_arithmetic3A_276, %mul3A_277 : i32
    %multiple_of3A_279 = tpu.assume_multiple %mul3A_278, 128 : i32
    %slice3A_280 = vector.extract_strided_slice %get3A_5 {offsets = [0], sizes = [1], strides = [1]} : vector<16xi32> to vector<1xi32>
    %squeeze3A_281 = vector.extract %slice3A_280[0] : i32 from vector<1xi32>
    %shift_right_arithmetic3A_282 = arith.constant 7 : i32
    %shift_right_arithmetic3A_283 = arith.shrsi %squeeze3A_281, %shift_right_arithmetic3A_282 : i32
    %mul3A_284 = arith.constant 128 : i32
    %mul3A_285 = arith.muli %shift_right_arithmetic3A_283, %mul3A_284 : i32
    %multiple_of3A_286 = tpu.assume_multiple %mul3A_285, 128 : i32
    %dma_start3A_287 = arith.constant 0 : i32
    %dma_start3A_288 = arith.constant 0 : i32
    %dma_start3A_289 = tpu.memref_slice %arg11[%dma_start3A_287, %dma_start3A_288] : memref<128x128xf32, #tpu.memory_space<vmem>> -> memref<16x128xf32, #tpu.memory_space<vmem>>
    %dma_start3A_290 = arith.constant 16 : i32
    %dma_start3A_291 = tpu.memref_slice %arg4[%dma_start3A_290, %multiple_of3A_279] : memref<32x1000000xf32, #tpu.memory_space<hbm>> -> memref<16x128xf32, #tpu.memory_space<hbm>>
    %dma_start3A_292 = arith.constant 0 : i32
    %dma_start3A_293 = arith.constant 0 : i32
    %dma_start3A_294 = tpu.memref_slice %arg11[%dma_start3A_292, %dma_start3A_293] : memref<128x128xf32, #tpu.memory_space<vmem>> -> memref<16x128xf32, #tpu.memory_space<vmem>>
    %dma_start3A_295 = arith.constant 16 : i32
    %dma_start3A_296 = tpu.memref_slice %arg4[%dma_start3A_295, %multiple_of3A_279] : memref<32x1000000xf32, #tpu.memory_space<hbm>> -> memref<16x128xf32, #tpu.memory_space<hbm>>
    tpu.enqueue_dma source(%dma_start3A_296 : memref<16x128xf32, #tpu.memory_space<hbm>>) target(%dma_start3A_294 : memref<16x128xf32, #tpu.memory_space<vmem>>) target_semaphore(%arg15 : memref<!tpu.dma_semaphore, #tpu.memory_space<semaphore_mem>>)
    %dma_start3A_297 = arith.constant 0 : i32
    %dma_start3A_298 = arith.constant 0 : i32
    %dma_start3A_299 = tpu.memref_slice %arg12[%dma_start3A_297, %dma_start3A_298] : memref<128x128xf32, #tpu.memory_space<vmem>> -> memref<16x128xf32, #tpu.memory_space<vmem>>
    %dma_start3A_300 = arith.constant 16 : i32
    %dma_start3A_301 = tpu.memref_slice %arg5[%dma_start3A_300, %multiple_of3A_286] : memref<32x1000000xf32, #tpu.memory_space<hbm>> -> memref<16x128xf32, #tpu.memory_space<hbm>>
    %dma_start3A_302 = arith.constant 0 : i32
    %dma_start3A_303 = arith.constant 0 : i32
    %dma_start3A_304 = tpu.memref_slice %arg12[%dma_start3A_302, %dma_start3A_303] : memref<128x128xf32, #tpu.memory_space<vmem>> -> memref<16x128xf32, #tpu.memory_space<vmem>>
    %dma_start3A_305 = arith.constant 16 : i32
    %dma_start3A_306 = tpu.memref_slice %arg5[%dma_start3A_305, %multiple_of3A_286] : memref<32x1000000xf32, #tpu.memory_space<hbm>> -> memref<16x128xf32, #tpu.memory_space<hbm>>
    tpu.enqueue_dma source(%dma_start3A_306 : memref<16x128xf32, #tpu.memory_space<hbm>>) target(%dma_start3A_304 : memref<16x128xf32, #tpu.memory_space<vmem>>) target_semaphore(%arg15 : memref<!tpu.dma_semaphore, #tpu.memory_space<semaphore_mem>>)
    %slice3A_307 = vector.extract_strided_slice %get3A_3 {offsets = [1], sizes = [1], strides = [1]} : vector<16xi32> to vector<1xi32>
    %squeeze3A_308 = vector.extract %slice3A_307[0] : i32 from vector<1xi32>
    %shift_right_arithmetic3A_309 = arith.constant 7 : i32
    %shift_right_arithmetic3A_310 = arith.shrsi %squeeze3A_308, %shift_right_arithmetic3A_309 : i32
    %mul3A_311 = arith.constant 128 : i32
    %mul3A_312 = arith.muli %shift_right_arithmetic3A_310, %mul3A_311 : i32
    %multiple_of3A_313 = tpu.assume_multiple %mul3A_312, 128 : i32
    %slice3A_314 = vector.extract_strided_slice %get3A_5 {offsets = [1], sizes = [1], strides = [1]} : vector<16xi32> to vector<1xi32>
    %squeeze3A_315 = vector.extract %slice3A_314[0] : i32 from vector<1xi32>
    %shift_right_arithmetic3A_316 = arith.constant 7 : i32
    %shift_right_arithmetic3A_317 = arith.shrsi %squeeze3A_315, %shift_right_arithmetic3A_316 : i32
    %mul3A_318 = arith.constant 128 : i32
    %mul3A_319 = arith.muli %shift_right_arithmetic3A_317, %mul3A_318 : i32
    %multiple_of3A_320 = tpu.assume_multiple %mul3A_319, 128 : i32
    %dma_start3A_321 = arith.constant 16 : i32
    %dma_start3A_322 = arith.constant 0 : i32
    %dma_start3A_323 = tpu.memref_slice %arg11[%dma_start3A_321, %dma_start3A_322] : memref<128x128xf32, #tpu.memory_space<vmem>> -> memref<16x128xf32, #tpu.memory_space<vmem>>
    %dma_start3A_324 = arith.constant 16 : i32
    %dma_start3A_325 = tpu.memref_slice %arg4[%dma_start3A_324, %multiple_of3A_313] : memref<32x1000000xf32, #tpu.memory_space<hbm>> -> memref<16x128xf32, #tpu.memory_space<hbm>>
    %dma_start3A_326 = arith.constant 16 : i32
    %dma_start3A_327 = arith.constant 0 : i32
    %dma_start3A_328 = tpu.memref_slice %arg11[%dma_start3A_326, %dma_start3A_327] : memref<128x128xf32, #tpu.memory_space<vmem>> -> memref<16x128xf32, #tpu.memory_space<vmem>>
    %dma_start3A_329 = arith.constant 16 : i32
    %dma_start3A_330 = tpu.memref_slice %arg4[%dma_start3A_329, %multiple_of3A_313] : memref<32x1000000xf32, #tpu.memory_space<hbm>> -> memref<16x128xf32, #tpu.memory_space<hbm>>
    tpu.enqueue_dma source(%dma_start3A_330 : memref<16x128xf32, #tpu.memory_space<hbm>>) target(%dma_start3A_328 : memref<16x128xf32, #tpu.memory_space<vmem>>) target_semaphore(%arg15 : memref<!tpu.dma_semaphore, #tpu.memory_space<semaphore_mem>>)
    %dma_start3A_331 = arith.constant 16 : i32
    %dma_start3A_332 = arith.constant 0 : i32
    %dma_start3A_333 = tpu.memref_slice %arg12[%dma_start3A_331, %dma_start3A_332] : memref<128x128xf32, #tpu.memory_space<vmem>> -> memref<16x128xf32, #tpu.memory_space<vmem>>
    %dma_start3A_334 = arith.constant 16 : i32
    %dma_start3A_335 = tpu.memref_slice %arg5[%dma_start3A_334, %multiple_of3A_320] : memref<32x1000000xf32, #tpu.memory_space<hbm>> -> memref<16x128xf32, #tpu.memory_space<hbm>>
    %dma_start3A_336 = arith.constant 16 : i32
    %dma_start3A_337 = arith.constant 0 : i32
    %dma_start3A_338 = tpu.memref_slice %arg12[%dma_start3A_336, %dma_start3A_337] : memref<128x128xf32, #tpu.memory_space<vmem>> -> memref<16x128xf32, #tpu.memory_space<vmem>>
    %dma_start3A_339 = arith.constant 16 : i32
    %dma_start3A_340 = tpu.memref_slice %arg5[%dma_start3A_339, %multiple_of3A_320] : memref<32x1000000xf32, #tpu.memory_space<hbm>> -> memref<16x128xf32, #tpu.memory_space<hbm>>
    tpu.enqueue_dma source(%dma_start3A_340 : memref<16x128xf32, #tpu.memory_space<hbm>>) target(%dma_start3A_338 : memref<16x128xf32, #tpu.memory_space<vmem>>) target_semaphore(%arg15 : memref<!tpu.dma_semaphore, #tpu.memory_space<semaphore_mem>>)
    %slice3A_341 = vector.extract_strided_slice %get3A_3 {offsets = [2], sizes = [1], strides = [1]} : vector<16xi32> to vector<1xi32>
    %squeeze3A_342 = vector.extract %slice3A_341[0] : i32 from vector<1xi32>
    %shift_right_arithmetic3A_343 = arith.constant 7 : i32
    %shift_right_arithmetic3A_344 = arith.shrsi %squeeze3A_342, %shift_right_arithmetic3A_343 : i32
    %mul3A_345 = arith.constant 128 : i32
    %mul3A_346 = arith.muli %shift_right_arithmetic3A_344, %mul3A_345 : i32
    %multiple_of3A_347 = tpu.assume_multiple %mul3A_346, 128 : i32
    %slice3A_348 = vector.extract_strided_slice %get3A_5 {offsets = [2], sizes = [1], strides = [1]} : vector<16xi32> to vector<1xi32>
    %squeeze3A_349 = vector.extract %slice3A_348[0] : i32 from vector<1xi32>
    %shift_right_arithmetic3A_350 = arith.constant 7 : i32
    %shift_right_arithmetic3A_351 = arith.shrsi %squeeze3A_349, %shift_right_arithmetic3A_350 : i32
    %mul3A_352 = arith.constant 128 : i32
    %mul3A_353 = arith.muli %shift_right_arithmetic3A_351, %mul3A_352 : i32
    %multiple_of3A_354 = tpu.assume_multiple %mul3A_353, 128 : i32
    %dma_start3A_355 = arith.constant 32 : i32
    %dma_start3A_356 = arith.constant 0 : i32
    %dma_start3A_357 = tpu.memref_slice %arg11[%dma_start3A_355, %dma_start3A_356] : memref<128x128xf32, #tpu.memory_space<vmem>> -> memref<16x128xf32, #tpu.memory_space<vmem>>
    %dma_start3A_358 = arith.constant 16 : i32
    %dma_start3A_359 = tpu.memref_slice %arg4[%dma_start3A_358, %multiple_of3A_347] : memref<32x1000000xf32, #tpu.memory_space<hbm>> -> memref<16x128xf32, #tpu.memory_space<hbm>>
    %dma_start3A_360 = arith.constant 32 : i32
    %dma_start3A_361 = arith.constant 0 : i32
    %dma_start3A_362 = tpu.memref_slice %arg11[%dma_start3A_360, %dma_start3A_361] : memref<128x128xf32, #tpu.memory_space<vmem>> -> memref<16x128xf32, #tpu.memory_space<vmem>>
    %dma_start3A_363 = arith.constant 16 : i32
    %dma_start3A_364 = tpu.memref_slice %arg4[%dma_start3A_363, %multiple_of3A_347] : memref<32x1000000xf32, #tpu.memory_space<hbm>> -> memref<16x128xf32, #tpu.memory_space<hbm>>
    tpu.enqueue_dma source(%dma_start3A_364 : memref<16x128xf32, #tpu.memory_space<hbm>>) target(%dma_start3A_362 : memref<16x128xf32, #tpu.memory_space<vmem>>) target_semaphore(%arg15 : memref<!tpu.dma_semaphore, #tpu.memory_space<semaphore_mem>>)
    %dma_start3A_365 = arith.constant 32 : i32
    %dma_start3A_366 = arith.constant 0 : i32
    %dma_start3A_367 = tpu.memref_slice %arg12[%dma_start3A_365, %dma_start3A_366] : memref<128x128xf32, #tpu.memory_space<vmem>> -> memref<16x128xf32, #tpu.memory_space<vmem>>
    %dma_start3A_368 = arith.constant 16 : i32
    %dma_start3A_369 = tpu.memref_slice %arg5[%dma_start3A_368, %multiple_of3A_354] : memref<32x1000000xf32, #tpu.memory_space<hbm>> -> memref<16x128xf32, #tpu.memory_space<hbm>>
    %dma_start3A_370 = arith.constant 32 : i32
    %dma_start3A_371 = arith.constant 0 : i32
    %dma_start3A_372 = tpu.memref_slice %arg12[%dma_start3A_370, %dma_start3A_371] : memref<128x128xf32, #tpu.memory_space<vmem>> -> memref<16x128xf32, #tpu.memory_space<vmem>>
    %dma_start3A_373 = arith.constant 16 : i32
    %dma_start3A_374 = tpu.memref_slice %arg5[%dma_start3A_373, %multiple_of3A_354] : memref<32x1000000xf32, #tpu.memory_space<hbm>> -> memref<16x128xf32, #tpu.memory_space<hbm>>
    tpu.enqueue_dma source(%dma_start3A_374 : memref<16x128xf32, #tpu.memory_space<hbm>>) target(%dma_start3A_372 : memref<16x128xf32, #tpu.memory_space<vmem>>) target_semaphore(%arg15 : memref<!tpu.dma_semaphore, #tpu.memory_space<semaphore_mem>>)
    %slice3A_375 = vector.extract_strided_slice %get3A_3 {offsets = [3], sizes = [1], strides = [1]} : vector<16xi32> to vector<1xi32>
    %squeeze3A_376 = vector.extract %slice3A_375[0] : i32 from vector<1xi32>
    %shift_right_arithmetic3A_377 = arith.constant 7 : i32
    %shift_right_arithmetic3A_378 = arith.shrsi %squeeze3A_376, %shift_right_arithmetic3A_377 : i32
    %mul3A_379 = arith.constant 128 : i32
    %mul3A_380 = arith.muli %shift_right_arithmetic3A_378, %mul3A_379 : i32
    %multiple_of3A_381 = tpu.assume_multiple %mul3A_380, 128 : i32
    %slice3A_382 = vector.extract_strided_slice %get3A_5 {offsets = [3], sizes = [1], strides = [1]} : vector<16xi32> to vector<1xi32>
    %squeeze3A_383 = vector.extract %slice3A_382[0] : i32 from vector<1xi32>
    %shift_right_arithmetic3A_384 = arith.constant 7 : i32
    %shift_right_arithmetic3A_385 = arith.shrsi %squeeze3A_383, %shift_right_arithmetic3A_384 : i32
    %mul3A_386 = arith.constant 128 : i32
    %mul3A_387 = arith.muli %shift_right_arithmetic3A_385, %mul3A_386 : i32
    %multiple_of3A_388 = tpu.assume_multiple %mul3A_387, 128 : i32
    %dma_start3A_389 = arith.constant 48 : i32
    %dma_start3A_390 = arith.constant 0 : i32
    %dma_start3A_391 = tpu.memref_slice %arg11[%dma_start3A_389, %dma_start3A_390] : memref<128x128xf32, #tpu.memory_space<vmem>> -> memref<16x128xf32, #tpu.memory_space<vmem>>
    %dma_start3A_392 = arith.constant 16 : i32
    %dma_start3A_393 = tpu.memref_slice %arg4[%dma_start3A_392, %multiple_of3A_381] : memref<32x1000000xf32, #tpu.memory_space<hbm>> -> memref<16x128xf32, #tpu.memory_space<hbm>>
    %dma_start3A_394 = arith.constant 48 : i32
    %dma_start3A_395 = arith.constant 0 : i32
    %dma_start3A_396 = tpu.memref_slice %arg11[%dma_start3A_394, %dma_start3A_395] : memref<128x128xf32, #tpu.memory_space<vmem>> -> memref<16x128xf32, #tpu.memory_space<vmem>>
    %dma_start3A_397 = arith.constant 16 : i32
    %dma_start3A_398 = tpu.memref_slice %arg4[%dma_start3A_397, %multiple_of3A_381] : memref<32x1000000xf32, #tpu.memory_space<hbm>> -> memref<16x128xf32, #tpu.memory_space<hbm>>
    tpu.enqueue_dma source(%dma_start3A_398 : memref<16x128xf32, #tpu.memory_space<hbm>>) target(%dma_start3A_396 : memref<16x128xf32, #tpu.memory_space<vmem>>) target_semaphore(%arg15 : memref<!tpu.dma_semaphore, #tpu.memory_space<semaphore_mem>>)
    %dma_start3A_399 = arith.constant 48 : i32
    %dma_start3A_400 = arith.constant 0 : i32
    %dma_start3A_401 = tpu.memref_slice %arg12[%dma_start3A_399, %dma_start3A_400] : memref<128x128xf32, #tpu.memory_space<vmem>> -> memref<16x128xf32, #tpu.memory_space<vmem>>
    %dma_start3A_402 = arith.constant 16 : i32
    %dma_start3A_403 = tpu.memref_slice %arg5[%dma_start3A_402, %multiple_of3A_388] : memref<32x1000000xf32, #tpu.memory_space<hbm>> -> memref<16x128xf32, #tpu.memory_space<hbm>>
    %dma_start3A_404 = arith.constant 48 : i32
    %dma_start3A_405 = arith.constant 0 : i32
    %dma_start3A_406 = tpu.memref_slice %arg12[%dma_start3A_404, %dma_start3A_405] : memref<128x128xf32, #tpu.memory_space<vmem>> -> memref<16x128xf32, #tpu.memory_space<vmem>>
    %dma_start3A_407 = arith.constant 16 : i32
    %dma_start3A_408 = tpu.memref_slice %arg5[%dma_start3A_407, %multiple_of3A_388] : memref<32x1000000xf32, #tpu.memory_space<hbm>> -> memref<16x128xf32, #tpu.memory_space<hbm>>
    tpu.enqueue_dma source(%dma_start3A_408 : memref<16x128xf32, #tpu.memory_space<hbm>>) target(%dma_start3A_406 : memref<16x128xf32, #tpu.memory_space<vmem>>) target_semaphore(%arg15 : memref<!tpu.dma_semaphore, #tpu.memory_space<semaphore_mem>>)
    %slice3A_409 = vector.extract_strided_slice %get3A_3 {offsets = [4], sizes = [1], strides = [1]} : vector<16xi32> to vector<1xi32>
    %squeeze3A_410 = vector.extract %slice3A_409[0] : i32 from vector<1xi32>
    %shift_right_arithmetic3A_411 = arith.constant 7 : i32
    %shift_right_arithmetic3A_412 = arith.shrsi %squeeze3A_410, %shift_right_arithmetic3A_411 : i32
    %mul3A_413 = arith.constant 128 : i32
    %mul3A_414 = arith.muli %shift_right_arithmetic3A_412, %mul3A_413 : i32
    %multiple_of3A_415 = tpu.assume_multiple %mul3A_414, 128 : i32
    %slice3A_416 = vector.extract_strided_slice %get3A_5 {offsets = [4], sizes = [1], strides = [1]} : vector<16xi32> to vector<1xi32>
    %squeeze3A_417 = vector.extract %slice3A_416[0] : i32 from vector<1xi32>
    %shift_right_arithmetic3A_418 = arith.constant 7 : i32
    %shift_right_arithmetic3A_419 = arith.shrsi %squeeze3A_417, %shift_right_arithmetic3A_418 : i32
    %mul3A_420 = arith.constant 128 : i32
    %mul3A_421 = arith.muli %shift_right_arithmetic3A_419, %mul3A_420 : i32
    %multiple_of3A_422 = tpu.assume_multiple %mul3A_421, 128 : i32
    %dma_start3A_423 = arith.constant 64 : i32
    %dma_start3A_424 = arith.constant 0 : i32
    %dma_start3A_425 = tpu.memref_slice %arg11[%dma_start3A_423, %dma_start3A_424] : memref<128x128xf32, #tpu.memory_space<vmem>> -> memref<16x128xf32, #tpu.memory_space<vmem>>
    %dma_start3A_426 = arith.constant 16 : i32
    %dma_start3A_427 = tpu.memref_slice %arg4[%dma_start3A_426, %multiple_of3A_415] : memref<32x1000000xf32, #tpu.memory_space<hbm>> -> memref<16x128xf32, #tpu.memory_space<hbm>>
    %dma_start3A_428 = arith.constant 64 : i32
    %dma_start3A_429 = arith.constant 0 : i32
    %dma_start3A_430 = tpu.memref_slice %arg11[%dma_start3A_428, %dma_start3A_429] : memref<128x128xf32, #tpu.memory_space<vmem>> -> memref<16x128xf32, #tpu.memory_space<vmem>>
    %dma_start3A_431 = arith.constant 16 : i32
    %dma_start3A_432 = tpu.memref_slice %arg4[%dma_start3A_431, %multiple_of3A_415] : memref<32x1000000xf32, #tpu.memory_space<hbm>> -> memref<16x128xf32, #tpu.memory_space<hbm>>
    tpu.enqueue_dma source(%dma_start3A_432 : memref<16x128xf32, #tpu.memory_space<hbm>>) target(%dma_start3A_430 : memref<16x128xf32, #tpu.memory_space<vmem>>) target_semaphore(%arg15 : memref<!tpu.dma_semaphore, #tpu.memory_space<semaphore_mem>>)
    %dma_start3A_433 = arith.constant 64 : i32
    %dma_start3A_434 = arith.constant 0 : i32
    %dma_start3A_435 = tpu.memref_slice %arg12[%dma_start3A_433, %dma_start3A_434] : memref<128x128xf32, #tpu.memory_space<vmem>> -> memref<16x128xf32, #tpu.memory_space<vmem>>
    %dma_start3A_436 = arith.constant 16 : i32
    %dma_start3A_437 = tpu.memref_slice %arg5[%dma_start3A_436, %multiple_of3A_422] : memref<32x1000000xf32, #tpu.memory_space<hbm>> -> memref<16x128xf32, #tpu.memory_space<hbm>>
    %dma_start3A_438 = arith.constant 64 : i32
    %dma_start3A_439 = arith.constant 0 : i32
    %dma_start3A_440 = tpu.memref_slice %arg12[%dma_start3A_438, %dma_start3A_439] : memref<128x128xf32, #tpu.memory_space<vmem>> -> memref<16x128xf32, #tpu.memory_space<vmem>>
    %dma_start3A_441 = arith.constant 16 : i32
    %dma_start3A_442 = tpu.memref_slice %arg5[%dma_start3A_441, %multiple_of3A_422] : memref<32x1000000xf32, #tpu.memory_space<hbm>> -> memref<16x128xf32, #tpu.memory_space<hbm>>
    tpu.enqueue_dma source(%dma_start3A_442 : memref<16x128xf32, #tpu.memory_space<hbm>>) target(%dma_start3A_440 : memref<16x128xf32, #tpu.memory_space<vmem>>) target_semaphore(%arg15 : memref<!tpu.dma_semaphore, #tpu.memory_space<semaphore_mem>>)
    %slice3A_443 = vector.extract_strided_slice %get3A_3 {offsets = [5], sizes = [1], strides = [1]} : vector<16xi32> to vector<1xi32>
    %squeeze3A_444 = vector.extract %slice3A_443[0] : i32 from vector<1xi32>
    %shift_right_arithmetic3A_445 = arith.constant 7 : i32
    %shift_right_arithmetic3A_446 = arith.shrsi %squeeze3A_444, %shift_right_arithmetic3A_445 : i32
    %mul3A_447 = arith.constant 128 : i32
    %mul3A_448 = arith.muli %shift_right_arithmetic3A_446, %mul3A_447 : i32
    %multiple_of3A_449 = tpu.assume_multiple %mul3A_448, 128 : i32
    %slice3A_450 = vector.extract_strided_slice %get3A_5 {offsets = [5], sizes = [1], strides = [1]} : vector<16xi32> to vector<1xi32>
    %squeeze3A_451 = vector.extract %slice3A_450[0] : i32 from vector<1xi32>
    %shift_right_arithmetic3A_452 = arith.constant 7 : i32
    %shift_right_arithmetic3A_453 = arith.shrsi %squeeze3A_451, %shift_right_arithmetic3A_452 : i32
    %mul3A_454 = arith.constant 128 : i32
    %mul3A_455 = arith.muli %shift_right_arithmetic3A_453, %mul3A_454 : i32
    %multiple_of3A_456 = tpu.assume_multiple %mul3A_455, 128 : i32
    %dma_start3A_457 = arith.constant 80 : i32
    %dma_start3A_458 = arith.constant 0 : i32
    %dma_start3A_459 = tpu.memref_slice %arg11[%dma_start3A_457, %dma_start3A_458] : memref<128x128xf32, #tpu.memory_space<vmem>> -> memref<16x128xf32, #tpu.memory_space<vmem>>
    %dma_start3A_460 = arith.constant 16 : i32
    %dma_start3A_461 = tpu.memref_slice %arg4[%dma_start3A_460, %multiple_of3A_449] : memref<32x1000000xf32, #tpu.memory_space<hbm>> -> memref<16x128xf32, #tpu.memory_space<hbm>>
    %dma_start3A_462 = arith.constant 80 : i32
    %dma_start3A_463 = arith.constant 0 : i32
    %dma_start3A_464 = tpu.memref_slice %arg11[%dma_start3A_462, %dma_start3A_463] : memref<128x128xf32, #tpu.memory_space<vmem>> -> memref<16x128xf32, #tpu.memory_space<vmem>>
    %dma_start3A_465 = arith.constant 16 : i32
    %dma_start3A_466 = tpu.memref_slice %arg4[%dma_start3A_465, %multiple_of3A_449] : memref<32x1000000xf32, #tpu.memory_space<hbm>> -> memref<16x128xf32, #tpu.memory_space<hbm>>
    tpu.enqueue_dma source(%dma_start3A_466 : memref<16x128xf32, #tpu.memory_space<hbm>>) target(%dma_start3A_464 : memref<16x128xf32, #tpu.memory_space<vmem>>) target_semaphore(%arg15 : memref<!tpu.dma_semaphore, #tpu.memory_space<semaphore_mem>>)
    %dma_start3A_467 = arith.constant 80 : i32
    %dma_start3A_468 = arith.constant 0 : i32
    %dma_start3A_469 = tpu.memref_slice %arg12[%dma_start3A_467, %dma_start3A_468] : memref<128x128xf32, #tpu.memory_space<vmem>> -> memref<16x128xf32, #tpu.memory_space<vmem>>
    %dma_start3A_470 = arith.constant 16 : i32
    %dma_start3A_471 = tpu.memref_slice %arg5[%dma_start3A_470, %multiple_of3A_456] : memref<32x1000000xf32, #tpu.memory_space<hbm>> -> memref<16x128xf32, #tpu.memory_space<hbm>>
    %dma_start3A_472 = arith.constant 80 : i32
    %dma_start3A_473 = arith.constant 0 : i32
    %dma_start3A_474 = tpu.memref_slice %arg12[%dma_start3A_472, %dma_start3A_473] : memref<128x128xf32, #tpu.memory_space<vmem>> -> memref<16x128xf32, #tpu.memory_space<vmem>>
    %dma_start3A_475 = arith.constant 16 : i32
    %dma_start3A_476 = tpu.memref_slice %arg5[%dma_start3A_475, %multiple_of3A_456] : memref<32x1000000xf32, #tpu.memory_space<hbm>> -> memref<16x128xf32, #tpu.memory_space<hbm>>
    tpu.enqueue_dma source(%dma_start3A_476 : memref<16x128xf32, #tpu.memory_space<hbm>>) target(%dma_start3A_474 : memref<16x128xf32, #tpu.memory_space<vmem>>) target_semaphore(%arg15 : memref<!tpu.dma_semaphore, #tpu.memory_space<semaphore_mem>>)
    %slice3A_477 = vector.extract_strided_slice %get3A_3 {offsets = [6], sizes = [1], strides = [1]} : vector<16xi32> to vector<1xi32>
    %squeeze3A_478 = vector.extract %slice3A_477[0] : i32 from vector<1xi32>
    %shift_right_arithmetic3A_479 = arith.constant 7 : i32
    %shift_right_arithmetic3A_480 = arith.shrsi %squeeze3A_478, %shift_right_arithmetic3A_479 : i32
    %mul3A_481 = arith.constant 128 : i32
    %mul3A_482 = arith.muli %shift_right_arithmetic3A_480, %mul3A_481 : i32
    %multiple_of3A_483 = tpu.assume_multiple %mul3A_482, 128 : i32
    %slice3A_484 = vector.extract_strided_slice %get3A_5 {offsets = [6], sizes = [1], strides = [1]} : vector<16xi32> to vector<1xi32>
    %squeeze3A_485 = vector.extract %slice3A_484[0] : i32 from vector<1xi32>
    %shift_right_arithmetic3A_486 = arith.constant 7 : i32
    %shift_right_arithmetic3A_487 = arith.shrsi %squeeze3A_485, %shift_right_arithmetic3A_486 : i32
    %mul3A_488 = arith.constant 128 : i32
    %mul3A_489 = arith.muli %shift_right_arithmetic3A_487, %mul3A_488 : i32
    %multiple_of3A_490 = tpu.assume_multiple %mul3A_489, 128 : i32
    %dma_start3A_491 = arith.constant 96 : i32
    %dma_start3A_492 = arith.constant 0 : i32
    %dma_start3A_493 = tpu.memref_slice %arg11[%dma_start3A_491, %dma_start3A_492] : memref<128x128xf32, #tpu.memory_space<vmem>> -> memref<16x128xf32, #tpu.memory_space<vmem>>
    %dma_start3A_494 = arith.constant 16 : i32
    %dma_start3A_495 = tpu.memref_slice %arg4[%dma_start3A_494, %multiple_of3A_483] : memref<32x1000000xf32, #tpu.memory_space<hbm>> -> memref<16x128xf32, #tpu.memory_space<hbm>>
    %dma_start3A_496 = arith.constant 96 : i32
    %dma_start3A_497 = arith.constant 0 : i32
    %dma_start3A_498 = tpu.memref_slice %arg11[%dma_start3A_496, %dma_start3A_497] : memref<128x128xf32, #tpu.memory_space<vmem>> -> memref<16x128xf32, #tpu.memory_space<vmem>>
    %dma_start3A_499 = arith.constant 16 : i32
    %dma_start3A_500 = tpu.memref_slice %arg4[%dma_start3A_499, %multiple_of3A_483] : memref<32x1000000xf32, #tpu.memory_space<hbm>> -> memref<16x128xf32, #tpu.memory_space<hbm>>
    tpu.enqueue_dma source(%dma_start3A_500 : memref<16x128xf32, #tpu.memory_space<hbm>>) target(%dma_start3A_498 : memref<16x128xf32, #tpu.memory_space<vmem>>) target_semaphore(%arg15 : memref<!tpu.dma_semaphore, #tpu.memory_space<semaphore_mem>>)
    %dma_start3A_501 = arith.constant 96 : i32
    %dma_start3A_502 = arith.constant 0 : i32
    %dma_start3A_503 = tpu.memref_slice %arg12[%dma_start3A_501, %dma_start3A_502] : memref<128x128xf32, #tpu.memory_space<vmem>> -> memref<16x128xf32, #tpu.memory_space<vmem>>
    %dma_start3A_504 = arith.constant 16 : i32
    %dma_start3A_505 = tpu.memref_slice %arg5[%dma_start3A_504, %multiple_of3A_490] : memref<32x1000000xf32, #tpu.memory_space<hbm>> -> memref<16x128xf32, #tpu.memory_space<hbm>>
    %dma_start3A_506 = arith.constant 96 : i32
    %dma_start3A_507 = arith.constant 0 : i32
    %dma_start3A_508 = tpu.memref_slice %arg12[%dma_start3A_506, %dma_start3A_507] : memref<128x128xf32, #tpu.memory_space<vmem>> -> memref<16x128xf32, #tpu.memory_space<vmem>>
    %dma_start3A_509 = arith.constant 16 : i32
    %dma_start3A_510 = tpu.memref_slice %arg5[%dma_start3A_509, %multiple_of3A_490] : memref<32x1000000xf32, #tpu.memory_space<hbm>> -> memref<16x128xf32, #tpu.memory_space<hbm>>
    tpu.enqueue_dma source(%dma_start3A_510 : memref<16x128xf32, #tpu.memory_space<hbm>>) target(%dma_start3A_508 : memref<16x128xf32, #tpu.memory_space<vmem>>) target_semaphore(%arg15 : memref<!tpu.dma_semaphore, #tpu.memory_space<semaphore_mem>>)
    %slice3A_511 = vector.extract_strided_slice %get3A_3 {offsets = [7], sizes = [1], strides = [1]} : vector<16xi32> to vector<1xi32>
    %squeeze3A_512 = vector.extract %slice3A_511[0] : i32 from vector<1xi32>
    %shift_right_arithmetic3A_513 = arith.constant 7 : i32
    %shift_right_arithmetic3A_514 = arith.shrsi %squeeze3A_512, %shift_right_arithmetic3A_513 : i32
    %mul3A_515 = arith.constant 128 : i32
    %mul3A_516 = arith.muli %shift_right_arithmetic3A_514, %mul3A_515 : i32
    %multiple_of3A_517 = tpu.assume_multiple %mul3A_516, 128 : i32
    %slice3A_518 = vector.extract_strided_slice %get3A_5 {offsets = [7], sizes = [1], strides = [1]} : vector<16xi32> to vector<1xi32>
    %squeeze3A_519 = vector.extract %slice3A_518[0] : i32 from vector<1xi32>
    %shift_right_arithmetic3A_520 = arith.constant 7 : i32
    %shift_right_arithmetic3A_521 = arith.shrsi %squeeze3A_519, %shift_right_arithmetic3A_520 : i32
    %mul3A_522 = arith.constant 128 : i32
    %mul3A_523 = arith.muli %shift_right_arithmetic3A_521, %mul3A_522 : i32
    %multiple_of3A_524 = tpu.assume_multiple %mul3A_523, 128 : i32
    %dma_start3A_525 = arith.constant 112 : i32
    %dma_start3A_526 = arith.constant 0 : i32
    %dma_start3A_527 = tpu.memref_slice %arg11[%dma_start3A_525, %dma_start3A_526] : memref<128x128xf32, #tpu.memory_space<vmem>> -> memref<16x128xf32, #tpu.memory_space<vmem>>
    %dma_start3A_528 = arith.constant 16 : i32
    %dma_start3A_529 = tpu.memref_slice %arg4[%dma_start3A_528, %multiple_of3A_517] : memref<32x1000000xf32, #tpu.memory_space<hbm>> -> memref<16x128xf32, #tpu.memory_space<hbm>>
    %dma_start3A_530 = arith.constant 112 : i32
    %dma_start3A_531 = arith.constant 0 : i32
    %dma_start3A_532 = tpu.memref_slice %arg11[%dma_start3A_530, %dma_start3A_531] : memref<128x128xf32, #tpu.memory_space<vmem>> -> memref<16x128xf32, #tpu.memory_space<vmem>>
    %dma_start3A_533 = arith.constant 16 : i32
    %dma_start3A_534 = tpu.memref_slice %arg4[%dma_start3A_533, %multiple_of3A_517] : memref<32x1000000xf32, #tpu.memory_space<hbm>> -> memref<16x128xf32, #tpu.memory_space<hbm>>
    tpu.enqueue_dma source(%dma_start3A_534 : memref<16x128xf32, #tpu.memory_space<hbm>>) target(%dma_start3A_532 : memref<16x128xf32, #tpu.memory_space<vmem>>) target_semaphore(%arg15 : memref<!tpu.dma_semaphore, #tpu.memory_space<semaphore_mem>>)
    %dma_start3A_535 = arith.constant 112 : i32
    %dma_start3A_536 = arith.constant 0 : i32
    %dma_start3A_537 = tpu.memref_slice %arg12[%dma_start3A_535, %dma_start3A_536] : memref<128x128xf32, #tpu.memory_space<vmem>> -> memref<16x128xf32, #tpu.memory_space<vmem>>
    %dma_start3A_538 = arith.constant 16 : i32
    %dma_start3A_539 = tpu.memref_slice %arg5[%dma_start3A_538, %multiple_of3A_524] : memref<32x1000000xf32, #tpu.memory_space<hbm>> -> memref<16x128xf32, #tpu.memory_space<hbm>>
    %dma_start3A_540 = arith.constant 112 : i32
    %dma_start3A_541 = arith.constant 0 : i32
    %dma_start3A_542 = tpu.memref_slice %arg12[%dma_start3A_540, %dma_start3A_541] : memref<128x128xf32, #tpu.memory_space<vmem>> -> memref<16x128xf32, #tpu.memory_space<vmem>>
    %dma_start3A_543 = arith.constant 16 : i32
    %dma_start3A_544 = tpu.memref_slice %arg5[%dma_start3A_543, %multiple_of3A_524] : memref<32x1000000xf32, #tpu.memory_space<hbm>> -> memref<16x128xf32, #tpu.memory_space<hbm>>
    tpu.enqueue_dma source(%dma_start3A_544 : memref<16x128xf32, #tpu.memory_space<hbm>>) target(%dma_start3A_542 : memref<16x128xf32, #tpu.memory_space<vmem>>) target_semaphore(%arg15 : memref<!tpu.dma_semaphore, #tpu.memory_space<semaphore_mem>>)
    %broadcast_in_dim3A = arith.constant 0.000000e+00 : f32
    %broadcast_in_dim3A_545 = vector.broadcast %broadcast_in_dim3A : f32 to vector<16xf32>
    %scan3A = arith.constant 0 : i32
    %scan3A_546 = arith.constant 63 : i32
    %scan3A_547 = arith.addi %scan3A, %scan3A_546 : i32
    %scan3A_548 = arith.constant 1 : i32
    %scan3A_549 = scf.for %scan3A_1270 = %scan3A to %scan3A_547 step %scan3A_548 iter_args(%scan3A_1271 = %broadcast_in_dim3A_545) -> (vector<16xf32>)  : i32 {
      %mul3A_1272 = arith.constant 8 : i32
      %mul3A_1273 = arith.muli %scan3A_1270, %mul3A_1272 : i32
      %get3A_1274 = arith.index_cast %mul3A_1273 : i32 to index
      %get3A_1275 = tpu.vector_load %arg7[%get3A_1274] {strides = array<i32>} : memref<528xi32, #tpu.memory_space<vmem>>, vector<16xi32>,
      %mul3A_1276 = arith.constant 8 : i32
      %mul3A_1277 = arith.muli %scan3A_1270, %mul3A_1276 : i32
      %get3A_1278 = arith.index_cast %mul3A_1277 : i32 to index
      %get3A_1279 = tpu.vector_load %arg8[%get3A_1278] {strides = array<i32>} : memref<528xi32, #tpu.memory_space<vmem>>, vector<16xi32>,
      %add3A_1280 = arith.constant 1 : i32
      %add3A_1281 = arith.addi %scan3A_1270, %add3A_1280 : i32
      %mul3A_1282 = arith.constant 8 : i32
      %mul3A_1283 = arith.muli %add3A_1281, %mul3A_1282 : i32
      %get3A_1284 = arith.index_cast %mul3A_1283 : i32 to index
      %get3A_1285 = tpu.vector_load %arg7[%get3A_1284] {strides = array<i32>} : memref<528xi32, #tpu.memory_space<vmem>>, vector<16xi32>,
      %mul3A_1286 = arith.constant 8 : i32
      %mul3A_1287 = arith.muli %add3A_1281, %mul3A_1286 : i32
      %get3A_1288 = arith.index_cast %mul3A_1287 : i32 to index
      %get3A_1289 = tpu.vector_load %arg8[%get3A_1288] {strides = array<i32>} : memref<528xi32, #tpu.memory_space<vmem>>, vector<16xi32>,
      %dma_wait3A_1290 = arith.constant 0 : i32
      %dma_wait3A_1291 = arith.constant 0 : i32
      %dma_wait3A_1292 = tpu.memref_slice %arg9[%dma_wait3A_1290, %dma_wait3A_1291] : memref<128x128xf32, #tpu.memory_space<vmem>> -> memref<16x128xf32, #tpu.memory_space<vmem>>
      %dma_wait3A_1293 = arith.constant 0 : i32
      %dma_wait3A_1294 = arith.constant 0 : i32
      %dma_wait3A_1295 = tpu.memref_slice %arg4[%dma_wait3A_1293, %dma_wait3A_1294] : memref<32x1000000xf32, #tpu.memory_space<hbm>> -> memref<16x128xf32, #tpu.memory_space<hbm>>
      %dma_wait3A_1296 = arith.constant 0 : i32
      %dma_wait3A_1297 = arith.constant 0 : i32
      %dma_wait3A_1298 = tpu.memref_slice %arg9[%dma_wait3A_1296, %dma_wait3A_1297] : memref<128x128xf32, #tpu.memory_space<vmem>> -> memref<16x128xf32, #tpu.memory_space<vmem>>
      %dma_wait3A_1299 = arith.constant 0 : i32
      %dma_wait3A_1300 = arith.constant 0 : i32
      %dma_wait3A_1301 = tpu.memref_slice %arg4[%dma_wait3A_1299, %dma_wait3A_1300] : memref<32x1000000xf32, #tpu.memory_space<hbm>> -> memref<16x128xf32, #tpu.memory_space<hbm>>
      tpu.wait_dma2 semaphore(%arg14 : memref<!tpu.dma_semaphore, #tpu.memory_space<semaphore_mem>>) src(%dma_wait3A_1301 : memref<16x128xf32, #tpu.memory_space<hbm>>) dst(%dma_wait3A_1298 : memref<16x128xf32, #tpu.memory_space<vmem>>)
      %dma_wait3A_1302 = arith.constant 0 : i32
      %dma_wait3A_1303 = arith.constant 0 : i32
      %dma_wait3A_1304 = tpu.memref_slice %arg9[%dma_wait3A_1302, %dma_wait3A_1303] : memref<128x128xf32, #tpu.memory_space<vmem>> -> memref<16x128xf32, #tpu.memory_space<vmem>>
      %dma_wait3A_1305 = arith.constant 0 : i32
      %dma_wait3A_1306 = arith.constant 0 : i32
      %dma_wait3A_1307 = tpu.memref_slice %arg4[%dma_wait3A_1305, %dma_wait3A_1306] : memref<32x1000000xf32, #tpu.memory_space<hbm>> -> memref<16x128xf32, #tpu.memory_space<hbm>>
      %dma_wait3A_1308 = arith.constant 0 : i32
      %dma_wait3A_1309 = arith.constant 0 : i32
      %dma_wait3A_1310 = tpu.memref_slice %arg9[%dma_wait3A_1308, %dma_wait3A_1309] : memref<128x128xf32, #tpu.memory_space<vmem>> -> memref<16x128xf32, #tpu.memory_space<vmem>>
      %dma_wait3A_1311 = arith.constant 0 : i32
      %dma_wait3A_1312 = arith.constant 0 : i32
      %dma_wait3A_1313 = tpu.memref_slice %arg4[%dma_wait3A_1311, %dma_wait3A_1312] : memref<32x1000000xf32, #tpu.memory_space<hbm>> -> memref<16x128xf32, #tpu.memory_space<hbm>>
      tpu.wait_dma2 semaphore(%arg14 : memref<!tpu.dma_semaphore, #tpu.memory_space<semaphore_mem>>) src(%dma_wait3A_1313 : memref<16x128xf32, #tpu.memory_space<hbm>>) dst(%dma_wait3A_1310 : memref<16x128xf32, #tpu.memory_space<vmem>>)
      %dma_wait3A_1314 = arith.constant 0 : i32
      %dma_wait3A_1315 = arith.constant 0 : i32
      %dma_wait3A_1316 = tpu.memref_slice %arg9[%dma_wait3A_1314, %dma_wait3A_1315] : memref<128x128xf32, #tpu.memory_space<vmem>> -> memref<16x128xf32, #tpu.memory_space<vmem>>
      %dma_wait3A_1317 = arith.constant 0 : i32
      %dma_wait3A_1318 = arith.constant 0 : i32
      %dma_wait3A_1319 = tpu.memref_slice %arg4[%dma_wait3A_1317, %dma_wait3A_1318] : memref<32x1000000xf32, #tpu.memory_space<hbm>> -> memref<16x128xf32, #tpu.memory_space<hbm>>
      %dma_wait3A_1320 = arith.constant 0 : i32
      %dma_wait3A_1321 = arith.constant 0 : i32
      %dma_wait3A_1322 = tpu.memref_slice %arg9[%dma_wait3A_1320, %dma_wait3A_1321] : memref<128x128xf32, #tpu.memory_space<vmem>> -> memref<16x128xf32, #tpu.memory_space<vmem>>
      %dma_wait3A_1323 = arith.constant 0 : i32
      %dma_wait3A_1324 = arith.constant 0 : i32
      %dma_wait3A_1325 = tpu.memref_slice %arg4[%dma_wait3A_1323, %dma_wait3A_1324] : memref<32x1000000xf32, #tpu.memory_space<hbm>> -> memref<16x128xf32, #tpu.memory_space<hbm>>
      tpu.wait_dma2 semaphore(%arg14 : memref<!tpu.dma_semaphore, #tpu.memory_space<semaphore_mem>>) src(%dma_wait3A_1325 : memref<16x128xf32, #tpu.memory_space<hbm>>) dst(%dma_wait3A_1322 : memref<16x128xf32, #tpu.memory_space<vmem>>)
      %dma_wait3A_1326 = arith.constant 0 : i32
      %dma_wait3A_1327 = arith.constant 0 : i32
      %dma_wait3A_1328 = tpu.memref_slice %arg9[%dma_wait3A_1326, %dma_wait3A_1327] : memref<128x128xf32, #tpu.memory_space<vmem>> -> memref<16x128xf32, #tpu.memory_space<vmem>>
      %dma_wait3A_1329 = arith.constant 0 : i32
      %dma_wait3A_1330 = arith.constant 0 : i32
      %dma_wait3A_1331 = tpu.memref_slice %arg4[%dma_wait3A_1329, %dma_wait3A_1330] : memref<32x1000000xf32, #tpu.memory_space<hbm>> -> memref<16x128xf32, #tpu.memory_space<hbm>>
      %dma_wait3A_1332 = arith.constant 0 : i32
      %dma_wait3A_1333 = arith.constant 0 : i32
      %dma_wait3A_1334 = tpu.memref_slice %arg9[%dma_wait3A_1332, %dma_wait3A_1333] : memref<128x128xf32, #tpu.memory_space<vmem>> -> memref<16x128xf32, #tpu.memory_space<vmem>>
      %dma_wait3A_1335 = arith.constant 0 : i32
      %dma_wait3A_1336 = arith.constant 0 : i32
      %dma_wait3A_1337 = tpu.memref_slice %arg4[%dma_wait3A_1335, %dma_wait3A_1336] : memref<32x1000000xf32, #tpu.memory_space<hbm>> -> memref<16x128xf32, #tpu.memory_space<hbm>>
      tpu.wait_dma2 semaphore(%arg14 : memref<!tpu.dma_semaphore, #tpu.memory_space<semaphore_mem>>) src(%dma_wait3A_1337 : memref<16x128xf32, #tpu.memory_space<hbm>>) dst(%dma_wait3A_1334 : memref<16x128xf32, #tpu.memory_space<vmem>>)
      %dma_wait3A_1338 = arith.constant 0 : i32
      %dma_wait3A_1339 = arith.constant 0 : i32
      %dma_wait3A_1340 = tpu.memref_slice %arg9[%dma_wait3A_1338, %dma_wait3A_1339] : memref<128x128xf32, #tpu.memory_space<vmem>> -> memref<16x128xf32, #tpu.memory_space<vmem>>
      %dma_wait3A_1341 = arith.constant 0 : i32
      %dma_wait3A_1342 = arith.constant 0 : i32
      %dma_wait3A_1343 = tpu.memref_slice %arg4[%dma_wait3A_1341, %dma_wait3A_1342] : memref<32x1000000xf32, #tpu.memory_space<hbm>> -> memref<16x128xf32, #tpu.memory_space<hbm>>
      %dma_wait3A_1344 = arith.constant 0 : i32
      %dma_wait3A_1345 = arith.constant 0 : i32
      %dma_wait3A_1346 = tpu.memref_slice %arg9[%dma_wait3A_1344, %dma_wait3A_1345] : memref<128x128xf32, #tpu.memory_space<vmem>> -> memref<16x128xf32, #tpu.memory_space<vmem>>
      %dma_wait3A_1347 = arith.constant 0 : i32
      %dma_wait3A_1348 = arith.constant 0 : i32
      %dma_wait3A_1349 = tpu.memref_slice %arg4[%dma_wait3A_1347, %dma_wait3A_1348] : memref<32x1000000xf32, #tpu.memory_space<hbm>> -> memref<16x128xf32, #tpu.memory_space<hbm>>
      tpu.wait_dma2 semaphore(%arg14 : memref<!tpu.dma_semaphore, #tpu.memory_space<semaphore_mem>>) src(%dma_wait3A_1349 : memref<16x128xf32, #tpu.memory_space<hbm>>) dst(%dma_wait3A_1346 : memref<16x128xf32, #tpu.memory_space<vmem>>)
      %dma_wait3A_1350 = arith.constant 0 : i32
      %dma_wait3A_1351 = arith.constant 0 : i32
      %dma_wait3A_1352 = tpu.memref_slice %arg9[%dma_wait3A_1350, %dma_wait3A_1351] : memref<128x128xf32, #tpu.memory_space<vmem>> -> memref<16x128xf32, #tpu.memory_space<vmem>>
      %dma_wait3A_1353 = arith.constant 0 : i32
      %dma_wait3A_1354 = arith.constant 0 : i32
      %dma_wait3A_1355 = tpu.memref_slice %arg4[%dma_wait3A_1353, %dma_wait3A_1354] : memref<32x1000000xf32, #tpu.memory_space<hbm>> -> memref<16x128xf32, #tpu.memory_space<hbm>>
      %dma_wait3A_1356 = arith.constant 0 : i32
      %dma_wait3A_1357 = arith.constant 0 : i32
      %dma_wait3A_1358 = tpu.memref_slice %arg9[%dma_wait3A_1356, %dma_wait3A_1357] : memref<128x128xf32, #tpu.memory_space<vmem>> -> memref<16x128xf32, #tpu.memory_space<vmem>>
      %dma_wait3A_1359 = arith.constant 0 : i32
      %dma_wait3A_1360 = arith.constant 0 : i32
      %dma_wait3A_1361 = tpu.memref_slice %arg4[%dma_wait3A_1359, %dma_wait3A_1360] : memref<32x1000000xf32, #tpu.memory_space<hbm>> -> memref<16x128xf32, #tpu.memory_space<hbm>>
      tpu.wait_dma2 semaphore(%arg14 : memref<!tpu.dma_semaphore, #tpu.memory_space<semaphore_mem>>) src(%dma_wait3A_1361 : memref<16x128xf32, #tpu.memory_space<hbm>>) dst(%dma_wait3A_1358 : memref<16x128xf32, #tpu.memory_space<vmem>>)
      %dma_wait3A_1362 = arith.constant 0 : i32
      %dma_wait3A_1363 = arith.constant 0 : i32
      %dma_wait3A_1364 = tpu.memref_slice %arg9[%dma_wait3A_1362, %dma_wait3A_1363] : memref<128x128xf32, #tpu.memory_space<vmem>> -> memref<16x128xf32, #tpu.memory_space<vmem>>
      %dma_wait3A_1365 = arith.constant 0 : i32
      %dma_wait3A_1366 = arith.constant 0 : i32
      %dma_wait3A_1367 = tpu.memref_slice %arg4[%dma_wait3A_1365, %dma_wait3A_1366] : memref<32x1000000xf32, #tpu.memory_space<hbm>> -> memref<16x128xf32, #tpu.memory_space<hbm>>
      %dma_wait3A_1368 = arith.constant 0 : i32
      %dma_wait3A_1369 = arith.constant 0 : i32
      %dma_wait3A_1370 = tpu.memref_slice %arg9[%dma_wait3A_1368, %dma_wait3A_1369] : memref<128x128xf32, #tpu.memory_space<vmem>> -> memref<16x128xf32, #tpu.memory_space<vmem>>
      %dma_wait3A_1371 = arith.constant 0 : i32
      %dma_wait3A_1372 = arith.constant 0 : i32
      %dma_wait3A_1373 = tpu.memref_slice %arg4[%dma_wait3A_1371, %dma_wait3A_1372] : memref<32x1000000xf32, #tpu.memory_space<hbm>> -> memref<16x128xf32, #tpu.memory_space<hbm>>
      tpu.wait_dma2 semaphore(%arg14 : memref<!tpu.dma_semaphore, #tpu.memory_space<semaphore_mem>>) src(%dma_wait3A_1373 : memref<16x128xf32, #tpu.memory_space<hbm>>) dst(%dma_wait3A_1370 : memref<16x128xf32, #tpu.memory_space<vmem>>)
      %dma_wait3A_1374 = arith.constant 0 : i32
      %dma_wait3A_1375 = arith.constant 0 : i32
      %dma_wait3A_1376 = tpu.memref_slice %arg9[%dma_wait3A_1374, %dma_wait3A_1375] : memref<128x128xf32, #tpu.memory_space<vmem>> -> memref<16x128xf32, #tpu.memory_space<vmem>>
      %dma_wait3A_1377 = arith.constant 0 : i32
      %dma_wait3A_1378 = arith.constant 0 : i32
      %dma_wait3A_1379 = tpu.memref_slice %arg4[%dma_wait3A_1377, %dma_wait3A_1378] : memref<32x1000000xf32, #tpu.memory_space<hbm>> -> memref<16x128xf32, #tpu.memory_space<hbm>>
      %dma_wait3A_1380 = arith.constant 0 : i32
      %dma_wait3A_1381 = arith.constant 0 : i32
      %dma_wait3A_1382 = tpu.memref_slice %arg9[%dma_wait3A_1380, %dma_wait3A_1381] : memref<128x128xf32, #tpu.memory_space<vmem>> -> memref<16x128xf32, #tpu.memory_space<vmem>>
      %dma_wait3A_1383 = arith.constant 0 : i32
      %dma_wait3A_1384 = arith.constant 0 : i32
      %dma_wait3A_1385 = tpu.memref_slice %arg4[%dma_wait3A_1383, %dma_wait3A_1384] : memref<32x1000000xf32, #tpu.memory_space<hbm>> -> memref<16x128xf32, #tpu.memory_space<hbm>>
      tpu.wait_dma2 semaphore(%arg14 : memref<!tpu.dma_semaphore, #tpu.memory_space<semaphore_mem>>) src(%dma_wait3A_1385 : memref<16x128xf32, #tpu.memory_space<hbm>>) dst(%dma_wait3A_1382 : memref<16x128xf32, #tpu.memory_space<vmem>>)
      %dma_wait3A_1386 = arith.constant 0 : i32
      %dma_wait3A_1387 = arith.constant 0 : i32
      %dma_wait3A_1388 = tpu.memref_slice %arg9[%dma_wait3A_1386, %dma_wait3A_1387] : memref<128x128xf32, #tpu.memory_space<vmem>> -> memref<16x128xf32, #tpu.memory_space<vmem>>
      %dma_wait3A_1389 = arith.constant 0 : i32
      %dma_wait3A_1390 = arith.constant 0 : i32
      %dma_wait3A_1391 = tpu.memref_slice %arg4[%dma_wait3A_1389, %dma_wait3A_1390] : memref<32x1000000xf32, #tpu.memory_space<hbm>> -> memref<16x128xf32, #tpu.memory_space<hbm>>
      %dma_wait3A_1392 = arith.constant 0 : i32
      %dma_wait3A_1393 = arith.constant 0 : i32
      %dma_wait3A_1394 = tpu.memref_slice %arg9[%dma_wait3A_1392, %dma_wait3A_1393] : memref<128x128xf32, #tpu.memory_space<vmem>> -> memref<16x128xf32, #tpu.memory_space<vmem>>
      %dma_wait3A_1395 = arith.constant 0 : i32
      %dma_wait3A_1396 = arith.constant 0 : i32
      %dma_wait3A_1397 = tpu.memref_slice %arg4[%dma_wait3A_1395, %dma_wait3A_1396] : memref<32x1000000xf32, #tpu.memory_space<hbm>> -> memref<16x128xf32, #tpu.memory_space<hbm>>
      tpu.wait_dma2 semaphore(%arg14 : memref<!tpu.dma_semaphore, #tpu.memory_space<semaphore_mem>>) src(%dma_wait3A_1397 : memref<16x128xf32, #tpu.memory_space<hbm>>) dst(%dma_wait3A_1394 : memref<16x128xf32, #tpu.memory_space<vmem>>)
      %dma_wait3A_1398 = arith.constant 0 : i32
      %dma_wait3A_1399 = arith.constant 0 : i32
      %dma_wait3A_1400 = tpu.memref_slice %arg9[%dma_wait3A_1398, %dma_wait3A_1399] : memref<128x128xf32, #tpu.memory_space<vmem>> -> memref<16x128xf32, #tpu.memory_space<vmem>>
      %dma_wait3A_1401 = arith.constant 0 : i32
      %dma_wait3A_1402 = arith.constant 0 : i32
      %dma_wait3A_1403 = tpu.memref_slice %arg4[%dma_wait3A_1401, %dma_wait3A_1402] : memref<32x1000000xf32, #tpu.memory_space<hbm>> -> memref<16x128xf32, #tpu.memory_space<hbm>>
      %dma_wait3A_1404 = arith.constant 0 : i32
      %dma_wait3A_1405 = arith.constant 0 : i32
      %dma_wait3A_1406 = tpu.memref_slice %arg9[%dma_wait3A_1404, %dma_wait3A_1405] : memref<128x128xf32, #tpu.memory_space<vmem>> -> memref<16x128xf32, #tpu.memory_space<vmem>>
      %dma_wait3A_1407 = arith.constant 0 : i32
      %dma_wait3A_1408 = arith.constant 0 : i32
      %dma_wait3A_1409 = tpu.memref_slice %arg4[%dma_wait3A_1407, %dma_wait3A_1408] : memref<32x1000000xf32, #tpu.memory_space<hbm>> -> memref<16x128xf32, #tpu.memory_space<hbm>>
      tpu.wait_dma2 semaphore(%arg14 : memref<!tpu.dma_semaphore, #tpu.memory_space<semaphore_mem>>) src(%dma_wait3A_1409 : memref<16x128xf32, #tpu.memory_space<hbm>>) dst(%dma_wait3A_1406 : memref<16x128xf32, #tpu.memory_space<vmem>>)
      %dma_wait3A_1410 = arith.constant 0 : i32
      %dma_wait3A_1411 = arith.constant 0 : i32
      %dma_wait3A_1412 = tpu.memref_slice %arg9[%dma_wait3A_1410, %dma_wait3A_1411] : memref<128x128xf32, #tpu.memory_space<vmem>> -> memref<16x128xf32, #tpu.memory_space<vmem>>
      %dma_wait3A_1413 = arith.constant 0 : i32
      %dma_wait3A_1414 = arith.constant 0 : i32
      %dma_wait3A_1415 = tpu.memref_slice %arg4[%dma_wait3A_1413, %dma_wait3A_1414] : memref<32x1000000xf32, #tpu.memory_space<hbm>> -> memref<16x128xf32, #tpu.memory_space<hbm>>
      %dma_wait3A_1416 = arith.constant 0 : i32
      %dma_wait3A_1417 = arith.constant 0 : i32
      %dma_wait3A_1418 = tpu.memref_slice %arg9[%dma_wait3A_1416, %dma_wait3A_1417] : memref<128x128xf32, #tpu.memory_space<vmem>> -> memref<16x128xf32, #tpu.memory_space<vmem>>
      %dma_wait3A_1419 = arith.constant 0 : i32
      %dma_wait3A_1420 = arith.constant 0 : i32
      %dma_wait3A_1421 = tpu.memref_slice %arg4[%dma_wait3A_1419, %dma_wait3A_1420] : memref<32x1000000xf32, #tpu.memory_space<hbm>> -> memref<16x128xf32, #tpu.memory_space<hbm>>
      tpu.wait_dma2 semaphore(%arg14 : memref<!tpu.dma_semaphore, #tpu.memory_space<semaphore_mem>>) src(%dma_wait3A_1421 : memref<16x128xf32, #tpu.memory_space<hbm>>) dst(%dma_wait3A_1418 : memref<16x128xf32, #tpu.memory_space<vmem>>)
      %dma_wait3A_1422 = arith.constant 0 : i32
      %dma_wait3A_1423 = arith.constant 0 : i32
      %dma_wait3A_1424 = tpu.memref_slice %arg9[%dma_wait3A_1422, %dma_wait3A_1423] : memref<128x128xf32, #tpu.memory_space<vmem>> -> memref<16x128xf32, #tpu.memory_space<vmem>>
      %dma_wait3A_1425 = arith.constant 0 : i32
      %dma_wait3A_1426 = arith.constant 0 : i32
      %dma_wait3A_1427 = tpu.memref_slice %arg4[%dma_wait3A_1425, %dma_wait3A_1426] : memref<32x1000000xf32, #tpu.memory_space<hbm>> -> memref<16x128xf32, #tpu.memory_space<hbm>>
      %dma_wait3A_1428 = arith.constant 0 : i32
      %dma_wait3A_1429 = arith.constant 0 : i32
      %dma_wait3A_1430 = tpu.memref_slice %arg9[%dma_wait3A_1428, %dma_wait3A_1429] : memref<128x128xf32, #tpu.memory_space<vmem>> -> memref<16x128xf32, #tpu.memory_space<vmem>>
      %dma_wait3A_1431 = arith.constant 0 : i32
      %dma_wait3A_1432 = arith.constant 0 : i32
      %dma_wait3A_1433 = tpu.memref_slice %arg4[%dma_wait3A_1431, %dma_wait3A_1432] : memref<32x1000000xf32, #tpu.memory_space<hbm>> -> memref<16x128xf32, #tpu.memory_space<hbm>>
      tpu.wait_dma2 semaphore(%arg14 : memref<!tpu.dma_semaphore, #tpu.memory_space<semaphore_mem>>) src(%dma_wait3A_1433 : memref<16x128xf32, #tpu.memory_space<hbm>>) dst(%dma_wait3A_1430 : memref<16x128xf32, #tpu.memory_space<vmem>>)
      %dma_wait3A_1434 = arith.constant 0 : i32
      %dma_wait3A_1435 = arith.constant 0 : i32
      %dma_wait3A_1436 = tpu.memref_slice %arg9[%dma_wait3A_1434, %dma_wait3A_1435] : memref<128x128xf32, #tpu.memory_space<vmem>> -> memref<16x128xf32, #tpu.memory_space<vmem>>
      %dma_wait3A_1437 = arith.constant 0 : i32
      %dma_wait3A_1438 = arith.constant 0 : i32
      %dma_wait3A_1439 = tpu.memref_slice %arg4[%dma_wait3A_1437, %dma_wait3A_1438] : memref<32x1000000xf32, #tpu.memory_space<hbm>> -> memref<16x128xf32, #tpu.memory_space<hbm>>
      %dma_wait3A_1440 = arith.constant 0 : i32
      %dma_wait3A_1441 = arith.constant 0 : i32
      %dma_wait3A_1442 = tpu.memref_slice %arg9[%dma_wait3A_1440, %dma_wait3A_1441] : memref<128x128xf32, #tpu.memory_space<vmem>> -> memref<16x128xf32, #tpu.memory_space<vmem>>
      %dma_wait3A_1443 = arith.constant 0 : i32
      %dma_wait3A_1444 = arith.constant 0 : i32
      %dma_wait3A_1445 = tpu.memref_slice %arg4[%dma_wait3A_1443, %dma_wait3A_1444] : memref<32x1000000xf32, #tpu.memory_space<hbm>> -> memref<16x128xf32, #tpu.memory_space<hbm>>
      tpu.wait_dma2 semaphore(%arg14 : memref<!tpu.dma_semaphore, #tpu.memory_space<semaphore_mem>>) src(%dma_wait3A_1445 : memref<16x128xf32, #tpu.memory_space<hbm>>) dst(%dma_wait3A_1442 : memref<16x128xf32, #tpu.memory_space<vmem>>)
      %dma_wait3A_1446 = arith.constant 0 : i32
      %dma_wait3A_1447 = arith.constant 0 : i32
      %dma_wait3A_1448 = tpu.memref_slice %arg9[%dma_wait3A_1446, %dma_wait3A_1447] : memref<128x128xf32, #tpu.memory_space<vmem>> -> memref<16x128xf32, #tpu.memory_space<vmem>>
      %dma_wait3A_1449 = arith.constant 0 : i32
      %dma_wait3A_1450 = arith.constant 0 : i32
      %dma_wait3A_1451 = tpu.memref_slice %arg4[%dma_wait3A_1449, %dma_wait3A_1450] : memref<32x1000000xf32, #tpu.memory_space<hbm>> -> memref<16x128xf32, #tpu.memory_space<hbm>>
      %dma_wait3A_1452 = arith.constant 0 : i32
      %dma_wait3A_1453 = arith.constant 0 : i32
      %dma_wait3A_1454 = tpu.memref_slice %arg9[%dma_wait3A_1452, %dma_wait3A_1453] : memref<128x128xf32, #tpu.memory_space<vmem>> -> memref<16x128xf32, #tpu.memory_space<vmem>>
      %dma_wait3A_1455 = arith.constant 0 : i32
      %dma_wait3A_1456 = arith.constant 0 : i32
      %dma_wait3A_1457 = tpu.memref_slice %arg4[%dma_wait3A_1455, %dma_wait3A_1456] : memref<32x1000000xf32, #tpu.memory_space<hbm>> -> memref<16x128xf32, #tpu.memory_space<hbm>>
      tpu.wait_dma2 semaphore(%arg14 : memref<!tpu.dma_semaphore, #tpu.memory_space<semaphore_mem>>) src(%dma_wait3A_1457 : memref<16x128xf32, #tpu.memory_space<hbm>>) dst(%dma_wait3A_1454 : memref<16x128xf32, #tpu.memory_space<vmem>>)
      %dma_wait3A_1458 = arith.constant 0 : i32
      %dma_wait3A_1459 = arith.constant 0 : i32
      %dma_wait3A_1460 = tpu.memref_slice %arg9[%dma_wait3A_1458, %dma_wait3A_1459] : memref<128x128xf32, #tpu.memory_space<vmem>> -> memref<16x128xf32, #tpu.memory_space<vmem>>
      %dma_wait3A_1461 = arith.constant 0 : i32
      %dma_wait3A_1462 = arith.constant 0 : i32
      %dma_wait3A_1463 = tpu.memref_slice %arg4[%dma_wait3A_1461, %dma_wait3A_1462] : memref<32x1000000xf32, #tpu.memory_space<hbm>> -> memref<16x128xf32, #tpu.memory_space<hbm>>
      %dma_wait3A_1464 = arith.constant 0 : i32
      %dma_wait3A_1465 = arith.constant 0 : i32
      %dma_wait3A_1466 = tpu.memref_slice %arg9[%dma_wait3A_1464, %dma_wait3A_1465] : memref<128x128xf32, #tpu.memory_space<vmem>> -> memref<16x128xf32, #tpu.memory_space<vmem>>
      %dma_wait3A_1467 = arith.constant 0 : i32
      %dma_wait3A_1468 = arith.constant 0 : i32
      %dma_wait3A_1469 = tpu.memref_slice %arg4[%dma_wait3A_1467, %dma_wait3A_1468] : memref<32x1000000xf32, #tpu.memory_space<hbm>> -> memref<16x128xf32, #tpu.memory_space<hbm>>
      tpu.wait_dma2 semaphore(%arg14 : memref<!tpu.dma_semaphore, #tpu.memory_space<semaphore_mem>>) src(%dma_wait3A_1469 : memref<16x128xf32, #tpu.memory_space<hbm>>) dst(%dma_wait3A_1466 : memref<16x128xf32, #tpu.memory_space<vmem>>)
      %dma_wait3A_1470 = arith.constant 0 : i32
      %dma_wait3A_1471 = arith.constant 0 : i32
      %dma_wait3A_1472 = tpu.memref_slice %arg9[%dma_wait3A_1470, %dma_wait3A_1471] : memref<128x128xf32, #tpu.memory_space<vmem>> -> memref<16x128xf32, #tpu.memory_space<vmem>>
      %dma_wait3A_1473 = arith.constant 0 : i32
      %dma_wait3A_1474 = arith.constant 0 : i32
      %dma_wait3A_1475 = tpu.memref_slice %arg4[%dma_wait3A_1473, %dma_wait3A_1474] : memref<32x1000000xf32, #tpu.memory_space<hbm>> -> memref<16x128xf32, #tpu.memory_space<hbm>>
      %dma_wait3A_1476 = arith.constant 0 : i32
      %dma_wait3A_1477 = arith.constant 0 : i32
      %dma_wait3A_1478 = tpu.memref_slice %arg9[%dma_wait3A_1476, %dma_wait3A_1477] : memref<128x128xf32, #tpu.memory_space<vmem>> -> memref<16x128xf32, #tpu.memory_space<vmem>>
      %dma_wait3A_1479 = arith.constant 0 : i32
      %dma_wait3A_1480 = arith.constant 0 : i32
      %dma_wait3A_1481 = tpu.memref_slice %arg4[%dma_wait3A_1479, %dma_wait3A_1480] : memref<32x1000000xf32, #tpu.memory_space<hbm>> -> memref<16x128xf32, #tpu.memory_space<hbm>>
      tpu.wait_dma2 semaphore(%arg14 : memref<!tpu.dma_semaphore, #tpu.memory_space<semaphore_mem>>) src(%dma_wait3A_1481 : memref<16x128xf32, #tpu.memory_space<hbm>>) dst(%dma_wait3A_1478 : memref<16x128xf32, #tpu.memory_space<vmem>>)
      %slice3A_1482 = vector.extract_strided_slice %get3A_1275 {offsets = [0], sizes = [1], strides = [1]} : vector<16xi32> to vector<1xi32>
      %squeeze3A_1483 = vector.extract %slice3A_1482[0] : i32 from vector<1xi32>
      %and3A_1484 = arith.constant 127 : i32
      %and3A_1485 = arith.andi %squeeze3A_1483, %and3A_1484 : i32
      %broadcast_in_dim3A_1486 = vector.broadcast %and3A_1485 : i32 to vector<16xi32>
      %slice3A_1487 = vector.extract_strided_slice %get3A_1279 {offsets = [0], sizes = [1], strides = [1]} : vector<16xi32> to vector<1xi32>
      %squeeze3A_1488 = vector.extract %slice3A_1487[0] : i32 from vector<1xi32>
      %and3A_1489 = arith.constant 127 : i32
      %and3A_1490 = arith.andi %squeeze3A_1488, %and3A_1489 : i32
      %broadcast_in_dim3A_1491 = vector.broadcast %and3A_1490 : i32 to vector<16xi32>
      %add3A_1492 = arith.constant 0 : i32
      %add3A_1493 = vector.broadcast %add3A_1492 : i32 to vector<16xi32>
      %add3A_1494 = arith.addi %add3A_1493, %iota3A : vector<16xi32>
      %gather3A_1495 = tpu.vector_load_idx %arg9[%add3A_1494, %broadcast_in_dim3A_1486] : memref<128x128xf32, #tpu.memory_space<vmem>>[vector<16xi32>, vector<16xi32>], vector<16xf32>,
      %gather3A_1496 = tpu.vector_load_idx %arg10[%add3A_1494, %broadcast_in_dim3A_1491] : memref<128x128xf32, #tpu.memory_space<vmem>>[vector<16xi32>, vector<16xi32>], vector<16xf32>,
      %mul3A_1497 = arith.mulf %gather3A_1495, %gather3A_1496 : vector<16xf32>
      %slice3A_1498 = vector.extract_strided_slice %get3A_1275 {offsets = [1], sizes = [1], strides = [1]} : vector<16xi32> to vector<1xi32>
      %squeeze3A_1499 = vector.extract %slice3A_1498[0] : i32 from vector<1xi32>
      %and3A_1500 = arith.constant 127 : i32
      %and3A_1501 = arith.andi %squeeze3A_1499, %and3A_1500 : i32
      %broadcast_in_dim3A_1502 = vector.broadcast %and3A_1501 : i32 to vector<16xi32>
      %slice3A_1503 = vector.extract_strided_slice %get3A_1279 {offsets = [1], sizes = [1], strides = [1]} : vector<16xi32> to vector<1xi32>
      %squeeze3A_1504 = vector.extract %slice3A_1503[0] : i32 from vector<1xi32>
      %and3A_1505 = arith.constant 127 : i32
      %and3A_1506 = arith.andi %squeeze3A_1504, %and3A_1505 : i32
      %broadcast_in_dim3A_1507 = vector.broadcast %and3A_1506 : i32 to vector<16xi32>
      %add3A_1508 = arith.constant 16 : i32
      %add3A_1509 = vector.broadcast %add3A_1508 : i32 to vector<16xi32>
      %add3A_1510 = arith.addi %add3A_1509, %iota3A : vector<16xi32>
      %gather3A_1511 = tpu.vector_load_idx %arg9[%add3A_1510, %broadcast_in_dim3A_1502] : memref<128x128xf32, #tpu.memory_space<vmem>>[vector<16xi32>, vector<16xi32>], vector<16xf32>,
      %gather3A_1512 = tpu.vector_load_idx %arg10[%add3A_1510, %broadcast_in_dim3A_1507] : memref<128x128xf32, #tpu.memory_space<vmem>>[vector<16xi32>, vector<16xi32>], vector<16xf32>,
      %mul3A_1513 = arith.mulf %gather3A_1511, %gather3A_1512 : vector<16xf32>
      %slice3A_1514 = vector.extract_strided_slice %get3A_1275 {offsets = [2], sizes = [1], strides = [1]} : vector<16xi32> to vector<1xi32>
      %squeeze3A_1515 = vector.extract %slice3A_1514[0] : i32 from vector<1xi32>
      %and3A_1516 = arith.constant 127 : i32
      %and3A_1517 = arith.andi %squeeze3A_1515, %and3A_1516 : i32
      %broadcast_in_dim3A_1518 = vector.broadcast %and3A_1517 : i32 to vector<16xi32>
      %slice3A_1519 = vector.extract_strided_slice %get3A_1279 {offsets = [2], sizes = [1], strides = [1]} : vector<16xi32> to vector<1xi32>
      %squeeze3A_1520 = vector.extract %slice3A_1519[0] : i32 from vector<1xi32>
      %and3A_1521 = arith.constant 127 : i32
      %and3A_1522 = arith.andi %squeeze3A_1520, %and3A_1521 : i32
      %broadcast_in_dim3A_1523 = vector.broadcast %and3A_1522 : i32 to vector<16xi32>
      %add3A_1524 = arith.constant 32 : i32
      %add3A_1525 = vector.broadcast %add3A_1524 : i32 to vector<16xi32>
      %add3A_1526 = arith.addi %add3A_1525, %iota3A : vector<16xi32>
      %gather3A_1527 = tpu.vector_load_idx %arg9[%add3A_1526, %broadcast_in_dim3A_1518] : memref<128x128xf32, #tpu.memory_space<vmem>>[vector<16xi32>, vector<16xi32>], vector<16xf32>,
      %gather3A_1528 = tpu.vector_load_idx %arg10[%add3A_1526, %broadcast_in_dim3A_1523] : memref<128x128xf32, #tpu.memory_space<vmem>>[vector<16xi32>, vector<16xi32>], vector<16xf32>,
      %mul3A_1529 = arith.mulf %gather3A_1527, %gather3A_1528 : vector<16xf32>
      %slice3A_1530 = vector.extract_strided_slice %get3A_1275 {offsets = [3], sizes = [1], strides = [1]} : vector<16xi32> to vector<1xi32>
      %squeeze3A_1531 = vector.extract %slice3A_1530[0] : i32 from vector<1xi32>
      %and3A_1532 = arith.constant 127 : i32
      %and3A_1533 = arith.andi %squeeze3A_1531, %and3A_1532 : i32
      %broadcast_in_dim3A_1534 = vector.broadcast %and3A_1533 : i32 to vector<16xi32>
      %slice3A_1535 = vector.extract_strided_slice %get3A_1279 {offsets = [3], sizes = [1], strides = [1]} : vector<16xi32> to vector<1xi32>
      %squeeze3A_1536 = vector.extract %slice3A_1535[0] : i32 from vector<1xi32>
      %and3A_1537 = arith.constant 127 : i32
      %and3A_1538 = arith.andi %squeeze3A_1536, %and3A_1537 : i32
      %broadcast_in_dim3A_1539 = vector.broadcast %and3A_1538 : i32 to vector<16xi32>
      %add3A_1540 = arith.constant 48 : i32
      %add3A_1541 = vector.broadcast %add3A_1540 : i32 to vector<16xi32>
      %add3A_1542 = arith.addi %add3A_1541, %iota3A : vector<16xi32>
      %gather3A_1543 = tpu.vector_load_idx %arg9[%add3A_1542, %broadcast_in_dim3A_1534] : memref<128x128xf32, #tpu.memory_space<vmem>>[vector<16xi32>, vector<16xi32>], vector<16xf32>,
      %gather3A_1544 = tpu.vector_load_idx %arg10[%add3A_1542, %broadcast_in_dim3A_1539] : memref<128x128xf32, #tpu.memory_space<vmem>>[vector<16xi32>, vector<16xi32>], vector<16xf32>,
      %mul3A_1545 = arith.mulf %gather3A_1543, %gather3A_1544 : vector<16xf32>
      %slice3A_1546 = vector.extract_strided_slice %get3A_1275 {offsets = [4], sizes = [1], strides = [1]} : vector<16xi32> to vector<1xi32>
      %squeeze3A_1547 = vector.extract %slice3A_1546[0] : i32 from vector<1xi32>
      %and3A_1548 = arith.constant 127 : i32
      %and3A_1549 = arith.andi %squeeze3A_1547, %and3A_1548 : i32
      %broadcast_in_dim3A_1550 = vector.broadcast %and3A_1549 : i32 to vector<16xi32>
      %slice3A_1551 = vector.extract_strided_slice %get3A_1279 {offsets = [4], sizes = [1], strides = [1]} : vector<16xi32> to vector<1xi32>
      %squeeze3A_1552 = vector.extract %slice3A_1551[0] : i32 from vector<1xi32>
      %and3A_1553 = arith.constant 127 : i32
      %and3A_1554 = arith.andi %squeeze3A_1552, %and3A_1553 : i32
      %broadcast_in_dim3A_1555 = vector.broadcast %and3A_1554 : i32 to vector<16xi32>
      %add3A_1556 = arith.constant 64 : i32
      %add3A_1557 = vector.broadcast %add3A_1556 : i32 to vector<16xi32>
      %add3A_1558 = arith.addi %add3A_1557, %iota3A : vector<16xi32>
      %gather3A_1559 = tpu.vector_load_idx %arg9[%add3A_1558, %broadcast_in_dim3A_1550] : memref<128x128xf32, #tpu.memory_space<vmem>>[vector<16xi32>, vector<16xi32>], vector<16xf32>,
      %gather3A_1560 = tpu.vector_load_idx %arg10[%add3A_1558, %broadcast_in_dim3A_1555] : memref<128x128xf32, #tpu.memory_space<vmem>>[vector<16xi32>, vector<16xi32>], vector<16xf32>,
      %mul3A_1561 = arith.mulf %gather3A_1559, %gather3A_1560 : vector<16xf32>
      %slice3A_1562 = vector.extract_strided_slice %get3A_1275 {offsets = [5], sizes = [1], strides = [1]} : vector<16xi32> to vector<1xi32>
      %squeeze3A_1563 = vector.extract %slice3A_1562[0] : i32 from vector<1xi32>
      %and3A_1564 = arith.constant 127 : i32
      %and3A_1565 = arith.andi %squeeze3A_1563, %and3A_1564 : i32
      %broadcast_in_dim3A_1566 = vector.broadcast %and3A_1565 : i32 to vector<16xi32>
      %slice3A_1567 = vector.extract_strided_slice %get3A_1279 {offsets = [5], sizes = [1], strides = [1]} : vector<16xi32> to vector<1xi32>
      %squeeze3A_1568 = vector.extract %slice3A_1567[0] : i32 from vector<1xi32>
      %and3A_1569 = arith.constant 127 : i32
      %and3A_1570 = arith.andi %squeeze3A_1568, %and3A_1569 : i32
      %broadcast_in_dim3A_1571 = vector.broadcast %and3A_1570 : i32 to vector<16xi32>
      %add3A_1572 = arith.constant 80 : i32
      %add3A_1573 = vector.broadcast %add3A_1572 : i32 to vector<16xi32>
      %add3A_1574 = arith.addi %add3A_1573, %iota3A : vector<16xi32>
      %gather3A_1575 = tpu.vector_load_idx %arg9[%add3A_1574, %broadcast_in_dim3A_1566] : memref<128x128xf32, #tpu.memory_space<vmem>>[vector<16xi32>, vector<16xi32>], vector<16xf32>,
      %gather3A_1576 = tpu.vector_load_idx %arg10[%add3A_1574, %broadcast_in_dim3A_1571] : memref<128x128xf32, #tpu.memory_space<vmem>>[vector<16xi32>, vector<16xi32>], vector<16xf32>,
      %mul3A_1577 = arith.mulf %gather3A_1575, %gather3A_1576 : vector<16xf32>
      %slice3A_1578 = vector.extract_strided_slice %get3A_1275 {offsets = [6], sizes = [1], strides = [1]} : vector<16xi32> to vector<1xi32>
      %squeeze3A_1579 = vector.extract %slice3A_1578[0] : i32 from vector<1xi32>
      %and3A_1580 = arith.constant 127 : i32
      %and3A_1581 = arith.andi %squeeze3A_1579, %and3A_1580 : i32
      %broadcast_in_dim3A_1582 = vector.broadcast %and3A_1581 : i32 to vector<16xi32>
      %slice3A_1583 = vector.extract_strided_slice %get3A_1279 {offsets = [6], sizes = [1], strides = [1]} : vector<16xi32> to vector<1xi32>
      %squeeze3A_1584 = vector.extract %slice3A_1583[0] : i32 from vector<1xi32>
      %and3A_1585 = arith.constant 127 : i32
      %and3A_1586 = arith.andi %squeeze3A_1584, %and3A_1585 : i32
      %broadcast_in_dim3A_1587 = vector.broadcast %and3A_1586 : i32 to vector<16xi32>
      %add3A_1588 = arith.constant 96 : i32
      %add3A_1589 = vector.broadcast %add3A_1588 : i32 to vector<16xi32>
      %add3A_1590 = arith.addi %add3A_1589, %iota3A : vector<16xi32>
      %gather3A_1591 = tpu.vector_load_idx %arg9[%add3A_1590, %broadcast_in_dim3A_1582] : memref<128x128xf32, #tpu.memory_space<vmem>>[vector<16xi32>, vector<16xi32>], vector<16xf32>,
      %gather3A_1592 = tpu.vector_load_idx %arg10[%add3A_1590, %broadcast_in_dim3A_1587] : memref<128x128xf32, #tpu.memory_space<vmem>>[vector<16xi32>, vector<16xi32>], vector<16xf32>,
      %mul3A_1593 = arith.mulf %gather3A_1591, %gather3A_1592 : vector<16xf32>
      %slice3A_1594 = vector.extract_strided_slice %get3A_1275 {offsets = [7], sizes = [1], strides = [1]} : vector<16xi32> to vector<1xi32>
      %squeeze3A_1595 = vector.extract %slice3A_1594[0] : i32 from vector<1xi32>
      %and3A_1596 = arith.constant 127 : i32
      %and3A_1597 = arith.andi %squeeze3A_1595, %and3A_1596 : i32
      %broadcast_in_dim3A_1598 = vector.broadcast %and3A_1597 : i32 to vector<16xi32>
      %slice3A_1599 = vector.extract_strided_slice %get3A_1279 {offsets = [7], sizes = [1], strides = [1]} : vector<16xi32> to vector<1xi32>
      %squeeze3A_1600 = vector.extract %slice3A_1599[0] : i32 from vector<1xi32>
      %and3A_1601 = arith.constant 127 : i32
      %and3A_1602 = arith.andi %squeeze3A_1600, %and3A_1601 : i32
      %broadcast_in_dim3A_1603 = vector.broadcast %and3A_1602 : i32 to vector<16xi32>
      %add3A_1604 = arith.constant 112 : i32
      %add3A_1605 = vector.broadcast %add3A_1604 : i32 to vector<16xi32>
      %add3A_1606 = arith.addi %add3A_1605, %iota3A : vector<16xi32>
      %gather3A_1607 = tpu.vector_load_idx %arg9[%add3A_1606, %broadcast_in_dim3A_1598] : memref<128x128xf32, #tpu.memory_space<vmem>>[vector<16xi32>, vector<16xi32>], vector<16xf32>,
      %gather3A_1608 = tpu.vector_load_idx %arg10[%add3A_1606, %broadcast_in_dim3A_1603] : memref<128x128xf32, #tpu.memory_space<vmem>>[vector<16xi32>, vector<16xi32>], vector<16xf32>,
      %mul3A_1609 = arith.mulf %gather3A_1607, %gather3A_1608 : vector<16xf32>
      %slice3A_1610 = vector.extract_strided_slice %get3A_1285 {offsets = [0], sizes = [1], strides = [1]} : vector<16xi32> to vector<1xi32>
      %squeeze3A_1611 = vector.extract %slice3A_1610[0] : i32 from vector<1xi32>
      %shift_right_arithmetic3A_1612 = arith.constant 7 : i32
      %shift_right_arithmetic3A_1613 = arith.shrsi %squeeze3A_1611, %shift_right_arithmetic3A_1612 : i32
      %mul3A_1614 = arith.constant 128 : i32
      %mul3A_1615 = arith.muli %shift_right_arithmetic3A_1613, %mul3A_1614 : i32
      %multiple_of3A_1616 = tpu.assume_multiple %mul3A_1615, 128 : i32
      %slice3A_1617 = vector.extract_strided_slice %get3A_1289 {offsets = [0], sizes = [1], strides = [1]} : vector<16xi32> to vector<1xi32>
      %squeeze3A_1618 = vector.extract %slice3A_1617[0] : i32 from vector<1xi32>
      %shift_right_arithmetic3A_1619 = arith.constant 7 : i32
      %shift_right_arithmetic3A_1620 = arith.shrsi %squeeze3A_1618, %shift_right_arithmetic3A_1619 : i32
      %mul3A_1621 = arith.constant 128 : i32
      %mul3A_1622 = arith.muli %shift_right_arithmetic3A_1620, %mul3A_1621 : i32
      %multiple_of3A_1623 = tpu.assume_multiple %mul3A_1622, 128 : i32
      %dma_start3A_1624 = arith.constant 0 : i32
      %dma_start3A_1625 = arith.constant 0 : i32
      %dma_start3A_1626 = tpu.memref_slice %arg9[%dma_start3A_1624, %dma_start3A_1625] : memref<128x128xf32, #tpu.memory_space<vmem>> -> memref<16x128xf32, #tpu.memory_space<vmem>>
      %dma_start3A_1627 = arith.constant 0 : i32
      %dma_start3A_1628 = tpu.memref_slice %arg4[%dma_start3A_1627, %multiple_of3A_1616] : memref<32x1000000xf32, #tpu.memory_space<hbm>> -> memref<16x128xf32, #tpu.memory_space<hbm>>
      %dma_start3A_1629 = arith.constant 0 : i32
      %dma_start3A_1630 = arith.constant 0 : i32
      %dma_start3A_1631 = tpu.memref_slice %arg9[%dma_start3A_1629, %dma_start3A_1630] : memref<128x128xf32, #tpu.memory_space<vmem>> -> memref<16x128xf32, #tpu.memory_space<vmem>>
      %dma_start3A_1632 = arith.constant 0 : i32
      %dma_start3A_1633 = tpu.memref_slice %arg4[%dma_start3A_1632, %multiple_of3A_1616] : memref<32x1000000xf32, #tpu.memory_space<hbm>> -> memref<16x128xf32, #tpu.memory_space<hbm>>
      tpu.enqueue_dma source(%dma_start3A_1633 : memref<16x128xf32, #tpu.memory_space<hbm>>) target(%dma_start3A_1631 : memref<16x128xf32, #tpu.memory_space<vmem>>) target_semaphore(%arg14 : memref<!tpu.dma_semaphore, #tpu.memory_space<semaphore_mem>>)
      %dma_start3A_1634 = arith.constant 0 : i32
      %dma_start3A_1635 = arith.constant 0 : i32
      %dma_start3A_1636 = tpu.memref_slice %arg10[%dma_start3A_1634, %dma_start3A_1635] : memref<128x128xf32, #tpu.memory_space<vmem>> -> memref<16x128xf32, #tpu.memory_space<vmem>>
      %dma_start3A_1637 = arith.constant 0 : i32
      %dma_start3A_1638 = tpu.memref_slice %arg5[%dma_start3A_1637, %multiple_of3A_1623] : memref<32x1000000xf32, #tpu.memory_space<hbm>> -> memref<16x128xf32, #tpu.memory_space<hbm>>
      %dma_start3A_1639 = arith.constant 0 : i32
      %dma_start3A_1640 = arith.constant 0 : i32
      %dma_start3A_1641 = tpu.memref_slice %arg10[%dma_start3A_1639, %dma_start3A_1640] : memref<128x128xf32, #tpu.memory_space<vmem>> -> memref<16x128xf32, #tpu.memory_space<vmem>>
      %dma_start3A_1642 = arith.constant 0 : i32
      %dma_start3A_1643 = tpu.memref_slice %arg5[%dma_start3A_1642, %multiple_of3A_1623] : memref<32x1000000xf32, #tpu.memory_space<hbm>> -> memref<16x128xf32, #tpu.memory_space<hbm>>
      tpu.enqueue_dma source(%dma_start3A_1643 : memref<16x128xf32, #tpu.memory_space<hbm>>) target(%dma_start3A_1641 : memref<16x128xf32, #tpu.memory_space<vmem>>) target_semaphore(%arg14 : memref<!tpu.dma_semaphore, #tpu.memory_space<semaphore_mem>>)
      %slice3A_1644 = vector.extract_strided_slice %get3A_1285 {offsets = [1], sizes = [1], strides = [1]} : vector<16xi32> to vector<1xi32>
      %squeeze3A_1645 = vector.extract %slice3A_1644[0] : i32 from vector<1xi32>
      %shift_right_arithmetic3A_1646 = arith.constant 7 : i32
      %shift_right_arithmetic3A_1647 = arith.shrsi %squeeze3A_1645, %shift_right_arithmetic3A_1646 : i32
      %mul3A_1648 = arith.constant 128 : i32
      %mul3A_1649 = arith.muli %shift_right_arithmetic3A_1647, %mul3A_1648 : i32
      %multiple_of3A_1650 = tpu.assume_multiple %mul3A_1649, 128 : i32
      %slice3A_1651 = vector.extract_strided_slice %get3A_1289 {offsets = [1], sizes = [1], strides = [1]} : vector<16xi32> to vector<1xi32>
      %squeeze3A_1652 = vector.extract %slice3A_1651[0] : i32 from vector<1xi32>
      %shift_right_arithmetic3A_1653 = arith.constant 7 : i32
      %shift_right_arithmetic3A_1654 = arith.shrsi %squeeze3A_1652, %shift_right_arithmetic3A_1653 : i32
      %mul3A_1655 = arith.constant 128 : i32
      %mul3A_1656 = arith.muli %shift_right_arithmetic3A_1654, %mul3A_1655 : i32
      %multiple_of3A_1657 = tpu.assume_multiple %mul3A_1656, 128 : i32
      %dma_start3A_1658 = arith.constant 16 : i32
      %dma_start3A_1659 = arith.constant 0 : i32
      %dma_start3A_1660 = tpu.memref_slice %arg9[%dma_start3A_1658, %dma_start3A_1659] : memref<128x128xf32, #tpu.memory_space<vmem>> -> memref<16x128xf32, #tpu.memory_space<vmem>>
      %dma_start3A_1661 = arith.constant 0 : i32
      %dma_start3A_1662 = tpu.memref_slice %arg4[%dma_start3A_1661, %multiple_of3A_1650] : memref<32x1000000xf32, #tpu.memory_space<hbm>> -> memref<16x128xf32, #tpu.memory_space<hbm>>
      %dma_start3A_1663 = arith.constant 16 : i32
      %dma_start3A_1664 = arith.constant 0 : i32
      %dma_start3A_1665 = tpu.memref_slice %arg9[%dma_start3A_1663, %dma_start3A_1664] : memref<128x128xf32, #tpu.memory_space<vmem>> -> memref<16x128xf32, #tpu.memory_space<vmem>>
      %dma_start3A_1666 = arith.constant 0 : i32
      %dma_start3A_1667 = tpu.memref_slice %arg4[%dma_start3A_1666, %multiple_of3A_1650] : memref<32x1000000xf32, #tpu.memory_space<hbm>> -> memref<16x128xf32, #tpu.memory_space<hbm>>
      tpu.enqueue_dma source(%dma_start3A_1667 : memref<16x128xf32, #tpu.memory_space<hbm>>) target(%dma_start3A_1665 : memref<16x128xf32, #tpu.memory_space<vmem>>) target_semaphore(%arg14 : memref<!tpu.dma_semaphore, #tpu.memory_space<semaphore_mem>>)
      %dma_start3A_1668 = arith.constant 16 : i32
      %dma_start3A_1669 = arith.constant 0 : i32
      %dma_start3A_1670 = tpu.memref_slice %arg10[%dma_start3A_1668, %dma_start3A_1669] : memref<128x128xf32, #tpu.memory_space<vmem>> -> memref<16x128xf32, #tpu.memory_space<vmem>>
      %dma_start3A_1671 = arith.constant 0 : i32
      %dma_start3A_1672 = tpu.memref_slice %arg5[%dma_start3A_1671, %multiple_of3A_1657] : memref<32x1000000xf32, #tpu.memory_space<hbm>> -> memref<16x128xf32, #tpu.memory_space<hbm>>
      %dma_start3A_1673 = arith.constant 16 : i32
      %dma_start3A_1674 = arith.constant 0 : i32
      %dma_start3A_1675 = tpu.memref_slice %arg10[%dma_start3A_1673, %dma_start3A_1674] : memref<128x128xf32, #tpu.memory_space<vmem>> -> memref<16x128xf32, #tpu.memory_space<vmem>>
      %dma_start3A_1676 = arith.constant 0 : i32
      %dma_start3A_1677 = tpu.memref_slice %arg5[%dma_start3A_1676, %multiple_of3A_1657] : memref<32x1000000xf32, #tpu.memory_space<hbm>> -> memref<16x128xf32, #tpu.memory_space<hbm>>
      tpu.enqueue_dma source(%dma_start3A_1677 : memref<16x128xf32, #tpu.memory_space<hbm>>) target(%dma_start3A_1675 : memref<16x128xf32, #tpu.memory_space<vmem>>) target_semaphore(%arg14 : memref<!tpu.dma_semaphore, #tpu.memory_space<semaphore_mem>>)
      %slice3A_1678 = vector.extract_strided_slice %get3A_1285 {offsets = [2], sizes = [1], strides = [1]} : vector<16xi32> to vector<1xi32>
      %squeeze3A_1679 = vector.extract %slice3A_1678[0] : i32 from vector<1xi32>
      %shift_right_arithmetic3A_1680 = arith.constant 7 : i32
      %shift_right_arithmetic3A_1681 = arith.shrsi %squeeze3A_1679, %shift_right_arithmetic3A_1680 : i32
      %mul3A_1682 = arith.constant 128 : i32
      %mul3A_1683 = arith.muli %shift_right_arithmetic3A_1681, %mul3A_1682 : i32
      %multiple_of3A_1684 = tpu.assume_multiple %mul3A_1683, 128 : i32
      %slice3A_1685 = vector.extract_strided_slice %get3A_1289 {offsets = [2], sizes = [1], strides = [1]} : vector<16xi32> to vector<1xi32>
      %squeeze3A_1686 = vector.extract %slice3A_1685[0] : i32 from vector<1xi32>
      %shift_right_arithmetic3A_1687 = arith.constant 7 : i32
      %shift_right_arithmetic3A_1688 = arith.shrsi %squeeze3A_1686, %shift_right_arithmetic3A_1687 : i32
      %mul3A_1689 = arith.constant 128 : i32
      %mul3A_1690 = arith.muli %shift_right_arithmetic3A_1688, %mul3A_1689 : i32
      %multiple_of3A_1691 = tpu.assume_multiple %mul3A_1690, 128 : i32
      %dma_start3A_1692 = arith.constant 32 : i32
      %dma_start3A_1693 = arith.constant 0 : i32
      %dma_start3A_1694 = tpu.memref_slice %arg9[%dma_start3A_1692, %dma_start3A_1693] : memref<128x128xf32, #tpu.memory_space<vmem>> -> memref<16x128xf32, #tpu.memory_space<vmem>>
      %dma_start3A_1695 = arith.constant 0 : i32
      %dma_start3A_1696 = tpu.memref_slice %arg4[%dma_start3A_1695, %multiple_of3A_1684] : memref<32x1000000xf32, #tpu.memory_space<hbm>> -> memref<16x128xf32, #tpu.memory_space<hbm>>
      %dma_start3A_1697 = arith.constant 32 : i32
      %dma_start3A_1698 = arith.constant 0 : i32
      %dma_start3A_1699 = tpu.memref_slice %arg9[%dma_start3A_1697, %dma_start3A_1698] : memref<128x128xf32, #tpu.memory_space<vmem>> -> memref<16x128xf32, #tpu.memory_space<vmem>>
      %dma_start3A_1700 = arith.constant 0 : i32
      %dma_start3A_1701 = tpu.memref_slice %arg4[%dma_start3A_1700, %multiple_of3A_1684] : memref<32x1000000xf32, #tpu.memory_space<hbm>> -> memref<16x128xf32, #tpu.memory_space<hbm>>
      tpu.enqueue_dma source(%dma_start3A_1701 : memref<16x128xf32, #tpu.memory_space<hbm>>) target(%dma_start3A_1699 : memref<16x128xf32, #tpu.memory_space<vmem>>) target_semaphore(%arg14 : memref<!tpu.dma_semaphore, #tpu.memory_space<semaphore_mem>>)
      %dma_start3A_1702 = arith.constant 32 : i32
      %dma_start3A_1703 = arith.constant 0 : i32
      %dma_start3A_1704 = tpu.memref_slice %arg10[%dma_start3A_1702, %dma_start3A_1703] : memref<128x128xf32, #tpu.memory_space<vmem>> -> memref<16x128xf32, #tpu.memory_space<vmem>>
      %dma_start3A_1705 = arith.constant 0 : i32
      %dma_start3A_1706 = tpu.memref_slice %arg5[%dma_start3A_1705, %multiple_of3A_1691] : memref<32x1000000xf32, #tpu.memory_space<hbm>> -> memref<16x128xf32, #tpu.memory_space<hbm>>
      %dma_start3A_1707 = arith.constant 32 : i32
      %dma_start3A_1708 = arith.constant 0 : i32
      %dma_start3A_1709 = tpu.memref_slice %arg10[%dma_start3A_1707, %dma_start3A_1708] : memref<128x128xf32, #tpu.memory_space<vmem>> -> memref<16x128xf32, #tpu.memory_space<vmem>>
      %dma_start3A_1710 = arith.constant 0 : i32
      %dma_start3A_1711 = tpu.memref_slice %arg5[%dma_start3A_1710, %multiple_of3A_1691] : memref<32x1000000xf32, #tpu.memory_space<hbm>> -> memref<16x128xf32, #tpu.memory_space<hbm>>
      tpu.enqueue_dma source(%dma_start3A_1711 : memref<16x128xf32, #tpu.memory_space<hbm>>) target(%dma_start3A_1709 : memref<16x128xf32, #tpu.memory_space<vmem>>) target_semaphore(%arg14 : memref<!tpu.dma_semaphore, #tpu.memory_space<semaphore_mem>>)
      %slice3A_1712 = vector.extract_strided_slice %get3A_1285 {offsets = [3], sizes = [1], strides = [1]} : vector<16xi32> to vector<1xi32>
      %squeeze3A_1713 = vector.extract %slice3A_1712[0] : i32 from vector<1xi32>
      %shift_right_arithmetic3A_1714 = arith.constant 7 : i32
      %shift_right_arithmetic3A_1715 = arith.shrsi %squeeze3A_1713, %shift_right_arithmetic3A_1714 : i32
      %mul3A_1716 = arith.constant 128 : i32
      %mul3A_1717 = arith.muli %shift_right_arithmetic3A_1715, %mul3A_1716 : i32
      %multiple_of3A_1718 = tpu.assume_multiple %mul3A_1717, 128 : i32
      %slice3A_1719 = vector.extract_strided_slice %get3A_1289 {offsets = [3], sizes = [1], strides = [1]} : vector<16xi32> to vector<1xi32>
      %squeeze3A_1720 = vector.extract %slice3A_1719[0] : i32 from vector<1xi32>
      %shift_right_arithmetic3A_1721 = arith.constant 7 : i32
      %shift_right_arithmetic3A_1722 = arith.shrsi %squeeze3A_1720, %shift_right_arithmetic3A_1721 : i32
      %mul3A_1723 = arith.constant 128 : i32
      %mul3A_1724 = arith.muli %shift_right_arithmetic3A_1722, %mul3A_1723 : i32
      %multiple_of3A_1725 = tpu.assume_multiple %mul3A_1724, 128 : i32
      %dma_start3A_1726 = arith.constant 48 : i32
      %dma_start3A_1727 = arith.constant 0 : i32
      %dma_start3A_1728 = tpu.memref_slice %arg9[%dma_start3A_1726, %dma_start3A_1727] : memref<128x128xf32, #tpu.memory_space<vmem>> -> memref<16x128xf32, #tpu.memory_space<vmem>>
      %dma_start3A_1729 = arith.constant 0 : i32
      %dma_start3A_1730 = tpu.memref_slice %arg4[%dma_start3A_1729, %multiple_of3A_1718] : memref<32x1000000xf32, #tpu.memory_space<hbm>> -> memref<16x128xf32, #tpu.memory_space<hbm>>
      %dma_start3A_1731 = arith.constant 48 : i32
      %dma_start3A_1732 = arith.constant 0 : i32
      %dma_start3A_1733 = tpu.memref_slice %arg9[%dma_start3A_1731, %dma_start3A_1732] : memref<128x128xf32, #tpu.memory_space<vmem>> -> memref<16x128xf32, #tpu.memory_space<vmem>>
      %dma_start3A_1734 = arith.constant 0 : i32
      %dma_start3A_1735 = tpu.memref_slice %arg4[%dma_start3A_1734, %multiple_of3A_1718] : memref<32x1000000xf32, #tpu.memory_space<hbm>> -> memref<16x128xf32, #tpu.memory_space<hbm>>
      tpu.enqueue_dma source(%dma_start3A_1735 : memref<16x128xf32, #tpu.memory_space<hbm>>) target(%dma_start3A_1733 : memref<16x128xf32, #tpu.memory_space<vmem>>) target_semaphore(%arg14 : memref<!tpu.dma_semaphore, #tpu.memory_space<semaphore_mem>>)
      %dma_start3A_1736 = arith.constant 48 : i32
      %dma_start3A_1737 = arith.constant 0 : i32
      %dma_start3A_1738 = tpu.memref_slice %arg10[%dma_start3A_1736, %dma_start3A_1737] : memref<128x128xf32, #tpu.memory_space<vmem>> -> memref<16x128xf32, #tpu.memory_space<vmem>>
      %dma_start3A_1739 = arith.constant 0 : i32
      %dma_start3A_1740 = tpu.memref_slice %arg5[%dma_start3A_1739, %multiple_of3A_1725] : memref<32x1000000xf32, #tpu.memory_space<hbm>> -> memref<16x128xf32, #tpu.memory_space<hbm>>
      %dma_start3A_1741 = arith.constant 48 : i32
      %dma_start3A_1742 = arith.constant 0 : i32
      %dma_start3A_1743 = tpu.memref_slice %arg10[%dma_start3A_1741, %dma_start3A_1742] : memref<128x128xf32, #tpu.memory_space<vmem>> -> memref<16x128xf32, #tpu.memory_space<vmem>>
      %dma_start3A_1744 = arith.constant 0 : i32
      %dma_start3A_1745 = tpu.memref_slice %arg5[%dma_start3A_1744, %multiple_of3A_1725] : memref<32x1000000xf32, #tpu.memory_space<hbm>> -> memref<16x128xf32, #tpu.memory_space<hbm>>
      tpu.enqueue_dma source(%dma_start3A_1745 : memref<16x128xf32, #tpu.memory_space<hbm>>) target(%dma_start3A_1743 : memref<16x128xf32, #tpu.memory_space<vmem>>) target_semaphore(%arg14 : memref<!tpu.dma_semaphore, #tpu.memory_space<semaphore_mem>>)
      %slice3A_1746 = vector.extract_strided_slice %get3A_1285 {offsets = [4], sizes = [1], strides = [1]} : vector<16xi32> to vector<1xi32>
      %squeeze3A_1747 = vector.extract %slice3A_1746[0] : i32 from vector<1xi32>
      %shift_right_arithmetic3A_1748 = arith.constant 7 : i32
      %shift_right_arithmetic3A_1749 = arith.shrsi %squeeze3A_1747, %shift_right_arithmetic3A_1748 : i32
      %mul3A_1750 = arith.constant 128 : i32
      %mul3A_1751 = arith.muli %shift_right_arithmetic3A_1749, %mul3A_1750 : i32
      %multiple_of3A_1752 = tpu.assume_multiple %mul3A_1751, 128 : i32
      %slice3A_1753 = vector.extract_strided_slice %get3A_1289 {offsets = [4], sizes = [1], strides = [1]} : vector<16xi32> to vector<1xi32>
      %squeeze3A_1754 = vector.extract %slice3A_1753[0] : i32 from vector<1xi32>
      %shift_right_arithmetic3A_1755 = arith.constant 7 : i32
      %shift_right_arithmetic3A_1756 = arith.shrsi %squeeze3A_1754, %shift_right_arithmetic3A_1755 : i32
      %mul3A_1757 = arith.constant 128 : i32
      %mul3A_1758 = arith.muli %shift_right_arithmetic3A_1756, %mul3A_1757 : i32
      %multiple_of3A_1759 = tpu.assume_multiple %mul3A_1758, 128 : i32
      %dma_start3A_1760 = arith.constant 64 : i32
      %dma_start3A_1761 = arith.constant 0 : i32
      %dma_start3A_1762 = tpu.memref_slice %arg9[%dma_start3A_1760, %dma_start3A_1761] : memref<128x128xf32, #tpu.memory_space<vmem>> -> memref<16x128xf32, #tpu.memory_space<vmem>>
      %dma_start3A_1763 = arith.constant 0 : i32
      %dma_start3A_1764 = tpu.memref_slice %arg4[%dma_start3A_1763, %multiple_of3A_1752] : memref<32x1000000xf32, #tpu.memory_space<hbm>> -> memref<16x128xf32, #tpu.memory_space<hbm>>
      %dma_start3A_1765 = arith.constant 64 : i32
      %dma_start3A_1766 = arith.constant 0 : i32
      %dma_start3A_1767 = tpu.memref_slice %arg9[%dma_start3A_1765, %dma_start3A_1766] : memref<128x128xf32, #tpu.memory_space<vmem>> -> memref<16x128xf32, #tpu.memory_space<vmem>>
      %dma_start3A_1768 = arith.constant 0 : i32
      %dma_start3A_1769 = tpu.memref_slice %arg4[%dma_start3A_1768, %multiple_of3A_1752] : memref<32x1000000xf32, #tpu.memory_space<hbm>> -> memref<16x128xf32, #tpu.memory_space<hbm>>
      tpu.enqueue_dma source(%dma_start3A_1769 : memref<16x128xf32, #tpu.memory_space<hbm>>) target(%dma_start3A_1767 : memref<16x128xf32, #tpu.memory_space<vmem>>) target_semaphore(%arg14 : memref<!tpu.dma_semaphore, #tpu.memory_space<semaphore_mem>>)
      %dma_start3A_1770 = arith.constant 64 : i32
      %dma_start3A_1771 = arith.constant 0 : i32
      %dma_start3A_1772 = tpu.memref_slice %arg10[%dma_start3A_1770, %dma_start3A_1771] : memref<128x128xf32, #tpu.memory_space<vmem>> -> memref<16x128xf32, #tpu.memory_space<vmem>>
      %dma_start3A_1773 = arith.constant 0 : i32
      %dma_start3A_1774 = tpu.memref_slice %arg5[%dma_start3A_1773, %multiple_of3A_1759] : memref<32x1000000xf32, #tpu.memory_space<hbm>> -> memref<16x128xf32, #tpu.memory_space<hbm>>
      %dma_start3A_1775 = arith.constant 64 : i32
      %dma_start3A_1776 = arith.constant 0 : i32
      %dma_start3A_1777 = tpu.memref_slice %arg10[%dma_start3A_1775, %dma_start3A_1776] : memref<128x128xf32, #tpu.memory_space<vmem>> -> memref<16x128xf32, #tpu.memory_space<vmem>>
      %dma_start3A_1778 = arith.constant 0 : i32
      %dma_start3A_1779 = tpu.memref_slice %arg5[%dma_start3A_1778, %multiple_of3A_1759] : memref<32x1000000xf32, #tpu.memory_space<hbm>> -> memref<16x128xf32, #tpu.memory_space<hbm>>
      tpu.enqueue_dma source(%dma_start3A_1779 : memref<16x128xf32, #tpu.memory_space<hbm>>) target(%dma_start3A_1777 : memref<16x128xf32, #tpu.memory_space<vmem>>) target_semaphore(%arg14 : memref<!tpu.dma_semaphore, #tpu.memory_space<semaphore_mem>>)
      %slice3A_1780 = vector.extract_strided_slice %get3A_1285 {offsets = [5], sizes = [1], strides = [1]} : vector<16xi32> to vector<1xi32>
      %squeeze3A_1781 = vector.extract %slice3A_1780[0] : i32 from vector<1xi32>
      %shift_right_arithmetic3A_1782 = arith.constant 7 : i32
      %shift_right_arithmetic3A_1783 = arith.shrsi %squeeze3A_1781, %shift_right_arithmetic3A_1782 : i32
      %mul3A_1784 = arith.constant 128 : i32
      %mul3A_1785 = arith.muli %shift_right_arithmetic3A_1783, %mul3A_1784 : i32
      %multiple_of3A_1786 = tpu.assume_multiple %mul3A_1785, 128 : i32
      %slice3A_1787 = vector.extract_strided_slice %get3A_1289 {offsets = [5], sizes = [1], strides = [1]} : vector<16xi32> to vector<1xi32>
      %squeeze3A_1788 = vector.extract %slice3A_1787[0] : i32 from vector<1xi32>
      %shift_right_arithmetic3A_1789 = arith.constant 7 : i32
      %shift_right_arithmetic3A_1790 = arith.shrsi %squeeze3A_1788, %shift_right_arithmetic3A_1789 : i32
      %mul3A_1791 = arith.constant 128 : i32
      %mul3A_1792 = arith.muli %shift_right_arithmetic3A_1790, %mul3A_1791 : i32
      %multiple_of3A_1793 = tpu.assume_multiple %mul3A_1792, 128 : i32
      %dma_start3A_1794 = arith.constant 80 : i32
      %dma_start3A_1795 = arith.constant 0 : i32
      %dma_start3A_1796 = tpu.memref_slice %arg9[%dma_start3A_1794, %dma_start3A_1795] : memref<128x128xf32, #tpu.memory_space<vmem>> -> memref<16x128xf32, #tpu.memory_space<vmem>>
      %dma_start3A_1797 = arith.constant 0 : i32
      %dma_start3A_1798 = tpu.memref_slice %arg4[%dma_start3A_1797, %multiple_of3A_1786] : memref<32x1000000xf32, #tpu.memory_space<hbm>> -> memref<16x128xf32, #tpu.memory_space<hbm>>
      %dma_start3A_1799 = arith.constant 80 : i32
      %dma_start3A_1800 = arith.constant 0 : i32
      %dma_start3A_1801 = tpu.memref_slice %arg9[%dma_start3A_1799, %dma_start3A_1800] : memref<128x128xf32, #tpu.memory_space<vmem>> -> memref<16x128xf32, #tpu.memory_space<vmem>>
      %dma_start3A_1802 = arith.constant 0 : i32
      %dma_start3A_1803 = tpu.memref_slice %arg4[%dma_start3A_1802, %multiple_of3A_1786] : memref<32x1000000xf32, #tpu.memory_space<hbm>> -> memref<16x128xf32, #tpu.memory_space<hbm>>
      tpu.enqueue_dma source(%dma_start3A_1803 : memref<16x128xf32, #tpu.memory_space<hbm>>) target(%dma_start3A_1801 : memref<16x128xf32, #tpu.memory_space<vmem>>) target_semaphore(%arg14 : memref<!tpu.dma_semaphore, #tpu.memory_space<semaphore_mem>>)
      %dma_start3A_1804 = arith.constant 80 : i32
      %dma_start3A_1805 = arith.constant 0 : i32
      %dma_start3A_1806 = tpu.memref_slice %arg10[%dma_start3A_1804, %dma_start3A_1805] : memref<128x128xf32, #tpu.memory_space<vmem>> -> memref<16x128xf32, #tpu.memory_space<vmem>>
      %dma_start3A_1807 = arith.constant 0 : i32
      %dma_start3A_1808 = tpu.memref_slice %arg5[%dma_start3A_1807, %multiple_of3A_1793] : memref<32x1000000xf32, #tpu.memory_space<hbm>> -> memref<16x128xf32, #tpu.memory_space<hbm>>
      %dma_start3A_1809 = arith.constant 80 : i32
      %dma_start3A_1810 = arith.constant 0 : i32
      %dma_start3A_1811 = tpu.memref_slice %arg10[%dma_start3A_1809, %dma_start3A_1810] : memref<128x128xf32, #tpu.memory_space<vmem>> -> memref<16x128xf32, #tpu.memory_space<vmem>>
      %dma_start3A_1812 = arith.constant 0 : i32
      %dma_start3A_1813 = tpu.memref_slice %arg5[%dma_start3A_1812, %multiple_of3A_1793] : memref<32x1000000xf32, #tpu.memory_space<hbm>> -> memref<16x128xf32, #tpu.memory_space<hbm>>
      tpu.enqueue_dma source(%dma_start3A_1813 : memref<16x128xf32, #tpu.memory_space<hbm>>) target(%dma_start3A_1811 : memref<16x128xf32, #tpu.memory_space<vmem>>) target_semaphore(%arg14 : memref<!tpu.dma_semaphore, #tpu.memory_space<semaphore_mem>>)
      %slice3A_1814 = vector.extract_strided_slice %get3A_1285 {offsets = [6], sizes = [1], strides = [1]} : vector<16xi32> to vector<1xi32>
      %squeeze3A_1815 = vector.extract %slice3A_1814[0] : i32 from vector<1xi32>
      %shift_right_arithmetic3A_1816 = arith.constant 7 : i32
      %shift_right_arithmetic3A_1817 = arith.shrsi %squeeze3A_1815, %shift_right_arithmetic3A_1816 : i32
      %mul3A_1818 = arith.constant 128 : i32
      %mul3A_1819 = arith.muli %shift_right_arithmetic3A_1817, %mul3A_1818 : i32
      %multiple_of3A_1820 = tpu.assume_multiple %mul3A_1819, 128 : i32
      %slice3A_1821 = vector.extract_strided_slice %get3A_1289 {offsets = [6], sizes = [1], strides = [1]} : vector<16xi32> to vector<1xi32>
      %squeeze3A_1822 = vector.extract %slice3A_1821[0] : i32 from vector<1xi32>
      %shift_right_arithmetic3A_1823 = arith.constant 7 : i32
      %shift_right_arithmetic3A_1824 = arith.shrsi %squeeze3A_1822, %shift_right_arithmetic3A_1823 : i32
      %mul3A_1825 = arith.constant 128 : i32
      %mul3A_1826 = arith.muli %shift_right_arithmetic3A_1824, %mul3A_1825 : i32
      %multiple_of3A_1827 = tpu.assume_multiple %mul3A_1826, 128 : i32
      %dma_start3A_1828 = arith.constant 96 : i32
      %dma_start3A_1829 = arith.constant 0 : i32
      %dma_start3A_1830 = tpu.memref_slice %arg9[%dma_start3A_1828, %dma_start3A_1829] : memref<128x128xf32, #tpu.memory_space<vmem>> -> memref<16x128xf32, #tpu.memory_space<vmem>>
      %dma_start3A_1831 = arith.constant 0 : i32
      %dma_start3A_1832 = tpu.memref_slice %arg4[%dma_start3A_1831, %multiple_of3A_1820] : memref<32x1000000xf32, #tpu.memory_space<hbm>> -> memref<16x128xf32, #tpu.memory_space<hbm>>
      %dma_start3A_1833 = arith.constant 96 : i32
      %dma_start3A_1834 = arith.constant 0 : i32
      %dma_start3A_1835 = tpu.memref_slice %arg9[%dma_start3A_1833, %dma_start3A_1834] : memref<128x128xf32, #tpu.memory_space<vmem>> -> memref<16x128xf32, #tpu.memory_space<vmem>>
      %dma_start3A_1836 = arith.constant 0 : i32
      %dma_start3A_1837 = tpu.memref_slice %arg4[%dma_start3A_1836, %multiple_of3A_1820] : memref<32x1000000xf32, #tpu.memory_space<hbm>> -> memref<16x128xf32, #tpu.memory_space<hbm>>
      tpu.enqueue_dma source(%dma_start3A_1837 : memref<16x128xf32, #tpu.memory_space<hbm>>) target(%dma_start3A_1835 : memref<16x128xf32, #tpu.memory_space<vmem>>) target_semaphore(%arg14 : memref<!tpu.dma_semaphore, #tpu.memory_space<semaphore_mem>>)
      %dma_start3A_1838 = arith.constant 96 : i32
      %dma_start3A_1839 = arith.constant 0 : i32
      %dma_start3A_1840 = tpu.memref_slice %arg10[%dma_start3A_1838, %dma_start3A_1839] : memref<128x128xf32, #tpu.memory_space<vmem>> -> memref<16x128xf32, #tpu.memory_space<vmem>>
      %dma_start3A_1841 = arith.constant 0 : i32
      %dma_start3A_1842 = tpu.memref_slice %arg5[%dma_start3A_1841, %multiple_of3A_1827] : memref<32x1000000xf32, #tpu.memory_space<hbm>> -> memref<16x128xf32, #tpu.memory_space<hbm>>
      %dma_start3A_1843 = arith.constant 96 : i32
      %dma_start3A_1844 = arith.constant 0 : i32
      %dma_start3A_1845 = tpu.memref_slice %arg10[%dma_start3A_1843, %dma_start3A_1844] : memref<128x128xf32, #tpu.memory_space<vmem>> -> memref<16x128xf32, #tpu.memory_space<vmem>>
      %dma_start3A_1846 = arith.constant 0 : i32
      %dma_start3A_1847 = tpu.memref_slice %arg5[%dma_start3A_1846, %multiple_of3A_1827] : memref<32x1000000xf32, #tpu.memory_space<hbm>> -> memref<16x128xf32, #tpu.memory_space<hbm>>
      tpu.enqueue_dma source(%dma_start3A_1847 : memref<16x128xf32, #tpu.memory_space<hbm>>) target(%dma_start3A_1845 : memref<16x128xf32, #tpu.memory_space<vmem>>) target_semaphore(%arg14 : memref<!tpu.dma_semaphore, #tpu.memory_space<semaphore_mem>>)
      %slice3A_1848 = vector.extract_strided_slice %get3A_1285 {offsets = [7], sizes = [1], strides = [1]} : vector<16xi32> to vector<1xi32>
      %squeeze3A_1849 = vector.extract %slice3A_1848[0] : i32 from vector<1xi32>
      %shift_right_arithmetic3A_1850 = arith.constant 7 : i32
      %shift_right_arithmetic3A_1851 = arith.shrsi %squeeze3A_1849, %shift_right_arithmetic3A_1850 : i32
      %mul3A_1852 = arith.constant 128 : i32
      %mul3A_1853 = arith.muli %shift_right_arithmetic3A_1851, %mul3A_1852 : i32
      %multiple_of3A_1854 = tpu.assume_multiple %mul3A_1853, 128 : i32
      %slice3A_1855 = vector.extract_strided_slice %get3A_1289 {offsets = [7], sizes = [1], strides = [1]} : vector<16xi32> to vector<1xi32>
      %squeeze3A_1856 = vector.extract %slice3A_1855[0] : i32 from vector<1xi32>
      %shift_right_arithmetic3A_1857 = arith.constant 7 : i32
      %shift_right_arithmetic3A_1858 = arith.shrsi %squeeze3A_1856, %shift_right_arithmetic3A_1857 : i32
      %mul3A_1859 = arith.constant 128 : i32
      %mul3A_1860 = arith.muli %shift_right_arithmetic3A_1858, %mul3A_1859 : i32
      %multiple_of3A_1861 = tpu.assume_multiple %mul3A_1860, 128 : i32
      %dma_start3A_1862 = arith.constant 112 : i32
      %dma_start3A_1863 = arith.constant 0 : i32
      %dma_start3A_1864 = tpu.memref_slice %arg9[%dma_start3A_1862, %dma_start3A_1863] : memref<128x128xf32, #tpu.memory_space<vmem>> -> memref<16x128xf32, #tpu.memory_space<vmem>>
      %dma_start3A_1865 = arith.constant 0 : i32
      %dma_start3A_1866 = tpu.memref_slice %arg4[%dma_start3A_1865, %multiple_of3A_1854] : memref<32x1000000xf32, #tpu.memory_space<hbm>> -> memref<16x128xf32, #tpu.memory_space<hbm>>
      %dma_start3A_1867 = arith.constant 112 : i32
      %dma_start3A_1868 = arith.constant 0 : i32
      %dma_start3A_1869 = tpu.memref_slice %arg9[%dma_start3A_1867, %dma_start3A_1868] : memref<128x128xf32, #tpu.memory_space<vmem>> -> memref<16x128xf32, #tpu.memory_space<vmem>>
      %dma_start3A_1870 = arith.constant 0 : i32
      %dma_start3A_1871 = tpu.memref_slice %arg4[%dma_start3A_1870, %multiple_of3A_1854] : memref<32x1000000xf32, #tpu.memory_space<hbm>> -> memref<16x128xf32, #tpu.memory_space<hbm>>
      tpu.enqueue_dma source(%dma_start3A_1871 : memref<16x128xf32, #tpu.memory_space<hbm>>) target(%dma_start3A_1869 : memref<16x128xf32, #tpu.memory_space<vmem>>) target_semaphore(%arg14 : memref<!tpu.dma_semaphore, #tpu.memory_space<semaphore_mem>>)
      %dma_start3A_1872 = arith.constant 112 : i32
      %dma_start3A_1873 = arith.constant 0 : i32
      %dma_start3A_1874 = tpu.memref_slice %arg10[%dma_start3A_1872, %dma_start3A_1873] : memref<128x128xf32, #tpu.memory_space<vmem>> -> memref<16x128xf32, #tpu.memory_space<vmem>>
      %dma_start3A_1875 = arith.constant 0 : i32
      %dma_start3A_1876 = tpu.memref_slice %arg5[%dma_start3A_1875, %multiple_of3A_1861] : memref<32x1000000xf32, #tpu.memory_space<hbm>> -> memref<16x128xf32, #tpu.memory_space<hbm>>
      %dma_start3A_1877 = arith.constant 112 : i32
      %dma_start3A_1878 = arith.constant 0 : i32
      %dma_start3A_1879 = tpu.memref_slice %arg10[%dma_start3A_1877, %dma_start3A_1878] : memref<128x128xf32, #tpu.memory_space<vmem>> -> memref<16x128xf32, #tpu.memory_space<vmem>>
      %dma_start3A_1880 = arith.constant 0 : i32
      %dma_start3A_1881 = tpu.memref_slice %arg5[%dma_start3A_1880, %multiple_of3A_1861] : memref<32x1000000xf32, #tpu.memory_space<hbm>> -> memref<16x128xf32, #tpu.memory_space<hbm>>
      tpu.enqueue_dma source(%dma_start3A_1881 : memref<16x128xf32, #tpu.memory_space<hbm>>) target(%dma_start3A_1879 : memref<16x128xf32, #tpu.memory_space<vmem>>) target_semaphore(%arg14 : memref<!tpu.dma_semaphore, #tpu.memory_space<semaphore_mem>>)
      %dma_wait3A_1882 = arith.constant 0 : i32
      %dma_wait3A_1883 = arith.constant 0 : i32
      %dma_wait3A_1884 = tpu.memref_slice %arg11[%dma_wait3A_1882, %dma_wait3A_1883] : memref<128x128xf32, #tpu.memory_space<vmem>> -> memref<16x128xf32, #tpu.memory_space<vmem>>
      %dma_wait3A_1885 = arith.constant 0 : i32
      %dma_wait3A_1886 = arith.constant 0 : i32
      %dma_wait3A_1887 = tpu.memref_slice %arg4[%dma_wait3A_1885, %dma_wait3A_1886] : memref<32x1000000xf32, #tpu.memory_space<hbm>> -> memref<16x128xf32, #tpu.memory_space<hbm>>
      %dma_wait3A_1888 = arith.constant 0 : i32
      %dma_wait3A_1889 = arith.constant 0 : i32
      %dma_wait3A_1890 = tpu.memref_slice %arg11[%dma_wait3A_1888, %dma_wait3A_1889] : memref<128x128xf32, #tpu.memory_space<vmem>> -> memref<16x128xf32, #tpu.memory_space<vmem>>
      %dma_wait3A_1891 = arith.constant 0 : i32
      %dma_wait3A_1892 = arith.constant 0 : i32
      %dma_wait3A_1893 = tpu.memref_slice %arg4[%dma_wait3A_1891, %dma_wait3A_1892] : memref<32x1000000xf32, #tpu.memory_space<hbm>> -> memref<16x128xf32, #tpu.memory_space<hbm>>
      tpu.wait_dma2 semaphore(%arg15 : memref<!tpu.dma_semaphore, #tpu.memory_space<semaphore_mem>>) src(%dma_wait3A_1893 : memref<16x128xf32, #tpu.memory_space<hbm>>) dst(%dma_wait3A_1890 : memref<16x128xf32, #tpu.memory_space<vmem>>)
      %dma_wait3A_1894 = arith.constant 0 : i32
      %dma_wait3A_1895 = arith.constant 0 : i32
      %dma_wait3A_1896 = tpu.memref_slice %arg11[%dma_wait3A_1894, %dma_wait3A_1895] : memref<128x128xf32, #tpu.memory_space<vmem>> -> memref<16x128xf32, #tpu.memory_space<vmem>>
      %dma_wait3A_1897 = arith.constant 0 : i32
      %dma_wait3A_1898 = arith.constant 0 : i32
      %dma_wait3A_1899 = tpu.memref_slice %arg4[%dma_wait3A_1897, %dma_wait3A_1898] : memref<32x1000000xf32, #tpu.memory_space<hbm>> -> memref<16x128xf32, #tpu.memory_space<hbm>>
      %dma_wait3A_1900 = arith.constant 0 : i32
      %dma_wait3A_1901 = arith.constant 0 : i32
      %dma_wait3A_1902 = tpu.memref_slice %arg11[%dma_wait3A_1900, %dma_wait3A_1901] : memref<128x128xf32, #tpu.memory_space<vmem>> -> memref<16x128xf32, #tpu.memory_space<vmem>>
      %dma_wait3A_1903 = arith.constant 0 : i32
      %dma_wait3A_1904 = arith.constant 0 : i32
      %dma_wait3A_1905 = tpu.memref_slice %arg4[%dma_wait3A_1903, %dma_wait3A_1904] : memref<32x1000000xf32, #tpu.memory_space<hbm>> -> memref<16x128xf32, #tpu.memory_space<hbm>>
      tpu.wait_dma2 semaphore(%arg15 : memref<!tpu.dma_semaphore, #tpu.memory_space<semaphore_mem>>) src(%dma_wait3A_1905 : memref<16x128xf32, #tpu.memory_space<hbm>>) dst(%dma_wait3A_1902 : memref<16x128xf32, #tpu.memory_space<vmem>>)
      %dma_wait3A_1906 = arith.constant 0 : i32
      %dma_wait3A_1907 = arith.constant 0 : i32
      %dma_wait3A_1908 = tpu.memref_slice %arg11[%dma_wait3A_1906, %dma_wait3A_1907] : memref<128x128xf32, #tpu.memory_space<vmem>> -> memref<16x128xf32, #tpu.memory_space<vmem>>
      %dma_wait3A_1909 = arith.constant 0 : i32
      %dma_wait3A_1910 = arith.constant 0 : i32
      %dma_wait3A_1911 = tpu.memref_slice %arg4[%dma_wait3A_1909, %dma_wait3A_1910] : memref<32x1000000xf32, #tpu.memory_space<hbm>> -> memref<16x128xf32, #tpu.memory_space<hbm>>
      %dma_wait3A_1912 = arith.constant 0 : i32
      %dma_wait3A_1913 = arith.constant 0 : i32
      %dma_wait3A_1914 = tpu.memref_slice %arg11[%dma_wait3A_1912, %dma_wait3A_1913] : memref<128x128xf32, #tpu.memory_space<vmem>> -> memref<16x128xf32, #tpu.memory_space<vmem>>
      %dma_wait3A_1915 = arith.constant 0 : i32
      %dma_wait3A_1916 = arith.constant 0 : i32
      %dma_wait3A_1917 = tpu.memref_slice %arg4[%dma_wait3A_1915, %dma_wait3A_1916] : memref<32x1000000xf32, #tpu.memory_space<hbm>> -> memref<16x128xf32, #tpu.memory_space<hbm>>
      tpu.wait_dma2 semaphore(%arg15 : memref<!tpu.dma_semaphore, #tpu.memory_space<semaphore_mem>>) src(%dma_wait3A_1917 : memref<16x128xf32, #tpu.memory_space<hbm>>) dst(%dma_wait3A_1914 : memref<16x128xf32, #tpu.memory_space<vmem>>)
      %dma_wait3A_1918 = arith.constant 0 : i32
      %dma_wait3A_1919 = arith.constant 0 : i32
      %dma_wait3A_1920 = tpu.memref_slice %arg11[%dma_wait3A_1918, %dma_wait3A_1919] : memref<128x128xf32, #tpu.memory_space<vmem>> -> memref<16x128xf32, #tpu.memory_space<vmem>>
      %dma_wait3A_1921 = arith.constant 0 : i32
      %dma_wait3A_1922 = arith.constant 0 : i32
      %dma_wait3A_1923 = tpu.memref_slice %arg4[%dma_wait3A_1921, %dma_wait3A_1922] : memref<32x1000000xf32, #tpu.memory_space<hbm>> -> memref<16x128xf32, #tpu.memory_space<hbm>>
      %dma_wait3A_1924 = arith.constant 0 : i32
      %dma_wait3A_1925 = arith.constant 0 : i32
      %dma_wait3A_1926 = tpu.memref_slice %arg11[%dma_wait3A_1924, %dma_wait3A_1925] : memref<128x128xf32, #tpu.memory_space<vmem>> -> memref<16x128xf32, #tpu.memory_space<vmem>>
      %dma_wait3A_1927 = arith.constant 0 : i32
      %dma_wait3A_1928 = arith.constant 0 : i32
      %dma_wait3A_1929 = tpu.memref_slice %arg4[%dma_wait3A_1927, %dma_wait3A_1928] : memref<32x1000000xf32, #tpu.memory_space<hbm>> -> memref<16x128xf32, #tpu.memory_space<hbm>>
      tpu.wait_dma2 semaphore(%arg15 : memref<!tpu.dma_semaphore, #tpu.memory_space<semaphore_mem>>) src(%dma_wait3A_1929 : memref<16x128xf32, #tpu.memory_space<hbm>>) dst(%dma_wait3A_1926 : memref<16x128xf32, #tpu.memory_space<vmem>>)
      %dma_wait3A_1930 = arith.constant 0 : i32
      %dma_wait3A_1931 = arith.constant 0 : i32
      %dma_wait3A_1932 = tpu.memref_slice %arg11[%dma_wait3A_1930, %dma_wait3A_1931] : memref<128x128xf32, #tpu.memory_space<vmem>> -> memref<16x128xf32, #tpu.memory_space<vmem>>
      %dma_wait3A_1933 = arith.constant 0 : i32
      %dma_wait3A_1934 = arith.constant 0 : i32
      %dma_wait3A_1935 = tpu.memref_slice %arg4[%dma_wait3A_1933, %dma_wait3A_1934] : memref<32x1000000xf32, #tpu.memory_space<hbm>> -> memref<16x128xf32, #tpu.memory_space<hbm>>
      %dma_wait3A_1936 = arith.constant 0 : i32
      %dma_wait3A_1937 = arith.constant 0 : i32
      %dma_wait3A_1938 = tpu.memref_slice %arg11[%dma_wait3A_1936, %dma_wait3A_1937] : memref<128x128xf32, #tpu.memory_space<vmem>> -> memref<16x128xf32, #tpu.memory_space<vmem>>
      %dma_wait3A_1939 = arith.constant 0 : i32
      %dma_wait3A_1940 = arith.constant 0 : i32
      %dma_wait3A_1941 = tpu.memref_slice %arg4[%dma_wait3A_1939, %dma_wait3A_1940] : memref<32x1000000xf32, #tpu.memory_space<hbm>> -> memref<16x128xf32, #tpu.memory_space<hbm>>
      tpu.wait_dma2 semaphore(%arg15 : memref<!tpu.dma_semaphore, #tpu.memory_space<semaphore_mem>>) src(%dma_wait3A_1941 : memref<16x128xf32, #tpu.memory_space<hbm>>) dst(%dma_wait3A_1938 : memref<16x128xf32, #tpu.memory_space<vmem>>)
      %dma_wait3A_1942 = arith.constant 0 : i32
      %dma_wait3A_1943 = arith.constant 0 : i32
      %dma_wait3A_1944 = tpu.memref_slice %arg11[%dma_wait3A_1942, %dma_wait3A_1943] : memref<128x128xf32, #tpu.memory_space<vmem>> -> memref<16x128xf32, #tpu.memory_space<vmem>>
      %dma_wait3A_1945 = arith.constant 0 : i32
      %dma_wait3A_1946 = arith.constant 0 : i32
      %dma_wait3A_1947 = tpu.memref_slice %arg4[%dma_wait3A_1945, %dma_wait3A_1946] : memref<32x1000000xf32, #tpu.memory_space<hbm>> -> memref<16x128xf32, #tpu.memory_space<hbm>>
      %dma_wait3A_1948 = arith.constant 0 : i32
      %dma_wait3A_1949 = arith.constant 0 : i32
      %dma_wait3A_1950 = tpu.memref_slice %arg11[%dma_wait3A_1948, %dma_wait3A_1949] : memref<128x128xf32, #tpu.memory_space<vmem>> -> memref<16x128xf32, #tpu.memory_space<vmem>>
      %dma_wait3A_1951 = arith.constant 0 : i32
      %dma_wait3A_1952 = arith.constant 0 : i32
      %dma_wait3A_1953 = tpu.memref_slice %arg4[%dma_wait3A_1951, %dma_wait3A_1952] : memref<32x1000000xf32, #tpu.memory_space<hbm>> -> memref<16x128xf32, #tpu.memory_space<hbm>>
      tpu.wait_dma2 semaphore(%arg15 : memref<!tpu.dma_semaphore, #tpu.memory_space<semaphore_mem>>) src(%dma_wait3A_1953 : memref<16x128xf32, #tpu.memory_space<hbm>>) dst(%dma_wait3A_1950 : memref<16x128xf32, #tpu.memory_space<vmem>>)
      %dma_wait3A_1954 = arith.constant 0 : i32
      %dma_wait3A_1955 = arith.constant 0 : i32
      %dma_wait3A_1956 = tpu.memref_slice %arg11[%dma_wait3A_1954, %dma_wait3A_1955] : memref<128x128xf32, #tpu.memory_space<vmem>> -> memref<16x128xf32, #tpu.memory_space<vmem>>
      %dma_wait3A_1957 = arith.constant 0 : i32
      %dma_wait3A_1958 = arith.constant 0 : i32
      %dma_wait3A_1959 = tpu.memref_slice %arg4[%dma_wait3A_1957, %dma_wait3A_1958] : memref<32x1000000xf32, #tpu.memory_space<hbm>> -> memref<16x128xf32, #tpu.memory_space<hbm>>
      %dma_wait3A_1960 = arith.constant 0 : i32
      %dma_wait3A_1961 = arith.constant 0 : i32
      %dma_wait3A_1962 = tpu.memref_slice %arg11[%dma_wait3A_1960, %dma_wait3A_1961] : memref<128x128xf32, #tpu.memory_space<vmem>> -> memref<16x128xf32, #tpu.memory_space<vmem>>
      %dma_wait3A_1963 = arith.constant 0 : i32
      %dma_wait3A_1964 = arith.constant 0 : i32
      %dma_wait3A_1965 = tpu.memref_slice %arg4[%dma_wait3A_1963, %dma_wait3A_1964] : memref<32x1000000xf32, #tpu.memory_space<hbm>> -> memref<16x128xf32, #tpu.memory_space<hbm>>
      tpu.wait_dma2 semaphore(%arg15 : memref<!tpu.dma_semaphore, #tpu.memory_space<semaphore_mem>>) src(%dma_wait3A_1965 : memref<16x128xf32, #tpu.memory_space<hbm>>) dst(%dma_wait3A_1962 : memref<16x128xf32, #tpu.memory_space<vmem>>)
      %dma_wait3A_1966 = arith.constant 0 : i32
      %dma_wait3A_1967 = arith.constant 0 : i32
      %dma_wait3A_1968 = tpu.memref_slice %arg11[%dma_wait3A_1966, %dma_wait3A_1967] : memref<128x128xf32, #tpu.memory_space<vmem>> -> memref<16x128xf32, #tpu.memory_space<vmem>>
      %dma_wait3A_1969 = arith.constant 0 : i32
      %dma_wait3A_1970 = arith.constant 0 : i32
      %dma_wait3A_1971 = tpu.memref_slice %arg4[%dma_wait3A_1969, %dma_wait3A_1970] : memref<32x1000000xf32, #tpu.memory_space<hbm>> -> memref<16x128xf32, #tpu.memory_space<hbm>>
      %dma_wait3A_1972 = arith.constant 0 : i32
      %dma_wait3A_1973 = arith.constant 0 : i32
      %dma_wait3A_1974 = tpu.memref_slice %arg11[%dma_wait3A_1972, %dma_wait3A_1973] : memref<128x128xf32, #tpu.memory_space<vmem>> -> memref<16x128xf32, #tpu.memory_space<vmem>>
      %dma_wait3A_1975 = arith.constant 0 : i32
      %dma_wait3A_1976 = arith.constant 0 : i32
      %dma_wait3A_1977 = tpu.memref_slice %arg4[%dma_wait3A_1975, %dma_wait3A_1976] : memref<32x1000000xf32, #tpu.memory_space<hbm>> -> memref<16x128xf32, #tpu.memory_space<hbm>>
      tpu.wait_dma2 semaphore(%arg15 : memref<!tpu.dma_semaphore, #tpu.memory_space<semaphore_mem>>) src(%dma_wait3A_1977 : memref<16x128xf32, #tpu.memory_space<hbm>>) dst(%dma_wait3A_1974 : memref<16x128xf32, #tpu.memory_space<vmem>>)
      %dma_wait3A_1978 = arith.constant 0 : i32
      %dma_wait3A_1979 = arith.constant 0 : i32
      %dma_wait3A_1980 = tpu.memref_slice %arg11[%dma_wait3A_1978, %dma_wait3A_1979] : memref<128x128xf32, #tpu.memory_space<vmem>> -> memref<16x128xf32, #tpu.memory_space<vmem>>
      %dma_wait3A_1981 = arith.constant 0 : i32
      %dma_wait3A_1982 = arith.constant 0 : i32
      %dma_wait3A_1983 = tpu.memref_slice %arg4[%dma_wait3A_1981, %dma_wait3A_1982] : memref<32x1000000xf32, #tpu.memory_space<hbm>> -> memref<16x128xf32, #tpu.memory_space<hbm>>
      %dma_wait3A_1984 = arith.constant 0 : i32
      %dma_wait3A_1985 = arith.constant 0 : i32
      %dma_wait3A_1986 = tpu.memref_slice %arg11[%dma_wait3A_1984, %dma_wait3A_1985] : memref<128x128xf32, #tpu.memory_space<vmem>> -> memref<16x128xf32, #tpu.memory_space<vmem>>
      %dma_wait3A_1987 = arith.constant 0 : i32
      %dma_wait3A_1988 = arith.constant 0 : i32
      %dma_wait3A_1989 = tpu.memref_slice %arg4[%dma_wait3A_1987, %dma_wait3A_1988] : memref<32x1000000xf32, #tpu.memory_space<hbm>> -> memref<16x128xf32, #tpu.memory_space<hbm>>
      tpu.wait_dma2 semaphore(%arg15 : memref<!tpu.dma_semaphore, #tpu.memory_space<semaphore_mem>>) src(%dma_wait3A_1989 : memref<16x128xf32, #tpu.memory_space<hbm>>) dst(%dma_wait3A_1986 : memref<16x128xf32, #tpu.memory_space<vmem>>)
      %dma_wait3A_1990 = arith.constant 0 : i32
      %dma_wait3A_1991 = arith.constant 0 : i32
      %dma_wait3A_1992 = tpu.memref_slice %arg11[%dma_wait3A_1990, %dma_wait3A_1991] : memref<128x128xf32, #tpu.memory_space<vmem>> -> memref<16x128xf32, #tpu.memory_space<vmem>>
      %dma_wait3A_1993 = arith.constant 0 : i32
      %dma_wait3A_1994 = arith.constant 0 : i32
      %dma_wait3A_1995 = tpu.memref_slice %arg4[%dma_wait3A_1993, %dma_wait3A_1994] : memref<32x1000000xf32, #tpu.memory_space<hbm>> -> memref<16x128xf32, #tpu.memory_space<hbm>>
      %dma_wait3A_1996 = arith.constant 0 : i32
      %dma_wait3A_1997 = arith.constant 0 : i32
      %dma_wait3A_1998 = tpu.memref_slice %arg11[%dma_wait3A_1996, %dma_wait3A_1997] : memref<128x128xf32, #tpu.memory_space<vmem>> -> memref<16x128xf32, #tpu.memory_space<vmem>>
      %dma_wait3A_1999 = arith.constant 0 : i32
      %dma_wait3A_2000 = arith.constant 0 : i32
      %dma_wait3A_2001 = tpu.memref_slice %arg4[%dma_wait3A_1999, %dma_wait3A_2000] : memref<32x1000000xf32, #tpu.memory_space<hbm>> -> memref<16x128xf32, #tpu.memory_space<hbm>>
      tpu.wait_dma2 semaphore(%arg15 : memref<!tpu.dma_semaphore, #tpu.memory_space<semaphore_mem>>) src(%dma_wait3A_2001 : memref<16x128xf32, #tpu.memory_space<hbm>>) dst(%dma_wait3A_1998 : memref<16x128xf32, #tpu.memory_space<vmem>>)
      %dma_wait3A_2002 = arith.constant 0 : i32
      %dma_wait3A_2003 = arith.constant 0 : i32
      %dma_wait3A_2004 = tpu.memref_slice %arg11[%dma_wait3A_2002, %dma_wait3A_2003] : memref<128x128xf32, #tpu.memory_space<vmem>> -> memref<16x128xf32, #tpu.memory_space<vmem>>
      %dma_wait3A_2005 = arith.constant 0 : i32
      %dma_wait3A_2006 = arith.constant 0 : i32
      %dma_wait3A_2007 = tpu.memref_slice %arg4[%dma_wait3A_2005, %dma_wait3A_2006] : memref<32x1000000xf32, #tpu.memory_space<hbm>> -> memref<16x128xf32, #tpu.memory_space<hbm>>
      %dma_wait3A_2008 = arith.constant 0 : i32
      %dma_wait3A_2009 = arith.constant 0 : i32
      %dma_wait3A_2010 = tpu.memref_slice %arg11[%dma_wait3A_2008, %dma_wait3A_2009] : memref<128x128xf32, #tpu.memory_space<vmem>> -> memref<16x128xf32, #tpu.memory_space<vmem>>
      %dma_wait3A_2011 = arith.constant 0 : i32
      %dma_wait3A_2012 = arith.constant 0 : i32
      %dma_wait3A_2013 = tpu.memref_slice %arg4[%dma_wait3A_2011, %dma_wait3A_2012] : memref<32x1000000xf32, #tpu.memory_space<hbm>> -> memref<16x128xf32, #tpu.memory_space<hbm>>
      tpu.wait_dma2 semaphore(%arg15 : memref<!tpu.dma_semaphore, #tpu.memory_space<semaphore_mem>>) src(%dma_wait3A_2013 : memref<16x128xf32, #tpu.memory_space<hbm>>) dst(%dma_wait3A_2010 : memref<16x128xf32, #tpu.memory_space<vmem>>)
      %dma_wait3A_2014 = arith.constant 0 : i32
      %dma_wait3A_2015 = arith.constant 0 : i32
      %dma_wait3A_2016 = tpu.memref_slice %arg11[%dma_wait3A_2014, %dma_wait3A_2015] : memref<128x128xf32, #tpu.memory_space<vmem>> -> memref<16x128xf32, #tpu.memory_space<vmem>>
      %dma_wait3A_2017 = arith.constant 0 : i32
      %dma_wait3A_2018 = arith.constant 0 : i32
      %dma_wait3A_2019 = tpu.memref_slice %arg4[%dma_wait3A_2017, %dma_wait3A_2018] : memref<32x1000000xf32, #tpu.memory_space<hbm>> -> memref<16x128xf32, #tpu.memory_space<hbm>>
      %dma_wait3A_2020 = arith.constant 0 : i32
      %dma_wait3A_2021 = arith.constant 0 : i32
      %dma_wait3A_2022 = tpu.memref_slice %arg11[%dma_wait3A_2020, %dma_wait3A_2021] : memref<128x128xf32, #tpu.memory_space<vmem>> -> memref<16x128xf32, #tpu.memory_space<vmem>>
      %dma_wait3A_2023 = arith.constant 0 : i32
      %dma_wait3A_2024 = arith.constant 0 : i32
      %dma_wait3A_2025 = tpu.memref_slice %arg4[%dma_wait3A_2023, %dma_wait3A_2024] : memref<32x1000000xf32, #tpu.memory_space<hbm>> -> memref<16x128xf32, #tpu.memory_space<hbm>>
      tpu.wait_dma2 semaphore(%arg15 : memref<!tpu.dma_semaphore, #tpu.memory_space<semaphore_mem>>) src(%dma_wait3A_2025 : memref<16x128xf32, #tpu.memory_space<hbm>>) dst(%dma_wait3A_2022 : memref<16x128xf32, #tpu.memory_space<vmem>>)
      %dma_wait3A_2026 = arith.constant 0 : i32
      %dma_wait3A_2027 = arith.constant 0 : i32
      %dma_wait3A_2028 = tpu.memref_slice %arg11[%dma_wait3A_2026, %dma_wait3A_2027] : memref<128x128xf32, #tpu.memory_space<vmem>> -> memref<16x128xf32, #tpu.memory_space<vmem>>
      %dma_wait3A_2029 = arith.constant 0 : i32
      %dma_wait3A_2030 = arith.constant 0 : i32
      %dma_wait3A_2031 = tpu.memref_slice %arg4[%dma_wait3A_2029, %dma_wait3A_2030] : memref<32x1000000xf32, #tpu.memory_space<hbm>> -> memref<16x128xf32, #tpu.memory_space<hbm>>
      %dma_wait3A_2032 = arith.constant 0 : i32
      %dma_wait3A_2033 = arith.constant 0 : i32
      %dma_wait3A_2034 = tpu.memref_slice %arg11[%dma_wait3A_2032, %dma_wait3A_2033] : memref<128x128xf32, #tpu.memory_space<vmem>> -> memref<16x128xf32, #tpu.memory_space<vmem>>
      %dma_wait3A_2035 = arith.constant 0 : i32
      %dma_wait3A_2036 = arith.constant 0 : i32
      %dma_wait3A_2037 = tpu.memref_slice %arg4[%dma_wait3A_2035, %dma_wait3A_2036] : memref<32x1000000xf32, #tpu.memory_space<hbm>> -> memref<16x128xf32, #tpu.memory_space<hbm>>
      tpu.wait_dma2 semaphore(%arg15 : memref<!tpu.dma_semaphore, #tpu.memory_space<semaphore_mem>>) src(%dma_wait3A_2037 : memref<16x128xf32, #tpu.memory_space<hbm>>) dst(%dma_wait3A_2034 : memref<16x128xf32, #tpu.memory_space<vmem>>)
      %dma_wait3A_2038 = arith.constant 0 : i32
      %dma_wait3A_2039 = arith.constant 0 : i32
      %dma_wait3A_2040 = tpu.memref_slice %arg11[%dma_wait3A_2038, %dma_wait3A_2039] : memref<128x128xf32, #tpu.memory_space<vmem>> -> memref<16x128xf32, #tpu.memory_space<vmem>>
      %dma_wait3A_2041 = arith.constant 0 : i32
      %dma_wait3A_2042 = arith.constant 0 : i32
      %dma_wait3A_2043 = tpu.memref_slice %arg4[%dma_wait3A_2041, %dma_wait3A_2042] : memref<32x1000000xf32, #tpu.memory_space<hbm>> -> memref<16x128xf32, #tpu.memory_space<hbm>>
      %dma_wait3A_2044 = arith.constant 0 : i32
      %dma_wait3A_2045 = arith.constant 0 : i32
      %dma_wait3A_2046 = tpu.memref_slice %arg11[%dma_wait3A_2044, %dma_wait3A_2045] : memref<128x128xf32, #tpu.memory_space<vmem>> -> memref<16x128xf32, #tpu.memory_space<vmem>>
      %dma_wait3A_2047 = arith.constant 0 : i32
      %dma_wait3A_2048 = arith.constant 0 : i32
      %dma_wait3A_2049 = tpu.memref_slice %arg4[%dma_wait3A_2047, %dma_wait3A_2048] : memref<32x1000000xf32, #tpu.memory_space<hbm>> -> memref<16x128xf32, #tpu.memory_space<hbm>>
      tpu.wait_dma2 semaphore(%arg15 : memref<!tpu.dma_semaphore, #tpu.memory_space<semaphore_mem>>) src(%dma_wait3A_2049 : memref<16x128xf32, #tpu.memory_space<hbm>>) dst(%dma_wait3A_2046 : memref<16x128xf32, #tpu.memory_space<vmem>>)
      %dma_wait3A_2050 = arith.constant 0 : i32
      %dma_wait3A_2051 = arith.constant 0 : i32
      %dma_wait3A_2052 = tpu.memref_slice %arg11[%dma_wait3A_2050, %dma_wait3A_2051] : memref<128x128xf32, #tpu.memory_space<vmem>> -> memref<16x128xf32, #tpu.memory_space<vmem>>
      %dma_wait3A_2053 = arith.constant 0 : i32
      %dma_wait3A_2054 = arith.constant 0 : i32
      %dma_wait3A_2055 = tpu.memref_slice %arg4[%dma_wait3A_2053, %dma_wait3A_2054] : memref<32x1000000xf32, #tpu.memory_space<hbm>> -> memref<16x128xf32, #tpu.memory_space<hbm>>
      %dma_wait3A_2056 = arith.constant 0 : i32
      %dma_wait3A_2057 = arith.constant 0 : i32
      %dma_wait3A_2058 = tpu.memref_slice %arg11[%dma_wait3A_2056, %dma_wait3A_2057] : memref<128x128xf32, #tpu.memory_space<vmem>> -> memref<16x128xf32, #tpu.memory_space<vmem>>
      %dma_wait3A_2059 = arith.constant 0 : i32
      %dma_wait3A_2060 = arith.constant 0 : i32
      %dma_wait3A_2061 = tpu.memref_slice %arg4[%dma_wait3A_2059, %dma_wait3A_2060] : memref<32x1000000xf32, #tpu.memory_space<hbm>> -> memref<16x128xf32, #tpu.memory_space<hbm>>
      tpu.wait_dma2 semaphore(%arg15 : memref<!tpu.dma_semaphore, #tpu.memory_space<semaphore_mem>>) src(%dma_wait3A_2061 : memref<16x128xf32, #tpu.memory_space<hbm>>) dst(%dma_wait3A_2058 : memref<16x128xf32, #tpu.memory_space<vmem>>)
      %dma_wait3A_2062 = arith.constant 0 : i32
      %dma_wait3A_2063 = arith.constant 0 : i32
      %dma_wait3A_2064 = tpu.memref_slice %arg11[%dma_wait3A_2062, %dma_wait3A_2063] : memref<128x128xf32, #tpu.memory_space<vmem>> -> memref<16x128xf32, #tpu.memory_space<vmem>>
      %dma_wait3A_2065 = arith.constant 0 : i32
      %dma_wait3A_2066 = arith.constant 0 : i32
      %dma_wait3A_2067 = tpu.memref_slice %arg4[%dma_wait3A_2065, %dma_wait3A_2066] : memref<32x1000000xf32, #tpu.memory_space<hbm>> -> memref<16x128xf32, #tpu.memory_space<hbm>>
      %dma_wait3A_2068 = arith.constant 0 : i32
      %dma_wait3A_2069 = arith.constant 0 : i32
      %dma_wait3A_2070 = tpu.memref_slice %arg11[%dma_wait3A_2068, %dma_wait3A_2069] : memref<128x128xf32, #tpu.memory_space<vmem>> -> memref<16x128xf32, #tpu.memory_space<vmem>>
      %dma_wait3A_2071 = arith.constant 0 : i32
      %dma_wait3A_2072 = arith.constant 0 : i32
      %dma_wait3A_2073 = tpu.memref_slice %arg4[%dma_wait3A_2071, %dma_wait3A_2072] : memref<32x1000000xf32, #tpu.memory_space<hbm>> -> memref<16x128xf32, #tpu.memory_space<hbm>>
      tpu.wait_dma2 semaphore(%arg15 : memref<!tpu.dma_semaphore, #tpu.memory_space<semaphore_mem>>) src(%dma_wait3A_2073 : memref<16x128xf32, #tpu.memory_space<hbm>>) dst(%dma_wait3A_2070 : memref<16x128xf32, #tpu.memory_space<vmem>>)
      %slice3A_2074 = vector.extract_strided_slice %get3A_1275 {offsets = [0], sizes = [1], strides = [1]} : vector<16xi32> to vector<1xi32>
      %squeeze3A_2075 = vector.extract %slice3A_2074[0] : i32 from vector<1xi32>
      %and3A_2076 = arith.constant 127 : i32
      %and3A_2077 = arith.andi %squeeze3A_2075, %and3A_2076 : i32
      %broadcast_in_dim3A_2078 = vector.broadcast %and3A_2077 : i32 to vector<16xi32>
      %slice3A_2079 = vector.extract_strided_slice %get3A_1279 {offsets = [0], sizes = [1], strides = [1]} : vector<16xi32> to vector<1xi32>
      %squeeze3A_2080 = vector.extract %slice3A_2079[0] : i32 from vector<1xi32>
      %and3A_2081 = arith.constant 127 : i32
      %and3A_2082 = arith.andi %squeeze3A_2080, %and3A_2081 : i32
      %broadcast_in_dim3A_2083 = vector.broadcast %and3A_2082 : i32 to vector<16xi32>
      %add3A_2084 = arith.constant 0 : i32
      %add3A_2085 = vector.broadcast %add3A_2084 : i32 to vector<16xi32>
      %add3A_2086 = arith.addi %add3A_2085, %iota3A : vector<16xi32>
      %gather3A_2087 = tpu.vector_load_idx %arg11[%add3A_2086, %broadcast_in_dim3A_2078] : memref<128x128xf32, #tpu.memory_space<vmem>>[vector<16xi32>, vector<16xi32>], vector<16xf32>,
      %gather3A_2088 = tpu.vector_load_idx %arg12[%add3A_2086, %broadcast_in_dim3A_2083] : memref<128x128xf32, #tpu.memory_space<vmem>>[vector<16xi32>, vector<16xi32>], vector<16xf32>,
      %mul3A_2089 = arith.mulf %gather3A_2087, %gather3A_2088 : vector<16xf32>
      %slice3A_2090 = vector.extract_strided_slice %get3A_1275 {offsets = [1], sizes = [1], strides = [1]} : vector<16xi32> to vector<1xi32>
      %squeeze3A_2091 = vector.extract %slice3A_2090[0] : i32 from vector<1xi32>
      %and3A_2092 = arith.constant 127 : i32
      %and3A_2093 = arith.andi %squeeze3A_2091, %and3A_2092 : i32
      %broadcast_in_dim3A_2094 = vector.broadcast %and3A_2093 : i32 to vector<16xi32>
      %slice3A_2095 = vector.extract_strided_slice %get3A_1279 {offsets = [1], sizes = [1], strides = [1]} : vector<16xi32> to vector<1xi32>
      %squeeze3A_2096 = vector.extract %slice3A_2095[0] : i32 from vector<1xi32>
      %and3A_2097 = arith.constant 127 : i32
      %and3A_2098 = arith.andi %squeeze3A_2096, %and3A_2097 : i32
      %broadcast_in_dim3A_2099 = vector.broadcast %and3A_2098 : i32 to vector<16xi32>
      %add3A_2100 = arith.constant 16 : i32
      %add3A_2101 = vector.broadcast %add3A_2100 : i32 to vector<16xi32>
      %add3A_2102 = arith.addi %add3A_2101, %iota3A : vector<16xi32>
      %gather3A_2103 = tpu.vector_load_idx %arg11[%add3A_2102, %broadcast_in_dim3A_2094] : memref<128x128xf32, #tpu.memory_space<vmem>>[vector<16xi32>, vector<16xi32>], vector<16xf32>,
      %gather3A_2104 = tpu.vector_load_idx %arg12[%add3A_2102, %broadcast_in_dim3A_2099] : memref<128x128xf32, #tpu.memory_space<vmem>>[vector<16xi32>, vector<16xi32>], vector<16xf32>,
      %mul3A_2105 = arith.mulf %gather3A_2103, %gather3A_2104 : vector<16xf32>
      %slice3A_2106 = vector.extract_strided_slice %get3A_1275 {offsets = [2], sizes = [1], strides = [1]} : vector<16xi32> to vector<1xi32>
      %squeeze3A_2107 = vector.extract %slice3A_2106[0] : i32 from vector<1xi32>
      %and3A_2108 = arith.constant 127 : i32
      %and3A_2109 = arith.andi %squeeze3A_2107, %and3A_2108 : i32
      %broadcast_in_dim3A_2110 = vector.broadcast %and3A_2109 : i32 to vector<16xi32>
      %slice3A_2111 = vector.extract_strided_slice %get3A_1279 {offsets = [2], sizes = [1], strides = [1]} : vector<16xi32> to vector<1xi32>
      %squeeze3A_2112 = vector.extract %slice3A_2111[0] : i32 from vector<1xi32>
      %and3A_2113 = arith.constant 127 : i32
      %and3A_2114 = arith.andi %squeeze3A_2112, %and3A_2113 : i32
      %broadcast_in_dim3A_2115 = vector.broadcast %and3A_2114 : i32 to vector<16xi32>
      %add3A_2116 = arith.constant 32 : i32
      %add3A_2117 = vector.broadcast %add3A_2116 : i32 to vector<16xi32>
      %add3A_2118 = arith.addi %add3A_2117, %iota3A : vector<16xi32>
      %gather3A_2119 = tpu.vector_load_idx %arg11[%add3A_2118, %broadcast_in_dim3A_2110] : memref<128x128xf32, #tpu.memory_space<vmem>>[vector<16xi32>, vector<16xi32>], vector<16xf32>,
      %gather3A_2120 = tpu.vector_load_idx %arg12[%add3A_2118, %broadcast_in_dim3A_2115] : memref<128x128xf32, #tpu.memory_space<vmem>>[vector<16xi32>, vector<16xi32>], vector<16xf32>,
      %mul3A_2121 = arith.mulf %gather3A_2119, %gather3A_2120 : vector<16xf32>
      %slice3A_2122 = vector.extract_strided_slice %get3A_1275 {offsets = [3], sizes = [1], strides = [1]} : vector<16xi32> to vector<1xi32>
      %squeeze3A_2123 = vector.extract %slice3A_2122[0] : i32 from vector<1xi32>
      %and3A_2124 = arith.constant 127 : i32
      %and3A_2125 = arith.andi %squeeze3A_2123, %and3A_2124 : i32
      %broadcast_in_dim3A_2126 = vector.broadcast %and3A_2125 : i32 to vector<16xi32>
      %slice3A_2127 = vector.extract_strided_slice %get3A_1279 {offsets = [3], sizes = [1], strides = [1]} : vector<16xi32> to vector<1xi32>
      %squeeze3A_2128 = vector.extract %slice3A_2127[0] : i32 from vector<1xi32>
      %and3A_2129 = arith.constant 127 : i32
      %and3A_2130 = arith.andi %squeeze3A_2128, %and3A_2129 : i32
      %broadcast_in_dim3A_2131 = vector.broadcast %and3A_2130 : i32 to vector<16xi32>
      %add3A_2132 = arith.constant 48 : i32
      %add3A_2133 = vector.broadcast %add3A_2132 : i32 to vector<16xi32>
      %add3A_2134 = arith.addi %add3A_2133, %iota3A : vector<16xi32>
      %gather3A_2135 = tpu.vector_load_idx %arg11[%add3A_2134, %broadcast_in_dim3A_2126] : memref<128x128xf32, #tpu.memory_space<vmem>>[vector<16xi32>, vector<16xi32>], vector<16xf32>,
      %gather3A_2136 = tpu.vector_load_idx %arg12[%add3A_2134, %broadcast_in_dim3A_2131] : memref<128x128xf32, #tpu.memory_space<vmem>>[vector<16xi32>, vector<16xi32>], vector<16xf32>,
      %mul3A_2137 = arith.mulf %gather3A_2135, %gather3A_2136 : vector<16xf32>
      %slice3A_2138 = vector.extract_strided_slice %get3A_1275 {offsets = [4], sizes = [1], strides = [1]} : vector<16xi32> to vector<1xi32>
      %squeeze3A_2139 = vector.extract %slice3A_2138[0] : i32 from vector<1xi32>
      %and3A_2140 = arith.constant 127 : i32
      %and3A_2141 = arith.andi %squeeze3A_2139, %and3A_2140 : i32
      %broadcast_in_dim3A_2142 = vector.broadcast %and3A_2141 : i32 to vector<16xi32>
      %slice3A_2143 = vector.extract_strided_slice %get3A_1279 {offsets = [4], sizes = [1], strides = [1]} : vector<16xi32> to vector<1xi32>
      %squeeze3A_2144 = vector.extract %slice3A_2143[0] : i32 from vector<1xi32>
      %and3A_2145 = arith.constant 127 : i32
      %and3A_2146 = arith.andi %squeeze3A_2144, %and3A_2145 : i32
      %broadcast_in_dim3A_2147 = vector.broadcast %and3A_2146 : i32 to vector<16xi32>
      %add3A_2148 = arith.constant 64 : i32
      %add3A_2149 = vector.broadcast %add3A_2148 : i32 to vector<16xi32>
      %add3A_2150 = arith.addi %add3A_2149, %iota3A : vector<16xi32>
      %gather3A_2151 = tpu.vector_load_idx %arg11[%add3A_2150, %broadcast_in_dim3A_2142] : memref<128x128xf32, #tpu.memory_space<vmem>>[vector<16xi32>, vector<16xi32>], vector<16xf32>,
      %gather3A_2152 = tpu.vector_load_idx %arg12[%add3A_2150, %broadcast_in_dim3A_2147] : memref<128x128xf32, #tpu.memory_space<vmem>>[vector<16xi32>, vector<16xi32>], vector<16xf32>,
      %mul3A_2153 = arith.mulf %gather3A_2151, %gather3A_2152 : vector<16xf32>
      %slice3A_2154 = vector.extract_strided_slice %get3A_1275 {offsets = [5], sizes = [1], strides = [1]} : vector<16xi32> to vector<1xi32>
      %squeeze3A_2155 = vector.extract %slice3A_2154[0] : i32 from vector<1xi32>
      %and3A_2156 = arith.constant 127 : i32
      %and3A_2157 = arith.andi %squeeze3A_2155, %and3A_2156 : i32
      %broadcast_in_dim3A_2158 = vector.broadcast %and3A_2157 : i32 to vector<16xi32>
      %slice3A_2159 = vector.extract_strided_slice %get3A_1279 {offsets = [5], sizes = [1], strides = [1]} : vector<16xi32> to vector<1xi32>
      %squeeze3A_2160 = vector.extract %slice3A_2159[0] : i32 from vector<1xi32>
      %and3A_2161 = arith.constant 127 : i32
      %and3A_2162 = arith.andi %squeeze3A_2160, %and3A_2161 : i32
      %broadcast_in_dim3A_2163 = vector.broadcast %and3A_2162 : i32 to vector<16xi32>
      %add3A_2164 = arith.constant 80 : i32
      %add3A_2165 = vector.broadcast %add3A_2164 : i32 to vector<16xi32>
      %add3A_2166 = arith.addi %add3A_2165, %iota3A : vector<16xi32>
      %gather3A_2167 = tpu.vector_load_idx %arg11[%add3A_2166, %broadcast_in_dim3A_2158] : memref<128x128xf32, #tpu.memory_space<vmem>>[vector<16xi32>, vector<16xi32>], vector<16xf32>,
      %gather3A_2168 = tpu.vector_load_idx %arg12[%add3A_2166, %broadcast_in_dim3A_2163] : memref<128x128xf32, #tpu.memory_space<vmem>>[vector<16xi32>, vector<16xi32>], vector<16xf32>,
      %mul3A_2169 = arith.mulf %gather3A_2167, %gather3A_2168 : vector<16xf32>
      %slice3A_2170 = vector.extract_strided_slice %get3A_1275 {offsets = [6], sizes = [1], strides = [1]} : vector<16xi32> to vector<1xi32>
      %squeeze3A_2171 = vector.extract %slice3A_2170[0] : i32 from vector<1xi32>
      %and3A_2172 = arith.constant 127 : i32
      %and3A_2173 = arith.andi %squeeze3A_2171, %and3A_2172 : i32
      %broadcast_in_dim3A_2174 = vector.broadcast %and3A_2173 : i32 to vector<16xi32>
      %slice3A_2175 = vector.extract_strided_slice %get3A_1279 {offsets = [6], sizes = [1], strides = [1]} : vector<16xi32> to vector<1xi32>
      %squeeze3A_2176 = vector.extract %slice3A_2175[0] : i32 from vector<1xi32>
      %and3A_2177 = arith.constant 127 : i32
      %and3A_2178 = arith.andi %squeeze3A_2176, %and3A_2177 : i32
      %broadcast_in_dim3A_2179 = vector.broadcast %and3A_2178 : i32 to vector<16xi32>
      %add3A_2180 = arith.constant 96 : i32
      %add3A_2181 = vector.broadcast %add3A_2180 : i32 to vector<16xi32>
      %add3A_2182 = arith.addi %add3A_2181, %iota3A : vector<16xi32>
      %gather3A_2183 = tpu.vector_load_idx %arg11[%add3A_2182, %broadcast_in_dim3A_2174] : memref<128x128xf32, #tpu.memory_space<vmem>>[vector<16xi32>, vector<16xi32>], vector<16xf32>,
      %gather3A_2184 = tpu.vector_load_idx %arg12[%add3A_2182, %broadcast_in_dim3A_2179] : memref<128x128xf32, #tpu.memory_space<vmem>>[vector<16xi32>, vector<16xi32>], vector<16xf32>,
      %mul3A_2185 = arith.mulf %gather3A_2183, %gather3A_2184 : vector<16xf32>
      %slice3A_2186 = vector.extract_strided_slice %get3A_1275 {offsets = [7], sizes = [1], strides = [1]} : vector<16xi32> to vector<1xi32>
      %squeeze3A_2187 = vector.extract %slice3A_2186[0] : i32 from vector<1xi32>
      %and3A_2188 = arith.constant 127 : i32
      %and3A_2189 = arith.andi %squeeze3A_2187, %and3A_2188 : i32
      %broadcast_in_dim3A_2190 = vector.broadcast %and3A_2189 : i32 to vector<16xi32>
      %slice3A_2191 = vector.extract_strided_slice %get3A_1279 {offsets = [7], sizes = [1], strides = [1]} : vector<16xi32> to vector<1xi32>
      %squeeze3A_2192 = vector.extract %slice3A_2191[0] : i32 from vector<1xi32>
      %and3A_2193 = arith.constant 127 : i32
      %and3A_2194 = arith.andi %squeeze3A_2192, %and3A_2193 : i32
      %broadcast_in_dim3A_2195 = vector.broadcast %and3A_2194 : i32 to vector<16xi32>
      %add3A_2196 = arith.constant 112 : i32
      %add3A_2197 = vector.broadcast %add3A_2196 : i32 to vector<16xi32>
      %add3A_2198 = arith.addi %add3A_2197, %iota3A : vector<16xi32>
      %gather3A_2199 = tpu.vector_load_idx %arg11[%add3A_2198, %broadcast_in_dim3A_2190] : memref<128x128xf32, #tpu.memory_space<vmem>>[vector<16xi32>, vector<16xi32>], vector<16xf32>,
      %gather3A_2200 = tpu.vector_load_idx %arg12[%add3A_2198, %broadcast_in_dim3A_2195] : memref<128x128xf32, #tpu.memory_space<vmem>>[vector<16xi32>, vector<16xi32>], vector<16xf32>,
      %mul3A_2201 = arith.mulf %gather3A_2199, %gather3A_2200 : vector<16xf32>
      %slice3A_2202 = vector.extract_strided_slice %get3A_1285 {offsets = [0], sizes = [1], strides = [1]} : vector<16xi32> to vector<1xi32>
      %squeeze3A_2203 = vector.extract %slice3A_2202[0] : i32 from vector<1xi32>
      %shift_right_arithmetic3A_2204 = arith.constant 7 : i32
      %shift_right_arithmetic3A_2205 = arith.shrsi %squeeze3A_2203, %shift_right_arithmetic3A_2204 : i32
      %mul3A_2206 = arith.constant 128 : i32
      %mul3A_2207 = arith.muli %shift_right_arithmetic3A_2205, %mul3A_2206 : i32
      %multiple_of3A_2208 = tpu.assume_multiple %mul3A_2207, 128 : i32
      %slice3A_2209 = vector.extract_strided_slice %get3A_1289 {offsets = [0], sizes = [1], strides = [1]} : vector<16xi32> to vector<1xi32>
      %squeeze3A_2210 = vector.extract %slice3A_2209[0] : i32 from vector<1xi32>
      %shift_right_arithmetic3A_2211 = arith.constant 7 : i32
      %shift_right_arithmetic3A_2212 = arith.shrsi %squeeze3A_2210, %shift_right_arithmetic3A_2211 : i32
      %mul3A_2213 = arith.constant 128 : i32
      %mul3A_2214 = arith.muli %shift_right_arithmetic3A_2212, %mul3A_2213 : i32
      %multiple_of3A_2215 = tpu.assume_multiple %mul3A_2214, 128 : i32
      %dma_start3A_2216 = arith.constant 0 : i32
      %dma_start3A_2217 = arith.constant 0 : i32
      %dma_start3A_2218 = tpu.memref_slice %arg11[%dma_start3A_2216, %dma_start3A_2217] : memref<128x128xf32, #tpu.memory_space<vmem>> -> memref<16x128xf32, #tpu.memory_space<vmem>>
      %dma_start3A_2219 = arith.constant 16 : i32
      %dma_start3A_2220 = tpu.memref_slice %arg4[%dma_start3A_2219, %multiple_of3A_2208] : memref<32x1000000xf32, #tpu.memory_space<hbm>> -> memref<16x128xf32, #tpu.memory_space<hbm>>
      %dma_start3A_2221 = arith.constant 0 : i32
      %dma_start3A_2222 = arith.constant 0 : i32
      %dma_start3A_2223 = tpu.memref_slice %arg11[%dma_start3A_2221, %dma_start3A_2222] : memref<128x128xf32, #tpu.memory_space<vmem>> -> memref<16x128xf32, #tpu.memory_space<vmem>>
      %dma_start3A_2224 = arith.constant 16 : i32
      %dma_start3A_2225 = tpu.memref_slice %arg4[%dma_start3A_2224, %multiple_of3A_2208] : memref<32x1000000xf32, #tpu.memory_space<hbm>> -> memref<16x128xf32, #tpu.memory_space<hbm>>
      tpu.enqueue_dma source(%dma_start3A_2225 : memref<16x128xf32, #tpu.memory_space<hbm>>) target(%dma_start3A_2223 : memref<16x128xf32, #tpu.memory_space<vmem>>) target_semaphore(%arg15 : memref<!tpu.dma_semaphore, #tpu.memory_space<semaphore_mem>>)
      %dma_start3A_2226 = arith.constant 0 : i32
      %dma_start3A_2227 = arith.constant 0 : i32
      %dma_start3A_2228 = tpu.memref_slice %arg12[%dma_start3A_2226, %dma_start3A_2227] : memref<128x128xf32, #tpu.memory_space<vmem>> -> memref<16x128xf32, #tpu.memory_space<vmem>>
      %dma_start3A_2229 = arith.constant 16 : i32
      %dma_start3A_2230 = tpu.memref_slice %arg5[%dma_start3A_2229, %multiple_of3A_2215] : memref<32x1000000xf32, #tpu.memory_space<hbm>> -> memref<16x128xf32, #tpu.memory_space<hbm>>
      %dma_start3A_2231 = arith.constant 0 : i32
      %dma_start3A_2232 = arith.constant 0 : i32
      %dma_start3A_2233 = tpu.memref_slice %arg12[%dma_start3A_2231, %dma_start3A_2232] : memref<128x128xf32, #tpu.memory_space<vmem>> -> memref<16x128xf32, #tpu.memory_space<vmem>>
      %dma_start3A_2234 = arith.constant 16 : i32
      %dma_start3A_2235 = tpu.memref_slice %arg5[%dma_start3A_2234, %multiple_of3A_2215] : memref<32x1000000xf32, #tpu.memory_space<hbm>> -> memref<16x128xf32, #tpu.memory_space<hbm>>
      tpu.enqueue_dma source(%dma_start3A_2235 : memref<16x128xf32, #tpu.memory_space<hbm>>) target(%dma_start3A_2233 : memref<16x128xf32, #tpu.memory_space<vmem>>) target_semaphore(%arg15 : memref<!tpu.dma_semaphore, #tpu.memory_space<semaphore_mem>>)
      %slice3A_2236 = vector.extract_strided_slice %get3A_1285 {offsets = [1], sizes = [1], strides = [1]} : vector<16xi32> to vector<1xi32>
      %squeeze3A_2237 = vector.extract %slice3A_2236[0] : i32 from vector<1xi32>
      %shift_right_arithmetic3A_2238 = arith.constant 7 : i32
      %shift_right_arithmetic3A_2239 = arith.shrsi %squeeze3A_2237, %shift_right_arithmetic3A_2238 : i32
      %mul3A_2240 = arith.constant 128 : i32
      %mul3A_2241 = arith.muli %shift_right_arithmetic3A_2239, %mul3A_2240 : i32
      %multiple_of3A_2242 = tpu.assume_multiple %mul3A_2241, 128 : i32
      %slice3A_2243 = vector.extract_strided_slice %get3A_1289 {offsets = [1], sizes = [1], strides = [1]} : vector<16xi32> to vector<1xi32>
      %squeeze3A_2244 = vector.extract %slice3A_2243[0] : i32 from vector<1xi32>
      %shift_right_arithmetic3A_2245 = arith.constant 7 : i32
      %shift_right_arithmetic3A_2246 = arith.shrsi %squeeze3A_2244, %shift_right_arithmetic3A_2245 : i32
      %mul3A_2247 = arith.constant 128 : i32
      %mul3A_2248 = arith.muli %shift_right_arithmetic3A_2246, %mul3A_2247 : i32
      %multiple_of3A_2249 = tpu.assume_multiple %mul3A_2248, 128 : i32
      %dma_start3A_2250 = arith.constant 16 : i32
      %dma_start3A_2251 = arith.constant 0 : i32
      %dma_start3A_2252 = tpu.memref_slice %arg11[%dma_start3A_2250, %dma_start3A_2251] : memref<128x128xf32, #tpu.memory_space<vmem>> -> memref<16x128xf32, #tpu.memory_space<vmem>>
      %dma_start3A_2253 = arith.constant 16 : i32
      %dma_start3A_2254 = tpu.memref_slice %arg4[%dma_start3A_2253, %multiple_of3A_2242] : memref<32x1000000xf32, #tpu.memory_space<hbm>> -> memref<16x128xf32, #tpu.memory_space<hbm>>
      %dma_start3A_2255 = arith.constant 16 : i32
      %dma_start3A_2256 = arith.constant 0 : i32
      %dma_start3A_2257 = tpu.memref_slice %arg11[%dma_start3A_2255, %dma_start3A_2256] : memref<128x128xf32, #tpu.memory_space<vmem>> -> memref<16x128xf32, #tpu.memory_space<vmem>>
      %dma_start3A_2258 = arith.constant 16 : i32
      %dma_start3A_2259 = tpu.memref_slice %arg4[%dma_start3A_2258, %multiple_of3A_2242] : memref<32x1000000xf32, #tpu.memory_space<hbm>> -> memref<16x128xf32, #tpu.memory_space<hbm>>
      tpu.enqueue_dma source(%dma_start3A_2259 : memref<16x128xf32, #tpu.memory_space<hbm>>) target(%dma_start3A_2257 : memref<16x128xf32, #tpu.memory_space<vmem>>) target_semaphore(%arg15 : memref<!tpu.dma_semaphore, #tpu.memory_space<semaphore_mem>>)
      %dma_start3A_2260 = arith.constant 16 : i32
      %dma_start3A_2261 = arith.constant 0 : i32
      %dma_start3A_2262 = tpu.memref_slice %arg12[%dma_start3A_2260, %dma_start3A_2261] : memref<128x128xf32, #tpu.memory_space<vmem>> -> memref<16x128xf32, #tpu.memory_space<vmem>>
      %dma_start3A_2263 = arith.constant 16 : i32
      %dma_start3A_2264 = tpu.memref_slice %arg5[%dma_start3A_2263, %multiple_of3A_2249] : memref<32x1000000xf32, #tpu.memory_space<hbm>> -> memref<16x128xf32, #tpu.memory_space<hbm>>
      %dma_start3A_2265 = arith.constant 16 : i32
      %dma_start3A_2266 = arith.constant 0 : i32
      %dma_start3A_2267 = tpu.memref_slice %arg12[%dma_start3A_2265, %dma_start3A_2266] : memref<128x128xf32, #tpu.memory_space<vmem>> -> memref<16x128xf32, #tpu.memory_space<vmem>>
      %dma_start3A_2268 = arith.constant 16 : i32
      %dma_start3A_2269 = tpu.memref_slice %arg5[%dma_start3A_2268, %multiple_of3A_2249] : memref<32x1000000xf32, #tpu.memory_space<hbm>> -> memref<16x128xf32, #tpu.memory_space<hbm>>
      tpu.enqueue_dma source(%dma_start3A_2269 : memref<16x128xf32, #tpu.memory_space<hbm>>) target(%dma_start3A_2267 : memref<16x128xf32, #tpu.memory_space<vmem>>) target_semaphore(%arg15 : memref<!tpu.dma_semaphore, #tpu.memory_space<semaphore_mem>>)
      %slice3A_2270 = vector.extract_strided_slice %get3A_1285 {offsets = [2], sizes = [1], strides = [1]} : vector<16xi32> to vector<1xi32>
      %squeeze3A_2271 = vector.extract %slice3A_2270[0] : i32 from vector<1xi32>
      %shift_right_arithmetic3A_2272 = arith.constant 7 : i32
      %shift_right_arithmetic3A_2273 = arith.shrsi %squeeze3A_2271, %shift_right_arithmetic3A_2272 : i32
      %mul3A_2274 = arith.constant 128 : i32
      %mul3A_2275 = arith.muli %shift_right_arithmetic3A_2273, %mul3A_2274 : i32
      %multiple_of3A_2276 = tpu.assume_multiple %mul3A_2275, 128 : i32
      %slice3A_2277 = vector.extract_strided_slice %get3A_1289 {offsets = [2], sizes = [1], strides = [1]} : vector<16xi32> to vector<1xi32>
      %squeeze3A_2278 = vector.extract %slice3A_2277[0] : i32 from vector<1xi32>
      %shift_right_arithmetic3A_2279 = arith.constant 7 : i32
      %shift_right_arithmetic3A_2280 = arith.shrsi %squeeze3A_2278, %shift_right_arithmetic3A_2279 : i32
      %mul3A_2281 = arith.constant 128 : i32
      %mul3A_2282 = arith.muli %shift_right_arithmetic3A_2280, %mul3A_2281 : i32
      %multiple_of3A_2283 = tpu.assume_multiple %mul3A_2282, 128 : i32
      %dma_start3A_2284 = arith.constant 32 : i32
      %dma_start3A_2285 = arith.constant 0 : i32
      %dma_start3A_2286 = tpu.memref_slice %arg11[%dma_start3A_2284, %dma_start3A_2285] : memref<128x128xf32, #tpu.memory_space<vmem>> -> memref<16x128xf32, #tpu.memory_space<vmem>>
      %dma_start3A_2287 = arith.constant 16 : i32
      %dma_start3A_2288 = tpu.memref_slice %arg4[%dma_start3A_2287, %multiple_of3A_2276] : memref<32x1000000xf32, #tpu.memory_space<hbm>> -> memref<16x128xf32, #tpu.memory_space<hbm>>
      %dma_start3A_2289 = arith.constant 32 : i32
      %dma_start3A_2290 = arith.constant 0 : i32
      %dma_start3A_2291 = tpu.memref_slice %arg11[%dma_start3A_2289, %dma_start3A_2290] : memref<128x128xf32, #tpu.memory_space<vmem>> -> memref<16x128xf32, #tpu.memory_space<vmem>>
      %dma_start3A_2292 = arith.constant 16 : i32
      %dma_start3A_2293 = tpu.memref_slice %arg4[%dma_start3A_2292, %multiple_of3A_2276] : memref<32x1000000xf32, #tpu.memory_space<hbm>> -> memref<16x128xf32, #tpu.memory_space<hbm>>
      tpu.enqueue_dma source(%dma_start3A_2293 : memref<16x128xf32, #tpu.memory_space<hbm>>) target(%dma_start3A_2291 : memref<16x128xf32, #tpu.memory_space<vmem>>) target_semaphore(%arg15 : memref<!tpu.dma_semaphore, #tpu.memory_space<semaphore_mem>>)
      %dma_start3A_2294 = arith.constant 32 : i32
      %dma_start3A_2295 = arith.constant 0 : i32
      %dma_start3A_2296 = tpu.memref_slice %arg12[%dma_start3A_2294, %dma_start3A_2295] : memref<128x128xf32, #tpu.memory_space<vmem>> -> memref<16x128xf32, #tpu.memory_space<vmem>>
      %dma_start3A_2297 = arith.constant 16 : i32
      %dma_start3A_2298 = tpu.memref_slice %arg5[%dma_start3A_2297, %multiple_of3A_2283] : memref<32x1000000xf32, #tpu.memory_space<hbm>> -> memref<16x128xf32, #tpu.memory_space<hbm>>
      %dma_start3A_2299 = arith.constant 32 : i32
      %dma_start3A_2300 = arith.constant 0 : i32
      %dma_start3A_2301 = tpu.memref_slice %arg12[%dma_start3A_2299, %dma_start3A_2300] : memref<128x128xf32, #tpu.memory_space<vmem>> -> memref<16x128xf32, #tpu.memory_space<vmem>>
      %dma_start3A_2302 = arith.constant 16 : i32
      %dma_start3A_2303 = tpu.memref_slice %arg5[%dma_start3A_2302, %multiple_of3A_2283] : memref<32x1000000xf32, #tpu.memory_space<hbm>> -> memref<16x128xf32, #tpu.memory_space<hbm>>
      tpu.enqueue_dma source(%dma_start3A_2303 : memref<16x128xf32, #tpu.memory_space<hbm>>) target(%dma_start3A_2301 : memref<16x128xf32, #tpu.memory_space<vmem>>) target_semaphore(%arg15 : memref<!tpu.dma_semaphore, #tpu.memory_space<semaphore_mem>>)
      %slice3A_2304 = vector.extract_strided_slice %get3A_1285 {offsets = [3], sizes = [1], strides = [1]} : vector<16xi32> to vector<1xi32>
      %squeeze3A_2305 = vector.extract %slice3A_2304[0] : i32 from vector<1xi32>
      %shift_right_arithmetic3A_2306 = arith.constant 7 : i32
      %shift_right_arithmetic3A_2307 = arith.shrsi %squeeze3A_2305, %shift_right_arithmetic3A_2306 : i32
      %mul3A_2308 = arith.constant 128 : i32
      %mul3A_2309 = arith.muli %shift_right_arithmetic3A_2307, %mul3A_2308 : i32
      %multiple_of3A_2310 = tpu.assume_multiple %mul3A_2309, 128 : i32
      %slice3A_2311 = vector.extract_strided_slice %get3A_1289 {offsets = [3], sizes = [1], strides = [1]} : vector<16xi32> to vector<1xi32>
      %squeeze3A_2312 = vector.extract %slice3A_2311[0] : i32 from vector<1xi32>
      %shift_right_arithmetic3A_2313 = arith.constant 7 : i32
      %shift_right_arithmetic3A_2314 = arith.shrsi %squeeze3A_2312, %shift_right_arithmetic3A_2313 : i32
      %mul3A_2315 = arith.constant 128 : i32
      %mul3A_2316 = arith.muli %shift_right_arithmetic3A_2314, %mul3A_2315 : i32
      %multiple_of3A_2317 = tpu.assume_multiple %mul3A_2316, 128 : i32
      %dma_start3A_2318 = arith.constant 48 : i32
      %dma_start3A_2319 = arith.constant 0 : i32
      %dma_start3A_2320 = tpu.memref_slice %arg11[%dma_start3A_2318, %dma_start3A_2319] : memref<128x128xf32, #tpu.memory_space<vmem>> -> memref<16x128xf32, #tpu.memory_space<vmem>>
      %dma_start3A_2321 = arith.constant 16 : i32
      %dma_start3A_2322 = tpu.memref_slice %arg4[%dma_start3A_2321, %multiple_of3A_2310] : memref<32x1000000xf32, #tpu.memory_space<hbm>> -> memref<16x128xf32, #tpu.memory_space<hbm>>
      %dma_start3A_2323 = arith.constant 48 : i32
      %dma_start3A_2324 = arith.constant 0 : i32
      %dma_start3A_2325 = tpu.memref_slice %arg11[%dma_start3A_2323, %dma_start3A_2324] : memref<128x128xf32, #tpu.memory_space<vmem>> -> memref<16x128xf32, #tpu.memory_space<vmem>>
      %dma_start3A_2326 = arith.constant 16 : i32
      %dma_start3A_2327 = tpu.memref_slice %arg4[%dma_start3A_2326, %multiple_of3A_2310] : memref<32x1000000xf32, #tpu.memory_space<hbm>> -> memref<16x128xf32, #tpu.memory_space<hbm>>
      tpu.enqueue_dma source(%dma_start3A_2327 : memref<16x128xf32, #tpu.memory_space<hbm>>) target(%dma_start3A_2325 : memref<16x128xf32, #tpu.memory_space<vmem>>) target_semaphore(%arg15 : memref<!tpu.dma_semaphore, #tpu.memory_space<semaphore_mem>>)
      %dma_start3A_2328 = arith.constant 48 : i32
      %dma_start3A_2329 = arith.constant 0 : i32
      %dma_start3A_2330 = tpu.memref_slice %arg12[%dma_start3A_2328, %dma_start3A_2329] : memref<128x128xf32, #tpu.memory_space<vmem>> -> memref<16x128xf32, #tpu.memory_space<vmem>>
      %dma_start3A_2331 = arith.constant 16 : i32
      %dma_start3A_2332 = tpu.memref_slice %arg5[%dma_start3A_2331, %multiple_of3A_2317] : memref<32x1000000xf32, #tpu.memory_space<hbm>> -> memref<16x128xf32, #tpu.memory_space<hbm>>
      %dma_start3A_2333 = arith.constant 48 : i32
      %dma_start3A_2334 = arith.constant 0 : i32
      %dma_start3A_2335 = tpu.memref_slice %arg12[%dma_start3A_2333, %dma_start3A_2334] : memref<128x128xf32, #tpu.memory_space<vmem>> -> memref<16x128xf32, #tpu.memory_space<vmem>>
      %dma_start3A_2336 = arith.constant 16 : i32
      %dma_start3A_2337 = tpu.memref_slice %arg5[%dma_start3A_2336, %multiple_of3A_2317] : memref<32x1000000xf32, #tpu.memory_space<hbm>> -> memref<16x128xf32, #tpu.memory_space<hbm>>
      tpu.enqueue_dma source(%dma_start3A_2337 : memref<16x128xf32, #tpu.memory_space<hbm>>) target(%dma_start3A_2335 : memref<16x128xf32, #tpu.memory_space<vmem>>) target_semaphore(%arg15 : memref<!tpu.dma_semaphore, #tpu.memory_space<semaphore_mem>>)
      %slice3A_2338 = vector.extract_strided_slice %get3A_1285 {offsets = [4], sizes = [1], strides = [1]} : vector<16xi32> to vector<1xi32>
      %squeeze3A_2339 = vector.extract %slice3A_2338[0] : i32 from vector<1xi32>
      %shift_right_arithmetic3A_2340 = arith.constant 7 : i32
      %shift_right_arithmetic3A_2341 = arith.shrsi %squeeze3A_2339, %shift_right_arithmetic3A_2340 : i32
      %mul3A_2342 = arith.constant 128 : i32
      %mul3A_2343 = arith.muli %shift_right_arithmetic3A_2341, %mul3A_2342 : i32
      %multiple_of3A_2344 = tpu.assume_multiple %mul3A_2343, 128 : i32
      %slice3A_2345 = vector.extract_strided_slice %get3A_1289 {offsets = [4], sizes = [1], strides = [1]} : vector<16xi32> to vector<1xi32>
      %squeeze3A_2346 = vector.extract %slice3A_2345[0] : i32 from vector<1xi32>
      %shift_right_arithmetic3A_2347 = arith.constant 7 : i32
      %shift_right_arithmetic3A_2348 = arith.shrsi %squeeze3A_2346, %shift_right_arithmetic3A_2347 : i32
      %mul3A_2349 = arith.constant 128 : i32
      %mul3A_2350 = arith.muli %shift_right_arithmetic3A_2348, %mul3A_2349 : i32
      %multiple_of3A_2351 = tpu.assume_multiple %mul3A_2350, 128 : i32
      %dma_start3A_2352 = arith.constant 64 : i32
      %dma_start3A_2353 = arith.constant 0 : i32
      %dma_start3A_2354 = tpu.memref_slice %arg11[%dma_start3A_2352, %dma_start3A_2353] : memref<128x128xf32, #tpu.memory_space<vmem>> -> memref<16x128xf32, #tpu.memory_space<vmem>>
      %dma_start3A_2355 = arith.constant 16 : i32
      %dma_start3A_2356 = tpu.memref_slice %arg4[%dma_start3A_2355, %multiple_of3A_2344] : memref<32x1000000xf32, #tpu.memory_space<hbm>> -> memref<16x128xf32, #tpu.memory_space<hbm>>
      %dma_start3A_2357 = arith.constant 64 : i32
      %dma_start3A_2358 = arith.constant 0 : i32
      %dma_start3A_2359 = tpu.memref_slice %arg11[%dma_start3A_2357, %dma_start3A_2358] : memref<128x128xf32, #tpu.memory_space<vmem>> -> memref<16x128xf32, #tpu.memory_space<vmem>>
      %dma_start3A_2360 = arith.constant 16 : i32
      %dma_start3A_2361 = tpu.memref_slice %arg4[%dma_start3A_2360, %multiple_of3A_2344] : memref<32x1000000xf32, #tpu.memory_space<hbm>> -> memref<16x128xf32, #tpu.memory_space<hbm>>
      tpu.enqueue_dma source(%dma_start3A_2361 : memref<16x128xf32, #tpu.memory_space<hbm>>) target(%dma_start3A_2359 : memref<16x128xf32, #tpu.memory_space<vmem>>) target_semaphore(%arg15 : memref<!tpu.dma_semaphore, #tpu.memory_space<semaphore_mem>>)
      %dma_start3A_2362 = arith.constant 64 : i32
      %dma_start3A_2363 = arith.constant 0 : i32
      %dma_start3A_2364 = tpu.memref_slice %arg12[%dma_start3A_2362, %dma_start3A_2363] : memref<128x128xf32, #tpu.memory_space<vmem>> -> memref<16x128xf32, #tpu.memory_space<vmem>>
      %dma_start3A_2365 = arith.constant 16 : i32
      %dma_start3A_2366 = tpu.memref_slice %arg5[%dma_start3A_2365, %multiple_of3A_2351] : memref<32x1000000xf32, #tpu.memory_space<hbm>> -> memref<16x128xf32, #tpu.memory_space<hbm>>
      %dma_start3A_2367 = arith.constant 64 : i32
      %dma_start3A_2368 = arith.constant 0 : i32
      %dma_start3A_2369 = tpu.memref_slice %arg12[%dma_start3A_2367, %dma_start3A_2368] : memref<128x128xf32, #tpu.memory_space<vmem>> -> memref<16x128xf32, #tpu.memory_space<vmem>>
      %dma_start3A_2370 = arith.constant 16 : i32
      %dma_start3A_2371 = tpu.memref_slice %arg5[%dma_start3A_2370, %multiple_of3A_2351] : memref<32x1000000xf32, #tpu.memory_space<hbm>> -> memref<16x128xf32, #tpu.memory_space<hbm>>
      tpu.enqueue_dma source(%dma_start3A_2371 : memref<16x128xf32, #tpu.memory_space<hbm>>) target(%dma_start3A_2369 : memref<16x128xf32, #tpu.memory_space<vmem>>) target_semaphore(%arg15 : memref<!tpu.dma_semaphore, #tpu.memory_space<semaphore_mem>>)
      %slice3A_2372 = vector.extract_strided_slice %get3A_1285 {offsets = [5], sizes = [1], strides = [1]} : vector<16xi32> to vector<1xi32>
      %squeeze3A_2373 = vector.extract %slice3A_2372[0] : i32 from vector<1xi32>
      %shift_right_arithmetic3A_2374 = arith.constant 7 : i32
      %shift_right_arithmetic3A_2375 = arith.shrsi %squeeze3A_2373, %shift_right_arithmetic3A_2374 : i32
      %mul3A_2376 = arith.constant 128 : i32
      %mul3A_2377 = arith.muli %shift_right_arithmetic3A_2375, %mul3A_2376 : i32
      %multiple_of3A_2378 = tpu.assume_multiple %mul3A_2377, 128 : i32
      %slice3A_2379 = vector.extract_strided_slice %get3A_1289 {offsets = [5], sizes = [1], strides = [1]} : vector<16xi32> to vector<1xi32>
      %squeeze3A_2380 = vector.extract %slice3A_2379[0] : i32 from vector<1xi32>
      %shift_right_arithmetic3A_2381 = arith.constant 7 : i32
      %shift_right_arithmetic3A_2382 = arith.shrsi %squeeze3A_2380, %shift_right_arithmetic3A_2381 : i32
      %mul3A_2383 = arith.constant 128 : i32
      %mul3A_2384 = arith.muli %shift_right_arithmetic3A_2382, %mul3A_2383 : i32
      %multiple_of3A_2385 = tpu.assume_multiple %mul3A_2384, 128 : i32
      %dma_start3A_2386 = arith.constant 80 : i32
      %dma_start3A_2387 = arith.constant 0 : i32
      %dma_start3A_2388 = tpu.memref_slice %arg11[%dma_start3A_2386, %dma_start3A_2387] : memref<128x128xf32, #tpu.memory_space<vmem>> -> memref<16x128xf32, #tpu.memory_space<vmem>>
      %dma_start3A_2389 = arith.constant 16 : i32
      %dma_start3A_2390 = tpu.memref_slice %arg4[%dma_start3A_2389, %multiple_of3A_2378] : memref<32x1000000xf32, #tpu.memory_space<hbm>> -> memref<16x128xf32, #tpu.memory_space<hbm>>
      %dma_start3A_2391 = arith.constant 80 : i32
      %dma_start3A_2392 = arith.constant 0 : i32
      %dma_start3A_2393 = tpu.memref_slice %arg11[%dma_start3A_2391, %dma_start3A_2392] : memref<128x128xf32, #tpu.memory_space<vmem>> -> memref<16x128xf32, #tpu.memory_space<vmem>>
      %dma_start3A_2394 = arith.constant 16 : i32
      %dma_start3A_2395 = tpu.memref_slice %arg4[%dma_start3A_2394, %multiple_of3A_2378] : memref<32x1000000xf32, #tpu.memory_space<hbm>> -> memref<16x128xf32, #tpu.memory_space<hbm>>
      tpu.enqueue_dma source(%dma_start3A_2395 : memref<16x128xf32, #tpu.memory_space<hbm>>) target(%dma_start3A_2393 : memref<16x128xf32, #tpu.memory_space<vmem>>) target_semaphore(%arg15 : memref<!tpu.dma_semaphore, #tpu.memory_space<semaphore_mem>>)
      %dma_start3A_2396 = arith.constant 80 : i32
      %dma_start3A_2397 = arith.constant 0 : i32
      %dma_start3A_2398 = tpu.memref_slice %arg12[%dma_start3A_2396, %dma_start3A_2397] : memref<128x128xf32, #tpu.memory_space<vmem>> -> memref<16x128xf32, #tpu.memory_space<vmem>>
      %dma_start3A_2399 = arith.constant 16 : i32
      %dma_start3A_2400 = tpu.memref_slice %arg5[%dma_start3A_2399, %multiple_of3A_2385] : memref<32x1000000xf32, #tpu.memory_space<hbm>> -> memref<16x128xf32, #tpu.memory_space<hbm>>
      %dma_start3A_2401 = arith.constant 80 : i32
      %dma_start3A_2402 = arith.constant 0 : i32
      %dma_start3A_2403 = tpu.memref_slice %arg12[%dma_start3A_2401, %dma_start3A_2402] : memref<128x128xf32, #tpu.memory_space<vmem>> -> memref<16x128xf32, #tpu.memory_space<vmem>>
      %dma_start3A_2404 = arith.constant 16 : i32
      %dma_start3A_2405 = tpu.memref_slice %arg5[%dma_start3A_2404, %multiple_of3A_2385] : memref<32x1000000xf32, #tpu.memory_space<hbm>> -> memref<16x128xf32, #tpu.memory_space<hbm>>
      tpu.enqueue_dma source(%dma_start3A_2405 : memref<16x128xf32, #tpu.memory_space<hbm>>) target(%dma_start3A_2403 : memref<16x128xf32, #tpu.memory_space<vmem>>) target_semaphore(%arg15 : memref<!tpu.dma_semaphore, #tpu.memory_space<semaphore_mem>>)
      %slice3A_2406 = vector.extract_strided_slice %get3A_1285 {offsets = [6], sizes = [1], strides = [1]} : vector<16xi32> to vector<1xi32>
      %squeeze3A_2407 = vector.extract %slice3A_2406[0] : i32 from vector<1xi32>
      %shift_right_arithmetic3A_2408 = arith.constant 7 : i32
      %shift_right_arithmetic3A_2409 = arith.shrsi %squeeze3A_2407, %shift_right_arithmetic3A_2408 : i32
      %mul3A_2410 = arith.constant 128 : i32
      %mul3A_2411 = arith.muli %shift_right_arithmetic3A_2409, %mul3A_2410 : i32
      %multiple_of3A_2412 = tpu.assume_multiple %mul3A_2411, 128 : i32
      %slice3A_2413 = vector.extract_strided_slice %get3A_1289 {offsets = [6], sizes = [1], strides = [1]} : vector<16xi32> to vector<1xi32>
      %squeeze3A_2414 = vector.extract %slice3A_2413[0] : i32 from vector<1xi32>
      %shift_right_arithmetic3A_2415 = arith.constant 7 : i32
      %shift_right_arithmetic3A_2416 = arith.shrsi %squeeze3A_2414, %shift_right_arithmetic3A_2415 : i32
      %mul3A_2417 = arith.constant 128 : i32
      %mul3A_2418 = arith.muli %shift_right_arithmetic3A_2416, %mul3A_2417 : i32
      %multiple_of3A_2419 = tpu.assume_multiple %mul3A_2418, 128 : i32
      %dma_start3A_2420 = arith.constant 96 : i32
      %dma_start3A_2421 = arith.constant 0 : i32
      %dma_start3A_2422 = tpu.memref_slice %arg11[%dma_start3A_2420, %dma_start3A_2421] : memref<128x128xf32, #tpu.memory_space<vmem>> -> memref<16x128xf32, #tpu.memory_space<vmem>>
      %dma_start3A_2423 = arith.constant 16 : i32
      %dma_start3A_2424 = tpu.memref_slice %arg4[%dma_start3A_2423, %multiple_of3A_2412] : memref<32x1000000xf32, #tpu.memory_space<hbm>> -> memref<16x128xf32, #tpu.memory_space<hbm>>
      %dma_start3A_2425 = arith.constant 96 : i32
      %dma_start3A_2426 = arith.constant 0 : i32
      %dma_start3A_2427 = tpu.memref_slice %arg11[%dma_start3A_2425, %dma_start3A_2426] : memref<128x128xf32, #tpu.memory_space<vmem>> -> memref<16x128xf32, #tpu.memory_space<vmem>>
      %dma_start3A_2428 = arith.constant 16 : i32
      %dma_start3A_2429 = tpu.memref_slice %arg4[%dma_start3A_2428, %multiple_of3A_2412] : memref<32x1000000xf32, #tpu.memory_space<hbm>> -> memref<16x128xf32, #tpu.memory_space<hbm>>
      tpu.enqueue_dma source(%dma_start3A_2429 : memref<16x128xf32, #tpu.memory_space<hbm>>) target(%dma_start3A_2427 : memref<16x128xf32, #tpu.memory_space<vmem>>) target_semaphore(%arg15 : memref<!tpu.dma_semaphore, #tpu.memory_space<semaphore_mem>>)
      %dma_start3A_2430 = arith.constant 96 : i32
      %dma_start3A_2431 = arith.constant 0 : i32
      %dma_start3A_2432 = tpu.memref_slice %arg12[%dma_start3A_2430, %dma_start3A_2431] : memref<128x128xf32, #tpu.memory_space<vmem>> -> memref<16x128xf32, #tpu.memory_space<vmem>>
      %dma_start3A_2433 = arith.constant 16 : i32
      %dma_start3A_2434 = tpu.memref_slice %arg5[%dma_start3A_2433, %multiple_of3A_2419] : memref<32x1000000xf32, #tpu.memory_space<hbm>> -> memref<16x128xf32, #tpu.memory_space<hbm>>
      %dma_start3A_2435 = arith.constant 96 : i32
      %dma_start3A_2436 = arith.constant 0 : i32
      %dma_start3A_2437 = tpu.memref_slice %arg12[%dma_start3A_2435, %dma_start3A_2436] : memref<128x128xf32, #tpu.memory_space<vmem>> -> memref<16x128xf32, #tpu.memory_space<vmem>>
      %dma_start3A_2438 = arith.constant 16 : i32
      %dma_start3A_2439 = tpu.memref_slice %arg5[%dma_start3A_2438, %multiple_of3A_2419] : memref<32x1000000xf32, #tpu.memory_space<hbm>> -> memref<16x128xf32, #tpu.memory_space<hbm>>
      tpu.enqueue_dma source(%dma_start3A_2439 : memref<16x128xf32, #tpu.memory_space<hbm>>) target(%dma_start3A_2437 : memref<16x128xf32, #tpu.memory_space<vmem>>) target_semaphore(%arg15 : memref<!tpu.dma_semaphore, #tpu.memory_space<semaphore_mem>>)
      %slice3A_2440 = vector.extract_strided_slice %get3A_1285 {offsets = [7], sizes = [1], strides = [1]} : vector<16xi32> to vector<1xi32>
      %squeeze3A_2441 = vector.extract %slice3A_2440[0] : i32 from vector<1xi32>
      %shift_right_arithmetic3A_2442 = arith.constant 7 : i32
      %shift_right_arithmetic3A_2443 = arith.shrsi %squeeze3A_2441, %shift_right_arithmetic3A_2442 : i32
      %mul3A_2444 = arith.constant 128 : i32
      %mul3A_2445 = arith.muli %shift_right_arithmetic3A_2443, %mul3A_2444 : i32
      %multiple_of3A_2446 = tpu.assume_multiple %mul3A_2445, 128 : i32
      %slice3A_2447 = vector.extract_strided_slice %get3A_1289 {offsets = [7], sizes = [1], strides = [1]} : vector<16xi32> to vector<1xi32>
      %squeeze3A_2448 = vector.extract %slice3A_2447[0] : i32 from vector<1xi32>
      %shift_right_arithmetic3A_2449 = arith.constant 7 : i32
      %shift_right_arithmetic3A_2450 = arith.shrsi %squeeze3A_2448, %shift_right_arithmetic3A_2449 : i32
      %mul3A_2451 = arith.constant 128 : i32
      %mul3A_2452 = arith.muli %shift_right_arithmetic3A_2450, %mul3A_2451 : i32
      %multiple_of3A_2453 = tpu.assume_multiple %mul3A_2452, 128 : i32
      %dma_start3A_2454 = arith.constant 112 : i32
      %dma_start3A_2455 = arith.constant 0 : i32
      %dma_start3A_2456 = tpu.memref_slice %arg11[%dma_start3A_2454, %dma_start3A_2455] : memref<128x128xf32, #tpu.memory_space<vmem>> -> memref<16x128xf32, #tpu.memory_space<vmem>>
      %dma_start3A_2457 = arith.constant 16 : i32
      %dma_start3A_2458 = tpu.memref_slice %arg4[%dma_start3A_2457, %multiple_of3A_2446] : memref<32x1000000xf32, #tpu.memory_space<hbm>> -> memref<16x128xf32, #tpu.memory_space<hbm>>
      %dma_start3A_2459 = arith.constant 112 : i32
      %dma_start3A_2460 = arith.constant 0 : i32
      %dma_start3A_2461 = tpu.memref_slice %arg11[%dma_start3A_2459, %dma_start3A_2460] : memref<128x128xf32, #tpu.memory_space<vmem>> -> memref<16x128xf32, #tpu.memory_space<vmem>>
      %dma_start3A_2462 = arith.constant 16 : i32
      %dma_start3A_2463 = tpu.memref_slice %arg4[%dma_start3A_2462, %multiple_of3A_2446] : memref<32x1000000xf32, #tpu.memory_space<hbm>> -> memref<16x128xf32, #tpu.memory_space<hbm>>
      tpu.enqueue_dma source(%dma_start3A_2463 : memref<16x128xf32, #tpu.memory_space<hbm>>) target(%dma_start3A_2461 : memref<16x128xf32, #tpu.memory_space<vmem>>) target_semaphore(%arg15 : memref<!tpu.dma_semaphore, #tpu.memory_space<semaphore_mem>>)
      %dma_start3A_2464 = arith.constant 112 : i32
      %dma_start3A_2465 = arith.constant 0 : i32
      %dma_start3A_2466 = tpu.memref_slice %arg12[%dma_start3A_2464, %dma_start3A_2465] : memref<128x128xf32, #tpu.memory_space<vmem>> -> memref<16x128xf32, #tpu.memory_space<vmem>>
      %dma_start3A_2467 = arith.constant 16 : i32
      %dma_start3A_2468 = tpu.memref_slice %arg5[%dma_start3A_2467, %multiple_of3A_2453] : memref<32x1000000xf32, #tpu.memory_space<hbm>> -> memref<16x128xf32, #tpu.memory_space<hbm>>
      %dma_start3A_2469 = arith.constant 112 : i32
      %dma_start3A_2470 = arith.constant 0 : i32
      %dma_start3A_2471 = tpu.memref_slice %arg12[%dma_start3A_2469, %dma_start3A_2470] : memref<128x128xf32, #tpu.memory_space<vmem>> -> memref<16x128xf32, #tpu.memory_space<vmem>>
      %dma_start3A_2472 = arith.constant 16 : i32
      %dma_start3A_2473 = tpu.memref_slice %arg5[%dma_start3A_2472, %multiple_of3A_2453] : memref<32x1000000xf32, #tpu.memory_space<hbm>> -> memref<16x128xf32, #tpu.memory_space<hbm>>
      tpu.enqueue_dma source(%dma_start3A_2473 : memref<16x128xf32, #tpu.memory_space<hbm>>) target(%dma_start3A_2471 : memref<16x128xf32, #tpu.memory_space<vmem>>) target_semaphore(%arg15 : memref<!tpu.dma_semaphore, #tpu.memory_space<semaphore_mem>>)
      %jit3A = arith.constant 2 : i32
      %eq3A_2474 = arith.constant 0 : i32
      %eq3A_2475 = arith.cmpi eq, %jit3A, %eq3A_2474 : i32
      %jit3A_2476 = arith.constant 1 : i32
      %select_n3A_2477 = arith.select %eq3A_2475, %jit3A_2476, %jit3A : i32
      %rem3A = arith.remsi %scan3A_1270, %select_n3A_2477 : i32
      %ne3A = arith.constant 0 : i32
      %ne3A_2478 = arith.cmpi ne, %rem3A, %ne3A : i32
      %lt3A = arith.constant 0 : i32
      %lt3A_2479 = arith.cmpi slt, %rem3A, %lt3A : i32
      %lt3A_2480 = arith.constant 0 : i32
      %lt3A_2481 = arith.cmpi slt, %select_n3A_2477, %lt3A_2480 : i32
      %ne3A_2482 = arith.xori %lt3A_2479, %lt3A_2481 : i1
      %and3A_2483 = arith.andi %ne3A_2482, %ne3A_2478 : i1
      %add3A_2484 = arith.addi %rem3A, %select_n3A_2477 : i32
      %select_n3A_2485 = arith.select %and3A_2483, %add3A_2484, %rem3A : i32
      %mul3A_2486 = arith.constant 8 : i32
      %mul3A_2487 = arith.muli %select_n3A_2485, %mul3A_2486 : i32
      %add3A_2488 = arith.addf %mul3A_1497, %mul3A_2089 : vector<16xf32>
      %reduce_sum3A_2489 = arith.constant true
      %reduce_sum3A_2490 = vector.broadcast %reduce_sum3A_2489 : i1 to vector<16xi1>
      %reduce_sum3A_2491 = tpu.scan <sum>, %add3A_2488 masked %reduce_sum3A_2490 : vector<16xf32>, vector<16xi1> -> vector<16xf32>
      %reduce_sum3A_2492 = vector.extract %reduce_sum3A_2491[15] : f32 from vector<16xf32>
      %add3A_2493 = arith.constant 0 : i32
      %add3A_2494 = arith.addi %mul3A_2487, %add3A_2493 : i32
      %eq3A_2495 = vector.broadcast %add3A_2494 : i32 to vector<16xi32>
      %eq3A_2496 = arith.cmpi eq, %iota3A, %eq3A_2495 : vector<16xi32>
      %broadcast_in_dim3A_2497 = vector.broadcast %reduce_sum3A_2492 : f32 to vector<16xf32>
      %select_n3A_2498 = arith.select %eq3A_2496, %broadcast_in_dim3A_2497, %scan3A_1271 : vector<16xi1>, vector<16xf32>
      %add3A_2499 = arith.addf %mul3A_1513, %mul3A_2105 : vector<16xf32>
      %reduce_sum3A_2500 = arith.constant true
      %reduce_sum3A_2501 = vector.broadcast %reduce_sum3A_2500 : i1 to vector<16xi1>
      %reduce_sum3A_2502 = tpu.scan <sum>, %add3A_2499 masked %reduce_sum3A_2501 : vector<16xf32>, vector<16xi1> -> vector<16xf32>
      %reduce_sum3A_2503 = vector.extract %reduce_sum3A_2502[15] : f32 from vector<16xf32>
      %add3A_2504 = arith.constant 1 : i32
      %add3A_2505 = arith.addi %mul3A_2487, %add3A_2504 : i32
      %eq3A_2506 = vector.broadcast %add3A_2505 : i32 to vector<16xi32>
      %eq3A_2507 = arith.cmpi eq, %iota3A, %eq3A_2506 : vector<16xi32>
      %broadcast_in_dim3A_2508 = vector.broadcast %reduce_sum3A_2503 : f32 to vector<16xf32>
      %select_n3A_2509 = arith.select %eq3A_2507, %broadcast_in_dim3A_2508, %select_n3A_2498 : vector<16xi1>, vector<16xf32>
      %add3A_2510 = arith.addf %mul3A_1529, %mul3A_2121 : vector<16xf32>
      %reduce_sum3A_2511 = arith.constant true
      %reduce_sum3A_2512 = vector.broadcast %reduce_sum3A_2511 : i1 to vector<16xi1>
      %reduce_sum3A_2513 = tpu.scan <sum>, %add3A_2510 masked %reduce_sum3A_2512 : vector<16xf32>, vector<16xi1> -> vector<16xf32>
      %reduce_sum3A_2514 = vector.extract %reduce_sum3A_2513[15] : f32 from vector<16xf32>
      %add3A_2515 = arith.constant 2 : i32
      %add3A_2516 = arith.addi %mul3A_2487, %add3A_2515 : i32
      %eq3A_2517 = vector.broadcast %add3A_2516 : i32 to vector<16xi32>
      %eq3A_2518 = arith.cmpi eq, %iota3A, %eq3A_2517 : vector<16xi32>
      %broadcast_in_dim3A_2519 = vector.broadcast %reduce_sum3A_2514 : f32 to vector<16xf32>
      %select_n3A_2520 = arith.select %eq3A_2518, %broadcast_in_dim3A_2519, %select_n3A_2509 : vector<16xi1>, vector<16xf32>
      %add3A_2521 = arith.addf %mul3A_1545, %mul3A_2137 : vector<16xf32>
      %reduce_sum3A_2522 = arith.constant true
      %reduce_sum3A_2523 = vector.broadcast %reduce_sum3A_2522 : i1 to vector<16xi1>
      %reduce_sum3A_2524 = tpu.scan <sum>, %add3A_2521 masked %reduce_sum3A_2523 : vector<16xf32>, vector<16xi1> -> vector<16xf32>
      %reduce_sum3A_2525 = vector.extract %reduce_sum3A_2524[15] : f32 from vector<16xf32>
      %add3A_2526 = arith.constant 3 : i32
      %add3A_2527 = arith.addi %mul3A_2487, %add3A_2526 : i32
      %eq3A_2528 = vector.broadcast %add3A_2527 : i32 to vector<16xi32>
      %eq3A_2529 = arith.cmpi eq, %iota3A, %eq3A_2528 : vector<16xi32>
      %broadcast_in_dim3A_2530 = vector.broadcast %reduce_sum3A_2525 : f32 to vector<16xf32>
      %select_n3A_2531 = arith.select %eq3A_2529, %broadcast_in_dim3A_2530, %select_n3A_2520 : vector<16xi1>, vector<16xf32>
      %add3A_2532 = arith.addf %mul3A_1561, %mul3A_2153 : vector<16xf32>
      %reduce_sum3A_2533 = arith.constant true
      %reduce_sum3A_2534 = vector.broadcast %reduce_sum3A_2533 : i1 to vector<16xi1>
      %reduce_sum3A_2535 = tpu.scan <sum>, %add3A_2532 masked %reduce_sum3A_2534 : vector<16xf32>, vector<16xi1> -> vector<16xf32>
      %reduce_sum3A_2536 = vector.extract %reduce_sum3A_2535[15] : f32 from vector<16xf32>
      %add3A_2537 = arith.constant 4 : i32
      %add3A_2538 = arith.addi %mul3A_2487, %add3A_2537 : i32
      %eq3A_2539 = vector.broadcast %add3A_2538 : i32 to vector<16xi32>
      %eq3A_2540 = arith.cmpi eq, %iota3A, %eq3A_2539 : vector<16xi32>
      %broadcast_in_dim3A_2541 = vector.broadcast %reduce_sum3A_2536 : f32 to vector<16xf32>
      %select_n3A_2542 = arith.select %eq3A_2540, %broadcast_in_dim3A_2541, %select_n3A_2531 : vector<16xi1>, vector<16xf32>
      %add3A_2543 = arith.addf %mul3A_1577, %mul3A_2169 : vector<16xf32>
      %reduce_sum3A_2544 = arith.constant true
      %reduce_sum3A_2545 = vector.broadcast %reduce_sum3A_2544 : i1 to vector<16xi1>
      %reduce_sum3A_2546 = tpu.scan <sum>, %add3A_2543 masked %reduce_sum3A_2545 : vector<16xf32>, vector<16xi1> -> vector<16xf32>
      %reduce_sum3A_2547 = vector.extract %reduce_sum3A_2546[15] : f32 from vector<16xf32>
      %add3A_2548 = arith.constant 5 : i32
      %add3A_2549 = arith.addi %mul3A_2487, %add3A_2548 : i32
      %eq3A_2550 = vector.broadcast %add3A_2549 : i32 to vector<16xi32>
      %eq3A_2551 = arith.cmpi eq, %iota3A, %eq3A_2550 : vector<16xi32>
      %broadcast_in_dim3A_2552 = vector.broadcast %reduce_sum3A_2547 : f32 to vector<16xf32>
      %select_n3A_2553 = arith.select %eq3A_2551, %broadcast_in_dim3A_2552, %select_n3A_2542 : vector<16xi1>, vector<16xf32>
      %add3A_2554 = arith.addf %mul3A_1593, %mul3A_2185 : vector<16xf32>
      %reduce_sum3A_2555 = arith.constant true
      %reduce_sum3A_2556 = vector.broadcast %reduce_sum3A_2555 : i1 to vector<16xi1>
      %reduce_sum3A_2557 = tpu.scan <sum>, %add3A_2554 masked %reduce_sum3A_2556 : vector<16xf32>, vector<16xi1> -> vector<16xf32>
      %reduce_sum3A_2558 = vector.extract %reduce_sum3A_2557[15] : f32 from vector<16xf32>
      %add3A_2559 = arith.constant 6 : i32
      %add3A_2560 = arith.addi %mul3A_2487, %add3A_2559 : i32
      %eq3A_2561 = vector.broadcast %add3A_2560 : i32 to vector<16xi32>
      %eq3A_2562 = arith.cmpi eq, %iota3A, %eq3A_2561 : vector<16xi32>
      %broadcast_in_dim3A_2563 = vector.broadcast %reduce_sum3A_2558 : f32 to vector<16xf32>
      %select_n3A_2564 = arith.select %eq3A_2562, %broadcast_in_dim3A_2563, %select_n3A_2553 : vector<16xi1>, vector<16xf32>
      %add3A_2565 = arith.addf %mul3A_1609, %mul3A_2201 : vector<16xf32>
      %reduce_sum3A_2566 = arith.constant true
      %reduce_sum3A_2567 = vector.broadcast %reduce_sum3A_2566 : i1 to vector<16xi1>
      %reduce_sum3A_2568 = tpu.scan <sum>, %add3A_2565 masked %reduce_sum3A_2567 : vector<16xf32>, vector<16xi1> -> vector<16xf32>
      %reduce_sum3A_2569 = vector.extract %reduce_sum3A_2568[15] : f32 from vector<16xf32>
      %add3A_2570 = arith.constant 7 : i32
      %add3A_2571 = arith.addi %mul3A_2487, %add3A_2570 : i32
      %eq3A_2572 = vector.broadcast %add3A_2571 : i32 to vector<16xi32>
      %eq3A_2573 = arith.cmpi eq, %iota3A, %eq3A_2572 : vector<16xi32>
      %broadcast_in_dim3A_2574 = vector.broadcast %reduce_sum3A_2569 : f32 to vector<16xf32>
      %select_n3A_2575 = arith.select %eq3A_2573, %broadcast_in_dim3A_2574, %select_n3A_2564 : vector<16xi1>, vector<16xf32>
      %jit3A_2576 = arith.constant 2 : i32
      %eq3A_2577 = arith.constant 0 : i32
      %eq3A_2578 = arith.cmpi eq, %jit3A_2576, %eq3A_2577 : i32
      %jit3A_2579 = arith.constant 1 : i32
      %select_n3A_2580 = arith.select %eq3A_2578, %jit3A_2579, %jit3A_2576 : i32
      %rem3A_2581 = arith.remsi %scan3A_1270, %select_n3A_2580 : i32
      %ne3A_2582 = arith.constant 0 : i32
      %ne3A_2583 = arith.cmpi ne, %rem3A_2581, %ne3A_2582 : i32
      %lt3A_2584 = arith.constant 0 : i32
      %lt3A_2585 = arith.cmpi slt, %rem3A_2581, %lt3A_2584 : i32
      %lt3A_2586 = arith.constant 0 : i32
      %lt3A_2587 = arith.cmpi slt, %select_n3A_2580, %lt3A_2586 : i32
      %ne3A_2588 = arith.xori %lt3A_2585, %lt3A_2587 : i1
      %and3A_2589 = arith.andi %ne3A_2588, %ne3A_2583 : i1
      %add3A_2590 = arith.addi %rem3A_2581, %select_n3A_2580 : i32
      %select_n3A_2591 = arith.select %and3A_2589, %add3A_2590, %rem3A_2581 : i32
      %eq3A_2592 = arith.constant 1 : i32
      %eq3A_2593 = arith.cmpi eq, %select_n3A_2591, %eq3A_2592 : i32
      %convert_element_type3A = arith.extui %eq3A_2593 : i1 to i32
      %cond3A = arith.constant 0 : i32
      %cond3A_2594 = arith.cmpi ne, %convert_element_type3A, %cond3A : i32
      scf.if %cond3A_2594 {
        %sub3A = arith.constant 1 : i32
        %sub3A_2595 = arith.subi %scan3A_1270, %sub3A : i32
        %mul3A_2596 = arith.constant 8 : i32
        %mul3A_2597 = arith.muli %sub3A_2595, %mul3A_2596 : i32
        %swap3A_2598 = arith.index_cast %mul3A_2597 : i32 to index
        %swap3A_2599 = tpu.vector_load %arg13[%swap3A_2598] {strides = array<i32>} : memref<512xf32, #tpu.memory_space<vmem>>, vector<16xf32>,
        tpu.vector_store %arg13[%swap3A_2598], %select_n3A_2575 {strides = array<i32>} : memref<512xf32, #tpu.memory_space<vmem>>, vector<16xf32>,
      } else {
      }
      scf.yield %select_n3A_2575 : vector<16xf32>
    }
    %scan3A_550 = arith.constant 63 : i32
    %get3A_551 = arith.constant 504 : index
    %get3A_552 = tpu.vector_load %arg7[%get3A_551] {strides = array<i32>} : memref<528xi32, #tpu.memory_space<vmem>>, vector<16xi32>,
    %get3A_553 = arith.constant 504 : index
    %get3A_554 = tpu.vector_load %arg8[%get3A_553] {strides = array<i32>} : memref<528xi32, #tpu.memory_space<vmem>>, vector<16xi32>,
    %dma_wait3A = arith.constant 0 : i32
    %dma_wait3A_555 = arith.constant 0 : i32
    %dma_wait3A_556 = tpu.memref_slice %arg9[%dma_wait3A, %dma_wait3A_555] : memref<128x128xf32, #tpu.memory_space<vmem>> -> memref<16x128xf32, #tpu.memory_space<vmem>>
    %dma_wait3A_557 = arith.constant 0 : i32
    %dma_wait3A_558 = arith.constant 0 : i32
    %dma_wait3A_559 = tpu.memref_slice %arg4[%dma_wait3A_557, %dma_wait3A_558] : memref<32x1000000xf32, #tpu.memory_space<hbm>> -> memref<16x128xf32, #tpu.memory_space<hbm>>
    %dma_wait3A_560 = arith.constant 0 : i32
    %dma_wait3A_561 = arith.constant 0 : i32
    %dma_wait3A_562 = tpu.memref_slice %arg9[%dma_wait3A_560, %dma_wait3A_561] : memref<128x128xf32, #tpu.memory_space<vmem>> -> memref<16x128xf32, #tpu.memory_space<vmem>>
    %dma_wait3A_563 = arith.constant 0 : i32
    %dma_wait3A_564 = arith.constant 0 : i32
    %dma_wait3A_565 = tpu.memref_slice %arg4[%dma_wait3A_563, %dma_wait3A_564] : memref<32x1000000xf32, #tpu.memory_space<hbm>> -> memref<16x128xf32, #tpu.memory_space<hbm>>
    tpu.wait_dma2 semaphore(%arg14 : memref<!tpu.dma_semaphore, #tpu.memory_space<semaphore_mem>>) src(%dma_wait3A_565 : memref<16x128xf32, #tpu.memory_space<hbm>>) dst(%dma_wait3A_562 : memref<16x128xf32, #tpu.memory_space<vmem>>)
    %dma_wait3A_566 = arith.constant 0 : i32
    %dma_wait3A_567 = arith.constant 0 : i32
    %dma_wait3A_568 = tpu.memref_slice %arg9[%dma_wait3A_566, %dma_wait3A_567] : memref<128x128xf32, #tpu.memory_space<vmem>> -> memref<16x128xf32, #tpu.memory_space<vmem>>
    %dma_wait3A_569 = arith.constant 0 : i32
    %dma_wait3A_570 = arith.constant 0 : i32
    %dma_wait3A_571 = tpu.memref_slice %arg4[%dma_wait3A_569, %dma_wait3A_570] : memref<32x1000000xf32, #tpu.memory_space<hbm>> -> memref<16x128xf32, #tpu.memory_space<hbm>>
    %dma_wait3A_572 = arith.constant 0 : i32
    %dma_wait3A_573 = arith.constant 0 : i32
    %dma_wait3A_574 = tpu.memref_slice %arg9[%dma_wait3A_572, %dma_wait3A_573] : memref<128x128xf32, #tpu.memory_space<vmem>> -> memref<16x128xf32, #tpu.memory_space<vmem>>
    %dma_wait3A_575 = arith.constant 0 : i32
    %dma_wait3A_576 = arith.constant 0 : i32
    %dma_wait3A_577 = tpu.memref_slice %arg4[%dma_wait3A_575, %dma_wait3A_576] : memref<32x1000000xf32, #tpu.memory_space<hbm>> -> memref<16x128xf32, #tpu.memory_space<hbm>>
    tpu.wait_dma2 semaphore(%arg14 : memref<!tpu.dma_semaphore, #tpu.memory_space<semaphore_mem>>) src(%dma_wait3A_577 : memref<16x128xf32, #tpu.memory_space<hbm>>) dst(%dma_wait3A_574 : memref<16x128xf32, #tpu.memory_space<vmem>>)
    %dma_wait3A_578 = arith.constant 0 : i32
    %dma_wait3A_579 = arith.constant 0 : i32
    %dma_wait3A_580 = tpu.memref_slice %arg9[%dma_wait3A_578, %dma_wait3A_579] : memref<128x128xf32, #tpu.memory_space<vmem>> -> memref<16x128xf32, #tpu.memory_space<vmem>>
    %dma_wait3A_581 = arith.constant 0 : i32
    %dma_wait3A_582 = arith.constant 0 : i32
    %dma_wait3A_583 = tpu.memref_slice %arg4[%dma_wait3A_581, %dma_wait3A_582] : memref<32x1000000xf32, #tpu.memory_space<hbm>> -> memref<16x128xf32, #tpu.memory_space<hbm>>
    %dma_wait3A_584 = arith.constant 0 : i32
    %dma_wait3A_585 = arith.constant 0 : i32
    %dma_wait3A_586 = tpu.memref_slice %arg9[%dma_wait3A_584, %dma_wait3A_585] : memref<128x128xf32, #tpu.memory_space<vmem>> -> memref<16x128xf32, #tpu.memory_space<vmem>>
    %dma_wait3A_587 = arith.constant 0 : i32
    %dma_wait3A_588 = arith.constant 0 : i32
    %dma_wait3A_589 = tpu.memref_slice %arg4[%dma_wait3A_587, %dma_wait3A_588] : memref<32x1000000xf32, #tpu.memory_space<hbm>> -> memref<16x128xf32, #tpu.memory_space<hbm>>
    tpu.wait_dma2 semaphore(%arg14 : memref<!tpu.dma_semaphore, #tpu.memory_space<semaphore_mem>>) src(%dma_wait3A_589 : memref<16x128xf32, #tpu.memory_space<hbm>>) dst(%dma_wait3A_586 : memref<16x128xf32, #tpu.memory_space<vmem>>)
    %dma_wait3A_590 = arith.constant 0 : i32
    %dma_wait3A_591 = arith.constant 0 : i32
    %dma_wait3A_592 = tpu.memref_slice %arg9[%dma_wait3A_590, %dma_wait3A_591] : memref<128x128xf32, #tpu.memory_space<vmem>> -> memref<16x128xf32, #tpu.memory_space<vmem>>
    %dma_wait3A_593 = arith.constant 0 : i32
    %dma_wait3A_594 = arith.constant 0 : i32
    %dma_wait3A_595 = tpu.memref_slice %arg4[%dma_wait3A_593, %dma_wait3A_594] : memref<32x1000000xf32, #tpu.memory_space<hbm>> -> memref<16x128xf32, #tpu.memory_space<hbm>>
    %dma_wait3A_596 = arith.constant 0 : i32
    %dma_wait3A_597 = arith.constant 0 : i32
    %dma_wait3A_598 = tpu.memref_slice %arg9[%dma_wait3A_596, %dma_wait3A_597] : memref<128x128xf32, #tpu.memory_space<vmem>> -> memref<16x128xf32, #tpu.memory_space<vmem>>
    %dma_wait3A_599 = arith.constant 0 : i32
    %dma_wait3A_600 = arith.constant 0 : i32
    %dma_wait3A_601 = tpu.memref_slice %arg4[%dma_wait3A_599, %dma_wait3A_600] : memref<32x1000000xf32, #tpu.memory_space<hbm>> -> memref<16x128xf32, #tpu.memory_space<hbm>>
    tpu.wait_dma2 semaphore(%arg14 : memref<!tpu.dma_semaphore, #tpu.memory_space<semaphore_mem>>) src(%dma_wait3A_601 : memref<16x128xf32, #tpu.memory_space<hbm>>) dst(%dma_wait3A_598 : memref<16x128xf32, #tpu.memory_space<vmem>>)
    %dma_wait3A_602 = arith.constant 0 : i32
    %dma_wait3A_603 = arith.constant 0 : i32
    %dma_wait3A_604 = tpu.memref_slice %arg9[%dma_wait3A_602, %dma_wait3A_603] : memref<128x128xf32, #tpu.memory_space<vmem>> -> memref<16x128xf32, #tpu.memory_space<vmem>>
    %dma_wait3A_605 = arith.constant 0 : i32
    %dma_wait3A_606 = arith.constant 0 : i32
    %dma_wait3A_607 = tpu.memref_slice %arg4[%dma_wait3A_605, %dma_wait3A_606] : memref<32x1000000xf32, #tpu.memory_space<hbm>> -> memref<16x128xf32, #tpu.memory_space<hbm>>
    %dma_wait3A_608 = arith.constant 0 : i32
    %dma_wait3A_609 = arith.constant 0 : i32
    %dma_wait3A_610 = tpu.memref_slice %arg9[%dma_wait3A_608, %dma_wait3A_609] : memref<128x128xf32, #tpu.memory_space<vmem>> -> memref<16x128xf32, #tpu.memory_space<vmem>>
    %dma_wait3A_611 = arith.constant 0 : i32
    %dma_wait3A_612 = arith.constant 0 : i32
    %dma_wait3A_613 = tpu.memref_slice %arg4[%dma_wait3A_611, %dma_wait3A_612] : memref<32x1000000xf32, #tpu.memory_space<hbm>> -> memref<16x128xf32, #tpu.memory_space<hbm>>
    tpu.wait_dma2 semaphore(%arg14 : memref<!tpu.dma_semaphore, #tpu.memory_space<semaphore_mem>>) src(%dma_wait3A_613 : memref<16x128xf32, #tpu.memory_space<hbm>>) dst(%dma_wait3A_610 : memref<16x128xf32, #tpu.memory_space<vmem>>)
    %dma_wait3A_614 = arith.constant 0 : i32
    %dma_wait3A_615 = arith.constant 0 : i32
    %dma_wait3A_616 = tpu.memref_slice %arg9[%dma_wait3A_614, %dma_wait3A_615] : memref<128x128xf32, #tpu.memory_space<vmem>> -> memref<16x128xf32, #tpu.memory_space<vmem>>
    %dma_wait3A_617 = arith.constant 0 : i32
    %dma_wait3A_618 = arith.constant 0 : i32
    %dma_wait3A_619 = tpu.memref_slice %arg4[%dma_wait3A_617, %dma_wait3A_618] : memref<32x1000000xf32, #tpu.memory_space<hbm>> -> memref<16x128xf32, #tpu.memory_space<hbm>>
    %dma_wait3A_620 = arith.constant 0 : i32
    %dma_wait3A_621 = arith.constant 0 : i32
    %dma_wait3A_622 = tpu.memref_slice %arg9[%dma_wait3A_620, %dma_wait3A_621] : memref<128x128xf32, #tpu.memory_space<vmem>> -> memref<16x128xf32, #tpu.memory_space<vmem>>
    %dma_wait3A_623 = arith.constant 0 : i32
    %dma_wait3A_624 = arith.constant 0 : i32
    %dma_wait3A_625 = tpu.memref_slice %arg4[%dma_wait3A_623, %dma_wait3A_624] : memref<32x1000000xf32, #tpu.memory_space<hbm>> -> memref<16x128xf32, #tpu.memory_space<hbm>>
    tpu.wait_dma2 semaphore(%arg14 : memref<!tpu.dma_semaphore, #tpu.memory_space<semaphore_mem>>) src(%dma_wait3A_625 : memref<16x128xf32, #tpu.memory_space<hbm>>) dst(%dma_wait3A_622 : memref<16x128xf32, #tpu.memory_space<vmem>>)
    %dma_wait3A_626 = arith.constant 0 : i32
    %dma_wait3A_627 = arith.constant 0 : i32
    %dma_wait3A_628 = tpu.memref_slice %arg9[%dma_wait3A_626, %dma_wait3A_627] : memref<128x128xf32, #tpu.memory_space<vmem>> -> memref<16x128xf32, #tpu.memory_space<vmem>>
    %dma_wait3A_629 = arith.constant 0 : i32
    %dma_wait3A_630 = arith.constant 0 : i32
    %dma_wait3A_631 = tpu.memref_slice %arg4[%dma_wait3A_629, %dma_wait3A_630] : memref<32x1000000xf32, #tpu.memory_space<hbm>> -> memref<16x128xf32, #tpu.memory_space<hbm>>
    %dma_wait3A_632 = arith.constant 0 : i32
    %dma_wait3A_633 = arith.constant 0 : i32
    %dma_wait3A_634 = tpu.memref_slice %arg9[%dma_wait3A_632, %dma_wait3A_633] : memref<128x128xf32, #tpu.memory_space<vmem>> -> memref<16x128xf32, #tpu.memory_space<vmem>>
    %dma_wait3A_635 = arith.constant 0 : i32
    %dma_wait3A_636 = arith.constant 0 : i32
    %dma_wait3A_637 = tpu.memref_slice %arg4[%dma_wait3A_635, %dma_wait3A_636] : memref<32x1000000xf32, #tpu.memory_space<hbm>> -> memref<16x128xf32, #tpu.memory_space<hbm>>
    tpu.wait_dma2 semaphore(%arg14 : memref<!tpu.dma_semaphore, #tpu.memory_space<semaphore_mem>>) src(%dma_wait3A_637 : memref<16x128xf32, #tpu.memory_space<hbm>>) dst(%dma_wait3A_634 : memref<16x128xf32, #tpu.memory_space<vmem>>)
    %dma_wait3A_638 = arith.constant 0 : i32
    %dma_wait3A_639 = arith.constant 0 : i32
    %dma_wait3A_640 = tpu.memref_slice %arg9[%dma_wait3A_638, %dma_wait3A_639] : memref<128x128xf32, #tpu.memory_space<vmem>> -> memref<16x128xf32, #tpu.memory_space<vmem>>
    %dma_wait3A_641 = arith.constant 0 : i32
    %dma_wait3A_642 = arith.constant 0 : i32
    %dma_wait3A_643 = tpu.memref_slice %arg4[%dma_wait3A_641, %dma_wait3A_642] : memref<32x1000000xf32, #tpu.memory_space<hbm>> -> memref<16x128xf32, #tpu.memory_space<hbm>>
    %dma_wait3A_644 = arith.constant 0 : i32
    %dma_wait3A_645 = arith.constant 0 : i32
    %dma_wait3A_646 = tpu.memref_slice %arg9[%dma_wait3A_644, %dma_wait3A_645] : memref<128x128xf32, #tpu.memory_space<vmem>> -> memref<16x128xf32, #tpu.memory_space<vmem>>
    %dma_wait3A_647 = arith.constant 0 : i32
    %dma_wait3A_648 = arith.constant 0 : i32
    %dma_wait3A_649 = tpu.memref_slice %arg4[%dma_wait3A_647, %dma_wait3A_648] : memref<32x1000000xf32, #tpu.memory_space<hbm>> -> memref<16x128xf32, #tpu.memory_space<hbm>>
    tpu.wait_dma2 semaphore(%arg14 : memref<!tpu.dma_semaphore, #tpu.memory_space<semaphore_mem>>) src(%dma_wait3A_649 : memref<16x128xf32, #tpu.memory_space<hbm>>) dst(%dma_wait3A_646 : memref<16x128xf32, #tpu.memory_space<vmem>>)
    %dma_wait3A_650 = arith.constant 0 : i32
    %dma_wait3A_651 = arith.constant 0 : i32
    %dma_wait3A_652 = tpu.memref_slice %arg9[%dma_wait3A_650, %dma_wait3A_651] : memref<128x128xf32, #tpu.memory_space<vmem>> -> memref<16x128xf32, #tpu.memory_space<vmem>>
    %dma_wait3A_653 = arith.constant 0 : i32
    %dma_wait3A_654 = arith.constant 0 : i32
    %dma_wait3A_655 = tpu.memref_slice %arg4[%dma_wait3A_653, %dma_wait3A_654] : memref<32x1000000xf32, #tpu.memory_space<hbm>> -> memref<16x128xf32, #tpu.memory_space<hbm>>
    %dma_wait3A_656 = arith.constant 0 : i32
    %dma_wait3A_657 = arith.constant 0 : i32
    %dma_wait3A_658 = tpu.memref_slice %arg9[%dma_wait3A_656, %dma_wait3A_657] : memref<128x128xf32, #tpu.memory_space<vmem>> -> memref<16x128xf32, #tpu.memory_space<vmem>>
    %dma_wait3A_659 = arith.constant 0 : i32
    %dma_wait3A_660 = arith.constant 0 : i32
    %dma_wait3A_661 = tpu.memref_slice %arg4[%dma_wait3A_659, %dma_wait3A_660] : memref<32x1000000xf32, #tpu.memory_space<hbm>> -> memref<16x128xf32, #tpu.memory_space<hbm>>
    tpu.wait_dma2 semaphore(%arg14 : memref<!tpu.dma_semaphore, #tpu.memory_space<semaphore_mem>>) src(%dma_wait3A_661 : memref<16x128xf32, #tpu.memory_space<hbm>>) dst(%dma_wait3A_658 : memref<16x128xf32, #tpu.memory_space<vmem>>)
    %dma_wait3A_662 = arith.constant 0 : i32
    %dma_wait3A_663 = arith.constant 0 : i32
    %dma_wait3A_664 = tpu.memref_slice %arg9[%dma_wait3A_662, %dma_wait3A_663] : memref<128x128xf32, #tpu.memory_space<vmem>> -> memref<16x128xf32, #tpu.memory_space<vmem>>
    %dma_wait3A_665 = arith.constant 0 : i32
    %dma_wait3A_666 = arith.constant 0 : i32
    %dma_wait3A_667 = tpu.memref_slice %arg4[%dma_wait3A_665, %dma_wait3A_666] : memref<32x1000000xf32, #tpu.memory_space<hbm>> -> memref<16x128xf32, #tpu.memory_space<hbm>>
    %dma_wait3A_668 = arith.constant 0 : i32
    %dma_wait3A_669 = arith.constant 0 : i32
    %dma_wait3A_670 = tpu.memref_slice %arg9[%dma_wait3A_668, %dma_wait3A_669] : memref<128x128xf32, #tpu.memory_space<vmem>> -> memref<16x128xf32, #tpu.memory_space<vmem>>
    %dma_wait3A_671 = arith.constant 0 : i32
    %dma_wait3A_672 = arith.constant 0 : i32
    %dma_wait3A_673 = tpu.memref_slice %arg4[%dma_wait3A_671, %dma_wait3A_672] : memref<32x1000000xf32, #tpu.memory_space<hbm>> -> memref<16x128xf32, #tpu.memory_space<hbm>>
    tpu.wait_dma2 semaphore(%arg14 : memref<!tpu.dma_semaphore, #tpu.memory_space<semaphore_mem>>) src(%dma_wait3A_673 : memref<16x128xf32, #tpu.memory_space<hbm>>) dst(%dma_wait3A_670 : memref<16x128xf32, #tpu.memory_space<vmem>>)
    %dma_wait3A_674 = arith.constant 0 : i32
    %dma_wait3A_675 = arith.constant 0 : i32
    %dma_wait3A_676 = tpu.memref_slice %arg9[%dma_wait3A_674, %dma_wait3A_675] : memref<128x128xf32, #tpu.memory_space<vmem>> -> memref<16x128xf32, #tpu.memory_space<vmem>>
    %dma_wait3A_677 = arith.constant 0 : i32
    %dma_wait3A_678 = arith.constant 0 : i32
    %dma_wait3A_679 = tpu.memref_slice %arg4[%dma_wait3A_677, %dma_wait3A_678] : memref<32x1000000xf32, #tpu.memory_space<hbm>> -> memref<16x128xf32, #tpu.memory_space<hbm>>
    %dma_wait3A_680 = arith.constant 0 : i32
    %dma_wait3A_681 = arith.constant 0 : i32
    %dma_wait3A_682 = tpu.memref_slice %arg9[%dma_wait3A_680, %dma_wait3A_681] : memref<128x128xf32, #tpu.memory_space<vmem>> -> memref<16x128xf32, #tpu.memory_space<vmem>>
    %dma_wait3A_683 = arith.constant 0 : i32
    %dma_wait3A_684 = arith.constant 0 : i32
    %dma_wait3A_685 = tpu.memref_slice %arg4[%dma_wait3A_683, %dma_wait3A_684] : memref<32x1000000xf32, #tpu.memory_space<hbm>> -> memref<16x128xf32, #tpu.memory_space<hbm>>
    tpu.wait_dma2 semaphore(%arg14 : memref<!tpu.dma_semaphore, #tpu.memory_space<semaphore_mem>>) src(%dma_wait3A_685 : memref<16x128xf32, #tpu.memory_space<hbm>>) dst(%dma_wait3A_682 : memref<16x128xf32, #tpu.memory_space<vmem>>)
    %dma_wait3A_686 = arith.constant 0 : i32
    %dma_wait3A_687 = arith.constant 0 : i32
    %dma_wait3A_688 = tpu.memref_slice %arg9[%dma_wait3A_686, %dma_wait3A_687] : memref<128x128xf32, #tpu.memory_space<vmem>> -> memref<16x128xf32, #tpu.memory_space<vmem>>
    %dma_wait3A_689 = arith.constant 0 : i32
    %dma_wait3A_690 = arith.constant 0 : i32
    %dma_wait3A_691 = tpu.memref_slice %arg4[%dma_wait3A_689, %dma_wait3A_690] : memref<32x1000000xf32, #tpu.memory_space<hbm>> -> memref<16x128xf32, #tpu.memory_space<hbm>>
    %dma_wait3A_692 = arith.constant 0 : i32
    %dma_wait3A_693 = arith.constant 0 : i32
    %dma_wait3A_694 = tpu.memref_slice %arg9[%dma_wait3A_692, %dma_wait3A_693] : memref<128x128xf32, #tpu.memory_space<vmem>> -> memref<16x128xf32, #tpu.memory_space<vmem>>
    %dma_wait3A_695 = arith.constant 0 : i32
    %dma_wait3A_696 = arith.constant 0 : i32
    %dma_wait3A_697 = tpu.memref_slice %arg4[%dma_wait3A_695, %dma_wait3A_696] : memref<32x1000000xf32, #tpu.memory_space<hbm>> -> memref<16x128xf32, #tpu.memory_space<hbm>>
    tpu.wait_dma2 semaphore(%arg14 : memref<!tpu.dma_semaphore, #tpu.memory_space<semaphore_mem>>) src(%dma_wait3A_697 : memref<16x128xf32, #tpu.memory_space<hbm>>) dst(%dma_wait3A_694 : memref<16x128xf32, #tpu.memory_space<vmem>>)
    %dma_wait3A_698 = arith.constant 0 : i32
    %dma_wait3A_699 = arith.constant 0 : i32
    %dma_wait3A_700 = tpu.memref_slice %arg9[%dma_wait3A_698, %dma_wait3A_699] : memref<128x128xf32, #tpu.memory_space<vmem>> -> memref<16x128xf32, #tpu.memory_space<vmem>>
    %dma_wait3A_701 = arith.constant 0 : i32
    %dma_wait3A_702 = arith.constant 0 : i32
    %dma_wait3A_703 = tpu.memref_slice %arg4[%dma_wait3A_701, %dma_wait3A_702] : memref<32x1000000xf32, #tpu.memory_space<hbm>> -> memref<16x128xf32, #tpu.memory_space<hbm>>
    %dma_wait3A_704 = arith.constant 0 : i32
    %dma_wait3A_705 = arith.constant 0 : i32
    %dma_wait3A_706 = tpu.memref_slice %arg9[%dma_wait3A_704, %dma_wait3A_705] : memref<128x128xf32, #tpu.memory_space<vmem>> -> memref<16x128xf32, #tpu.memory_space<vmem>>
    %dma_wait3A_707 = arith.constant 0 : i32
    %dma_wait3A_708 = arith.constant 0 : i32
    %dma_wait3A_709 = tpu.memref_slice %arg4[%dma_wait3A_707, %dma_wait3A_708] : memref<32x1000000xf32, #tpu.memory_space<hbm>> -> memref<16x128xf32, #tpu.memory_space<hbm>>
    tpu.wait_dma2 semaphore(%arg14 : memref<!tpu.dma_semaphore, #tpu.memory_space<semaphore_mem>>) src(%dma_wait3A_709 : memref<16x128xf32, #tpu.memory_space<hbm>>) dst(%dma_wait3A_706 : memref<16x128xf32, #tpu.memory_space<vmem>>)
    %dma_wait3A_710 = arith.constant 0 : i32
    %dma_wait3A_711 = arith.constant 0 : i32
    %dma_wait3A_712 = tpu.memref_slice %arg9[%dma_wait3A_710, %dma_wait3A_711] : memref<128x128xf32, #tpu.memory_space<vmem>> -> memref<16x128xf32, #tpu.memory_space<vmem>>
    %dma_wait3A_713 = arith.constant 0 : i32
    %dma_wait3A_714 = arith.constant 0 : i32
    %dma_wait3A_715 = tpu.memref_slice %arg4[%dma_wait3A_713, %dma_wait3A_714] : memref<32x1000000xf32, #tpu.memory_space<hbm>> -> memref<16x128xf32, #tpu.memory_space<hbm>>
    %dma_wait3A_716 = arith.constant 0 : i32
    %dma_wait3A_717 = arith.constant 0 : i32
    %dma_wait3A_718 = tpu.memref_slice %arg9[%dma_wait3A_716, %dma_wait3A_717] : memref<128x128xf32, #tpu.memory_space<vmem>> -> memref<16x128xf32, #tpu.memory_space<vmem>>
    %dma_wait3A_719 = arith.constant 0 : i32
    %dma_wait3A_720 = arith.constant 0 : i32
    %dma_wait3A_721 = tpu.memref_slice %arg4[%dma_wait3A_719, %dma_wait3A_720] : memref<32x1000000xf32, #tpu.memory_space<hbm>> -> memref<16x128xf32, #tpu.memory_space<hbm>>
    tpu.wait_dma2 semaphore(%arg14 : memref<!tpu.dma_semaphore, #tpu.memory_space<semaphore_mem>>) src(%dma_wait3A_721 : memref<16x128xf32, #tpu.memory_space<hbm>>) dst(%dma_wait3A_718 : memref<16x128xf32, #tpu.memory_space<vmem>>)
    %dma_wait3A_722 = arith.constant 0 : i32
    %dma_wait3A_723 = arith.constant 0 : i32
    %dma_wait3A_724 = tpu.memref_slice %arg9[%dma_wait3A_722, %dma_wait3A_723] : memref<128x128xf32, #tpu.memory_space<vmem>> -> memref<16x128xf32, #tpu.memory_space<vmem>>
    %dma_wait3A_725 = arith.constant 0 : i32
    %dma_wait3A_726 = arith.constant 0 : i32
    %dma_wait3A_727 = tpu.memref_slice %arg4[%dma_wait3A_725, %dma_wait3A_726] : memref<32x1000000xf32, #tpu.memory_space<hbm>> -> memref<16x128xf32, #tpu.memory_space<hbm>>
    %dma_wait3A_728 = arith.constant 0 : i32
    %dma_wait3A_729 = arith.constant 0 : i32
    %dma_wait3A_730 = tpu.memref_slice %arg9[%dma_wait3A_728, %dma_wait3A_729] : memref<128x128xf32, #tpu.memory_space<vmem>> -> memref<16x128xf32, #tpu.memory_space<vmem>>
    %dma_wait3A_731 = arith.constant 0 : i32
    %dma_wait3A_732 = arith.constant 0 : i32
    %dma_wait3A_733 = tpu.memref_slice %arg4[%dma_wait3A_731, %dma_wait3A_732] : memref<32x1000000xf32, #tpu.memory_space<hbm>> -> memref<16x128xf32, #tpu.memory_space<hbm>>
    tpu.wait_dma2 semaphore(%arg14 : memref<!tpu.dma_semaphore, #tpu.memory_space<semaphore_mem>>) src(%dma_wait3A_733 : memref<16x128xf32, #tpu.memory_space<hbm>>) dst(%dma_wait3A_730 : memref<16x128xf32, #tpu.memory_space<vmem>>)
    %dma_wait3A_734 = arith.constant 0 : i32
    %dma_wait3A_735 = arith.constant 0 : i32
    %dma_wait3A_736 = tpu.memref_slice %arg9[%dma_wait3A_734, %dma_wait3A_735] : memref<128x128xf32, #tpu.memory_space<vmem>> -> memref<16x128xf32, #tpu.memory_space<vmem>>
    %dma_wait3A_737 = arith.constant 0 : i32
    %dma_wait3A_738 = arith.constant 0 : i32
    %dma_wait3A_739 = tpu.memref_slice %arg4[%dma_wait3A_737, %dma_wait3A_738] : memref<32x1000000xf32, #tpu.memory_space<hbm>> -> memref<16x128xf32, #tpu.memory_space<hbm>>
    %dma_wait3A_740 = arith.constant 0 : i32
    %dma_wait3A_741 = arith.constant 0 : i32
    %dma_wait3A_742 = tpu.memref_slice %arg9[%dma_wait3A_740, %dma_wait3A_741] : memref<128x128xf32, #tpu.memory_space<vmem>> -> memref<16x128xf32, #tpu.memory_space<vmem>>
    %dma_wait3A_743 = arith.constant 0 : i32
    %dma_wait3A_744 = arith.constant 0 : i32
    %dma_wait3A_745 = tpu.memref_slice %arg4[%dma_wait3A_743, %dma_wait3A_744] : memref<32x1000000xf32, #tpu.memory_space<hbm>> -> memref<16x128xf32, #tpu.memory_space<hbm>>
    tpu.wait_dma2 semaphore(%arg14 : memref<!tpu.dma_semaphore, #tpu.memory_space<semaphore_mem>>) src(%dma_wait3A_745 : memref<16x128xf32, #tpu.memory_space<hbm>>) dst(%dma_wait3A_742 : memref<16x128xf32, #tpu.memory_space<vmem>>)
    %slice3A_746 = vector.extract_strided_slice %get3A_552 {offsets = [0], sizes = [1], strides = [1]} : vector<16xi32> to vector<1xi32>
    %squeeze3A_747 = vector.extract %slice3A_746[0] : i32 from vector<1xi32>
    %and3A = arith.constant 127 : i32
    %and3A_748 = arith.andi %squeeze3A_747, %and3A : i32
    %broadcast_in_dim3A_749 = vector.broadcast %and3A_748 : i32 to vector<16xi32>
    %slice3A_750 = vector.extract_strided_slice %get3A_554 {offsets = [0], sizes = [1], strides = [1]} : vector<16xi32> to vector<1xi32>
    %squeeze3A_751 = vector.extract %slice3A_750[0] : i32 from vector<1xi32>
    %and3A_752 = arith.constant 127 : i32
    %and3A_753 = arith.andi %squeeze3A_751, %and3A_752 : i32
    %broadcast_in_dim3A_754 = vector.broadcast %and3A_753 : i32 to vector<16xi32>
    %add3A_755 = arith.constant 0 : i32
    %add3A_756 = vector.broadcast %add3A_755 : i32 to vector<16xi32>
    %add3A_757 = arith.addi %add3A_756, %iota3A : vector<16xi32>
    %gather3A = tpu.vector_load_idx %arg9[%add3A_757, %broadcast_in_dim3A_749] : memref<128x128xf32, #tpu.memory_space<vmem>>[vector<16xi32>, vector<16xi32>], vector<16xf32>,
    %gather3A_758 = tpu.vector_load_idx %arg10[%add3A_757, %broadcast_in_dim3A_754] : memref<128x128xf32, #tpu.memory_space<vmem>>[vector<16xi32>, vector<16xi32>], vector<16xf32>,
    %mul3A_759 = arith.mulf %gather3A, %gather3A_758 : vector<16xf32>
    %slice3A_760 = vector.extract_strided_slice %get3A_552 {offsets = [1], sizes = [1], strides = [1]} : vector<16xi32> to vector<1xi32>
    %squeeze3A_761 = vector.extract %slice3A_760[0] : i32 from vector<1xi32>
    %and3A_762 = arith.constant 127 : i32
    %and3A_763 = arith.andi %squeeze3A_761, %and3A_762 : i32
    %broadcast_in_dim3A_764 = vector.broadcast %and3A_763 : i32 to vector<16xi32>
    %slice3A_765 = vector.extract_strided_slice %get3A_554 {offsets = [1], sizes = [1], strides = [1]} : vector<16xi32> to vector<1xi32>
    %squeeze3A_766 = vector.extract %slice3A_765[0] : i32 from vector<1xi32>
    %and3A_767 = arith.constant 127 : i32
    %and3A_768 = arith.andi %squeeze3A_766, %and3A_767 : i32
    %broadcast_in_dim3A_769 = vector.broadcast %and3A_768 : i32 to vector<16xi32>
    %add3A_770 = arith.constant 16 : i32
    %add3A_771 = vector.broadcast %add3A_770 : i32 to vector<16xi32>
    %add3A_772 = arith.addi %add3A_771, %iota3A : vector<16xi32>
    %gather3A_773 = tpu.vector_load_idx %arg9[%add3A_772, %broadcast_in_dim3A_764] : memref<128x128xf32, #tpu.memory_space<vmem>>[vector<16xi32>, vector<16xi32>], vector<16xf32>,
    %gather3A_774 = tpu.vector_load_idx %arg10[%add3A_772, %broadcast_in_dim3A_769] : memref<128x128xf32, #tpu.memory_space<vmem>>[vector<16xi32>, vector<16xi32>], vector<16xf32>,
    %mul3A_775 = arith.mulf %gather3A_773, %gather3A_774 : vector<16xf32>
    %slice3A_776 = vector.extract_strided_slice %get3A_552 {offsets = [2], sizes = [1], strides = [1]} : vector<16xi32> to vector<1xi32>
    %squeeze3A_777 = vector.extract %slice3A_776[0] : i32 from vector<1xi32>
    %and3A_778 = arith.constant 127 : i32
    %and3A_779 = arith.andi %squeeze3A_777, %and3A_778 : i32
    %broadcast_in_dim3A_780 = vector.broadcast %and3A_779 : i32 to vector<16xi32>
    %slice3A_781 = vector.extract_strided_slice %get3A_554 {offsets = [2], sizes = [1], strides = [1]} : vector<16xi32> to vector<1xi32>
    %squeeze3A_782 = vector.extract %slice3A_781[0] : i32 from vector<1xi32>
    %and3A_783 = arith.constant 127 : i32
    %and3A_784 = arith.andi %squeeze3A_782, %and3A_783 : i32
    %broadcast_in_dim3A_785 = vector.broadcast %and3A_784 : i32 to vector<16xi32>
    %add3A_786 = arith.constant 32 : i32
    %add3A_787 = vector.broadcast %add3A_786 : i32 to vector<16xi32>
    %add3A_788 = arith.addi %add3A_787, %iota3A : vector<16xi32>
    %gather3A_789 = tpu.vector_load_idx %arg9[%add3A_788, %broadcast_in_dim3A_780] : memref<128x128xf32, #tpu.memory_space<vmem>>[vector<16xi32>, vector<16xi32>], vector<16xf32>,
    %gather3A_790 = tpu.vector_load_idx %arg10[%add3A_788, %broadcast_in_dim3A_785] : memref<128x128xf32, #tpu.memory_space<vmem>>[vector<16xi32>, vector<16xi32>], vector<16xf32>,
    %mul3A_791 = arith.mulf %gather3A_789, %gather3A_790 : vector<16xf32>
    %slice3A_792 = vector.extract_strided_slice %get3A_552 {offsets = [3], sizes = [1], strides = [1]} : vector<16xi32> to vector<1xi32>
    %squeeze3A_793 = vector.extract %slice3A_792[0] : i32 from vector<1xi32>
    %and3A_794 = arith.constant 127 : i32
    %and3A_795 = arith.andi %squeeze3A_793, %and3A_794 : i32
    %broadcast_in_dim3A_796 = vector.broadcast %and3A_795 : i32 to vector<16xi32>
    %slice3A_797 = vector.extract_strided_slice %get3A_554 {offsets = [3], sizes = [1], strides = [1]} : vector<16xi32> to vector<1xi32>
    %squeeze3A_798 = vector.extract %slice3A_797[0] : i32 from vector<1xi32>
    %and3A_799 = arith.constant 127 : i32
    %and3A_800 = arith.andi %squeeze3A_798, %and3A_799 : i32
    %broadcast_in_dim3A_801 = vector.broadcast %and3A_800 : i32 to vector<16xi32>
    %add3A_802 = arith.constant 48 : i32
    %add3A_803 = vector.broadcast %add3A_802 : i32 to vector<16xi32>
    %add3A_804 = arith.addi %add3A_803, %iota3A : vector<16xi32>
    %gather3A_805 = tpu.vector_load_idx %arg9[%add3A_804, %broadcast_in_dim3A_796] : memref<128x128xf32, #tpu.memory_space<vmem>>[vector<16xi32>, vector<16xi32>], vector<16xf32>,
    %gather3A_806 = tpu.vector_load_idx %arg10[%add3A_804, %broadcast_in_dim3A_801] : memref<128x128xf32, #tpu.memory_space<vmem>>[vector<16xi32>, vector<16xi32>], vector<16xf32>,
    %mul3A_807 = arith.mulf %gather3A_805, %gather3A_806 : vector<16xf32>
    %slice3A_808 = vector.extract_strided_slice %get3A_552 {offsets = [4], sizes = [1], strides = [1]} : vector<16xi32> to vector<1xi32>
    %squeeze3A_809 = vector.extract %slice3A_808[0] : i32 from vector<1xi32>
    %and3A_810 = arith.constant 127 : i32
    %and3A_811 = arith.andi %squeeze3A_809, %and3A_810 : i32
    %broadcast_in_dim3A_812 = vector.broadcast %and3A_811 : i32 to vector<16xi32>
    %slice3A_813 = vector.extract_strided_slice %get3A_554 {offsets = [4], sizes = [1], strides = [1]} : vector<16xi32> to vector<1xi32>
    %squeeze3A_814 = vector.extract %slice3A_813[0] : i32 from vector<1xi32>
    %and3A_815 = arith.constant 127 : i32
    %and3A_816 = arith.andi %squeeze3A_814, %and3A_815 : i32
    %broadcast_in_dim3A_817 = vector.broadcast %and3A_816 : i32 to vector<16xi32>
    %add3A_818 = arith.constant 64 : i32
    %add3A_819 = vector.broadcast %add3A_818 : i32 to vector<16xi32>
    %add3A_820 = arith.addi %add3A_819, %iota3A : vector<16xi32>
    %gather3A_821 = tpu.vector_load_idx %arg9[%add3A_820, %broadcast_in_dim3A_812] : memref<128x128xf32, #tpu.memory_space<vmem>>[vector<16xi32>, vector<16xi32>], vector<16xf32>,
    %gather3A_822 = tpu.vector_load_idx %arg10[%add3A_820, %broadcast_in_dim3A_817] : memref<128x128xf32, #tpu.memory_space<vmem>>[vector<16xi32>, vector<16xi32>], vector<16xf32>,
    %mul3A_823 = arith.mulf %gather3A_821, %gather3A_822 : vector<16xf32>
    %slice3A_824 = vector.extract_strided_slice %get3A_552 {offsets = [5], sizes = [1], strides = [1]} : vector<16xi32> to vector<1xi32>
    %squeeze3A_825 = vector.extract %slice3A_824[0] : i32 from vector<1xi32>
    %and3A_826 = arith.constant 127 : i32
    %and3A_827 = arith.andi %squeeze3A_825, %and3A_826 : i32
    %broadcast_in_dim3A_828 = vector.broadcast %and3A_827 : i32 to vector<16xi32>
    %slice3A_829 = vector.extract_strided_slice %get3A_554 {offsets = [5], sizes = [1], strides = [1]} : vector<16xi32> to vector<1xi32>
    %squeeze3A_830 = vector.extract %slice3A_829[0] : i32 from vector<1xi32>
    %and3A_831 = arith.constant 127 : i32
    %and3A_832 = arith.andi %squeeze3A_830, %and3A_831 : i32
    %broadcast_in_dim3A_833 = vector.broadcast %and3A_832 : i32 to vector<16xi32>
    %add3A_834 = arith.constant 80 : i32
    %add3A_835 = vector.broadcast %add3A_834 : i32 to vector<16xi32>
    %add3A_836 = arith.addi %add3A_835, %iota3A : vector<16xi32>
    %gather3A_837 = tpu.vector_load_idx %arg9[%add3A_836, %broadcast_in_dim3A_828] : memref<128x128xf32, #tpu.memory_space<vmem>>[vector<16xi32>, vector<16xi32>], vector<16xf32>,
    %gather3A_838 = tpu.vector_load_idx %arg10[%add3A_836, %broadcast_in_dim3A_833] : memref<128x128xf32, #tpu.memory_space<vmem>>[vector<16xi32>, vector<16xi32>], vector<16xf32>,
    %mul3A_839 = arith.mulf %gather3A_837, %gather3A_838 : vector<16xf32>
    %slice3A_840 = vector.extract_strided_slice %get3A_552 {offsets = [6], sizes = [1], strides = [1]} : vector<16xi32> to vector<1xi32>
    %squeeze3A_841 = vector.extract %slice3A_840[0] : i32 from vector<1xi32>
    %and3A_842 = arith.constant 127 : i32
    %and3A_843 = arith.andi %squeeze3A_841, %and3A_842 : i32
    %broadcast_in_dim3A_844 = vector.broadcast %and3A_843 : i32 to vector<16xi32>
    %slice3A_845 = vector.extract_strided_slice %get3A_554 {offsets = [6], sizes = [1], strides = [1]} : vector<16xi32> to vector<1xi32>
    %squeeze3A_846 = vector.extract %slice3A_845[0] : i32 from vector<1xi32>
    %and3A_847 = arith.constant 127 : i32
    %and3A_848 = arith.andi %squeeze3A_846, %and3A_847 : i32
    %broadcast_in_dim3A_849 = vector.broadcast %and3A_848 : i32 to vector<16xi32>
    %add3A_850 = arith.constant 96 : i32
    %add3A_851 = vector.broadcast %add3A_850 : i32 to vector<16xi32>
    %add3A_852 = arith.addi %add3A_851, %iota3A : vector<16xi32>
    %gather3A_853 = tpu.vector_load_idx %arg9[%add3A_852, %broadcast_in_dim3A_844] : memref<128x128xf32, #tpu.memory_space<vmem>>[vector<16xi32>, vector<16xi32>], vector<16xf32>,
    %gather3A_854 = tpu.vector_load_idx %arg10[%add3A_852, %broadcast_in_dim3A_849] : memref<128x128xf32, #tpu.memory_space<vmem>>[vector<16xi32>, vector<16xi32>], vector<16xf32>,
    %mul3A_855 = arith.mulf %gather3A_853, %gather3A_854 : vector<16xf32>
    %slice3A_856 = vector.extract_strided_slice %get3A_552 {offsets = [7], sizes = [1], strides = [1]} : vector<16xi32> to vector<1xi32>
    %squeeze3A_857 = vector.extract %slice3A_856[0] : i32 from vector<1xi32>
    %and3A_858 = arith.constant 127 : i32
    %and3A_859 = arith.andi %squeeze3A_857, %and3A_858 : i32
    %broadcast_in_dim3A_860 = vector.broadcast %and3A_859 : i32 to vector<16xi32>
    %slice3A_861 = vector.extract_strided_slice %get3A_554 {offsets = [7], sizes = [1], strides = [1]} : vector<16xi32> to vector<1xi32>
    %squeeze3A_862 = vector.extract %slice3A_861[0] : i32 from vector<1xi32>
    %and3A_863 = arith.constant 127 : i32
    %and3A_864 = arith.andi %squeeze3A_862, %and3A_863 : i32
    %broadcast_in_dim3A_865 = vector.broadcast %and3A_864 : i32 to vector<16xi32>
    %add3A_866 = arith.constant 112 : i32
    %add3A_867 = vector.broadcast %add3A_866 : i32 to vector<16xi32>
    %add3A_868 = arith.addi %add3A_867, %iota3A : vector<16xi32>
    %gather3A_869 = tpu.vector_load_idx %arg9[%add3A_868, %broadcast_in_dim3A_860] : memref<128x128xf32, #tpu.memory_space<vmem>>[vector<16xi32>, vector<16xi32>], vector<16xf32>,
    %gather3A_870 = tpu.vector_load_idx %arg10[%add3A_868, %broadcast_in_dim3A_865] : memref<128x128xf32, #tpu.memory_space<vmem>>[vector<16xi32>, vector<16xi32>], vector<16xf32>,
    %mul3A_871 = arith.mulf %gather3A_869, %gather3A_870 : vector<16xf32>
    %dma_wait3A_872 = arith.constant 0 : i32
    %dma_wait3A_873 = arith.constant 0 : i32
    %dma_wait3A_874 = tpu.memref_slice %arg11[%dma_wait3A_872, %dma_wait3A_873] : memref<128x128xf32, #tpu.memory_space<vmem>> -> memref<16x128xf32, #tpu.memory_space<vmem>>
    %dma_wait3A_875 = arith.constant 0 : i32
    %dma_wait3A_876 = arith.constant 0 : i32
    %dma_wait3A_877 = tpu.memref_slice %arg4[%dma_wait3A_875, %dma_wait3A_876] : memref<32x1000000xf32, #tpu.memory_space<hbm>> -> memref<16x128xf32, #tpu.memory_space<hbm>>
    %dma_wait3A_878 = arith.constant 0 : i32
    %dma_wait3A_879 = arith.constant 0 : i32
    %dma_wait3A_880 = tpu.memref_slice %arg11[%dma_wait3A_878, %dma_wait3A_879] : memref<128x128xf32, #tpu.memory_space<vmem>> -> memref<16x128xf32, #tpu.memory_space<vmem>>
    %dma_wait3A_881 = arith.constant 0 : i32
    %dma_wait3A_882 = arith.constant 0 : i32
    %dma_wait3A_883 = tpu.memref_slice %arg4[%dma_wait3A_881, %dma_wait3A_882] : memref<32x1000000xf32, #tpu.memory_space<hbm>> -> memref<16x128xf32, #tpu.memory_space<hbm>>
    tpu.wait_dma2 semaphore(%arg15 : memref<!tpu.dma_semaphore, #tpu.memory_space<semaphore_mem>>) src(%dma_wait3A_883 : memref<16x128xf32, #tpu.memory_space<hbm>>) dst(%dma_wait3A_880 : memref<16x128xf32, #tpu.memory_space<vmem>>)
    %dma_wait3A_884 = arith.constant 0 : i32
    %dma_wait3A_885 = arith.constant 0 : i32
    %dma_wait3A_886 = tpu.memref_slice %arg11[%dma_wait3A_884, %dma_wait3A_885] : memref<128x128xf32, #tpu.memory_space<vmem>> -> memref<16x128xf32, #tpu.memory_space<vmem>>
    %dma_wait3A_887 = arith.constant 0 : i32
    %dma_wait3A_888 = arith.constant 0 : i32
    %dma_wait3A_889 = tpu.memref_slice %arg4[%dma_wait3A_887, %dma_wait3A_888] : memref<32x1000000xf32, #tpu.memory_space<hbm>> -> memref<16x128xf32, #tpu.memory_space<hbm>>
    %dma_wait3A_890 = arith.constant 0 : i32
    %dma_wait3A_891 = arith.constant 0 : i32
    %dma_wait3A_892 = tpu.memref_slice %arg11[%dma_wait3A_890, %dma_wait3A_891] : memref<128x128xf32, #tpu.memory_space<vmem>> -> memref<16x128xf32, #tpu.memory_space<vmem>>
    %dma_wait3A_893 = arith.constant 0 : i32
    %dma_wait3A_894 = arith.constant 0 : i32
    %dma_wait3A_895 = tpu.memref_slice %arg4[%dma_wait3A_893, %dma_wait3A_894] : memref<32x1000000xf32, #tpu.memory_space<hbm>> -> memref<16x128xf32, #tpu.memory_space<hbm>>
    tpu.wait_dma2 semaphore(%arg15 : memref<!tpu.dma_semaphore, #tpu.memory_space<semaphore_mem>>) src(%dma_wait3A_895 : memref<16x128xf32, #tpu.memory_space<hbm>>) dst(%dma_wait3A_892 : memref<16x128xf32, #tpu.memory_space<vmem>>)
    %dma_wait3A_896 = arith.constant 0 : i32
    %dma_wait3A_897 = arith.constant 0 : i32
    %dma_wait3A_898 = tpu.memref_slice %arg11[%dma_wait3A_896, %dma_wait3A_897] : memref<128x128xf32, #tpu.memory_space<vmem>> -> memref<16x128xf32, #tpu.memory_space<vmem>>
    %dma_wait3A_899 = arith.constant 0 : i32
    %dma_wait3A_900 = arith.constant 0 : i32
    %dma_wait3A_901 = tpu.memref_slice %arg4[%dma_wait3A_899, %dma_wait3A_900] : memref<32x1000000xf32, #tpu.memory_space<hbm>> -> memref<16x128xf32, #tpu.memory_space<hbm>>
    %dma_wait3A_902 = arith.constant 0 : i32
    %dma_wait3A_903 = arith.constant 0 : i32
    %dma_wait3A_904 = tpu.memref_slice %arg11[%dma_wait3A_902, %dma_wait3A_903] : memref<128x128xf32, #tpu.memory_space<vmem>> -> memref<16x128xf32, #tpu.memory_space<vmem>>
    %dma_wait3A_905 = arith.constant 0 : i32
    %dma_wait3A_906 = arith.constant 0 : i32
    %dma_wait3A_907 = tpu.memref_slice %arg4[%dma_wait3A_905, %dma_wait3A_906] : memref<32x1000000xf32, #tpu.memory_space<hbm>> -> memref<16x128xf32, #tpu.memory_space<hbm>>
    tpu.wait_dma2 semaphore(%arg15 : memref<!tpu.dma_semaphore, #tpu.memory_space<semaphore_mem>>) src(%dma_wait3A_907 : memref<16x128xf32, #tpu.memory_space<hbm>>) dst(%dma_wait3A_904 : memref<16x128xf32, #tpu.memory_space<vmem>>)
    %dma_wait3A_908 = arith.constant 0 : i32
    %dma_wait3A_909 = arith.constant 0 : i32
    %dma_wait3A_910 = tpu.memref_slice %arg11[%dma_wait3A_908, %dma_wait3A_909] : memref<128x128xf32, #tpu.memory_space<vmem>> -> memref<16x128xf32, #tpu.memory_space<vmem>>
    %dma_wait3A_911 = arith.constant 0 : i32
    %dma_wait3A_912 = arith.constant 0 : i32
    %dma_wait3A_913 = tpu.memref_slice %arg4[%dma_wait3A_911, %dma_wait3A_912] : memref<32x1000000xf32, #tpu.memory_space<hbm>> -> memref<16x128xf32, #tpu.memory_space<hbm>>
    %dma_wait3A_914 = arith.constant 0 : i32
    %dma_wait3A_915 = arith.constant 0 : i32
    %dma_wait3A_916 = tpu.memref_slice %arg11[%dma_wait3A_914, %dma_wait3A_915] : memref<128x128xf32, #tpu.memory_space<vmem>> -> memref<16x128xf32, #tpu.memory_space<vmem>>
    %dma_wait3A_917 = arith.constant 0 : i32
    %dma_wait3A_918 = arith.constant 0 : i32
    %dma_wait3A_919 = tpu.memref_slice %arg4[%dma_wait3A_917, %dma_wait3A_918] : memref<32x1000000xf32, #tpu.memory_space<hbm>> -> memref<16x128xf32, #tpu.memory_space<hbm>>
    tpu.wait_dma2 semaphore(%arg15 : memref<!tpu.dma_semaphore, #tpu.memory_space<semaphore_mem>>) src(%dma_wait3A_919 : memref<16x128xf32, #tpu.memory_space<hbm>>) dst(%dma_wait3A_916 : memref<16x128xf32, #tpu.memory_space<vmem>>)
    %dma_wait3A_920 = arith.constant 0 : i32
    %dma_wait3A_921 = arith.constant 0 : i32
    %dma_wait3A_922 = tpu.memref_slice %arg11[%dma_wait3A_920, %dma_wait3A_921] : memref<128x128xf32, #tpu.memory_space<vmem>> -> memref<16x128xf32, #tpu.memory_space<vmem>>
    %dma_wait3A_923 = arith.constant 0 : i32
    %dma_wait3A_924 = arith.constant 0 : i32
    %dma_wait3A_925 = tpu.memref_slice %arg4[%dma_wait3A_923, %dma_wait3A_924] : memref<32x1000000xf32, #tpu.memory_space<hbm>> -> memref<16x128xf32, #tpu.memory_space<hbm>>
    %dma_wait3A_926 = arith.constant 0 : i32
    %dma_wait3A_927 = arith.constant 0 : i32
    %dma_wait3A_928 = tpu.memref_slice %arg11[%dma_wait3A_926, %dma_wait3A_927] : memref<128x128xf32, #tpu.memory_space<vmem>> -> memref<16x128xf32, #tpu.memory_space<vmem>>
    %dma_wait3A_929 = arith.constant 0 : i32
    %dma_wait3A_930 = arith.constant 0 : i32
    %dma_wait3A_931 = tpu.memref_slice %arg4[%dma_wait3A_929, %dma_wait3A_930] : memref<32x1000000xf32, #tpu.memory_space<hbm>> -> memref<16x128xf32, #tpu.memory_space<hbm>>
    tpu.wait_dma2 semaphore(%arg15 : memref<!tpu.dma_semaphore, #tpu.memory_space<semaphore_mem>>) src(%dma_wait3A_931 : memref<16x128xf32, #tpu.memory_space<hbm>>) dst(%dma_wait3A_928 : memref<16x128xf32, #tpu.memory_space<vmem>>)
    %dma_wait3A_932 = arith.constant 0 : i32
    %dma_wait3A_933 = arith.constant 0 : i32
    %dma_wait3A_934 = tpu.memref_slice %arg11[%dma_wait3A_932, %dma_wait3A_933] : memref<128x128xf32, #tpu.memory_space<vmem>> -> memref<16x128xf32, #tpu.memory_space<vmem>>
    %dma_wait3A_935 = arith.constant 0 : i32
    %dma_wait3A_936 = arith.constant 0 : i32
    %dma_wait3A_937 = tpu.memref_slice %arg4[%dma_wait3A_935, %dma_wait3A_936] : memref<32x1000000xf32, #tpu.memory_space<hbm>> -> memref<16x128xf32, #tpu.memory_space<hbm>>
    %dma_wait3A_938 = arith.constant 0 : i32
    %dma_wait3A_939 = arith.constant 0 : i32
    %dma_wait3A_940 = tpu.memref_slice %arg11[%dma_wait3A_938, %dma_wait3A_939] : memref<128x128xf32, #tpu.memory_space<vmem>> -> memref<16x128xf32, #tpu.memory_space<vmem>>
    %dma_wait3A_941 = arith.constant 0 : i32
    %dma_wait3A_942 = arith.constant 0 : i32
    %dma_wait3A_943 = tpu.memref_slice %arg4[%dma_wait3A_941, %dma_wait3A_942] : memref<32x1000000xf32, #tpu.memory_space<hbm>> -> memref<16x128xf32, #tpu.memory_space<hbm>>
    tpu.wait_dma2 semaphore(%arg15 : memref<!tpu.dma_semaphore, #tpu.memory_space<semaphore_mem>>) src(%dma_wait3A_943 : memref<16x128xf32, #tpu.memory_space<hbm>>) dst(%dma_wait3A_940 : memref<16x128xf32, #tpu.memory_space<vmem>>)
    %dma_wait3A_944 = arith.constant 0 : i32
    %dma_wait3A_945 = arith.constant 0 : i32
    %dma_wait3A_946 = tpu.memref_slice %arg11[%dma_wait3A_944, %dma_wait3A_945] : memref<128x128xf32, #tpu.memory_space<vmem>> -> memref<16x128xf32, #tpu.memory_space<vmem>>
    %dma_wait3A_947 = arith.constant 0 : i32
    %dma_wait3A_948 = arith.constant 0 : i32
    %dma_wait3A_949 = tpu.memref_slice %arg4[%dma_wait3A_947, %dma_wait3A_948] : memref<32x1000000xf32, #tpu.memory_space<hbm>> -> memref<16x128xf32, #tpu.memory_space<hbm>>
    %dma_wait3A_950 = arith.constant 0 : i32
    %dma_wait3A_951 = arith.constant 0 : i32
    %dma_wait3A_952 = tpu.memref_slice %arg11[%dma_wait3A_950, %dma_wait3A_951] : memref<128x128xf32, #tpu.memory_space<vmem>> -> memref<16x128xf32, #tpu.memory_space<vmem>>
    %dma_wait3A_953 = arith.constant 0 : i32
    %dma_wait3A_954 = arith.constant 0 : i32
    %dma_wait3A_955 = tpu.memref_slice %arg4[%dma_wait3A_953, %dma_wait3A_954] : memref<32x1000000xf32, #tpu.memory_space<hbm>> -> memref<16x128xf32, #tpu.memory_space<hbm>>
    tpu.wait_dma2 semaphore(%arg15 : memref<!tpu.dma_semaphore, #tpu.memory_space<semaphore_mem>>) src(%dma_wait3A_955 : memref<16x128xf32, #tpu.memory_space<hbm>>) dst(%dma_wait3A_952 : memref<16x128xf32, #tpu.memory_space<vmem>>)
    %dma_wait3A_956 = arith.constant 0 : i32
    %dma_wait3A_957 = arith.constant 0 : i32
    %dma_wait3A_958 = tpu.memref_slice %arg11[%dma_wait3A_956, %dma_wait3A_957] : memref<128x128xf32, #tpu.memory_space<vmem>> -> memref<16x128xf32, #tpu.memory_space<vmem>>
    %dma_wait3A_959 = arith.constant 0 : i32
    %dma_wait3A_960 = arith.constant 0 : i32
    %dma_wait3A_961 = tpu.memref_slice %arg4[%dma_wait3A_959, %dma_wait3A_960] : memref<32x1000000xf32, #tpu.memory_space<hbm>> -> memref<16x128xf32, #tpu.memory_space<hbm>>
    %dma_wait3A_962 = arith.constant 0 : i32
    %dma_wait3A_963 = arith.constant 0 : i32
    %dma_wait3A_964 = tpu.memref_slice %arg11[%dma_wait3A_962, %dma_wait3A_963] : memref<128x128xf32, #tpu.memory_space<vmem>> -> memref<16x128xf32, #tpu.memory_space<vmem>>
    %dma_wait3A_965 = arith.constant 0 : i32
    %dma_wait3A_966 = arith.constant 0 : i32
    %dma_wait3A_967 = tpu.memref_slice %arg4[%dma_wait3A_965, %dma_wait3A_966] : memref<32x1000000xf32, #tpu.memory_space<hbm>> -> memref<16x128xf32, #tpu.memory_space<hbm>>
    tpu.wait_dma2 semaphore(%arg15 : memref<!tpu.dma_semaphore, #tpu.memory_space<semaphore_mem>>) src(%dma_wait3A_967 : memref<16x128xf32, #tpu.memory_space<hbm>>) dst(%dma_wait3A_964 : memref<16x128xf32, #tpu.memory_space<vmem>>)
    %dma_wait3A_968 = arith.constant 0 : i32
    %dma_wait3A_969 = arith.constant 0 : i32
    %dma_wait3A_970 = tpu.memref_slice %arg11[%dma_wait3A_968, %dma_wait3A_969] : memref<128x128xf32, #tpu.memory_space<vmem>> -> memref<16x128xf32, #tpu.memory_space<vmem>>
    %dma_wait3A_971 = arith.constant 0 : i32
    %dma_wait3A_972 = arith.constant 0 : i32
    %dma_wait3A_973 = tpu.memref_slice %arg4[%dma_wait3A_971, %dma_wait3A_972] : memref<32x1000000xf32, #tpu.memory_space<hbm>> -> memref<16x128xf32, #tpu.memory_space<hbm>>
    %dma_wait3A_974 = arith.constant 0 : i32
    %dma_wait3A_975 = arith.constant 0 : i32
    %dma_wait3A_976 = tpu.memref_slice %arg11[%dma_wait3A_974, %dma_wait3A_975] : memref<128x128xf32, #tpu.memory_space<vmem>> -> memref<16x128xf32, #tpu.memory_space<vmem>>
    %dma_wait3A_977 = arith.constant 0 : i32
    %dma_wait3A_978 = arith.constant 0 : i32
    %dma_wait3A_979 = tpu.memref_slice %arg4[%dma_wait3A_977, %dma_wait3A_978] : memref<32x1000000xf32, #tpu.memory_space<hbm>> -> memref<16x128xf32, #tpu.memory_space<hbm>>
    tpu.wait_dma2 semaphore(%arg15 : memref<!tpu.dma_semaphore, #tpu.memory_space<semaphore_mem>>) src(%dma_wait3A_979 : memref<16x128xf32, #tpu.memory_space<hbm>>) dst(%dma_wait3A_976 : memref<16x128xf32, #tpu.memory_space<vmem>>)
    %dma_wait3A_980 = arith.constant 0 : i32
    %dma_wait3A_981 = arith.constant 0 : i32
    %dma_wait3A_982 = tpu.memref_slice %arg11[%dma_wait3A_980, %dma_wait3A_981] : memref<128x128xf32, #tpu.memory_space<vmem>> -> memref<16x128xf32, #tpu.memory_space<vmem>>
    %dma_wait3A_983 = arith.constant 0 : i32
    %dma_wait3A_984 = arith.constant 0 : i32
    %dma_wait3A_985 = tpu.memref_slice %arg4[%dma_wait3A_983, %dma_wait3A_984] : memref<32x1000000xf32, #tpu.memory_space<hbm>> -> memref<16x128xf32, #tpu.memory_space<hbm>>
    %dma_wait3A_986 = arith.constant 0 : i32
    %dma_wait3A_987 = arith.constant 0 : i32
    %dma_wait3A_988 = tpu.memref_slice %arg11[%dma_wait3A_986, %dma_wait3A_987] : memref<128x128xf32, #tpu.memory_space<vmem>> -> memref<16x128xf32, #tpu.memory_space<vmem>>
    %dma_wait3A_989 = arith.constant 0 : i32
    %dma_wait3A_990 = arith.constant 0 : i32
    %dma_wait3A_991 = tpu.memref_slice %arg4[%dma_wait3A_989, %dma_wait3A_990] : memref<32x1000000xf32, #tpu.memory_space<hbm>> -> memref<16x128xf32, #tpu.memory_space<hbm>>
    tpu.wait_dma2 semaphore(%arg15 : memref<!tpu.dma_semaphore, #tpu.memory_space<semaphore_mem>>) src(%dma_wait3A_991 : memref<16x128xf32, #tpu.memory_space<hbm>>) dst(%dma_wait3A_988 : memref<16x128xf32, #tpu.memory_space<vmem>>)
    %dma_wait3A_992 = arith.constant 0 : i32
    %dma_wait3A_993 = arith.constant 0 : i32
    %dma_wait3A_994 = tpu.memref_slice %arg11[%dma_wait3A_992, %dma_wait3A_993] : memref<128x128xf32, #tpu.memory_space<vmem>> -> memref<16x128xf32, #tpu.memory_space<vmem>>
    %dma_wait3A_995 = arith.constant 0 : i32
    %dma_wait3A_996 = arith.constant 0 : i32
    %dma_wait3A_997 = tpu.memref_slice %arg4[%dma_wait3A_995, %dma_wait3A_996] : memref<32x1000000xf32, #tpu.memory_space<hbm>> -> memref<16x128xf32, #tpu.memory_space<hbm>>
    %dma_wait3A_998 = arith.constant 0 : i32
    %dma_wait3A_999 = arith.constant 0 : i32
    %dma_wait3A_1000 = tpu.memref_slice %arg11[%dma_wait3A_998, %dma_wait3A_999] : memref<128x128xf32, #tpu.memory_space<vmem>> -> memref<16x128xf32, #tpu.memory_space<vmem>>
    %dma_wait3A_1001 = arith.constant 0 : i32
    %dma_wait3A_1002 = arith.constant 0 : i32
    %dma_wait3A_1003 = tpu.memref_slice %arg4[%dma_wait3A_1001, %dma_wait3A_1002] : memref<32x1000000xf32, #tpu.memory_space<hbm>> -> memref<16x128xf32, #tpu.memory_space<hbm>>
    tpu.wait_dma2 semaphore(%arg15 : memref<!tpu.dma_semaphore, #tpu.memory_space<semaphore_mem>>) src(%dma_wait3A_1003 : memref<16x128xf32, #tpu.memory_space<hbm>>) dst(%dma_wait3A_1000 : memref<16x128xf32, #tpu.memory_space<vmem>>)
    %dma_wait3A_1004 = arith.constant 0 : i32
    %dma_wait3A_1005 = arith.constant 0 : i32
    %dma_wait3A_1006 = tpu.memref_slice %arg11[%dma_wait3A_1004, %dma_wait3A_1005] : memref<128x128xf32, #tpu.memory_space<vmem>> -> memref<16x128xf32, #tpu.memory_space<vmem>>
    %dma_wait3A_1007 = arith.constant 0 : i32
    %dma_wait3A_1008 = arith.constant 0 : i32
    %dma_wait3A_1009 = tpu.memref_slice %arg4[%dma_wait3A_1007, %dma_wait3A_1008] : memref<32x1000000xf32, #tpu.memory_space<hbm>> -> memref<16x128xf32, #tpu.memory_space<hbm>>
    %dma_wait3A_1010 = arith.constant 0 : i32
    %dma_wait3A_1011 = arith.constant 0 : i32
    %dma_wait3A_1012 = tpu.memref_slice %arg11[%dma_wait3A_1010, %dma_wait3A_1011] : memref<128x128xf32, #tpu.memory_space<vmem>> -> memref<16x128xf32, #tpu.memory_space<vmem>>
    %dma_wait3A_1013 = arith.constant 0 : i32
    %dma_wait3A_1014 = arith.constant 0 : i32
    %dma_wait3A_1015 = tpu.memref_slice %arg4[%dma_wait3A_1013, %dma_wait3A_1014] : memref<32x1000000xf32, #tpu.memory_space<hbm>> -> memref<16x128xf32, #tpu.memory_space<hbm>>
    tpu.wait_dma2 semaphore(%arg15 : memref<!tpu.dma_semaphore, #tpu.memory_space<semaphore_mem>>) src(%dma_wait3A_1015 : memref<16x128xf32, #tpu.memory_space<hbm>>) dst(%dma_wait3A_1012 : memref<16x128xf32, #tpu.memory_space<vmem>>)
    %dma_wait3A_1016 = arith.constant 0 : i32
    %dma_wait3A_1017 = arith.constant 0 : i32
    %dma_wait3A_1018 = tpu.memref_slice %arg11[%dma_wait3A_1016, %dma_wait3A_1017] : memref<128x128xf32, #tpu.memory_space<vmem>> -> memref<16x128xf32, #tpu.memory_space<vmem>>
    %dma_wait3A_1019 = arith.constant 0 : i32
    %dma_wait3A_1020 = arith.constant 0 : i32
    %dma_wait3A_1021 = tpu.memref_slice %arg4[%dma_wait3A_1019, %dma_wait3A_1020] : memref<32x1000000xf32, #tpu.memory_space<hbm>> -> memref<16x128xf32, #tpu.memory_space<hbm>>
    %dma_wait3A_1022 = arith.constant 0 : i32
    %dma_wait3A_1023 = arith.constant 0 : i32
    %dma_wait3A_1024 = tpu.memref_slice %arg11[%dma_wait3A_1022, %dma_wait3A_1023] : memref<128x128xf32, #tpu.memory_space<vmem>> -> memref<16x128xf32, #tpu.memory_space<vmem>>
    %dma_wait3A_1025 = arith.constant 0 : i32
    %dma_wait3A_1026 = arith.constant 0 : i32
    %dma_wait3A_1027 = tpu.memref_slice %arg4[%dma_wait3A_1025, %dma_wait3A_1026] : memref<32x1000000xf32, #tpu.memory_space<hbm>> -> memref<16x128xf32, #tpu.memory_space<hbm>>
    tpu.wait_dma2 semaphore(%arg15 : memref<!tpu.dma_semaphore, #tpu.memory_space<semaphore_mem>>) src(%dma_wait3A_1027 : memref<16x128xf32, #tpu.memory_space<hbm>>) dst(%dma_wait3A_1024 : memref<16x128xf32, #tpu.memory_space<vmem>>)
    %dma_wait3A_1028 = arith.constant 0 : i32
    %dma_wait3A_1029 = arith.constant 0 : i32
    %dma_wait3A_1030 = tpu.memref_slice %arg11[%dma_wait3A_1028, %dma_wait3A_1029] : memref<128x128xf32, #tpu.memory_space<vmem>> -> memref<16x128xf32, #tpu.memory_space<vmem>>
    %dma_wait3A_1031 = arith.constant 0 : i32
    %dma_wait3A_1032 = arith.constant 0 : i32
    %dma_wait3A_1033 = tpu.memref_slice %arg4[%dma_wait3A_1031, %dma_wait3A_1032] : memref<32x1000000xf32, #tpu.memory_space<hbm>> -> memref<16x128xf32, #tpu.memory_space<hbm>>
    %dma_wait3A_1034 = arith.constant 0 : i32
    %dma_wait3A_1035 = arith.constant 0 : i32
    %dma_wait3A_1036 = tpu.memref_slice %arg11[%dma_wait3A_1034, %dma_wait3A_1035] : memref<128x128xf32, #tpu.memory_space<vmem>> -> memref<16x128xf32, #tpu.memory_space<vmem>>
    %dma_wait3A_1037 = arith.constant 0 : i32
    %dma_wait3A_1038 = arith.constant 0 : i32
    %dma_wait3A_1039 = tpu.memref_slice %arg4[%dma_wait3A_1037, %dma_wait3A_1038] : memref<32x1000000xf32, #tpu.memory_space<hbm>> -> memref<16x128xf32, #tpu.memory_space<hbm>>
    tpu.wait_dma2 semaphore(%arg15 : memref<!tpu.dma_semaphore, #tpu.memory_space<semaphore_mem>>) src(%dma_wait3A_1039 : memref<16x128xf32, #tpu.memory_space<hbm>>) dst(%dma_wait3A_1036 : memref<16x128xf32, #tpu.memory_space<vmem>>)
    %dma_wait3A_1040 = arith.constant 0 : i32
    %dma_wait3A_1041 = arith.constant 0 : i32
    %dma_wait3A_1042 = tpu.memref_slice %arg11[%dma_wait3A_1040, %dma_wait3A_1041] : memref<128x128xf32, #tpu.memory_space<vmem>> -> memref<16x128xf32, #tpu.memory_space<vmem>>
    %dma_wait3A_1043 = arith.constant 0 : i32
    %dma_wait3A_1044 = arith.constant 0 : i32
    %dma_wait3A_1045 = tpu.memref_slice %arg4[%dma_wait3A_1043, %dma_wait3A_1044] : memref<32x1000000xf32, #tpu.memory_space<hbm>> -> memref<16x128xf32, #tpu.memory_space<hbm>>
    %dma_wait3A_1046 = arith.constant 0 : i32
    %dma_wait3A_1047 = arith.constant 0 : i32
    %dma_wait3A_1048 = tpu.memref_slice %arg11[%dma_wait3A_1046, %dma_wait3A_1047] : memref<128x128xf32, #tpu.memory_space<vmem>> -> memref<16x128xf32, #tpu.memory_space<vmem>>
    %dma_wait3A_1049 = arith.constant 0 : i32
    %dma_wait3A_1050 = arith.constant 0 : i32
    %dma_wait3A_1051 = tpu.memref_slice %arg4[%dma_wait3A_1049, %dma_wait3A_1050] : memref<32x1000000xf32, #tpu.memory_space<hbm>> -> memref<16x128xf32, #tpu.memory_space<hbm>>
    tpu.wait_dma2 semaphore(%arg15 : memref<!tpu.dma_semaphore, #tpu.memory_space<semaphore_mem>>) src(%dma_wait3A_1051 : memref<16x128xf32, #tpu.memory_space<hbm>>) dst(%dma_wait3A_1048 : memref<16x128xf32, #tpu.memory_space<vmem>>)
    %dma_wait3A_1052 = arith.constant 0 : i32
    %dma_wait3A_1053 = arith.constant 0 : i32
    %dma_wait3A_1054 = tpu.memref_slice %arg11[%dma_wait3A_1052, %dma_wait3A_1053] : memref<128x128xf32, #tpu.memory_space<vmem>> -> memref<16x128xf32, #tpu.memory_space<vmem>>
    %dma_wait3A_1055 = arith.constant 0 : i32
    %dma_wait3A_1056 = arith.constant 0 : i32
    %dma_wait3A_1057 = tpu.memref_slice %arg4[%dma_wait3A_1055, %dma_wait3A_1056] : memref<32x1000000xf32, #tpu.memory_space<hbm>> -> memref<16x128xf32, #tpu.memory_space<hbm>>
    %dma_wait3A_1058 = arith.constant 0 : i32
    %dma_wait3A_1059 = arith.constant 0 : i32
    %dma_wait3A_1060 = tpu.memref_slice %arg11[%dma_wait3A_1058, %dma_wait3A_1059] : memref<128x128xf32, #tpu.memory_space<vmem>> -> memref<16x128xf32, #tpu.memory_space<vmem>>
    %dma_wait3A_1061 = arith.constant 0 : i32
    %dma_wait3A_1062 = arith.constant 0 : i32
    %dma_wait3A_1063 = tpu.memref_slice %arg4[%dma_wait3A_1061, %dma_wait3A_1062] : memref<32x1000000xf32, #tpu.memory_space<hbm>> -> memref<16x128xf32, #tpu.memory_space<hbm>>
    tpu.wait_dma2 semaphore(%arg15 : memref<!tpu.dma_semaphore, #tpu.memory_space<semaphore_mem>>) src(%dma_wait3A_1063 : memref<16x128xf32, #tpu.memory_space<hbm>>) dst(%dma_wait3A_1060 : memref<16x128xf32, #tpu.memory_space<vmem>>)
    %slice3A_1064 = vector.extract_strided_slice %get3A_552 {offsets = [0], sizes = [1], strides = [1]} : vector<16xi32> to vector<1xi32>
    %squeeze3A_1065 = vector.extract %slice3A_1064[0] : i32 from vector<1xi32>
    %and3A_1066 = arith.constant 127 : i32
    %and3A_1067 = arith.andi %squeeze3A_1065, %and3A_1066 : i32
    %broadcast_in_dim3A_1068 = vector.broadcast %and3A_1067 : i32 to vector<16xi32>
    %slice3A_1069 = vector.extract_strided_slice %get3A_554 {offsets = [0], sizes = [1], strides = [1]} : vector<16xi32> to vector<1xi32>
    %squeeze3A_1070 = vector.extract %slice3A_1069[0] : i32 from vector<1xi32>
    %and3A_1071 = arith.constant 127 : i32
    %and3A_1072 = arith.andi %squeeze3A_1070, %and3A_1071 : i32
    %broadcast_in_dim3A_1073 = vector.broadcast %and3A_1072 : i32 to vector<16xi32>
    %add3A_1074 = arith.constant 0 : i32
    %add3A_1075 = vector.broadcast %add3A_1074 : i32 to vector<16xi32>
    %add3A_1076 = arith.addi %add3A_1075, %iota3A : vector<16xi32>
    %gather3A_1077 = tpu.vector_load_idx %arg11[%add3A_1076, %broadcast_in_dim3A_1068] : memref<128x128xf32, #tpu.memory_space<vmem>>[vector<16xi32>, vector<16xi32>], vector<16xf32>,
    %gather3A_1078 = tpu.vector_load_idx %arg12[%add3A_1076, %broadcast_in_dim3A_1073] : memref<128x128xf32, #tpu.memory_space<vmem>>[vector<16xi32>, vector<16xi32>], vector<16xf32>,
    %mul3A_1079 = arith.mulf %gather3A_1077, %gather3A_1078 : vector<16xf32>
    %slice3A_1080 = vector.extract_strided_slice %get3A_552 {offsets = [1], sizes = [1], strides = [1]} : vector<16xi32> to vector<1xi32>
    %squeeze3A_1081 = vector.extract %slice3A_1080[0] : i32 from vector<1xi32>
    %and3A_1082 = arith.constant 127 : i32
    %and3A_1083 = arith.andi %squeeze3A_1081, %and3A_1082 : i32
    %broadcast_in_dim3A_1084 = vector.broadcast %and3A_1083 : i32 to vector<16xi32>
    %slice3A_1085 = vector.extract_strided_slice %get3A_554 {offsets = [1], sizes = [1], strides = [1]} : vector<16xi32> to vector<1xi32>
    %squeeze3A_1086 = vector.extract %slice3A_1085[0] : i32 from vector<1xi32>
    %and3A_1087 = arith.constant 127 : i32
    %and3A_1088 = arith.andi %squeeze3A_1086, %and3A_1087 : i32
    %broadcast_in_dim3A_1089 = vector.broadcast %and3A_1088 : i32 to vector<16xi32>
    %add3A_1090 = arith.constant 16 : i32
    %add3A_1091 = vector.broadcast %add3A_1090 : i32 to vector<16xi32>
    %add3A_1092 = arith.addi %add3A_1091, %iota3A : vector<16xi32>
    %gather3A_1093 = tpu.vector_load_idx %arg11[%add3A_1092, %broadcast_in_dim3A_1084] : memref<128x128xf32, #tpu.memory_space<vmem>>[vector<16xi32>, vector<16xi32>], vector<16xf32>,
    %gather3A_1094 = tpu.vector_load_idx %arg12[%add3A_1092, %broadcast_in_dim3A_1089] : memref<128x128xf32, #tpu.memory_space<vmem>>[vector<16xi32>, vector<16xi32>], vector<16xf32>,
    %mul3A_1095 = arith.mulf %gather3A_1093, %gather3A_1094 : vector<16xf32>
    %slice3A_1096 = vector.extract_strided_slice %get3A_552 {offsets = [2], sizes = [1], strides = [1]} : vector<16xi32> to vector<1xi32>
    %squeeze3A_1097 = vector.extract %slice3A_1096[0] : i32 from vector<1xi32>
    %and3A_1098 = arith.constant 127 : i32
    %and3A_1099 = arith.andi %squeeze3A_1097, %and3A_1098 : i32
    %broadcast_in_dim3A_1100 = vector.broadcast %and3A_1099 : i32 to vector<16xi32>
    %slice3A_1101 = vector.extract_strided_slice %get3A_554 {offsets = [2], sizes = [1], strides = [1]} : vector<16xi32> to vector<1xi32>
    %squeeze3A_1102 = vector.extract %slice3A_1101[0] : i32 from vector<1xi32>
    %and3A_1103 = arith.constant 127 : i32
    %and3A_1104 = arith.andi %squeeze3A_1102, %and3A_1103 : i32
    %broadcast_in_dim3A_1105 = vector.broadcast %and3A_1104 : i32 to vector<16xi32>
    %add3A_1106 = arith.constant 32 : i32
    %add3A_1107 = vector.broadcast %add3A_1106 : i32 to vector<16xi32>
    %add3A_1108 = arith.addi %add3A_1107, %iota3A : vector<16xi32>
    %gather3A_1109 = tpu.vector_load_idx %arg11[%add3A_1108, %broadcast_in_dim3A_1100] : memref<128x128xf32, #tpu.memory_space<vmem>>[vector<16xi32>, vector<16xi32>], vector<16xf32>,
    %gather3A_1110 = tpu.vector_load_idx %arg12[%add3A_1108, %broadcast_in_dim3A_1105] : memref<128x128xf32, #tpu.memory_space<vmem>>[vector<16xi32>, vector<16xi32>], vector<16xf32>,
    %mul3A_1111 = arith.mulf %gather3A_1109, %gather3A_1110 : vector<16xf32>
    %slice3A_1112 = vector.extract_strided_slice %get3A_552 {offsets = [3], sizes = [1], strides = [1]} : vector<16xi32> to vector<1xi32>
    %squeeze3A_1113 = vector.extract %slice3A_1112[0] : i32 from vector<1xi32>
    %and3A_1114 = arith.constant 127 : i32
    %and3A_1115 = arith.andi %squeeze3A_1113, %and3A_1114 : i32
    %broadcast_in_dim3A_1116 = vector.broadcast %and3A_1115 : i32 to vector<16xi32>
    %slice3A_1117 = vector.extract_strided_slice %get3A_554 {offsets = [3], sizes = [1], strides = [1]} : vector<16xi32> to vector<1xi32>
    %squeeze3A_1118 = vector.extract %slice3A_1117[0] : i32 from vector<1xi32>
    %and3A_1119 = arith.constant 127 : i32
    %and3A_1120 = arith.andi %squeeze3A_1118, %and3A_1119 : i32
    %broadcast_in_dim3A_1121 = vector.broadcast %and3A_1120 : i32 to vector<16xi32>
    %add3A_1122 = arith.constant 48 : i32
    %add3A_1123 = vector.broadcast %add3A_1122 : i32 to vector<16xi32>
    %add3A_1124 = arith.addi %add3A_1123, %iota3A : vector<16xi32>
    %gather3A_1125 = tpu.vector_load_idx %arg11[%add3A_1124, %broadcast_in_dim3A_1116] : memref<128x128xf32, #tpu.memory_space<vmem>>[vector<16xi32>, vector<16xi32>], vector<16xf32>,
    %gather3A_1126 = tpu.vector_load_idx %arg12[%add3A_1124, %broadcast_in_dim3A_1121] : memref<128x128xf32, #tpu.memory_space<vmem>>[vector<16xi32>, vector<16xi32>], vector<16xf32>,
    %mul3A_1127 = arith.mulf %gather3A_1125, %gather3A_1126 : vector<16xf32>
    %slice3A_1128 = vector.extract_strided_slice %get3A_552 {offsets = [4], sizes = [1], strides = [1]} : vector<16xi32> to vector<1xi32>
    %squeeze3A_1129 = vector.extract %slice3A_1128[0] : i32 from vector<1xi32>
    %and3A_1130 = arith.constant 127 : i32
    %and3A_1131 = arith.andi %squeeze3A_1129, %and3A_1130 : i32
    %broadcast_in_dim3A_1132 = vector.broadcast %and3A_1131 : i32 to vector<16xi32>
    %slice3A_1133 = vector.extract_strided_slice %get3A_554 {offsets = [4], sizes = [1], strides = [1]} : vector<16xi32> to vector<1xi32>
    %squeeze3A_1134 = vector.extract %slice3A_1133[0] : i32 from vector<1xi32>
    %and3A_1135 = arith.constant 127 : i32
    %and3A_1136 = arith.andi %squeeze3A_1134, %and3A_1135 : i32
    %broadcast_in_dim3A_1137 = vector.broadcast %and3A_1136 : i32 to vector<16xi32>
    %add3A_1138 = arith.constant 64 : i32
    %add3A_1139 = vector.broadcast %add3A_1138 : i32 to vector<16xi32>
    %add3A_1140 = arith.addi %add3A_1139, %iota3A : vector<16xi32>
    %gather3A_1141 = tpu.vector_load_idx %arg11[%add3A_1140, %broadcast_in_dim3A_1132] : memref<128x128xf32, #tpu.memory_space<vmem>>[vector<16xi32>, vector<16xi32>], vector<16xf32>,
    %gather3A_1142 = tpu.vector_load_idx %arg12[%add3A_1140, %broadcast_in_dim3A_1137] : memref<128x128xf32, #tpu.memory_space<vmem>>[vector<16xi32>, vector<16xi32>], vector<16xf32>,
    %mul3A_1143 = arith.mulf %gather3A_1141, %gather3A_1142 : vector<16xf32>
    %slice3A_1144 = vector.extract_strided_slice %get3A_552 {offsets = [5], sizes = [1], strides = [1]} : vector<16xi32> to vector<1xi32>
    %squeeze3A_1145 = vector.extract %slice3A_1144[0] : i32 from vector<1xi32>
    %and3A_1146 = arith.constant 127 : i32
    %and3A_1147 = arith.andi %squeeze3A_1145, %and3A_1146 : i32
    %broadcast_in_dim3A_1148 = vector.broadcast %and3A_1147 : i32 to vector<16xi32>
    %slice3A_1149 = vector.extract_strided_slice %get3A_554 {offsets = [5], sizes = [1], strides = [1]} : vector<16xi32> to vector<1xi32>
    %squeeze3A_1150 = vector.extract %slice3A_1149[0] : i32 from vector<1xi32>
    %and3A_1151 = arith.constant 127 : i32
    %and3A_1152 = arith.andi %squeeze3A_1150, %and3A_1151 : i32
    %broadcast_in_dim3A_1153 = vector.broadcast %and3A_1152 : i32 to vector<16xi32>
    %add3A_1154 = arith.constant 80 : i32
    %add3A_1155 = vector.broadcast %add3A_1154 : i32 to vector<16xi32>
    %add3A_1156 = arith.addi %add3A_1155, %iota3A : vector<16xi32>
    %gather3A_1157 = tpu.vector_load_idx %arg11[%add3A_1156, %broadcast_in_dim3A_1148] : memref<128x128xf32, #tpu.memory_space<vmem>>[vector<16xi32>, vector<16xi32>], vector<16xf32>,
    %gather3A_1158 = tpu.vector_load_idx %arg12[%add3A_1156, %broadcast_in_dim3A_1153] : memref<128x128xf32, #tpu.memory_space<vmem>>[vector<16xi32>, vector<16xi32>], vector<16xf32>,
    %mul3A_1159 = arith.mulf %gather3A_1157, %gather3A_1158 : vector<16xf32>
    %slice3A_1160 = vector.extract_strided_slice %get3A_552 {offsets = [6], sizes = [1], strides = [1]} : vector<16xi32> to vector<1xi32>
    %squeeze3A_1161 = vector.extract %slice3A_1160[0] : i32 from vector<1xi32>
    %and3A_1162 = arith.constant 127 : i32
    %and3A_1163 = arith.andi %squeeze3A_1161, %and3A_1162 : i32
    %broadcast_in_dim3A_1164 = vector.broadcast %and3A_1163 : i32 to vector<16xi32>
    %slice3A_1165 = vector.extract_strided_slice %get3A_554 {offsets = [6], sizes = [1], strides = [1]} : vector<16xi32> to vector<1xi32>
    %squeeze3A_1166 = vector.extract %slice3A_1165[0] : i32 from vector<1xi32>
    %and3A_1167 = arith.constant 127 : i32
    %and3A_1168 = arith.andi %squeeze3A_1166, %and3A_1167 : i32
    %broadcast_in_dim3A_1169 = vector.broadcast %and3A_1168 : i32 to vector<16xi32>
    %add3A_1170 = arith.constant 96 : i32
    %add3A_1171 = vector.broadcast %add3A_1170 : i32 to vector<16xi32>
    %add3A_1172 = arith.addi %add3A_1171, %iota3A : vector<16xi32>
    %gather3A_1173 = tpu.vector_load_idx %arg11[%add3A_1172, %broadcast_in_dim3A_1164] : memref<128x128xf32, #tpu.memory_space<vmem>>[vector<16xi32>, vector<16xi32>], vector<16xf32>,
    %gather3A_1174 = tpu.vector_load_idx %arg12[%add3A_1172, %broadcast_in_dim3A_1169] : memref<128x128xf32, #tpu.memory_space<vmem>>[vector<16xi32>, vector<16xi32>], vector<16xf32>,
    %mul3A_1175 = arith.mulf %gather3A_1173, %gather3A_1174 : vector<16xf32>
    %slice3A_1176 = vector.extract_strided_slice %get3A_552 {offsets = [7], sizes = [1], strides = [1]} : vector<16xi32> to vector<1xi32>
    %squeeze3A_1177 = vector.extract %slice3A_1176[0] : i32 from vector<1xi32>
    %and3A_1178 = arith.constant 127 : i32
    %and3A_1179 = arith.andi %squeeze3A_1177, %and3A_1178 : i32
    %broadcast_in_dim3A_1180 = vector.broadcast %and3A_1179 : i32 to vector<16xi32>
    %slice3A_1181 = vector.extract_strided_slice %get3A_554 {offsets = [7], sizes = [1], strides = [1]} : vector<16xi32> to vector<1xi32>
    %squeeze3A_1182 = vector.extract %slice3A_1181[0] : i32 from vector<1xi32>
    %and3A_1183 = arith.constant 127 : i32
    %and3A_1184 = arith.andi %squeeze3A_1182, %and3A_1183 : i32
    %broadcast_in_dim3A_1185 = vector.broadcast %and3A_1184 : i32 to vector<16xi32>
    %add3A_1186 = arith.constant 112 : i32
    %add3A_1187 = vector.broadcast %add3A_1186 : i32 to vector<16xi32>
    %add3A_1188 = arith.addi %add3A_1187, %iota3A : vector<16xi32>
    %gather3A_1189 = tpu.vector_load_idx %arg11[%add3A_1188, %broadcast_in_dim3A_1180] : memref<128x128xf32, #tpu.memory_space<vmem>>[vector<16xi32>, vector<16xi32>], vector<16xf32>,
    %gather3A_1190 = tpu.vector_load_idx %arg12[%add3A_1188, %broadcast_in_dim3A_1185] : memref<128x128xf32, #tpu.memory_space<vmem>>[vector<16xi32>, vector<16xi32>], vector<16xf32>,
    %mul3A_1191 = arith.mulf %gather3A_1189, %gather3A_1190 : vector<16xf32>
    %add3A_1192 = arith.addf %mul3A_759, %mul3A_1079 : vector<16xf32>
    %reduce_sum3A = arith.constant true
    %reduce_sum3A_1193 = vector.broadcast %reduce_sum3A : i1 to vector<16xi1>
    %reduce_sum3A_1194 = tpu.scan <sum>, %add3A_1192 masked %reduce_sum3A_1193 : vector<16xf32>, vector<16xi1> -> vector<16xf32>
    %reduce_sum3A_1195 = vector.extract %reduce_sum3A_1194[15] : f32 from vector<16xf32>
    %eq3A = arith.constant 8 : i32
    %eq3A_1196 = vector.broadcast %eq3A : i32 to vector<16xi32>
    %eq3A_1197 = arith.cmpi eq, %iota3A, %eq3A_1196 : vector<16xi32>
    %broadcast_in_dim3A_1198 = vector.broadcast %reduce_sum3A_1195 : f32 to vector<16xf32>
    %select_n3A = arith.select %eq3A_1197, %broadcast_in_dim3A_1198, %scan3A_549 : vector<16xi1>, vector<16xf32>
    %add3A_1199 = arith.addf %mul3A_775, %mul3A_1095 : vector<16xf32>
    %reduce_sum3A_1200 = arith.constant true
    %reduce_sum3A_1201 = vector.broadcast %reduce_sum3A_1200 : i1 to vector<16xi1>
    %reduce_sum3A_1202 = tpu.scan <sum>, %add3A_1199 masked %reduce_sum3A_1201 : vector<16xf32>, vector<16xi1> -> vector<16xf32>
    %reduce_sum3A_1203 = vector.extract %reduce_sum3A_1202[15] : f32 from vector<16xf32>
    %eq3A_1204 = arith.constant 9 : i32
    %eq3A_1205 = vector.broadcast %eq3A_1204 : i32 to vector<16xi32>
    %eq3A_1206 = arith.cmpi eq, %iota3A, %eq3A_1205 : vector<16xi32>
    %broadcast_in_dim3A_1207 = vector.broadcast %reduce_sum3A_1203 : f32 to vector<16xf32>
    %select_n3A_1208 = arith.select %eq3A_1206, %broadcast_in_dim3A_1207, %select_n3A : vector<16xi1>, vector<16xf32>
    %add3A_1209 = arith.addf %mul3A_791, %mul3A_1111 : vector<16xf32>
    %reduce_sum3A_1210 = arith.constant true
    %reduce_sum3A_1211 = vector.broadcast %reduce_sum3A_1210 : i1 to vector<16xi1>
    %reduce_sum3A_1212 = tpu.scan <sum>, %add3A_1209 masked %reduce_sum3A_1211 : vector<16xf32>, vector<16xi1> -> vector<16xf32>
    %reduce_sum3A_1213 = vector.extract %reduce_sum3A_1212[15] : f32 from vector<16xf32>
    %eq3A_1214 = arith.constant 10 : i32
    %eq3A_1215 = vector.broadcast %eq3A_1214 : i32 to vector<16xi32>
    %eq3A_1216 = arith.cmpi eq, %iota3A, %eq3A_1215 : vector<16xi32>
    %broadcast_in_dim3A_1217 = vector.broadcast %reduce_sum3A_1213 : f32 to vector<16xf32>
    %select_n3A_1218 = arith.select %eq3A_1216, %broadcast_in_dim3A_1217, %select_n3A_1208 : vector<16xi1>, vector<16xf32>
    %add3A_1219 = arith.addf %mul3A_807, %mul3A_1127 : vector<16xf32>
    %reduce_sum3A_1220 = arith.constant true
    %reduce_sum3A_1221 = vector.broadcast %reduce_sum3A_1220 : i1 to vector<16xi1>
    %reduce_sum3A_1222 = tpu.scan <sum>, %add3A_1219 masked %reduce_sum3A_1221 : vector<16xf32>, vector<16xi1> -> vector<16xf32>
    %reduce_sum3A_1223 = vector.extract %reduce_sum3A_1222[15] : f32 from vector<16xf32>
    %eq3A_1224 = arith.constant 11 : i32
    %eq3A_1225 = vector.broadcast %eq3A_1224 : i32 to vector<16xi32>
    %eq3A_1226 = arith.cmpi eq, %iota3A, %eq3A_1225 : vector<16xi32>
    %broadcast_in_dim3A_1227 = vector.broadcast %reduce_sum3A_1223 : f32 to vector<16xf32>
    %select_n3A_1228 = arith.select %eq3A_1226, %broadcast_in_dim3A_1227, %select_n3A_1218 : vector<16xi1>, vector<16xf32>
    %add3A_1229 = arith.addf %mul3A_823, %mul3A_1143 : vector<16xf32>
    %reduce_sum3A_1230 = arith.constant true
    %reduce_sum3A_1231 = vector.broadcast %reduce_sum3A_1230 : i1 to vector<16xi1>
    %reduce_sum3A_1232 = tpu.scan <sum>, %add3A_1229 masked %reduce_sum3A_1231 : vector<16xf32>, vector<16xi1> -> vector<16xf32>
    %reduce_sum3A_1233 = vector.extract %reduce_sum3A_1232[15] : f32 from vector<16xf32>
    %eq3A_1234 = arith.constant 12 : i32
    %eq3A_1235 = vector.broadcast %eq3A_1234 : i32 to vector<16xi32>
    %eq3A_1236 = arith.cmpi eq, %iota3A, %eq3A_1235 : vector<16xi32>
    %broadcast_in_dim3A_1237 = vector.broadcast %reduce_sum3A_1233 : f32 to vector<16xf32>
    %select_n3A_1238 = arith.select %eq3A_1236, %broadcast_in_dim3A_1237, %select_n3A_1228 : vector<16xi1>, vector<16xf32>
    %add3A_1239 = arith.addf %mul3A_839, %mul3A_1159 : vector<16xf32>
    %reduce_sum3A_1240 = arith.constant true
    %reduce_sum3A_1241 = vector.broadcast %reduce_sum3A_1240 : i1 to vector<16xi1>
    %reduce_sum3A_1242 = tpu.scan <sum>, %add3A_1239 masked %reduce_sum3A_1241 : vector<16xf32>, vector<16xi1> -> vector<16xf32>
    %reduce_sum3A_1243 = vector.extract %reduce_sum3A_1242[15] : f32 from vector<16xf32>
    %eq3A_1244 = arith.constant 13 : i32
    %eq3A_1245 = vector.broadcast %eq3A_1244 : i32 to vector<16xi32>
    %eq3A_1246 = arith.cmpi eq, %iota3A, %eq3A_1245 : vector<16xi32>
    %broadcast_in_dim3A_1247 = vector.broadcast %reduce_sum3A_1243 : f32 to vector<16xf32>
    %select_n3A_1248 = arith.select %eq3A_1246, %broadcast_in_dim3A_1247, %select_n3A_1238 : vector<16xi1>, vector<16xf32>
    %add3A_1249 = arith.addf %mul3A_855, %mul3A_1175 : vector<16xf32>
    %reduce_sum3A_1250 = arith.constant true
    %reduce_sum3A_1251 = vector.broadcast %reduce_sum3A_1250 : i1 to vector<16xi1>
    %reduce_sum3A_1252 = tpu.scan <sum>, %add3A_1249 masked %reduce_sum3A_1251 : vector<16xf32>, vector<16xi1> -> vector<16xf32>
    %reduce_sum3A_1253 = vector.extract %reduce_sum3A_1252[15] : f32 from vector<16xf32>
    %eq3A_1254 = arith.constant 14 : i32
    %eq3A_1255 = vector.broadcast %eq3A_1254 : i32 to vector<16xi32>
    %eq3A_1256 = arith.cmpi eq, %iota3A, %eq3A_1255 : vector<16xi32>
    %broadcast_in_dim3A_1257 = vector.broadcast %reduce_sum3A_1253 : f32 to vector<16xf32>
    %select_n3A_1258 = arith.select %eq3A_1256, %broadcast_in_dim3A_1257, %select_n3A_1248 : vector<16xi1>, vector<16xf32>
    %add3A_1259 = arith.addf %mul3A_871, %mul3A_1191 : vector<16xf32>
    %reduce_sum3A_1260 = arith.constant true
    %reduce_sum3A_1261 = vector.broadcast %reduce_sum3A_1260 : i1 to vector<16xi1>
    %reduce_sum3A_1262 = tpu.scan <sum>, %add3A_1259 masked %reduce_sum3A_1261 : vector<16xf32>, vector<16xi1> -> vector<16xf32>
    %reduce_sum3A_1263 = vector.extract %reduce_sum3A_1262[15] : f32 from vector<16xf32>
    %eq3A_1264 = arith.constant 15 : i32
    %eq3A_1265 = vector.broadcast %eq3A_1264 : i32 to vector<16xi32>
    %eq3A_1266 = arith.cmpi eq, %iota3A, %eq3A_1265 : vector<16xi32>
    %broadcast_in_dim3A_1267 = vector.broadcast %reduce_sum3A_1263 : f32 to vector<16xf32>
    %select_n3A_1268 = arith.select %eq3A_1266, %broadcast_in_dim3A_1267, %select_n3A_1258 : vector<16xi1>, vector<16xf32>
    %swap3A = arith.constant 496 : index
    %swap3A_1269 = tpu.vector_load %arg13[%swap3A] {strides = array<i32>} : memref<512xf32, #tpu.memory_space<vmem>>, vector<16xf32>,
    tpu.vector_store %arg13[%swap3A], %select_n3A_1268 {strides = array<i32>} : memref<512xf32, #tpu.memory_space<vmem>>, vector<16xf32>,
    "tpu.region"() ({
      %run_scoped3A = tpu.sem_alloc : memref<!tpu.dma_semaphore, #tpu.memory_space<semaphore_mem>>
      %dma_start3A_1270 = tpu.memref_slice %arg6[%mul3A_2] : memref<16384xf32, #tpu.memory_space<hbm>> -> memref<512xf32, #tpu.memory_space<hbm>>
      %dma_start3A_1271 = tpu.memref_slice %arg6[%mul3A_2] : memref<16384xf32, #tpu.memory_space<hbm>> -> memref<512xf32, #tpu.memory_space<hbm>>
      tpu.enqueue_dma source(%arg13 : memref<512xf32, #tpu.memory_space<vmem>>) target(%dma_start3A_1271 : memref<512xf32, #tpu.memory_space<hbm>>) target_semaphore(%run_scoped3A : memref<!tpu.dma_semaphore, #tpu.memory_space<semaphore_mem>>)
      %dma_wait3A_1272 = tpu.memref_slice %arg6[%mul3A_2] : memref<16384xf32, #tpu.memory_space<hbm>> -> memref<512xf32, #tpu.memory_space<hbm>>
      %dma_wait3A_1273 = tpu.memref_slice %arg6[%mul3A_2] : memref<16384xf32, #tpu.memory_space<hbm>> -> memref<512xf32, #tpu.memory_space<hbm>>
      tpu.wait_dma2 semaphore(%run_scoped3A : memref<!tpu.dma_semaphore, #tpu.memory_space<semaphore_mem>>) src(%arg13 : memref<512xf32, #tpu.memory_space<vmem>>) dst(%dma_wait3A_1273 : memref<512xf32, #tpu.memory_space<hbm>>)
      tpu.yield
    }) : () -> ()
    return
  }
}

</mosaic_0001>

<sc_bundles>
// kernel: kernel.3.cloned.1.call-start
scs
__scs_entry_jumppad:
0x0: {  	(pc) =	sbr.rel $0x88, $3  }
0x1: {  	(tag) =	ssettag $0x0;
	lr =	simm.s32 $0x1  }
0x2: {  	[smem:$0x3F9D] =	sst lr;
	_ =	strace $0xD0000000  }
0x3: {  	_ = 	snop  }
0x4: {  	_ = 	snop  }
0x5: {  	_ = 	snop  }
0x6: {  	_ = 	snop  }
0x7: {  	_ = 	snop  }
__scs_overlays_trampoline_lowered:
0x8: {  	[smem:$0x3FAC] =	sst s0  }
0x9: {  	[smem:$0x3FAD] =	sst s1  }
0xa: {  	[smem:$0x3FAE] =	sst s2  }
0xb: {  	[smem:$0x3FAF] =	sst s3  }
0xc: {  	[smem:$0x3FB0] =	sst s4  }
0xd: {  	[smem:$0x3FB1] =	sst s5  }
0xe: {  	[smem:$0x3FB2] =	sst s6  }
0xf: {  	[smem:$0x3FB3] =	sst s7  }
0x10: {  	[smem:$0x3FB4] =	sst s8  }
0x11: {  	[smem:$0x3FB5] =	sst s9;
	s0 =	simm.s32 @!p0 $0x0  }
0x12: {  	s1 =	sld [smem:$0x3F9B];
	s0 =	simm.s32 @p0 $0x1  }
0x13: {  	[smem:$0x3FB6] =	sst s0;
	s0 =	simm.s32 @!p1 $0x0  }
0x14: {  	s2 =	sld [smem:$0x3F9A];
	s0 =	simm.s32 @p1 $0x1  }
0x15: {  	[smem:$0x3FB7] =	sst s0;
	s0 =	simm.s32 @!p2 $0x0  }
0x16: {  	s3 =	sld [smem:$0x3FDB];
	s0 =	simm.s32 @p2 $0x1  }
0x17: {  	s4 =	simm.s32 $0x1BF5;
	[smem:$0x3FB9] =	sst s0  }
0x18: {  	s0 =	sld [smem:$0x3F9C];
	_ =	swait.ge [sflag:s4], $0x0  }
0x19: {  	s7 =	sld [smem:$0x3F9D]  }
0x1a: {  	s8 =	sadd.s32 $0xFFFFE003, lr  }
0x1b: {  	s9 =	sadd.s32 $0xFFFFFEF7, lr;
	s5 =	simm.s32 $0xFFFFFFFF;
	p2 =	slt.u32 s8, $0xFFFFF086  }
0x1c: {  	p1 =	slt.u32 s9, $0xF7A;
	s5 =	simm.s32 @!p2 $0x0  }
0x1d: {  	s5 =	simm.s32 @p1 $0x1;
	p0 =	seq.s32 s7, s2  }
0x1e: {  	s7 =	smul.u32 @!p0 $0xF7A, s2;
	p2 =	seq.s32 @!p0 s5, $0x0  }
0x1f: {  	s9 =	smul.u32 $0xF7A, s1;
	s8 =	simm.s32 @!p0 $0x1BF5;
	p2 =	por !p2, p0  }
0x20: {  	[sflag:s8] =	ssyncset.s32 @!p0 $0xFFFFF086;
	s6 =	sadd.s32 @!p0 s3, s7;
	s7 =	simm.s32 @!p0 $0x108  }
0x21: {  	s3 =	sadd.s32 s3, s9;
	s6 =	sadd.s32 @!p0 $0x88, s6;
	s7 =	simm.s32 @p2 $0x1082  }
0x22: {  	[simem:s7], [sflag:s8] =	dma.local @!p0 [hbm:s6], $0xF7A  }
0x23: {  	s9 =	sor.u32 $0xD0000000, s2;
	s6 =	simm.s32 $0x108;
	_ =	swait.ge @!p0 [sflag:s8], $0x0  }
0x24: {  	s3 =	sadd.s32 $0x88, s3;
	s6 =	simm.s32 @!p1 $0x1082;
	[sflag:s4] =	ssyncset.s32 $0xFFFFF086  }
0x25: {  	[simem:s6], [sflag:s4] =	dma.local [hbm:s3], $0xF7A  }
0x26: {  	[smem:$0x3F9D] =	sst s1;
	(tag) =	ssettag s2;
	_ =	strace s9  }
0x27: {  	s1 =	sld [smem:$0x3FAD]  }
0x28: {  	s2 =	sld [smem:$0x3FAE]  }
0x29: {  	s4 =	sld [smem:$0x3FB0]  }
0x2a: {  	p0 =	seq.s32 s5, $0x0;
	s5 =	sld [smem:$0x3FB1]  }
0x2b: {  	s6 =	sld [smem:$0x3FB2]  }
0x2c: {  	s7 =	sld [smem:$0x3FB3]  }
0x2d: {  	s3 =	simm.s32 $0x108;
	s8 =	sld [smem:$0x3FB4]  }
0x2e: {  	s3 =	simm.s32 @!p0 $0x1082;
	s9 =	sld [smem:$0x3FB5]  }
0x2f: {  	lr =	sadd.s32 s0, s3;
	s0 =	sld [smem:$0x3FAC]  }
0x30: {  	s3 =	sld [smem:$0x3FAF]  }
0x31: {  	[smem:$0x3FB8] =	sst s10  }
0x32: {  	s10 =	sld [smem:$0x3FB6];
	_ =	sdelay $0x3  }
0x33: {  	p0 =	seq.s32 s10, $0x1;
	s10 =	sld [smem:$0x3FB8];
	_ =	sdelay $0x3  }
0x34: {  	[smem:$0x3FB8] =	sst s10  }
0x35: {  	s10 =	sld [smem:$0x3FB7];
	_ =	sdelay $0x3  }
0x36: {  	p1 =	seq.s32 s10, $0x1;
	s10 =	sld [smem:$0x3FB8];
	_ =	sdelay $0x3  }
0x37: {  	[smem:$0x3FB8] =	sst s10  }
0x38: {  	s10 =	sld [smem:$0x3FB9]  }
0x39: {  	_ = 	snop;
	(pc) =	sbr.ind lr, $3  }
0x3a: {  	_ = 	snop  }
0x3b: {  	_ = 	snop  }
0x3c: {  	p2 =	seq.s32 s10, $0x1;
	s10 =	sld [smem:$0x3FB8]  }
0x3d: {  	_ =	shalt  }
0x3e: {  	_ =	shalt  }
0x3f: {  	_ =	shalt  }
0x40: {  	_ =	shalt  }
0x41: {  	_ =	shalt  }
0x42: {  	_ =	shalt  }
0x43: {  	_ =	shalt  }
0x44: {  	_ =	shalt  }
0x45: {  	_ =	shalt  }
0x46: {  	_ =	shalt  }
0x47: {  	_ =	shalt  }
0x48: {  	_ =	shalt  }
0x49: {  	_ =	shalt  }
0x4a: {  	_ =	shalt  }
0x4b: {  	_ =	shalt  }
0x4c: {  	_ =	shalt  }
0x4d: {  	_ =	shalt  }
0x4e: {  	_ =	shalt  }
0x4f: {  	_ =	shalt  }
0x50: {  	_ =	shalt  }
0x51: {  	_ =	shalt  }
0x52: {  	_ =	shalt  }
0x53: {  	_ =	shalt  }
0x54: {  	_ =	shalt  }
0x55: {  	_ =	shalt  }
0x56: {  	_ =	shalt  }
0x57: {  	_ =	shalt  }
0x58: {  	_ =	shalt  }
0x59: {  	_ =	shalt  }
0x5a: {  	_ =	shalt  }
0x5b: {  	_ =	shalt  }
0x5c: {  	_ =	shalt  }
0x5d: {  	_ =	shalt  }
0x5e: {  	_ =	shalt  }
0x5f: {  	_ =	shalt  }
0x60: {  	_ =	shalt  }
0x61: {  	_ =	shalt  }
0x62: {  	_ =	shalt  }
0x63: {  	_ =	shalt  }
0x64: {  	_ =	shalt  }
0x65: {  	_ =	shalt  }
0x66: {  	_ =	shalt  }
0x67: {  	_ =	shalt  }
0x68: {  	_ =	shalt  }
0x69: {  	_ =	shalt  }
0x6a: {  	_ =	shalt  }
0x6b: {  	_ =	shalt  }
0x6c: {  	_ =	shalt  }
0x6d: {  	_ =	shalt  }
0x6e: {  	_ =	shalt  }
0x6f: {  	_ =	shalt  }
0x70: {  	_ =	shalt  }
0x71: {  	_ =	shalt  }
0x72: {  	_ =	shalt  }
0x73: {  	_ =	shalt  }
0x74: {  	_ =	shalt  }
0x75: {  	_ =	shalt  }
0x76: {  	_ =	shalt  }
0x77: {  	_ =	shalt  }
0x78: {  	_ =	shalt  }
0x79: {  	_ =	shalt  }
0x7a: {  	_ =	shalt  }
0x7b: {  	_ =	shalt  }
0x7c: {  	_ =	shalt  }
0x7d: {  	_ =	shalt  }
0x7e: {  	_ =	shalt  }
0x7f: {  	_ =	shalt  }
0x80: {  	_ =	shalt  }
0x81: {  	_ =	shalt  }
0x82: {  	_ =	shalt  }
0x83: {  	_ =	shalt  }
0x84: {  	_ =	shalt  }
0x85: {  	_ =	shalt  }
0x86: {  	_ =	shalt  }
0x87: {  	_ =	shalt  }
.Lfunc_end0:
.L_simem_size_0:
called_computation_lowered:
.L_overlay_start_0:
0x88: {  	s2 =	sld [smem:$0x3FD9]  }
0x89: {  	s3 =	sld [smem:$0x3FFE];
	_ =	sdelay $0x1  }
0x8a: {  	s1 =	srdreg.scid  }
0x8b: {  	s0 =	sand.u32 $0x1, s1  }
0x8c: {  	s18 =	sshll.u32 s0, $0xA;
	s2 =	sadd.s32 s3, s2  }
0x8d: {  	s2 =	sadd.s32 s2, s18  }
0x8e: {  	[smem:$0x3FC4] =	sst s2  }
0x8f: {  	_ = 	snop  }
0x90: {  	s2 =	sld [smem:$0x3FC9]  }
0x91: {  	s19 =	sld [smem:$0x3FC8]  }
0x92: {  	s4 =	sld [smem:$0x3FC7]  }
0x93: {  	s5 =	sld [smem:$0x3FC6]  }
0x94: {  	s6 =	sld [smem:$0x3FD0];
	(tm) =	ssettm $0x1  }
0x95: {  	s7 =	sld [smem:$0x3FFB];
	_ =	sdelay $0x3  }
0x96: {  	_ =	strace s7  }
0x97: {  	s7 =	sld [smem:$0x3FFC];
	_ =	sdelay $0x3  }
0x98: {  	_ =	strace s7  }
0x99: {  	s7 =	sld [smem:$0x3FFD];
	_ =	sdelay $0x3  }
0x9a: {  	_ =	strace s7  }
0x9b: {  	_ =	strace $0x8FFFFFFF  }
0x9c: {  	s20 =	sld [smem:$0x3FDB];
	_ =	sdelay $0x1  }
0x9d: {  	s8 =	simm.s32 $_scs_section_size  }
0x9e: {  	s9 =	simm.s32 $_size__tile_overlayer_lowered;
	s10 =	simm.s32 $_tile_overlayer_lowered  }
0x9f: {  	s23 =	simm.s32 $0x1BFF;
	s22 =	sshll.u32 s10, $0x1;
	s7 =	sadd.s32 s8, s20  }
0xa0: {  	s11 =	simm.s32 $0x0;
	s21 =	sshll.u32 s9, $0x1;
	s9 =	sadd.s32 s22, s7  }
0xa1: {  	[timem:s11], [sflag:s23] =	dma.local [hbm:s9], s21  }
0xa2: {  	_ =	swait.ge [sflag:s23], s21  }
0xa3: {  	s8 =	ssub.s32 $0x0, s21;
	[sflag:s23] =	ssyncset.done $0x0  }
0xa4: {  	[sflag:s23] =	ssyncadd.s32 s8;
	_ =	sdelay $0x1  }
0xa5: {  	s24 =	simm.s32 $0x1B8B  }
0xa6: {  	_ =	swait.ge [sflag:s24], $0x1  }
0xa7: {  	[sflag:s24] =	ssyncset.done $0x0  }
0xa8: {  	s25 =	simm.s32 $0x1B8E;
	[sflag:s24] =	ssyncadd.s32 $0xFFFFFFFF  }
0xa9: {  	s26 =	simm.s32 $execute0_lowered;
	[smem:$0x3FD2] =	sst s25  }
0xaa: {  	s8 =	sshll.u32 s26, $0x1;
	_ =	strace $0x80000046;
	[dreg:$0x1] =	wrdreg $0xFFFFFFFF  }
0xab: {  	s28 =	simm.s32 $_size_execute0_lowered;
	s7 =	sadd.s32 s7, s8;
	[dreg:$0x0] =	wrdreg $0x0  }
0xac: {  	s8 =	sshll.u32 s28, $0x1;
	[dreg:$0x2] =	wrdreg s7  }
0xad: {  	[dreg:$0x3] =	wrdreg s8  }
0xae: {  	[dreg:$0x4] =	wrdreg $0xC0  }
0xaf: {  	_ =	task [dreg:s11], $0x5FFFF  }
0xb0: {  	[dreg:$0x1] =	wrdreg $0xFFFFFFFF  }
0xb1: {  	[dreg:$0x0] =	wrdreg $0x60  }
0xb2: {  	[dreg:$0x2] =	wrdreg s2  }
0xb3: {  	[dreg:$0x3] =	wrdreg s19  }
0xb4: {  	[dreg:$0x4] =	wrdreg s4  }
0xb5: {  	[dreg:$0x5] =	wrdreg s5  }
0xb6: {  	[dreg:$0x6] =	wrdreg s6  }
0xb7: {  	[dreg:$0x7] =	wrdreg $0x9  }
0xb8: {  	_ =	task.clear_ibuf [dreg:s11], $0x8FFFF;
	_ =	strace $0x90000046  }
0xb9: {  	s29 =	simm.s32 $0x9;
	_ =	strace $0x80000048  }
0xba: {  	_ =	swait.ge [sflag:s29], $0x1  }
0xbb: {  	[sflag:s29] =	ssyncadd.s32 $0xFFFFFFFF  }
0xbc: {  	_ =	strace $0x90000048  }
0xbd: {  	_ =	sfence  }
0xbe: {  	s30 =	sld [smem:$0x0];
	_ =	sdelay $0x2  }
0xbf: {  	s31 =	sshll.u32 s1, $0xD;
	s1 =	sshrl.u32 s1, $0x2  }
0xc0: {  	s3 =	sand.u32 $0x4000, s31;
	s1 =	sadd.s32 s1, s30  }
0xc1: {  	s0 =	sor.u32 s3, s0;
	s1 =	sshll.u32 s1, $0x11  }
0xc2: {  	s0 =	sor.u32 s1, s0  }
0xc3: {  	s0 =	sadd.s32 $0x8F2B, s0  }
0xc4: {  	[sflag:s0] =	ssyncadd.remote.s32 $0x1  }
0xc5: {  	_ =	sfence.sel $0xFFFF  }
0xc6: {  	[dreg:$0x0] =	wrdreg $0xFFFFFFFF;
	(pc) =	sbr.abs _section_cstart, $3  }
0xc7: {  	[dreg:$0x1] =	wrdreg $0xFFFFFFFF  }
0xc8: {  	_ =	task.clear_ibuf [dreg:s11], $0x2FFFF;
	_ =	strace $0x9FFFFFFF  }
0xc9: {  	(tm) =	ssettm $0x7FFFFFFF  }
tec
execute0_lowered:
.L_overlay_start_1:
0x0: {  	(tag) =	ssettag $0x1  }
0x1: {  	s0 =	rddreg [dreg:$0x0]  }
0x2: {  	s3 =	rddreg [dreg:$0x1]  }
0x3: {  	s2 =	rddreg [dreg:$0x2]  }
0x4: {  	s13 =	rddreg [dreg:$0x3]  }
0x5: {  	s4 =	rddreg [dreg:$0x4];
	s9 =	simm.s32 $0x0  }
0x6: {  	s5 =	srdreg.scid;
	s7 =	stileid.u32;
	s11 =	simm.s32 $0x400  }
0x7: {  	s12 =	simm.s32 $0x7A1400;
	s1 =	simm.s32 $0x500;
	s14 =	simm.s32 $0x4500  }
0x8: {  	s19 =	simm.s32 $0xD00;
	s28 =	simm.s32 $0x1500;
	s29 =	simm.s32 $0x5500  }
0x9: {  	s10 =	simm.s32 $0x1D00;
	s15 =	simm.s32 $0x5D00;
	s16 =	simm.s32 $0x2500  }
0xa: {  	s17 =	simm.s32 $0x6500;
	s18 =	simm.s32 $0x2D00;
	s22 =	simm.s32 $0x6D00  }
0xb: {  	s23 =	simm.s32 $0x3500;
	s30 =	simm.s32 $0x8500;
	s31 =	simm.s32 $0xC500  }
0xc: {  	s20 =	simm.s32 $0x1;
	s21 =	simm.s32 $0x2;
	s5 =	sand.u32 $0x1, s5  }
0xd: {  	s7 =	sshll.u32 s7, $0x7;
	s6 =	ssub.s32 $0x2, s5;
	s5 =	sshll.u32 s5, $0x6  }
0xe: {  	v0 =	vlaneseq.u32;
	vm0 =	vcmask $0x2320;
	[smem:$0x7FF] =	sst s9;
	s8 =	sshrl.u32 s6, $0x1;
	s5 =	sor.u32 s5, s7  }
0xf: {  	vm1 =	vmmov $0x1ff;
	vm2 =	vmmov $0x3ff;
	v1 =	vmul.u32 $0x80, v0;
	_ =	strace $0x80000047;
	s6 =	ssub.s32 s6, s8;
	s0 =	sadd.s32 s0, s5  }
0x10: {  	vm3 =	vmmov $0x7ff;
	vm4 =	vmmov $0xfff;
	vm5 =	vmmov $0x1fff;
	s24 =	sadd.s32 s3, s5;
	s25 =	sadd.s32 s4, s5;
	[dreg:$0x6] =	wrdreg s0  }
0x11: {  	vm6 =	vmmov $0x3fff;
	vm7 =	vmmov $0x7fff;
	v2 =	vor.u32 $0x800, v1;
	s3 =	simm.s32 $0x3;
	s4 =	simm.s32 $0x0;
	[dreg:$0x7] =	wrdreg s24  }
0x12: {  	v3 =	vor.u32 $0x1000, v1;
	v4 =	vor.u32 $0x1800, v1;
	v5 =	vor.u32 $0x2000, v1;
	[dreg:$0x8] =	wrdreg s25;
	s26 =	smax.u32 s6, $0x1;
	s24 =	simm.s32 $0x7500  }
0x13: {  	v6 =	vor.u32 $0x2800, v1;
	v7 =	vor.u32 $0x3000, v1;
	v8 =	vor.u32 $0x3800, v1;
	s25 =	simm.s32 $0x3D00;
	[dreg:$0x9] =	wrdreg s26;
	s26 =	simm.s32 $0x4D00  }
.LBB2_1:
0x14: {  	[dreg:$0xa] =	wrdreg s4  }
0x15: {  	s0 =	rddreg [dreg:$0x6]  }
0x16: {  	[tilespmem:s9], [sflag:$0x3] =	stream.linear.gather [hbm4b:s0+s9], $0x200, $0x38;
	[tilespmem:$0x10700] =	vst v63  }
0x17: {  	_ =	swait.ge [sflag:s3], $0x200  }
0x18: {  	[sflag:s3] =	ssyncset.done $0x0  }
0x19: {  	s6 =	simm.s32 $0x280;
	s5 =	rddreg [dreg:$0x7];
	[sflag:s3] =	ssyncadd.s32 $0xFFFFFE00  }
0x1a: {  	[tilespmem:s6], [sflag:$0x3] =	stream.linear.gather [hbm4b:s5+s9], $0x200, $0x38;
	[tilespmem:$0x10700] =	vst v63  }
0x1b: {  	_ =	swait.ge [sflag:s3], $0x200  }
0x1c: {  	[sflag:s3] =	ssyncset.done $0x0  }
0x1d: {  	[sflag:s3] =	ssyncadd.s32 $0xFFFFFE00  }
0x1e: {  	v9 =	vld [tilespmem:$0x0]  }
0x1f: {  	v10 =	vld [tilespmem:$0x280];
	_ =	sdelay $0x3  }
0x20: {  	(v2sf) =	vpush v9, $0x0  }
0x21: {  	(v2sf) =	vpush v10, $0x0  }
0x22: {  	(v2sf) =	vpush v9, $0x1;
	_ =	sdelay $0x1  }
0x23: {  	(v2sf) =	vpush v10, $0x1  }
0x24: {  	(v2sf) =	vpush v9, $0x2;
	_ =	sdelay $0x3  }
0x25: {  	(v2sf) =	vpush v10, $0x2;
	_ =	sdelay $0x5  }
0x26: {  	s7 =	spop (v2sf);
	(v2sf) =	vpush v9, $0x3  }
0x27: {  	s0 =	sand.u32 $0xFFFFF80, s7;
	s8 =	spop (v2sf);
	(v2sf) =	vpush v10, $0x3  }
0x28: {  	s0 =	sadd.s32 s2, s0;
	s9 =	spop (v2sf);
	(v2sf) =	vpush v9, $0x4  }
0x29: {  	[tilespmem:s1], [sflag:$0x1] =	stream.strided.gather [hbm4b:s0+s11], $0x800, s12, s11, $0x38;
	[tilespmem:$0x10700] =	vst v63  }
0x2a: {  	s3 =	sand.u32 $0xFFFFF80, s8;
	s5 =	spop (v2sf);
	(v2sf) =	vpush v10, $0x4  }
0x2b: {  	s3 =	sadd.s32 s13, s3;
	s4 =	sand.u32 $0xFFFFF80, s9;
	s6 =	spop (v2sf)  }
0x2c: {  	(v2sf) =	vpush v9, $0x5;
	[tilespmem:s14], [sflag:$0x1] =	stream.strided.gather [hbm4b:s3+s11], $0x800, s12, s11, $0x38;
	[tilespmem:$0x10700] =	vst v63  }
0x2d: {  	s4 =	sadd.s32 s2, s4;
	s5 =	sand.u32 $0xFFFFF80, s5  }
0x2e: {  	[tilespmem:s19], [sflag:$0x1] =	stream.strided.gather [hbm4b:s4+s11], $0x800, s12, s11, $0x38;
	[tilespmem:$0x10700] =	vst v63  }
0x2f: {  	s5 =	sadd.s32 s13, s5;
	s6 =	sand.u32 $0xFFFFF80, s6;
	s7 =	spop (v2sf)  }
0x30: {  	[tilespmem:s26], [sflag:$0x1] =	stream.strided.gather [hbm4b:s5+s11], $0x800, s12, s11, $0x38;
	[tilespmem:$0x10700] =	vst v63  }
0x31: {  	s6 =	sadd.s32 s2, s6;
	s7 =	sand.u32 $0xFFFFF80, s7  }
0x32: {  	[tilespmem:s28], [sflag:$0x1] =	stream.strided.gather [hbm4b:s6+s11], $0x800, s12, s11, $0x38;
	[tilespmem:$0x10700] =	vst v63  }
0x33: {  	s7 =	sadd.s32 s13, s7  }
0x34: {  	[tilespmem:s29], [sflag:$0x1] =	stream.strided.gather [hbm4b:s7+s11], $0x800, s12, s11, $0x38;
	[tilespmem:$0x10700] =	vst v63  }
0x35: {  	s8 =	spop (v2sf);
	(v2sf) =	vpush v10, $0x5  }
0x36: {  	s8 =	sand.u32 $0xFFFFF80, s8;
	s1 =	spop (v2sf);
	(v2sf) =	vpush v9, $0x6  }
0x37: {  	s8 =	sadd.s32 s2, s8;
	s9 =	sand.u32 $0xFFFFF80, s1;
	s1 =	spop (v2sf);
	(v2sf) =	vpush v10, $0x6  }
0x38: {  	[tilespmem:s10], [sflag:$0x1] =	stream.strided.gather [hbm4b:s8+s11], $0x800, s12, s11, $0x38;
	[tilespmem:$0x10700] =	vst v63  }
0x39: {  	s9 =	sadd.s32 s13, s9;
	s10 =	sand.u32 $0xFFFFF80, s1;
	s1 =	spop (v2sf);
	(v2sf) =	vpush v9, $0x7  }
0x3a: {  	[tilespmem:s15], [sflag:$0x1] =	stream.strided.gather [hbm4b:s9+s11], $0x800, s12, s11, $0x38;
	[tilespmem:$0x10700] =	vst v63  }
0x3b: {  	s15 =	sand.u32 $0xFFFFF80, s1;
	s1 =	spop (v2sf);
	(v2sf) =	vpush v10, $0x7;
	_ =	sdelay $0x2  }
0x3c: {  	s10 =	sadd.s32 s2, s10  }
0x3d: {  	[tilespmem:s16], [sflag:$0x1] =	stream.strided.gather [hbm4b:s10+s11], $0x800, s12, s11, $0x38;
	[tilespmem:$0x10700] =	vst v63  }
0x3e: {  	s15 =	sadd.s32 s13, s15;
	s16 =	sand.u32 $0xFFFFF80, s1  }
0x3f: {  	[tilespmem:s17], [sflag:$0x1] =	stream.strided.gather [hbm4b:s15+s11], $0x800, s12, s11, $0x38;
	[tilespmem:$0x10700] =	vst v63  }
0x40: {  	s16 =	sadd.s32 s2, s16  }
0x41: {  	[tilespmem:s18], [sflag:$0x1] =	stream.strided.gather [hbm4b:s16+s11], $0x800, s12, s11, $0x38;
	[tilespmem:$0x10700] =	vst v63  }
0x42: {  	s1 =	spop (v2sf)  }
0x43: {  	s17 =	sand.u32 $0xFFFFF80, s1;
	s1 =	spop (v2sf)  }
0x44: {  	s17 =	sadd.s32 s13, s17;
	s18 =	sand.u32 $0xFFFFF80, s1;
	s1 =	spop (v2sf)  }
0x45: {  	[tilespmem:s22], [sflag:$0x1] =	stream.strided.gather [hbm4b:s17+s11], $0x800, s12, s11, $0x38;
	[tilespmem:$0x10700] =	vst v63  }
0x46: {  	s18 =	sadd.s32 s2, s18;
	s22 =	sand.u32 $0xFFFFF80, s1;
	s1 =	spop (v2sf)  }
0x47: {  	[tilespmem:s23], [sflag:$0x1] =	stream.strided.gather [hbm4b:s18+s11], $0x800, s12, s11, $0x38;
	[tilespmem:$0x10700] =	vst v63  }
0x48: {  	s22 =	sadd.s32 s13, s22;
	s23 =	sand.u32 $0xFFFFF80, s1;
	s1 =	spop (v2sf)  }
0x49: {  	[tilespmem:s24], [sflag:$0x1] =	stream.strided.gather [hbm4b:s22+s11], $0x800, s12, s11, $0x38;
	[tilespmem:$0x10700] =	vst v63  }
0x4a: {  	s23 =	sadd.s32 s2, s23;
	s24 =	sand.u32 $0xFFFFF80, s1  }
0x4b: {  	[tilespmem:s25], [sflag:$0x1] =	stream.strided.gather [hbm4b:s23+s11], $0x800, s12, s11, $0x38;
	[tilespmem:$0x10700] =	vst v63  }
0x4c: {  	s24 =	sadd.s32 s13, s24;
	s25 =	simm.s32 $0x7D00  }
0x4d: {  	[tilespmem:s25], [sflag:$0x1] =	stream.strided.gather [hbm4b:s24+s11], $0x800, s12, s11, $0x38;
	[tilespmem:$0x10700] =	vst v63  }
0x4e: {  	s0 =	sadd.s32 $0x1E8500, s0  }
0x4f: {  	[tilespmem:s30], [sflag:$0x2] =	stream.strided.gather [hbm4b:s0+s11], $0x800, s12, s11, $0x38;
	[tilespmem:$0x10700] =	vst v63  }
0x50: {  	s1 =	sadd.s32 $0x1E8500, s3  }
0x51: {  	[tilespmem:s31], [sflag:$0x2] =	stream.strided.gather [hbm4b:s1+s11], $0x800, s12, s11, $0x38;
	[tilespmem:$0x10700] =	vst v63  }
0x52: {  	s3 =	sadd.s32 $0x1E8500, s4;
	s4 =	simm.s32 $0x8D00  }
0x53: {  	[tilespmem:s4], [sflag:$0x2] =	stream.strided.gather [hbm4b:s3+s11], $0x800, s12, s11, $0x38;
	[tilespmem:$0x10700] =	vst v63  }
0x54: {  	s5 =	sadd.s32 $0x1E8500, s5;
	s25 =	simm.s32 $0xCD00  }
0x55: {  	[tilespmem:s25], [sflag:$0x2] =	stream.strided.gather [hbm4b:s5+s11], $0x800, s12, s11, $0x38;
	[tilespmem:$0x10700] =	vst v63  }
0x56: {  	s3 =	sadd.s32 $0x1E8500, s6;
	s4 =	simm.s32 $0x9500  }
0x57: {  	[tilespmem:s4], [sflag:$0x2] =	stream.strided.gather [hbm4b:s3+s11], $0x800, s12, s11, $0x38;
	[tilespmem:$0x10700] =	vst v63  }
0x58: {  	s6 =	simm.s32 $0xD500;
	s5 =	sadd.s32 $0x1E8500, s7  }
0x59: {  	[tilespmem:s6], [sflag:$0x2] =	stream.strided.gather [hbm4b:s5+s11], $0x800, s12, s11, $0x38;
	[tilespmem:$0x10700] =	vst v63  }
0x5a: {  	s7 =	sadd.s32 $0x1E8500, s8;
	s8 =	simm.s32 $0x9D00  }
0x5b: {  	[tilespmem:s8], [sflag:$0x2] =	stream.strided.gather [hbm4b:s7+s11], $0x800, s12, s11, $0x38;
	[tilespmem:$0x10700] =	vst v63  }
0x5c: {  	s9 =	sadd.s32 $0x1E8500, s9;
	s25 =	simm.s32 $0xDD00  }
0x5d: {  	[tilespmem:s25], [sflag:$0x2] =	stream.strided.gather [hbm4b:s9+s11], $0x800, s12, s11, $0x38;
	[tilespmem:$0x10700] =	vst v63  }
0x5e: {  	s3 =	sadd.s32 $0x1E8500, s10;
	s4 =	simm.s32 $0xA500  }
0x5f: {  	[tilespmem:s4], [sflag:$0x2] =	stream.strided.gather [hbm4b:s3+s11], $0x800, s12, s11, $0x38;
	[tilespmem:$0x10700] =	vst v63  }
0x60: {  	s5 =	sadd.s32 $0x1E8500, s15;
	s6 =	simm.s32 $0xE500  }
0x61: {  	[tilespmem:s6], [sflag:$0x2] =	stream.strided.gather [hbm4b:s5+s11], $0x800, s12, s11, $0x38;
	[tilespmem:$0x10700] =	vst v63  }
0x62: {  	s7 =	sadd.s32 $0x1E8500, s16;
	s8 =	simm.s32 $0xAD00  }
0x63: {  	[tilespmem:s8], [sflag:$0x2] =	stream.strided.gather [hbm4b:s7+s11], $0x800, s12, s11, $0x38;
	[tilespmem:$0x10700] =	vst v63  }
0x64: {  	s10 =	simm.s32 $0xED00;
	s9 =	sadd.s32 $0x1E8500, s17  }
0x65: {  	[tilespmem:s10], [sflag:$0x2] =	stream.strided.gather [hbm4b:s9+s11], $0x800, s12, s11, $0x38;
	[tilespmem:$0x10700] =	vst v63  }
0x66: {  	s15 =	sadd.s32 $0x1E8500, s18;
	s16 =	simm.s32 $0xB500  }
0x67: {  	[tilespmem:s16], [sflag:$0x2] =	stream.strided.gather [hbm4b:s15+s11], $0x800, s12, s11, $0x38;
	[tilespmem:$0x10700] =	vst v63  }
0x68: {  	s18 =	simm.s32 $0xF500;
	s17 =	sadd.s32 $0x1E8500, s22  }
0x69: {  	[tilespmem:s18], [sflag:$0x2] =	stream.strided.gather [hbm4b:s17+s11], $0x800, s12, s11, $0x38;
	[tilespmem:$0x10700] =	vst v63  }
0x6a: {  	s22 =	sadd.s32 $0x1E8500, s23;
	s23 =	simm.s32 $0xBD00  }
0x6b: {  	[tilespmem:s23], [sflag:$0x2] =	stream.strided.gather [hbm4b:s22+s11], $0x800, s12, s11, $0x38;
	[tilespmem:$0x10700] =	vst v63  }
0x6c: {  	s24 =	sadd.s32 $0x1E8500, s24;
	s25 =	simm.s32 $0xFD00;
	s22 =	simm.s32 $0x104F8  }
0x6d: {  	[tilespmem:s25], [sflag:$0x2] =	stream.strided.gather [hbm4b:s24+s11], $0x800, s12, s11, $0x38;
	[tilespmem:$0x10700] =	vst v63  }
0x6e: {  	v9 =	vimm.f32 $0.0e+00;
	s23 =	simm.s32 $0x8;
	s24 =	simm.s32 $0x288;
	s25 =	simm.s32 $0x0  }
.LBB2_2:
0x6f: {  	v10 =	vld [tilespmem:s23+$0xFFFFFFF8]  }
0x70: {  	v11 =	vld [tilespmem:s24+$0xFFFFFFF8]  }
0x71: {  	v31 =	vld [tilespmem:s23+$0x0]  }
0x72: {  	v30 =	vld [tilespmem:s24+$0x0];
	_ =	swait.ge [sflag:s20], $0x800  }
0x73: {  	[sflag:s20] =	ssyncset.done $0x0  }
0x74: {  	[sflag:s20] =	ssyncadd.s32 $0xFFFFF800  }
0x75: {  	_ =	swait.ge [sflag:s20], $0x800  }
0x76: {  	[sflag:s20] =	ssyncset.done $0x0  }
0x77: {  	[sflag:s20] =	ssyncadd.s32 $0xFFFFF800  }
0x78: {  	_ =	swait.ge [sflag:s20], $0x800  }
0x79: {  	[sflag:s20] =	ssyncset.done $0x0  }
0x7a: {  	[sflag:s20] =	ssyncadd.s32 $0xFFFFF800  }
0x7b: {  	_ =	swait.ge [sflag:s20], $0x800  }
0x7c: {  	[sflag:s20] =	ssyncset.done $0x0  }
0x7d: {  	[sflag:s20] =	ssyncadd.s32 $0xFFFFF800  }
0x7e: {  	_ =	swait.ge [sflag:s20], $0x800  }
0x7f: {  	[sflag:s20] =	ssyncset.done $0x0  }
0x80: {  	[sflag:s20] =	ssyncadd.s32 $0xFFFFF800  }
0x81: {  	_ =	swait.ge [sflag:s20], $0x800  }
0x82: {  	[sflag:s20] =	ssyncset.done $0x0  }
0x83: {  	[sflag:s20] =	ssyncadd.s32 $0xFFFFF800  }
0x84: {  	_ =	swait.ge [sflag:s20], $0x800  }
0x85: {  	[sflag:s20] =	ssyncset.done $0x0  }
0x86: {  	[sflag:s20] =	ssyncadd.s32 $0xFFFFF800  }
0x87: {  	_ =	swait.ge [sflag:s20], $0x800  }
0x88: {  	[sflag:s20] =	ssyncset.done $0x0  }
0x89: {  	[sflag:s20] =	ssyncadd.s32 $0xFFFFF800  }
0x8a: {  	_ =	swait.ge [sflag:s20], $0x800  }
0x8b: {  	[sflag:s20] =	ssyncset.done $0x0  }
0x8c: {  	[sflag:s20] =	ssyncadd.s32 $0xFFFFF800  }
0x8d: {  	_ =	swait.ge [sflag:s20], $0x800  }
0x8e: {  	[sflag:s20] =	ssyncset.done $0x0  }
0x8f: {  	[sflag:s20] =	ssyncadd.s32 $0xFFFFF800  }
0x90: {  	_ =	swait.ge [sflag:s20], $0x800  }
0x91: {  	[sflag:s20] =	ssyncset.done $0x0  }
0x92: {  	[sflag:s20] =	ssyncadd.s32 $0xFFFFF800  }
0x93: {  	_ =	swait.ge [sflag:s20], $0x800  }
0x94: {  	[sflag:s20] =	ssyncset.done $0x0  }
0x95: {  	[sflag:s20] =	ssyncadd.s32 $0xFFFFF800  }
0x96: {  	_ =	swait.ge [sflag:s20], $0x800  }
0x97: {  	[sflag:s20] =	ssyncset.done $0x0  }
0x98: {  	[sflag:s20] =	ssyncadd.s32 $0xFFFFF800  }
0x99: {  	_ =	swait.ge [sflag:s20], $0x800  }
0x9a: {  	[sflag:s20] =	ssyncset.done $0x0  }
0x9b: {  	[sflag:s20] =	ssyncadd.s32 $0xFFFFF800  }
0x9c: {  	_ =	swait.ge [sflag:s20], $0x800  }
0x9d: {  	[sflag:s20] =	ssyncset.done $0x0  }
0x9e: {  	[sflag:s20] =	ssyncadd.s32 $0xFFFFF800  }
0x9f: {  	_ =	swait.ge [sflag:s20], $0x800  }
0xa0: {  	(v2sf) =	vpush v10, $0x0  }
0xa1: {  	(v2sf) =	vpush v11, $0x0  }
0xa2: {  	(v2sf) =	vpush v10, $0x1  }
0xa3: {  	(v2sf) =	vpush v11, $0x1  }
0xa4: {  	(v2sf) =	vpush v10, $0x2  }
0xa5: {  	(v2sf) =	vpush v11, $0x2  }
0xa6: {  	(v2sf) =	vpush v10, $0x3  }
0xa7: {  	(v2sf) =	vpush v11, $0x3  }
0xa8: {  	(v2sf) =	vpush v10, $0x4  }
0xa9: {  	(v2sf) =	vpush v11, $0x4  }
0xaa: {  	(v2sf) =	vpush v10, $0x5  }
0xab: {  	(v2sf) =	vpush v11, $0x5  }
0xac: {  	(v2sf) =	vpush v10, $0x6  }
0xad: {  	(v2sf) =	vpush v11, $0x6  }
0xae: {  	(v2sf) =	vpush v10, $0x7  }
0xaf: {  	s0 =	spop (v2sf);
	(v2sf) =	vpush v11, $0x7  }
0xb0: {  	s3 =	spop (v2sf);
	s0 =	sand.u32 $0x7F, s0  }
0xb1: {  	s4 =	spop (v2sf);
	s3 =	sand.u32 $0x7F, s3;
	v17 =	vor.u32 s0, v1;
	(v2sf) =	vpush v31, $0x0  }
0xb2: {  	s17 =	spop (v2sf);
	v19 =	vor.u32 s3, v1;
	s18 =	sand.u32 $0x7F, s4  }
0xb3: {  	[sflag:s20] =	ssyncset.done $0x0;
	s1 =	spop (v2sf);
	s0 =	sand.u32 $0x7F, s17;
	v23 =	vor.u32 s18, v2  }
0xb4: {  	[sflag:s20] =	ssyncadd.s32 $0xFFFFF800;
	(v2sf) =	vpush v30, $0x0;
	v25 =	vor.u32 s0, v2;
	s5 =	sand.u32 $0x7F, s1;
	s6 =	spop (v2sf)  }
0xb5: {  	s1 =	simm.s32 $0x500;
	(v2sf) =	vpush v31, $0x1;
	s7 =	spop (v2sf);
	s3 =	sand.u32 $0x7F, s6;
	v32 =	vor.u32 s5, v3  }
0xb6: {  	v10 =	vld.idx.msk [tilespmem:v17+s1+$0x0], $0xffff;
	v33 =	vor.u32 s3, v3;
	s8 =	sand.u32 $0x7F, s7;
	s9 =	spop (v2sf)  }
0xb7: {  	(v2sf) =	vpush v30, $0x1;
	s10 =	spop (v2sf);
	v11 =	vld.idx.msk [tilespmem:v19+s14+$0x0], $0xffff;
	s3 =	sand.u32 $0x7F, s9;
	v34 =	vor.u32 s8, v4  }
0xb8: {  	s15 =	spop (v2sf);
	v12 =	vld.idx.msk [tilespmem:v23+s1+$0x0], $0xffff;
	v35 =	vor.u32 s3, v4;
	s16 =	sand.u32 $0x7F, s10  }
0xb9: {  	s17 =	spop (v2sf);
	v13 =	vld.idx.msk [tilespmem:v25+s14+$0x0], $0xffff;
	s0 =	sand.u32 $0x7F, s15;
	v36 =	vor.u32 s16, v5  }
0xba: {  	s18 =	spop (v2sf);
	v14 =	vld.idx.msk [tilespmem:v32+s1+$0x0], $0xffff;
	v37 =	vor.u32 s0, v5;
	s5 =	sand.u32 $0x7F, s17  }
0xbb: {  	v15 =	vld.idx.msk [tilespmem:v33+s14+$0x0], $0xffff;
	s3 =	sand.u32 $0x7F, s18;
	v38 =	vor.u32 s5, v6;
	s6 =	spop (v2sf)  }
0xbc: {  	v16 =	vld.idx.msk [tilespmem:v34+s1+$0x0], $0xffff;
	v39 =	vor.u32 s3, v6;
	s0 =	sand.u32 $0x7F, s6;
	s7 =	spop (v2sf)  }
0xbd: {  	v18 =	vld.idx.msk [tilespmem:v35+s14+$0x0], $0xffff;
	s3 =	sand.u32 $0x7F, s7;
	v40 =	vor.u32 s0, v7;
	s8 =	spop (v2sf)  }
0xbe: {  	v20 =	vld.idx.msk [tilespmem:v36+s1+$0x0], $0xffff;
	v41 =	vor.u32 s3, v7;
	s0 =	sand.u32 $0x7F, s8;
	s9 =	spop (v2sf);
	(v2sf) =	vpush v31, $0x2  }
0xbf: {  	v26 =	vld.idx.msk [tilespmem:v37+s14+$0x0], $0xffff;
	s3 =	sand.u32 $0x7F, s9;
	v42 =	vor.u32 s0, v8;
	(v2sf) =	vpush v30, $0x2  }
0xc0: {  	v24 =	vld.idx.msk [tilespmem:v38+s1+$0x0], $0xffff;
	v43 =	vor.u32 s3, v8;
	s10 =	spop (v2sf);
	(v2sf) =	vpush v31, $0x3  }
0xc1: {  	v28 =	vld.idx.msk [tilespmem:v39+s14+$0x0], $0xffff  }
0xc2: {  	v21 =	vld.idx.msk [tilespmem:v40+s1+$0x0], $0xffff  }
0xc3: {  	s0 =	sand.u32 $0xFFFFF80, s10;
	s15 =	spop (v2sf);
	v27 =	vld.idx.msk [tilespmem:v41+s14+$0x0], $0xffff  }
0xc4: {  	s3 =	sadd.s32 s2, s0;
	s16 =	sand.u32 $0xFFFFF80, s15;
	s17 =	spop (v2sf);
	v22 =	vld.idx.msk [tilespmem:v42+s1+$0x0], $0xffff  }
0xc5: {  	(v2sf) =	vpush v30, $0x3;
	v29 =	vld.idx.msk [tilespmem:v43+s14+$0x0], $0xffff;
	[tilespmem:s1], [sflag:$0x1] =	stream.strided.gather [hbm4b:s3+s11], $0x800, s12, s11, $0x38  }
0xc6: {  	s10 =	sadd.s32 s13, s16;
	s0 =	sand.u32 $0xFFFFF80, s17;
	s18 =	spop (v2sf)  }
0xc7: {  	(v2sf) =	vpush v31, $0x4;
	[tilespmem:s14], [sflag:$0x1] =	stream.strided.gather [hbm4b:s10+s11], $0x800, s12, s11, $0x38;
	[tilespmem:$0x10700] =	vst v63  }
0xc8: {  	s5 =	sadd.s32 s2, s0  }
0xc9: {  	[tilespmem:s19], [sflag:$0x1] =	stream.strided.gather [hbm4b:s5+s11], $0x800, s12, s11, $0x38;
	[tilespmem:$0x10700] =	vst v63  }
0xca: {  	s19 =	sand.u32 $0xFFFFF80, s18  }
0xcb: {  	s6 =	sadd.s32 s13, s19  }
0xcc: {  	[tilespmem:s26], [sflag:$0x1] =	stream.strided.gather [hbm4b:s6+s11], $0x800, s12, s11, $0x38;
	[tilespmem:$0x10700] =	vst v63  }
0xcd: {  	s26 =	spop (v2sf);
	(v2sf) =	vpush v30, $0x4  }
0xce: {  	s1 =	spop (v2sf);
	(v2sf) =	vpush v31, $0x5  }
0xcf: {  	s9 =	spop (v2sf);
	(v2sf) =	vpush v30, $0x5;
	_ =	sdelay $0x1  }
0xd0: {  	s0 =	sand.u32 $0xFFFFF80, s26;
	(v2sf) =	vpush v31, $0x6  }
0xd1: {  	s15 =	simm.s32 $0x1D00;
	s7 =	sadd.s32 s2, s0;
	s8 =	sand.u32 $0xFFFFF80, s1  }
0xd2: {  	[tilespmem:s28], [sflag:$0x1] =	stream.strided.gather [hbm4b:s7+s11], $0x800, s12, s11, $0x38;
	[tilespmem:$0x10700] =	vst v63  }
0xd3: {  	s8 =	sadd.s32 s13, s8;
	s0 =	sand.u32 $0xFFFFF80, s9;
	s9 =	spop (v2sf);
	(v2sf) =	vpush v30, $0x6  }
0xd4: {  	[tilespmem:s29], [sflag:$0x1] =	stream.strided.gather [hbm4b:s8+s11], $0x800, s12, s11, $0x38;
	[tilespmem:$0x10700] =	vst v63  }
0xd5: {  	s4 =	sadd.s32 s2, s0;
	s16 =	sand.u32 $0xFFFFF80, s9;
	s18 =	spop (v2sf);
	(v2sf) =	vpush v31, $0x7  }
0xd6: {  	[tilespmem:s15], [sflag:$0x1] =	stream.strided.gather [hbm4b:s4+s11], $0x800, s12, s11, $0x38;
	[tilespmem:$0x10700] =	vst v63  }
0xd7: {  	s17 =	simm.s32 $0x5D00;
	s9 =	sadd.s32 s13, s16;
	s0 =	sand.u32 $0xFFFFF80, s18  }
0xd8: {  	[tilespmem:s17], [sflag:$0x1] =	stream.strided.gather [hbm4b:s9+s11], $0x800, s12, s11, $0x38;
	[tilespmem:$0x10700] =	vst v63  }
0xd9: {  	s19 =	simm.s32 $0x2500;
	s15 =	sadd.s32 s2, s0  }
0xda: {  	[tilespmem:s19], [sflag:$0x1] =	stream.strided.gather [hbm4b:s15+s11], $0x800, s12, s11, $0x38;
	[tilespmem:$0x10700] =	vst v63  }
0xdb: {  	s16 =	spop (v2sf);
	(v2sf) =	vpush v30, $0x7  }
0xdc: {  	s18 =	simm.s32 $0x6500;
	s26 =	sand.u32 $0xFFFFF80, s16;
	s1 =	spop (v2sf)  }
0xdd: {  	s17 =	sadd.s32 s13, s26;
	s19 =	sand.u32 $0xFFFFF80, s1;
	s26 =	spop (v2sf)  }
0xde: {  	[tilespmem:s18], [sflag:$0x1] =	stream.strided.gather [hbm4b:s17+s11], $0x800, s12, s11, $0x38;
	[tilespmem:$0x10700] =	vst v63  }
0xdf: {  	s18 =	sadd.s32 s2, s19;
	s16 =	sand.u32 $0xFFFFF80, s26;
	s19 =	spop (v2sf)  }
0xe0: {  	s1 =	simm.s32 $0x2D00;
	s16 =	sadd.s32 s13, s16;
	s19 =	sand.u32 $0xFFFFF80, s19  }
0xe1: {  	[tilespmem:s1], [sflag:$0x1] =	stream.strided.gather [hbm4b:s18+s11], $0x800, s12, s11, $0x38;
	[tilespmem:$0x10700] =	vst v63  }
0xe2: {  	s1 =	simm.s32 $0x6D00;
	s26 =	spop (v2sf);
	s0 =	sadd.s32 s2, s19  }
0xe3: {  	[tilespmem:s1], [sflag:$0x1] =	stream.strided.gather [hbm4b:s16+s11], $0x800, s12, s11, $0x38;
	[tilespmem:$0x10700] =	vst v63  }
0xe4: {  	s26 =	sand.u32 $0xFFFFF80, s26;
	s28 =	spop (v2sf);
	s1 =	simm.s32 $0x3500  }
0xe5: {  	[tilespmem:s1], [sflag:$0x1] =	stream.strided.gather [hbm4b:s0+s11], $0x800, s12, s11, $0x38;
	[tilespmem:$0x10700] =	vst v63  }
0xe6: {  	s29 =	sadd.s32 s13, s26;
	s26 =	simm.s32 $0x7500;
	s1 =	sand.u32 $0xFFFFF80, s28  }
0xe7: {  	[tilespmem:s26], [sflag:$0x1] =	stream.strided.gather [hbm4b:s29+s11], $0x800, s12, s11, $0x38;
	[tilespmem:$0x10700] =	vst v63  }
0xe8: {  	s28 =	sadd.s32 s2, s1;
	s26 =	simm.s32 $0x3D00  }
0xe9: {  	[tilespmem:s26], [sflag:$0x1] =	stream.strided.gather [hbm4b:s28+s11], $0x800, s12, s11, $0x38;
	[tilespmem:$0x10700] =	vst v63  }
0xea: {  	s19 =	spop (v2sf)  }
0xeb: {  	s19 =	sand.u32 $0xFFFFF80, s19  }
0xec: {  	s1 =	simm.s32 $0x7D00;
	s26 =	sadd.s32 s13, s19  }
0xed: {  	[tilespmem:s1], [sflag:$0x1] =	stream.strided.gather [hbm4b:s26+s11], $0x800, s12, s11, $0x38;
	[tilespmem:$0x10700] =	vst v63  }
0xee: {  	_ =	swait.ge [sflag:s21], $0x800  }
0xef: {  	[sflag:s21] =	ssyncset.done $0x0  }
0xf0: {  	[sflag:s21] =	ssyncadd.s32 $0xFFFFF800  }
0xf1: {  	_ =	swait.ge [sflag:s21], $0x800  }
0xf2: {  	[sflag:s21] =	ssyncset.done $0x0  }
0xf3: {  	[sflag:s21] =	ssyncadd.s32 $0xFFFFF800  }
0xf4: {  	_ =	swait.ge [sflag:s21], $0x800  }
0xf5: {  	[sflag:s21] =	ssyncset.done $0x0  }
0xf6: {  	[sflag:s21] =	ssyncadd.s32 $0xFFFFF800  }
0xf7: {  	_ =	swait.ge [sflag:s21], $0x800  }
0xf8: {  	[sflag:s21] =	ssyncset.done $0x0  }
0xf9: {  	[sflag:s21] =	ssyncadd.s32 $0xFFFFF800  }
0xfa: {  	_ =	swait.ge [sflag:s21], $0x800  }
0xfb: {  	[sflag:s21] =	ssyncset.done $0x0  }
0xfc: {  	[sflag:s21] =	ssyncadd.s32 $0xFFFFF800  }
0xfd: {  	_ =	swait.ge [sflag:s21], $0x800  }
0xfe: {  	[sflag:s21] =	ssyncset.done $0x0  }
0xff: {  	[sflag:s21] =	ssyncadd.s32 $0xFFFFF800  }
0x100: {  	_ =	swait.ge [sflag:s21], $0x800  }
0x101: {  	[sflag:s21] =	ssyncset.done $0x0  }
0x102: {  	[sflag:s21] =	ssyncadd.s32 $0xFFFFF800  }
0x103: {  	_ =	swait.ge [sflag:s21], $0x800  }
0x104: {  	[sflag:s21] =	ssyncset.done $0x0  }
0x105: {  	[sflag:s21] =	ssyncadd.s32 $0xFFFFF800  }
0x106: {  	_ =	swait.ge [sflag:s21], $0x800  }
0x107: {  	[sflag:s21] =	ssyncset.done $0x0  }
0x108: {  	[sflag:s21] =	ssyncadd.s32 $0xFFFFF800  }
0x109: {  	_ =	swait.ge [sflag:s21], $0x800  }
0x10a: {  	[sflag:s21] =	ssyncset.done $0x0  }
0x10b: {  	[sflag:s21] =	ssyncadd.s32 $0xFFFFF800  }
0x10c: {  	_ =	swait.ge [sflag:s21], $0x800  }
0x10d: {  	[sflag:s21] =	ssyncset.done $0x0  }
0x10e: {  	[sflag:s21] =	ssyncadd.s32 $0xFFFFF800  }
0x10f: {  	_ =	swait.ge [sflag:s21], $0x800  }
0x110: {  	[sflag:s21] =	ssyncset.done $0x0  }
0x111: {  	[sflag:s21] =	ssyncadd.s32 $0xFFFFF800  }
0x112: {  	_ =	swait.ge [sflag:s21], $0x800  }
0x113: {  	[sflag:s21] =	ssyncset.done $0x0  }
0x114: {  	[sflag:s21] =	ssyncadd.s32 $0xFFFFF800  }
0x115: {  	_ =	swait.ge [sflag:s21], $0x800  }
0x116: {  	[sflag:s21] =	ssyncset.done $0x0  }
0x117: {  	[sflag:s21] =	ssyncadd.s32 $0xFFFFF800  }
0x118: {  	_ =	swait.ge [sflag:s21], $0x800  }
0x119: {  	[sflag:s21] =	ssyncset.done $0x0  }
0x11a: {  	[sflag:s21] =	ssyncadd.s32 $0xFFFFF800  }
0x11b: {  	_ =	swait.ge [sflag:s21], $0x800  }
0x11c: {  	[sflag:s21] =	ssyncset.done $0x0  }
0x11d: {  	[sflag:s21] =	ssyncadd.s32 $0xFFFFF800  }
0x11e: {  	v17 =	vld.idx.msk [tilespmem:v17+s30+$0x0], $0xffff  }
0x11f: {  	v19 =	vld.idx.msk [tilespmem:v19+s31+$0x0], $0xffff  }
0x120: {  	v23 =	vld.idx.msk [tilespmem:v23+s30+$0x0], $0xffff  }
0x121: {  	v25 =	vld.idx.msk [tilespmem:v25+s31+$0x0], $0xffff  }
0x122: {  	v52 =	vld.idx.msk [tilespmem:v32+s30+$0x0], $0xffff  }
0x123: {  	v53 =	vld.idx.msk [tilespmem:v33+s31+$0x0], $0xffff  }
0x124: {  	v54 =	vld.idx.msk [tilespmem:v34+s30+$0x0], $0xffff  }
0x125: {  	v55 =	vld.idx.msk [tilespmem:v35+s31+$0x0], $0xffff  }
0x126: {  	v56 =	vld.idx.msk [tilespmem:v36+s30+$0x0], $0xffff  }
0x127: {  	v57 =	vld.idx.msk [tilespmem:v37+s31+$0x0], $0xffff  }
0x128: {  	v58 =	vld.idx.msk [tilespmem:v38+s30+$0x0], $0xffff  }
0x129: {  	v59 =	vld.idx.msk [tilespmem:v39+s31+$0x0], $0xffff  }
0x12a: {  	v60 =	vld.idx.msk [tilespmem:v40+s30+$0x0], $0xffff  }
0x12b: {  	v61 =	vld.idx.msk [tilespmem:v41+s31+$0x0], $0xffff  }
0x12c: {  	s3 =	sadd.s32 $0x1E8500, s3;
	v62 =	vld.idx.msk [tilespmem:v42+s30+$0x0], $0xffff  }
0x12d: {  	v63 =	vld.idx.msk [tilespmem:v43+s31+$0x0], $0xffff;
	[tilespmem:s30], [sflag:$0x2] =	stream.strided.gather [hbm4b:s3+s11], $0x800, s12, s11, $0x38  }
0x12e: {  	s1 =	sadd.s32 $0x1E8500, s10  }
0x12f: {  	[tilespmem:s31], [sflag:$0x2] =	stream.strided.gather [hbm4b:s1+s11], $0x800, s12, s11, $0x38;
	[tilespmem:$0x10700] =	vst v63  }
0x130: {  	s5 =	sadd.s32 $0x1E8500, s5;
	s10 =	simm.s32 $0x8D00  }
0x131: {  	[tilespmem:s10], [sflag:$0x2] =	stream.strided.gather [hbm4b:s5+s11], $0x800, s12, s11, $0x38;
	[tilespmem:$0x10700] =	vst v63  }
0x132: {  	v10 =	vmul.f32 v11, v10;
	s5 =	sadd.s32 $0x1E8500, s6;
	s6 =	simm.s32 $0xCD00;
	v11 =	vmul.f32 v19, v17  }
0x133: {  	[tilespmem:s6], [sflag:$0x2] =	stream.strided.gather [hbm4b:s5+s11], $0x800, s12, s11, $0x38;
	[tilespmem:$0x10700] =	vst v63  }
0x134: {  	v12 =	vmul.f32 v13, v12;
	s7 =	sadd.s32 $0x1E8500, s7;
	s10 =	simm.s32 $0x9500;
	v25 =	vmul.f32 v25, v23;
	v10 =	vadd.f32 v11, v10  }
0x135: {  	v14 =	vmul.f32 v15, v14;
	v31 =	vmul.f32 v53, v52;
	[tilespmem:s10], [sflag:$0x2] =	stream.strided.gather [hbm4b:s7+s11], $0x800, s12, s11, $0x38;
	[tilespmem:$0x10700] =	vst v63  }
0x136: {  	s5 =	sadd.s32 $0x1E8500, s8;
	s6 =	simm.s32 $0xD500;
	v12 =	vadd.f32 v25, v12;
	(xrf2) =	vadd.scan.msk.f32 $0xffff, v10  }
0x137: {  	v32 =	vmul.f32 v55, v54;
	v11 =	vmul.f32 v18, v16;
	v10 =	vadd.f32 v31, v14;
	[tilespmem:s6], [sflag:$0x2] =	stream.strided.gather [hbm4b:s5+s11], $0x800, s12, s11, $0x38;
	[tilespmem:$0x10700] =	vst v63  }
0x138: {  	v33 =	vmul.f32 v26, v20;
	v42 =	vmul.f32 v57, v56;
	(xrf2) =	vadd.scan.msk.f32 $0xffff, v12  }
0x139: {  	s8 =	simm.s32 $0x9D00;
	s7 =	sadd.s32 $0x1E8500, s4;
	v11 =	vadd.f32 v32, v11;
	(xrf2) =	vadd.scan.msk.f32 $0xffff, v10  }
0x13a: {  	v43 =	vmul.f32 v28, v24;
	v44 =	vmul.f32 v59, v58;
	v10 =	vadd.f32 v42, v33;
	[tilespmem:s8], [sflag:$0x2] =	stream.strided.gather [hbm4b:s7+s11], $0x800, s12, s11, $0x38;
	[tilespmem:$0x10700] =	vst v63  }
0x13b: {  	v45 =	vmul.f32 v27, v21;
	s9 =	sadd.s32 $0x1E8500, s9;
	v46 =	vmul.f32 v61, v60;
	(xrf2) =	vadd.scan.msk.f32 $0xffff, v11  }
0x13c: {  	s3 =	sand.u32 $0x1, s25;
	s1 =	sadd.s32 $0x1E8500, s15;
	s10 =	simm.s32 $0xDD00;
	v11 =	vadd.f32 v44, v43;
	(xrf2) =	vadd.scan.msk.f32 $0xffff, v10  }
0x13d: {  	v47 =	vmul.f32 v29, v22;
	v48 =	vmul.f32 v63, v62;
	v10 =	vadd.f32 v46, v45;
	[tilespmem:s10], [sflag:$0x2] =	stream.strided.gather [hbm4b:s9+s11], $0x800, s12, s11, $0x38;
	[tilespmem:$0x10700] =	vst v63  }
0x13e: {  	s15 =	sshll.u32 s3, $0x3;
	s4 =	simm.s32 $0xA500;
	s5 =	sadd.s32 $0x1E8500, s17;
	(xrf2) =	vadd.scan.msk.f32 $0xffff, v11  }
0x13f: {  	s6 =	simm.s32 $0xE500;
	s17 =	sor.u32 $0x2, s15;
	s7 =	sadd.s32 $0x1E8500, s18;
	v11 =	vadd.f32 v48, v47;
	(xrf2) =	vadd.scan.msk.f32 $0xffff, v10  }
0x140: {  	[tilespmem:s4], [sflag:$0x2] =	stream.strided.gather [hbm4b:s1+s11], $0x800, s12, s11, $0x38;
	[tilespmem:$0x10700] =	vst v63  }
0x141: {  	s8 =	simm.s32 $0xAD00;
	s18 =	sor.u32 $0x3, s15;
	s9 =	sadd.s32 $0x1E8500, s16;
	(xrf2) =	vadd.scan.msk.f32 $0xffff, v11  }
0x142: {  	[tilespmem:s6], [sflag:$0x2] =	stream.strided.gather [hbm4b:s5+s11], $0x800, s12, s11, $0x38;
	[tilespmem:$0x10700] =	vst v63  }
0x143: {  	v51 =	vmov s15;
	v49 =	vmov s18;
	s16 =	sor.u32 $0x1, s15;
	s1 =	sor.u32 $0x4, s15;
	s4 =	sor.u32 $0x6, s15  }
0x144: {  	vm8 =	veq.s32 v51, v0;
	v10 =	vmov s16;
	v11 =	vmov s17;
	v50, _, _ =	vpop (xrf2);
	[tilespmem:s8], [sflag:$0x2] =	stream.strided.gather [hbm4b:s7+s11], $0x800, s12, s11, $0x38;
	[tilespmem:$0x10700] =	vst v63  }
0x145: {  	s10 =	simm.s32 $0xED00;
	v52 =	vmov s1;
	v55 =	vmov s4;
	s6 =	sor.u32 $0x5, s15;
	v54, _, _ =	vpop (xrf2);
	v13 =	vbroadcast v50, $0xF;
	s7 =	sshllo.u32 s3, $0x3  }
0x146: {  	v53 =	vmov s6;
	v56 =	vmov s7;
	v57, _, _ =	vpop (xrf2);
	v58 =	vbroadcast v54, $0xF;
	[tilespmem:s10], [sflag:$0x2] =	stream.strided.gather [hbm4b:s9+s11], $0x800, s12, s11, $0x38;
	[tilespmem:$0x10700] =	vst v63  }
0x147: {  	s0 =	sadd.s32 $0x1E8500, s0;
	s8 =	simm.s32 $0xB500;
	v59, _, _ =	vpop (xrf2);
	v9 =	vsel vm8, v13, v9;
	vm8 =	veq.s32 v10, v0;
	v10 =	vbroadcast v57, $0xF  }
0x148: {  	v60, _, _ =	vpop (xrf2);
	v9 =	vsel vm8, v58, v9;
	vm8 =	veq.s32 v11, v0;
	v11 =	vbroadcast v59, $0xF;
	[tilespmem:s8], [sflag:$0x2] =	stream.strided.gather [hbm4b:s0+s11], $0x800, s12, s11, $0x38;
	[tilespmem:$0x10700] =	vst v63  }
0x149: {  	s9 =	sadd.s32 $0x1E8500, s29;
	s10 =	simm.s32 $0xF500;
	v61, _, _ =	vpop (xrf2);
	v9 =	vsel vm8, v10, v9;
	vm8 =	veq.s32 v49, v0;
	v10 =	vbroadcast v60, $0xF  }
0x14a: {  	v62, _, _ =	vpop (xrf2);
	v9 =	vsel vm8, v11, v9;
	vm8 =	veq.s32 v52, v0;
	v11 =	vbroadcast v61, $0xF;
	[tilespmem:s10], [sflag:$0x2] =	stream.strided.gather [hbm4b:s9+s11], $0x800, s12, s11, $0x38;
	[tilespmem:$0x10700] =	vst v63  }
0x14b: {  	s25 =	sadd.s32 $0x1, s25;
	s16 =	simm.s32 $0xBD00;
	s15 =	sadd.s32 $0x1E8500, s28;
	v9 =	vsel vm8, v10, v9;
	vm8 =	veq.s32 v53, v0;
	v10 =	vbroadcast v62, $0xF;
	v63, _, _ =	vpop (xrf2)  }
0x14c: {  	v9 =	vsel vm8, v11, v9;
	vm8 =	veq.s32 v55, v0;
	v11 =	vbroadcast v63, $0xF;
	[tilespmem:s16], [sflag:$0x2] =	stream.strided.gather [hbm4b:s15+s11], $0x800, s12, s11, $0x38;
	[tilespmem:$0x10700] =	vst v63  }
0x14d: {  	p0 =	seq.s32 s3, $0x0;
	s18 =	simm.s32 $0xFD00;
	s17 =	sadd.s32 $0x1E8500, s26;
	v9 =	vsel vm8, v10, v9;
	vm8 =	veq.s32 v56, v0  }
0x14e: {  	v9 =	vsel vm8, v11, v9;
	[tilespmem:s18], [sflag:$0x2] =	stream.strided.gather [hbm4b:s17+s11], $0x800, s12, s11, $0x38;
	[tilespmem:$0x10700] =	vst v63  }
0x14f: {  	[tilespmem:s22+$0x0] =	vst @!p0 v9;
	p0 =	sne.s32 s25, $0x3F  }
.Ltmp0:
0x150: {  	_ = 	snop;
	(pc) =	sbr.rel @p0 .LBB2_2-.Ltmp0, $4  }
0x151: {  	_ = 	snop  }
0x152: {  	s23 =	sadd.s32 $0x8, s23  }
0x153: {  	s24 =	sadd.s32 $0x8, s24;
	s19 =	simm.s32 $0xD00;
	s26 =	simm.s32 $0x4D00  }
0x154: {  	s28 =	simm.s32 $0x1500;
	s29 =	simm.s32 $0x5500;
	s22 =	sadd.s32 $0x8, s22  }
0x155: {  	v10 =	vld [tilespmem:$0x1F8]  }
0x156: {  	v11 =	vld [tilespmem:$0x478];
	_ =	swait.ge [sflag:s20], $0x800  }
0x157: {  	[sflag:s20] =	ssyncset.done $0x0  }
0x158: {  	[sflag:s20] =	ssyncadd.s32 $0xFFFFF800  }
0x159: {  	_ =	swait.ge [sflag:s20], $0x800  }
0x15a: {  	[sflag:s20] =	ssyncset.done $0x0  }
0x15b: {  	[sflag:s20] =	ssyncadd.s32 $0xFFFFF800  }
0x15c: {  	_ =	swait.ge [sflag:s20], $0x800  }
0x15d: {  	[sflag:s20] =	ssyncset.done $0x0  }
0x15e: {  	[sflag:s20] =	ssyncadd.s32 $0xFFFFF800  }
0x15f: {  	_ =	swait.ge [sflag:s20], $0x800  }
0x160: {  	[sflag:s20] =	ssyncset.done $0x0  }
0x161: {  	[sflag:s20] =	ssyncadd.s32 $0xFFFFF800  }
0x162: {  	_ =	swait.ge [sflag:s20], $0x800  }
0x163: {  	[sflag:s20] =	ssyncset.done $0x0  }
0x164: {  	[sflag:s20] =	ssyncadd.s32 $0xFFFFF800  }
0x165: {  	_ =	swait.ge [sflag:s20], $0x800  }
0x166: {  	[sflag:s20] =	ssyncset.done $0x0  }
0x167: {  	[sflag:s20] =	ssyncadd.s32 $0xFFFFF800  }
0x168: {  	_ =	swait.ge [sflag:s20], $0x800  }
0x169: {  	[sflag:s20] =	ssyncset.done $0x0  }
0x16a: {  	[sflag:s20] =	ssyncadd.s32 $0xFFFFF800  }
0x16b: {  	_ =	swait.ge [sflag:s20], $0x800  }
0x16c: {  	[sflag:s20] =	ssyncset.done $0x0  }
0x16d: {  	[sflag:s20] =	ssyncadd.s32 $0xFFFFF800  }
0x16e: {  	_ =	swait.ge [sflag:s20], $0x800  }
0x16f: {  	[sflag:s20] =	ssyncset.done $0x0  }
0x170: {  	[sflag:s20] =	ssyncadd.s32 $0xFFFFF800  }
0x171: {  	_ =	swait.ge [sflag:s20], $0x800  }
0x172: {  	[sflag:s20] =	ssyncset.done $0x0  }
0x173: {  	[sflag:s20] =	ssyncadd.s32 $0xFFFFF800  }
0x174: {  	_ =	swait.ge [sflag:s20], $0x800  }
0x175: {  	[sflag:s20] =	ssyncset.done $0x0  }
0x176: {  	[sflag:s20] =	ssyncadd.s32 $0xFFFFF800  }
0x177: {  	_ =	swait.ge [sflag:s20], $0x800  }
0x178: {  	[sflag:s20] =	ssyncset.done $0x0  }
0x179: {  	[sflag:s20] =	ssyncadd.s32 $0xFFFFF800  }
0x17a: {  	_ =	swait.ge [sflag:s20], $0x800  }
0x17b: {  	[sflag:s20] =	ssyncset.done $0x0  }
0x17c: {  	[sflag:s20] =	ssyncadd.s32 $0xFFFFF800  }
0x17d: {  	_ =	swait.ge [sflag:s20], $0x800  }
0x17e: {  	[sflag:s20] =	ssyncset.done $0x0  }
0x17f: {  	[sflag:s20] =	ssyncadd.s32 $0xFFFFF800  }
0x180: {  	_ =	swait.ge [sflag:s20], $0x800  }
0x181: {  	[sflag:s20] =	ssyncset.done $0x0  }
0x182: {  	[sflag:s20] =	ssyncadd.s32 $0xFFFFF800  }
0x183: {  	_ =	swait.ge [sflag:s20], $0x800  }
0x184: {  	(v2sf) =	vpush v10, $0x0  }
0x185: {  	(v2sf) =	vpush v11, $0x0  }
0x186: {  	(v2sf) =	vpush v10, $0x1  }
0x187: {  	(v2sf) =	vpush v11, $0x1  }
0x188: {  	(v2sf) =	vpush v10, $0x2  }
0x189: {  	(v2sf) =	vpush v11, $0x2  }
0x18a: {  	(v2sf) =	vpush v10, $0x3  }
0x18b: {  	(v2sf) =	vpush v11, $0x3  }
0x18c: {  	(v2sf) =	vpush v10, $0x4  }
0x18d: {  	(v2sf) =	vpush v11, $0x4  }
0x18e: {  	(v2sf) =	vpush v10, $0x5  }
0x18f: {  	(v2sf) =	vpush v11, $0x5  }
0x190: {  	(v2sf) =	vpush v10, $0x6  }
0x191: {  	(v2sf) =	vpush v11, $0x6  }
0x192: {  	(v2sf) =	vpush v10, $0x7  }
0x193: {  	s0 =	spop (v2sf);
	(v2sf) =	vpush v11, $0x7  }
0x194: {  	s3 =	spop (v2sf);
	s0 =	sand.u32 $0x7F, s0  }
0x195: {  	v10 =	vor.u32 s0, v1;
	s24 =	spop (v2sf);
	s3 =	sand.u32 $0x7F, s3  }
0x196: {  	v11 =	vor.u32 s3, v1;
	s25 =	spop (v2sf);
	s0 =	sand.u32 $0x7F, s24  }
0x197: {  	[sflag:s20] =	ssyncset.done $0x0;
	v12 =	vor.u32 s0, v2;
	s1 =	spop (v2sf);
	s3 =	sand.u32 $0x7F, s25  }
0x198: {  	[sflag:s20] =	ssyncadd.s32 $0xFFFFF800;
	v13 =	vor.u32 s3, v2;
	s4 =	spop (v2sf);
	s0 =	sand.u32 $0x7F, s1  }
0x199: {  	v14 =	vor.u32 s0, v3;
	s5 =	spop (v2sf);
	s3 =	sand.u32 $0x7F, s4;
	s4 =	simm.s32 $0x500  }
0x19a: {  	v15 =	vor.u32 s3, v3;
	s6 =	spop (v2sf);
	v16 =	vld.idx.msk [tilespmem:v10+s4+$0x0], $0xffff;
	s0 =	sand.u32 $0x7F, s5  }
0x19b: {  	v17 =	vor.u32 s0, v4;
	s7 =	spop (v2sf);
	v18 =	vld.idx.msk [tilespmem:v11+s14+$0x0], $0xffff;
	s3 =	sand.u32 $0x7F, s6  }
0x19c: {  	v19 =	vor.u32 s3, v4;
	s8 =	spop (v2sf);
	v20 =	vld.idx.msk [tilespmem:v12+s4+$0x0], $0xffff;
	s0 =	sand.u32 $0x7F, s7  }
0x19d: {  	v21 =	vor.u32 s0, v5;
	s9 =	spop (v2sf);
	v22 =	vld.idx.msk [tilespmem:v13+s14+$0x0], $0xffff;
	s3 =	sand.u32 $0x7F, s8  }
0x19e: {  	v23 =	vor.u32 s3, v5;
	s10 =	spop (v2sf);
	v24 =	vld.idx.msk [tilespmem:v14+s4+$0x0], $0xffff;
	s0 =	sand.u32 $0x7F, s9  }
0x19f: {  	v25 =	vor.u32 s0, v6;
	s15 =	spop (v2sf);
	v26 =	vld.idx.msk [tilespmem:v15+s14+$0x0], $0xffff;
	s3 =	sand.u32 $0x7F, s10  }
0x1a0: {  	v27 =	vor.u32 s3, v6;
	s16 =	spop (v2sf);
	v28 =	vld.idx.msk [tilespmem:v17+s4+$0x0], $0xffff;
	s0 =	sand.u32 $0x7F, s15  }
0x1a1: {  	v29 =	vor.u32 s0, v7;
	s17 =	spop (v2sf);
	v30 =	vld.idx.msk [tilespmem:v19+s14+$0x0], $0xffff;
	s3 =	sand.u32 $0x7F, s16  }
0x1a2: {  	v31 =	vld.idx.msk [tilespmem:v21+s4+$0x0], $0xffff;
	v32 =	vor.u32 s3, v7;
	s0 =	sand.u32 $0x7F, s17;
	s18 =	spop (v2sf)  }
0x1a3: {  	v33 =	vld.idx.msk [tilespmem:v23+s14+$0x0], $0xffff;
	s3 =	sand.u32 $0x7F, s18;
	v34 =	vor.u32 s0, v8  }
0x1a4: {  	v35 =	vld.idx.msk [tilespmem:v25+s4+$0x0], $0xffff;
	v36 =	vor.u32 s3, v8  }
0x1a5: {  	v37 =	vld.idx.msk [tilespmem:v27+s14+$0x0], $0xffff  }
0x1a6: {  	v38 =	vld.idx.msk [tilespmem:v29+s4+$0x0], $0xffff  }
0x1a7: {  	v39 =	vld.idx.msk [tilespmem:v32+s14+$0x0], $0xffff  }
0x1a8: {  	v40 =	vld.idx.msk [tilespmem:v34+s4+$0x0], $0xffff  }
0x1a9: {  	v41 =	vld.idx.msk [tilespmem:v36+s14+$0x0], $0xffff;
	_ =	swait.ge [sflag:s21], $0x800  }
0x1aa: {  	[sflag:s21] =	ssyncset.done $0x0  }
0x1ab: {  	[sflag:s21] =	ssyncadd.s32 $0xFFFFF800  }
0x1ac: {  	_ =	swait.ge [sflag:s21], $0x800  }
0x1ad: {  	[sflag:s21] =	ssyncset.done $0x0  }
0x1ae: {  	[sflag:s21] =	ssyncadd.s32 $0xFFFFF800  }
0x1af: {  	_ =	swait.ge [sflag:s21], $0x800  }
0x1b0: {  	[sflag:s21] =	ssyncset.done $0x0  }
0x1b1: {  	[sflag:s21] =	ssyncadd.s32 $0xFFFFF800  }
0x1b2: {  	_ =	swait.ge [sflag:s21], $0x800  }
0x1b3: {  	[sflag:s21] =	ssyncset.done $0x0  }
0x1b4: {  	[sflag:s21] =	ssyncadd.s32 $0xFFFFF800  }
0x1b5: {  	_ =	swait.ge [sflag:s21], $0x800  }
0x1b6: {  	[sflag:s21] =	ssyncset.done $0x0  }
0x1b7: {  	[sflag:s21] =	ssyncadd.s32 $0xFFFFF800  }
0x1b8: {  	_ =	swait.ge [sflag:s21], $0x800  }
0x1b9: {  	[sflag:s21] =	ssyncset.done $0x0  }
0x1ba: {  	[sflag:s21] =	ssyncadd.s32 $0xFFFFF800  }
0x1bb: {  	_ =	swait.ge [sflag:s21], $0x800  }
0x1bc: {  	[sflag:s21] =	ssyncset.done $0x0  }
0x1bd: {  	[sflag:s21] =	ssyncadd.s32 $0xFFFFF800  }
0x1be: {  	_ =	swait.ge [sflag:s21], $0x800  }
0x1bf: {  	[sflag:s21] =	ssyncset.done $0x0  }
0x1c0: {  	[sflag:s21] =	ssyncadd.s32 $0xFFFFF800  }
0x1c1: {  	_ =	swait.ge [sflag:s21], $0x800  }
0x1c2: {  	[sflag:s21] =	ssyncset.done $0x0  }
0x1c3: {  	[sflag:s21] =	ssyncadd.s32 $0xFFFFF800  }
0x1c4: {  	_ =	swait.ge [sflag:s21], $0x800  }
0x1c5: {  	[sflag:s21] =	ssyncset.done $0x0  }
0x1c6: {  	[sflag:s21] =	ssyncadd.s32 $0xFFFFF800  }
0x1c7: {  	_ =	swait.ge [sflag:s21], $0x800  }
0x1c8: {  	[sflag:s21] =	ssyncset.done $0x0  }
0x1c9: {  	[sflag:s21] =	ssyncadd.s32 $0xFFFFF800  }
0x1ca: {  	_ =	swait.ge [sflag:s21], $0x800  }
0x1cb: {  	[sflag:s21] =	ssyncset.done $0x0  }
0x1cc: {  	[sflag:s21] =	ssyncadd.s32 $0xFFFFF800  }
0x1cd: {  	_ =	swait.ge [sflag:s21], $0x800  }
0x1ce: {  	[sflag:s21] =	ssyncset.done $0x0  }
0x1cf: {  	[sflag:s21] =	ssyncadd.s32 $0xFFFFF800  }
0x1d0: {  	_ =	swait.ge [sflag:s21], $0x800  }
0x1d1: {  	[sflag:s21] =	ssyncset.done $0x0  }
0x1d2: {  	[sflag:s21] =	ssyncadd.s32 $0xFFFFF800  }
0x1d3: {  	_ =	swait.ge [sflag:s21], $0x800  }
0x1d4: {  	[sflag:s21] =	ssyncset.done $0x0  }
0x1d5: {  	[sflag:s21] =	ssyncadd.s32 $0xFFFFF800  }
0x1d6: {  	_ =	swait.ge [sflag:s21], $0x800  }
0x1d7: {  	[sflag:s21] =	ssyncset.done $0x0  }
0x1d8: {  	[sflag:s21] =	ssyncadd.s32 $0xFFFFF800  }
0x1d9: {  	v10 =	vld.idx.msk [tilespmem:v10+s30+$0x0], $0xffff  }
0x1da: {  	v11 =	vld.idx.msk [tilespmem:v11+s31+$0x0], $0xffff  }
0x1db: {  	v12 =	vld.idx.msk [tilespmem:v12+s30+$0x0], $0xffff  }
0x1dc: {  	v13 =	vld.idx.msk [tilespmem:v13+s31+$0x0], $0xffff  }
0x1dd: {  	v14 =	vld.idx.msk [tilespmem:v14+s30+$0x0], $0xffff  }
0x1de: {  	v15 =	vld.idx.msk [tilespmem:v15+s31+$0x0], $0xffff  }
0x1df: {  	v17 =	vld.idx.msk [tilespmem:v17+s30+$0x0], $0xffff  }
0x1e0: {  	v19 =	vld.idx.msk [tilespmem:v19+s31+$0x0], $0xffff  }
0x1e1: {  	v21 =	vld.idx.msk [tilespmem:v21+s30+$0x0], $0xffff  }
0x1e2: {  	v23 =	vld.idx.msk [tilespmem:v23+s31+$0x0], $0xffff  }
0x1e3: {  	v25 =	vld.idx.msk [tilespmem:v25+s30+$0x0], $0xffff  }
0x1e4: {  	v45 =	vld.idx.msk [tilespmem:v27+s31+$0x0], $0xffff  }
0x1e5: {  	v16 =	vmul.f32 v18, v16;
	v47 =	vld.idx.msk [tilespmem:v32+s31+$0x0], $0xffff;
	v10 =	vmul.f32 v11, v10  }
0x1e6: {  	v20 =	vmul.f32 v22, v20;
	v11 =	vld.idx.msk [tilespmem:v29+s30+$0x0], $0xffff;
	v12 =	vmul.f32 v13, v12  }
0x1e7: {  	v46 =	vmul.f32 v26, v24;
	v51 =	vld.idx.msk [tilespmem:v34+s30+$0x0], $0xffff;
	v14 =	vmul.f32 v15, v14;
	v10 =	vadd.f32 v10, v16  }
0x1e8: {  	v48 =	vmul.f32 v30, v28;
	v53 =	vld.idx.msk [tilespmem:v36+s31+$0x0], $0xffff;
	v50 =	vmul.f32 v19, v17;
	v12 =	vadd.f32 v12, v20  }
0x1e9: {  	v49 =	vmul.f32 v33, v31;
	v52 =	vmul.f32 v23, v21;
	(xrf2) =	vadd.scan.msk.f32 $0xffff, v10;
	v10 =	vadd.f32 v14, v46  }
0x1ea: {  	v54 =	vmul.f32 v37, v35;
	v18 =	vmul.f32 v45, v25;
	v55 =	vadd.f32 v50, v48;
	(xrf2) =	vadd.scan.msk.f32 $0xffff, v12  }
0x1eb: {  	v56 =	vmul.f32 v39, v38;
	v11 =	vmul.f32 v47, v11;
	(xrf2) =	vadd.scan.msk.f32 $0xffff, v10;
	v10 =	vadd.f32 v52, v49  }
0x1ec: {  	v57 =	vadd.f32 v18, v54;
	(xrf2) =	vadd.scan.msk.f32 $0xffff, v55  }
0x1ed: {  	v58 =	vmul.f32 v53, v51;
	(xrf2) =	vadd.scan.msk.f32 $0xffff, v10;
	v10 =	vadd.f32 v11, v56;
	v11 =	vmul.f32 v41, v40  }
0x1ee: {  	(xrf2) =	vadd.scan.msk.f32 $0xffff, v57  }
0x1ef: {  	(xrf2) =	vadd.scan.msk.f32 $0xffff, v10;
	v10 =	vadd.f32 v58, v11;
	_ =	sdelay $0x3  }
0x1f0: {  	(xrf2) =	vadd.scan.msk.f32 $0xffff, v10;
	v10, _, _ =	vpop (xrf2)  }
0x1f1: {  	v11, _, _ =	vpop (xrf2);
	v10 =	vbroadcast v10, $0xF  }
0x1f2: {  	v59, _, _ =	vpop (xrf2);
	v11 =	vbroadcast v11, $0xF  }
0x1f3: {  	v60, _, _ =	vpop (xrf2);
	v9 =	vsel vm0, v10, v9;
	v10 =	vbroadcast v59, $0xF  }
0x1f4: {  	v61, _, _ =	vpop (xrf2);
	v9 =	vsel vm1, v9, v11;
	v11 =	vbroadcast v60, $0xF  }
0x1f5: {  	v62, _, _ =	vpop (xrf2);
	v9 =	vsel vm2, v9, v10;
	v10 =	vbroadcast v61, $0xF  }
0x1f6: {  	v63, _, _ =	vpop (xrf2);
	v9 =	vsel vm3, v9, v11  }
0x1f7: {  	v9 =	vsel vm4, v9, v10;
	v10 =	vbroadcast v63, $0xF  }
0x1f8: {  	v11 =	vbroadcast v62, $0xF;
	_ =	sdelay $0x1  }
0x1f9: {  	v9 =	vsel vm5, v9, v11  }
0x1fa: {  	v9 =	vsel vm6, v9, v10;
	v10, _, _ =	vpop (xrf2)  }
0x1fb: {  	s23 =	simm.s32 $0x10500;
	v9 =	vsel vm7, v9, v10  }
0x1fc: {  	s9 =	simm.s32 $0x0;
	s3 =	simm.s32 $0x3;
	s22 =	rddreg [dreg:$0x8];
	[tilespmem:$0x106F0] =	vst v9  }
0x1fd: {  	[hbm4b:s22+s9] =	stream.linear.scatter [tilespmem:s23], [sflag:$0x3], $0x200, $0x38;
	[tilespmem:$0x10700] =	vst v63  }
0x1fe: {  	_ =	swait.ge [sflag:s3], $0x200  }
0x1ff: {  	s24 =	rddreg [dreg:$0xa]  }
0x200: {  	s25 =	rddreg [dreg:$0x9];
	s4 =	sadd.s32 $0x1, s24  }
0x201: {  	p0 =	sne.s32 s4, s25  }
.Ltmp1:
0x202: {  	_ = 	snop;
	(pc) =	sbr.rel @p0 .LBB2_1-.Ltmp1, $4  }
0x203: {  	s1 =	simm.s32 $0x500;
	s10 =	simm.s32 $0x1D00;
	s15 =	simm.s32 $0x5D00  }
0x204: {  	s16 =	simm.s32 $0x2500;
	s17 =	simm.s32 $0x6500;
	s18 =	simm.s32 $0x2D00  }
0x205: {  	s22 =	simm.s32 $0x6D00;
	s23 =	simm.s32 $0x3500;
	[sflag:s3] =	ssyncset.done $0x0  }
0x206: {  	[sflag:s3] =	ssyncadd.s32 $0xFFFFFE00;
	s24 =	simm.s32 $0x7500;
	s25 =	simm.s32 $0x3D00  }
0x207: {  	_ =	sfence.sel $0x180000  }
0x208: {  	[bflag:$0x0] =	sbarrier.arrive $0xFFFF  }
0x209: {  	_ =	strace $0x90000047  }
0x20a: {  	s0 =	stileid.u32;
	[bflag:$0x2] =	sbarrier.arrive $0xFFFF  }
0x20b: {  	p0 =	sne.s32 s0, $0x0;
	s0 =	rddreg [dreg:$0x5]  }
0x20c: {  	s0 =	sadd.s32 @!p0 $0x100000, s0  }
0x20d: {  	[sflag:s0] =	ssyncadd.tile.s32 @!p0 $0x1;
	_ =	shalt  }
.Lfunc_end2:
_tile_overlayer_lowered:
.L_overlay_start_2:
0x20e: {  	(tag) =	ssettag $0x2  }
0x20f: {  	s0 =	rddreg [dreg:$0x0];
	s2 =	stileid.u32  }
0x210: {  	s1 =	rddreg [dreg:$0x1];
	p0 =	sne.s32 s2, $0x0  }
0x211: {  	s3 =	rddreg [dreg:$0x2];
	[bflag:$0x3] =	sbarrier.arrive $0xFFFF;
	s2 =	simm.s32 @!p0 $0x1C03  }
0x212: {  	[timem:s3], [sflag:s2] =	dma.local @!p0 [hbm:s0], s1  }
0x213: {  	s0 =	simm.s32 @!p0 $0x3  }
0x214: {  	_ =	swait.ge @!p0 [sflag:s0], s1  }
0x215: {  	s1 =	ssub.s32 @!p0 $0x0, s1;
	[sflag:s0] =	ssyncset.done @!p0 $0x0  }
0x216: {  	[sflag:s0] =	ssyncadd.s32 @!p0 s1  }
0x217: {  	[bflag:$0x3] =	sbarrier.arrive $0xFFFF  }
0x218: {  	_ =	shalt  }

</sc_bundles>
